<compile_context>
chip_gen: v7x
topology: tpu7x:2x2x1
jax: 0.10.2.dev20260603
libtpu: 0.0.44.dev20260713+nightly
codegen_flags: <defaults>
</compile_context>

<pallas_src>
import jax
import jax.numpy as jnp
from jax.experimental import pallas as pl
from jax.experimental.pallas import tpu as pltpu
from jax.experimental.pallas import tpu_sc as plsc

_LAMBDA_L2 = 1.0
_BINS = 256
_NC = 2
_NS = 16
_LANES = 16
_NW = _NC * _NS

_N = 128 * 1 * 192 * 84
_COLS = 84
_ROWS = _N // _COLS
_RPW = _ROWS // _NW
_RCHUNK = 96
_NCHUNK = _RPW // _RCHUNK
_CHUNK = _RCHUNK * _COLS
_VECS = _CHUNK // _LANES

_DENOM = float(_N * 128)


def _sc_hist_body(src_hbm, tar_hbm, out_hbm, sbuf, tbuf, cnt, ssq,
                  cnt_f, ssq_f, sem0, sem1):
    wid = jax.lax.axis_index("s") * _NC + jax.lax.axis_index("c")
    base = wid * _RPW
    sems = (sem0, sem1)

    def start(c, slot):
        r = base + c * _RCHUNK
        img, r0 = r // 192, r % 192
        pltpu.async_copy(
            src_hbm.at[img, 0, pl.ds(r0, _RCHUNK)], sbuf.at[slot], sems[slot])
        pltpu.async_copy(
            tar_hbm.at[pl.ds(r, _RCHUNK)], tbuf.at[slot], sems[slot])

    def drain(c, slot):
        r = base + c * _RCHUNK
        img, r0 = r // 192, r % 192
        pltpu.make_async_copy(
            src_hbm.at[img, 0, pl.ds(r0, _RCHUNK)], sbuf.at[slot], sems[slot]).wait()
        pltpu.make_async_copy(
            tar_hbm.at[pl.ds(r, _RCHUNK)], tbuf.at[slot], sems[slot]).wait()

    zeros = jnp.zeros((_LANES,), jnp.float32)

    start(0, 0)

    @plsc.parallel_loop(0, _BINS, unroll=8)
    def _(i):
        cnt[pl.ds(i * _LANES, _LANES)] = zeros
        ssq[pl.ds(i * _LANES, _LANES)] = zeros

    lane = jax.lax.broadcasted_iota(jnp.int32, (_LANES,), 0)
    ones = jnp.ones((_LANES,), jnp.float32)
    tail_mask = lane >= 12

    for c in range(_NCHUNK):
        slot = c % 2
        if c + 1 < _NCHUNK:
            start(c + 1, 1 - slot)
        drain(c, slot)

        @plsc.parallel_loop(0, _RCHUNK, unroll=2)
        def _(r, slot=slot):
            for v in range(6):
                col = 16 * v if v < 5 else _COLS - _LANES
                t = tbuf[slot, r, pl.ds(col, _LANES)]
                s = sbuf[slot, r, pl.ds(col, _LANES)]
                idx = t.astype(jnp.int32) * _LANES + lane
                d = s - t
                if v < 5:
                    plsc.addupdate_scatter(cnt, [idx], ones)
                    plsc.addupdate_scatter(ssq, [idx], d * d)
                else:
                    plsc.addupdate_scatter(cnt, [idx], ones, mask=tail_mask)
                    plsc.addupdate_scatter(ssq, [idx], d * d, mask=tail_mask)

    @plsc.parallel_loop(0, _BINS // _LANES, unroll=2)
    def _(g):
        b0 = g * _LANES * _LANES
        accc = zeros
        accs = zeros
        for l in range(_LANES):
            idx = b0 + lane * _LANES + l
            accc = accc + plsc.load_gather(cnt, [idx])
            accs = accs + plsc.load_gather(ssq, [idx])
        cnt_f[pl.ds(g * _LANES, _LANES)] = accc
        ssq_f[pl.ds(g * _LANES, _LANES)] = accs

    pltpu.sync_copy(cnt_f, out_hbm.at[wid, 0])
    pltpu.sync_copy(ssq_f, out_hbm.at[wid, 1])


@jax.jit
def _sc_hist(src_rows, tar_rows):
    mesh = plsc.VectorSubcoreMesh(core_axis_name="c", subcore_axis_name="s")
    return pl.kernel(
        _sc_hist_body,
        out_type=jax.ShapeDtypeStruct((_NW, 2, _BINS), jnp.float32),
        mesh=mesh,
        compiler_params=pltpu.CompilerParams(
            needs_layout_passes=False, use_tc_tiling_on_sc=True),
        scratch_types=[
            pltpu.VMEM((2, _RCHUNK, _COLS), jnp.float32),
            pltpu.VMEM((2, _RCHUNK, _COLS), jnp.float32),
            pltpu.VMEM((_BINS * _LANES,), jnp.float32),
            pltpu.VMEM((_BINS * _LANES,), jnp.float32),
            pltpu.VMEM((_BINS,), jnp.float32),
            pltpu.VMEM((_BINS,), jnp.float32),
            pltpu.SemaphoreType.DMA,
            pltpu.SemaphoreType.DMA,
        ],
    )(src_rows, tar_rows)


def _epilogue_body(p_ref, o_ref):
    x = p_ref[...]
    cnt = jnp.sum(x[:, 0, :], axis=0)
    ssq = jnp.sum(x[:, 1, :], axis=0)
    p_y = cnt / _DENOM
    w = 1.0 / (p_y + 1e-12)
    loss = _LAMBDA_L2 * jnp.sum(w * ssq) / jnp.sum(w)
    o_ref[0, 0] = loss


def _epilogue(partials, interpret=False):
    return pl.pallas_call(
        _epilogue_body,
        out_shape=jax.ShapeDtypeStruct((1, 1), jnp.float32),
        out_specs=pl.BlockSpec(memory_space=pltpu.MemorySpace.SMEM),
        interpret=interpret,
    )(partials)


def kernel(src, tar):
    partials = _sc_hist(src, tar.reshape(_ROWS, _COLS))
    loss = _epilogue(partials)
    return loss[0, 0]

# --- scband reference (transcript-rebuilt; emitter-appended) ---
"""Pipeline reference for scband-pwrswt-l-12025908428860 (READ-ONLY COPY).

The authoritative reference and input builder live on the scoring server;
editing this copy changes nothing except your own understanding.
"""

import jax, jax.numpy as jnp
import numpy as np

LAMBDA_L2 = 1.0

def setup_inputs(seed: int = 0) -> dict:
    key = jax.random.key(seed)
    k1, k2 = jax.random.split(key)
    src = jax.random.normal(k1, (128, 1, 192, 84), dtype=jnp.float32)
    tar = jax.random.randint(k2, (128, 1, 192, 84), 0, 256).astype(jnp.float32)
    return {"src": src, "tar": tar}

def reference(src, tar):
    batch_size = tar.shape[0]
    # torch.histc(tar, bins=256, min=0, max=255) on integer-valued pixels == bincount
    tar_int = jax.lax.stop_gradient(tar).astype(jnp.int32)
    counts = jnp.bincount(tar_int.reshape(-1), length=256).astype(jnp.float32)
    p_y = counts / (tar.size * batch_size)
    weight = 1.0 / (p_y + 1e-12)
    weight = weight / weight.sum()
    # the python loop `mask_tensor[tar == pixel_value] = probability` is exactly a gather
    mask_tensor = jnp.take(weight, tar_int, axis=0)
    diff_sq = (src - tar) ** 2
    loss = (LAMBDA_L2 * mask_tensor * diff_sq).sum()
    return loss

if __name__ == "__main__":
    import jax
    _d = setup_inputs()
    print(jax.jit(kernel)(*tuple(_d.values())))

</pallas_src>

<mosaic_0001>
#map = affine_map<(d0, d1) -> (0, 0, 0, 0)>
#map1 = affine_map<(d0, d1) -> (0, 0)>
#map2 = affine_map<(d0, d1) -> (0, 0, 0)>
module attributes {stable_mosaic.version = 14 : i64} {
  func.func @_sc_hist_body(%arg0: i32, %arg1: i32, %arg2: memref<128x1x192x84xf32, #tpu.memory_space<hbm>>, %arg3: memref<24576x84xf32, #tpu.memory_space<hbm>>, %arg4: memref<32x2x256xf32, #tpu.memory_space<hbm>>, %arg5: memref<2x96x84xf32, #tpu.memory_space<vmem>>, %arg6: memref<2x96x84xf32, #tpu.memory_space<vmem>>, %arg7: memref<4096xf32, #tpu.memory_space<vmem>>, %arg8: memref<4096xf32, #tpu.memory_space<vmem>>, %arg9: memref<256xf32, #tpu.memory_space<vmem>>, %arg10: memref<256xf32, #tpu.memory_space<vmem>>, %arg11: memref<!tpu.dma_semaphore, #tpu.memory_space<semaphore_mem>>, %arg12: memref<!tpu.dma_semaphore, #tpu.memory_space<semaphore_mem>>) attributes {dimension_semantics = [#tpu.dimension_semantics<core_parallel>, #tpu.dimension_semantics<subcore_parallel>], iteration_bounds = array<i64: 2, 16>, scalar_prefetch = 0 : i64, scratch_operands = 8 : i64, tpu.core_type = #tpu.core_type<sc_vector_subcore>, window_params = [{transform_indices = #map}, {transform_indices = #map1}, {transform_indices = #map2}]} {
    %mul3A = arith.constant 2 : i32
    %mul3A_0 = arith.muli %arg1, %mul3A : i32
    %add3A = arith.addi %mul3A_0, %arg0 : i32
    %mul3A_1 = arith.constant 768 : i32
    %mul3A_2 = arith.muli %add3A, %mul3A_1 : i32
    %broadcast_in_dim3A = arith.constant 0.000000e+00 : f32
    %broadcast_in_dim3A_3 = vector.broadcast %broadcast_in_dim3A : f32 to vector<16xf32>
    %add3A_4 = arith.constant 0 : i32
    %add3A_5 = arith.addi %mul3A_2, %add3A_4 : i32
    %jit3A = arith.constant 192 : i32
    %div3A = arith.divsi %add3A_5, %jit3A : i32
    %sign3A = arith.constant 0 : i32
    %sign3A_6 = arith.cmpi sgt, %add3A_5, %sign3A : i32
    %sign3A_7 = arith.extui %sign3A_6 : i1 to i32
    %sign3A_8 = arith.constant 0 : i32
    %sign3A_9 = arith.cmpi slt, %add3A_5, %sign3A_8 : i32
    %sign3A_10 = arith.extui %sign3A_9 : i1 to i32
    %sign3A_11 = arith.subi %sign3A_7, %sign3A_10 : i32
    %sign3A_12 = arith.constant 0 : i32
    %sign3A_13 = arith.cmpi sgt, %jit3A, %sign3A_12 : i32
    %sign3A_14 = arith.extui %sign3A_13 : i1 to i32
    %sign3A_15 = arith.constant 0 : i32
    %sign3A_16 = arith.cmpi slt, %jit3A, %sign3A_15 : i32
    %sign3A_17 = arith.extui %sign3A_16 : i1 to i32
    %sign3A_18 = arith.subi %sign3A_14, %sign3A_17 : i32
    %ne3A = arith.cmpi ne, %sign3A_11, %sign3A_18 : i32
    %rem3A = arith.remsi %add3A_5, %jit3A : i32
    %ne3A_19 = arith.constant 0 : i32
    %ne3A_20 = arith.cmpi ne, %rem3A, %ne3A_19 : i32
    %and3A = arith.andi %ne3A, %ne3A_20 : i1
    %sub3A = arith.constant 1 : i32
    %sub3A_21 = arith.subi %div3A, %sub3A : i32
    %select_n3A = arith.select %and3A, %sub3A_21, %div3A : i32
    %jit3A_22 = arith.constant 192 : i32
    %eq3A = arith.constant 0 : i32
    %eq3A_23 = arith.cmpi eq, %jit3A_22, %eq3A : i32
    %jit3A_24 = arith.constant 1 : i32
    %select_n3A_25 = arith.select %eq3A_23, %jit3A_24, %jit3A_22 : i32
    %rem3A_26 = arith.remsi %add3A_5, %select_n3A_25 : i32
    %ne3A_27 = arith.constant 0 : i32
    %ne3A_28 = arith.cmpi ne, %rem3A_26, %ne3A_27 : i32
    %lt3A = arith.constant 0 : i32
    %lt3A_29 = arith.cmpi slt, %rem3A_26, %lt3A : i32
    %lt3A_30 = arith.constant 0 : i32
    %lt3A_31 = arith.cmpi slt, %select_n3A_25, %lt3A_30 : i32
    %ne3A_32 = arith.xori %lt3A_29, %lt3A_31 : i1
    %and3A_33 = arith.andi %ne3A_32, %ne3A_28 : i1
    %add3A_34 = arith.addi %rem3A_26, %select_n3A_25 : i32
    %select_n3A_35 = arith.select %and3A_33, %add3A_34, %rem3A_26 : i32
    %dma_start3A = arith.constant 0 : i32
    %dma_start3A_36 = arith.constant 0 : i32
    %dma_start3A_37 = arith.constant 0 : i32
    %dma_start3A_38 = arith.constant 0 : i32
    %dma_start3A_39 = tpu.memref_slice %arg5[%dma_start3A_36, %dma_start3A_37, %dma_start3A_38] : memref<2x96x84xf32, #tpu.memory_space<vmem>> -> memref<1x96x84xf32, #tpu.memory_space<vmem>>
    %dma_start3A_40 = tpu.memref_squeeze %dma_start3A_39 : memref<1x96x84xf32, #tpu.memory_space<vmem>> -> memref<96x84xf32, #tpu.memory_space<vmem>>
    %dma_start3A_41 = arith.constant 0 : i32
    %dma_start3A_42 = tpu.memref_slice %arg2[%select_n3A, %dma_start3A, %select_n3A_35, %dma_start3A_41] : memref<128x1x192x84xf32, #tpu.memory_space<hbm>> -> memref<1x1x96x84xf32, #tpu.memory_space<hbm>>
    %dma_start3A_43 = tpu.memref_squeeze %dma_start3A_42 : memref<1x1x96x84xf32, #tpu.memory_space<hbm>> -> memref<96x84xf32, #tpu.memory_space<hbm>>
    %dma_start3A_44 = arith.constant 0 : i32
    %dma_start3A_45 = arith.constant 0 : i32
    %dma_start3A_46 = tpu.memref_slice %arg5[%dma_start3A_36, %dma_start3A_44, %dma_start3A_45] : memref<2x96x84xf32, #tpu.memory_space<vmem>> -> memref<1x96x84xf32, #tpu.memory_space<vmem>>
    %dma_start3A_47 = tpu.memref_squeeze %dma_start3A_46 : memref<1x96x84xf32, #tpu.memory_space<vmem>> -> memref<96x84xf32, #tpu.memory_space<vmem>>
    %dma_start3A_48 = arith.constant 0 : i32
    %dma_start3A_49 = tpu.memref_slice %arg2[%select_n3A, %dma_start3A, %select_n3A_35, %dma_start3A_48] : memref<128x1x192x84xf32, #tpu.memory_space<hbm>> -> memref<1x1x96x84xf32, #tpu.memory_space<hbm>>
    %dma_start3A_50 = tpu.memref_squeeze %dma_start3A_49 : memref<1x1x96x84xf32, #tpu.memory_space<hbm>> -> memref<96x84xf32, #tpu.memory_space<hbm>>
    tpu.enqueue_dma source(%dma_start3A_50 : memref<96x84xf32, #tpu.memory_space<hbm>>) target(%dma_start3A_47 : memref<96x84xf32, #tpu.memory_space<vmem>>) target_semaphore(%arg11 : memref<!tpu.dma_semaphore, #tpu.memory_space<semaphore_mem>>)
    %dma_start3A_51 = arith.constant 0 : i32
    %dma_start3A_52 = arith.constant 0 : i32
    %dma_start3A_53 = arith.constant 0 : i32
    %dma_start3A_54 = tpu.memref_slice %arg6[%dma_start3A_51, %dma_start3A_52, %dma_start3A_53] : memref<2x96x84xf32, #tpu.memory_space<vmem>> -> memref<1x96x84xf32, #tpu.memory_space<vmem>>
    %dma_start3A_55 = tpu.memref_squeeze %dma_start3A_54 : memref<1x96x84xf32, #tpu.memory_space<vmem>> -> memref<96x84xf32, #tpu.memory_space<vmem>>
    %dma_start3A_56 = arith.constant 0 : i32
    %dma_start3A_57 = tpu.memref_slice %arg3[%add3A_5, %dma_start3A_56] : memref<24576x84xf32, #tpu.memory_space<hbm>> -> memref<96x84xf32, #tpu.memory_space<hbm>>
    %dma_start3A_58 = arith.constant 0 : i32
    %dma_start3A_59 = arith.constant 0 : i32
    %dma_start3A_60 = tpu.memref_slice %arg6[%dma_start3A_51, %dma_start3A_58, %dma_start3A_59] : memref<2x96x84xf32, #tpu.memory_space<vmem>> -> memref<1x96x84xf32, #tpu.memory_space<vmem>>
    %dma_start3A_61 = tpu.memref_squeeze %dma_start3A_60 : memref<1x96x84xf32, #tpu.memory_space<vmem>> -> memref<96x84xf32, #tpu.memory_space<vmem>>
    %dma_start3A_62 = arith.constant 0 : i32
    %dma_start3A_63 = tpu.memref_slice %arg3[%add3A_5, %dma_start3A_62] : memref<24576x84xf32, #tpu.memory_space<hbm>> -> memref<96x84xf32, #tpu.memory_space<hbm>>
    tpu.enqueue_dma source(%dma_start3A_63 : memref<96x84xf32, #tpu.memory_space<hbm>>) target(%dma_start3A_61 : memref<96x84xf32, #tpu.memory_space<vmem>>) target_semaphore(%arg11 : memref<!tpu.dma_semaphore, #tpu.memory_space<semaphore_mem>>)
    %parallel_loop3A = arith.constant 0 : i32
    %parallel_loop3A_64 = arith.constant 256 : i32
    %parallel_loop3A_65 = arith.constant 1 : i32
    scf.for %parallel_loop3A_1162 = %parallel_loop3A to %parallel_loop3A_64 step %parallel_loop3A_65  : i32 {
      %parallel_loop3A_1163 = arith.constant 16 : i32
      %parallel_loop3A_1164 = arith.muli %parallel_loop3A_1162, %parallel_loop3A_1163 : i32
      %parallel_loop3A_1165 = arith.index_cast %parallel_loop3A_1164 : i32 to index
      %parallel_loop3A_1166 = tpu.vector_load %arg7[%parallel_loop3A_1165] {strides = array<i32>} : memref<4096xf32, #tpu.memory_space<vmem>>, vector<16xf32>,
      tpu.vector_store %arg7[%parallel_loop3A_1165], %broadcast_in_dim3A_3 {strides = array<i32>} : memref<4096xf32, #tpu.memory_space<vmem>>, vector<16xf32>,
      %parallel_loop3A_1167 = arith.constant 16 : i32
      %parallel_loop3A_1168 = arith.muli %parallel_loop3A_1162, %parallel_loop3A_1167 : i32
      %parallel_loop3A_1169 = arith.index_cast %parallel_loop3A_1168 : i32 to index
      %parallel_loop3A_1170 = tpu.vector_load %arg8[%parallel_loop3A_1169] {strides = array<i32>} : memref<4096xf32, #tpu.memory_space<vmem>>, vector<16xf32>,
      tpu.vector_store %arg8[%parallel_loop3A_1169], %broadcast_in_dim3A_3 {strides = array<i32>} : memref<4096xf32, #tpu.memory_space<vmem>>, vector<16xf32>,
    } {sc.loop_unroll_factor = 8 : i64, sc.parallel_access}
    %iota3A = tpu.iota {dimensions = array<i32: 0>} : vector<16xi32>
    %broadcast_in_dim3A_66 = arith.constant 1.000000e+00 : f32
    %broadcast_in_dim3A_67 = vector.broadcast %broadcast_in_dim3A_66 : f32 to vector<16xf32>
    %ge3A = arith.constant 12 : i32
    %ge3A_68 = vector.broadcast %ge3A : i32 to vector<16xi32>
    %ge3A_69 = arith.cmpi sge, %iota3A, %ge3A_68 : vector<16xi32>
    %add3A_70 = arith.constant 96 : i32
    %add3A_71 = arith.addi %mul3A_2, %add3A_70 : i32
    %jit3A_72 = arith.constant 192 : i32
    %div3A_73 = arith.divsi %add3A_71, %jit3A_72 : i32
    %sign3A_74 = arith.constant 0 : i32
    %sign3A_75 = arith.cmpi sgt, %add3A_71, %sign3A_74 : i32
    %sign3A_76 = arith.extui %sign3A_75 : i1 to i32
    %sign3A_77 = arith.constant 0 : i32
    %sign3A_78 = arith.cmpi slt, %add3A_71, %sign3A_77 : i32
    %sign3A_79 = arith.extui %sign3A_78 : i1 to i32
    %sign3A_80 = arith.subi %sign3A_76, %sign3A_79 : i32
    %sign3A_81 = arith.constant 0 : i32
    %sign3A_82 = arith.cmpi sgt, %jit3A_72, %sign3A_81 : i32
    %sign3A_83 = arith.extui %sign3A_82 : i1 to i32
    %sign3A_84 = arith.constant 0 : i32
    %sign3A_85 = arith.cmpi slt, %jit3A_72, %sign3A_84 : i32
    %sign3A_86 = arith.extui %sign3A_85 : i1 to i32
    %sign3A_87 = arith.subi %sign3A_83, %sign3A_86 : i32
    %ne3A_88 = arith.cmpi ne, %sign3A_80, %sign3A_87 : i32
    %rem3A_89 = arith.remsi %add3A_71, %jit3A_72 : i32
    %ne3A_90 = arith.constant 0 : i32
    %ne3A_91 = arith.cmpi ne, %rem3A_89, %ne3A_90 : i32
    %and3A_92 = arith.andi %ne3A_88, %ne3A_91 : i1
    %sub3A_93 = arith.constant 1 : i32
    %sub3A_94 = arith.subi %div3A_73, %sub3A_93 : i32
    %select_n3A_95 = arith.select %and3A_92, %sub3A_94, %div3A_73 : i32
    %jit3A_96 = arith.constant 192 : i32
    %eq3A_97 = arith.constant 0 : i32
    %eq3A_98 = arith.cmpi eq, %jit3A_96, %eq3A_97 : i32
    %jit3A_99 = arith.constant 1 : i32
    %select_n3A_100 = arith.select %eq3A_98, %jit3A_99, %jit3A_96 : i32
    %rem3A_101 = arith.remsi %add3A_71, %select_n3A_100 : i32
    %ne3A_102 = arith.constant 0 : i32
    %ne3A_103 = arith.cmpi ne, %rem3A_101, %ne3A_102 : i32
    %lt3A_104 = arith.constant 0 : i32
    %lt3A_105 = arith.cmpi slt, %rem3A_101, %lt3A_104 : i32
    %lt3A_106 = arith.constant 0 : i32
    %lt3A_107 = arith.cmpi slt, %select_n3A_100, %lt3A_106 : i32
    %ne3A_108 = arith.xori %lt3A_105, %lt3A_107 : i1
    %and3A_109 = arith.andi %ne3A_108, %ne3A_103 : i1
    %add3A_110 = arith.addi %rem3A_101, %select_n3A_100 : i32
    %select_n3A_111 = arith.select %and3A_109, %add3A_110, %rem3A_101 : i32
    %dma_start3A_112 = arith.constant 0 : i32
    %dma_start3A_113 = arith.constant 1 : i32
    %dma_start3A_114 = arith.constant 0 : i32
    %dma_start3A_115 = arith.constant 0 : i32
    %dma_start3A_116 = tpu.memref_slice %arg5[%dma_start3A_113, %dma_start3A_114, %dma_start3A_115] : memref<2x96x84xf32, #tpu.memory_space<vmem>> -> memref<1x96x84xf32, #tpu.memory_space<vmem>>
    %dma_start3A_117 = tpu.memref_squeeze %dma_start3A_116 : memref<1x96x84xf32, #tpu.memory_space<vmem>> -> memref<96x84xf32, #tpu.memory_space<vmem>>
    %dma_start3A_118 = arith.constant 0 : i32
    %dma_start3A_119 = tpu.memref_slice %arg2[%select_n3A_95, %dma_start3A_112, %select_n3A_111, %dma_start3A_118] : memref<128x1x192x84xf32, #tpu.memory_space<hbm>> -> memref<1x1x96x84xf32, #tpu.memory_space<hbm>>
    %dma_start3A_120 = tpu.memref_squeeze %dma_start3A_119 : memref<1x1x96x84xf32, #tpu.memory_space<hbm>> -> memref<96x84xf32, #tpu.memory_space<hbm>>
    %dma_start3A_121 = arith.constant 0 : i32
    %dma_start3A_122 = arith.constant 0 : i32
    %dma_start3A_123 = tpu.memref_slice %arg5[%dma_start3A_113, %dma_start3A_121, %dma_start3A_122] : memref<2x96x84xf32, #tpu.memory_space<vmem>> -> memref<1x96x84xf32, #tpu.memory_space<vmem>>
    %dma_start3A_124 = tpu.memref_squeeze %dma_start3A_123 : memref<1x96x84xf32, #tpu.memory_space<vmem>> -> memref<96x84xf32, #tpu.memory_space<vmem>>
    %dma_start3A_125 = arith.constant 0 : i32
    %dma_start3A_126 = tpu.memref_slice %arg2[%select_n3A_95, %dma_start3A_112, %select_n3A_111, %dma_start3A_125] : memref<128x1x192x84xf32, #tpu.memory_space<hbm>> -> memref<1x1x96x84xf32, #tpu.memory_space<hbm>>
    %dma_start3A_127 = tpu.memref_squeeze %dma_start3A_126 : memref<1x1x96x84xf32, #tpu.memory_space<hbm>> -> memref<96x84xf32, #tpu.memory_space<hbm>>
    tpu.enqueue_dma source(%dma_start3A_127 : memref<96x84xf32, #tpu.memory_space<hbm>>) target(%dma_start3A_124 : memref<96x84xf32, #tpu.memory_space<vmem>>) target_semaphore(%arg12 : memref<!tpu.dma_semaphore, #tpu.memory_space<semaphore_mem>>)
    %dma_start3A_128 = arith.constant 1 : i32
    %dma_start3A_129 = arith.constant 0 : i32
    %dma_start3A_130 = arith.constant 0 : i32
    %dma_start3A_131 = tpu.memref_slice %arg6[%dma_start3A_128, %dma_start3A_129, %dma_start3A_130] : memref<2x96x84xf32, #tpu.memory_space<vmem>> -> memref<1x96x84xf32, #tpu.memory_space<vmem>>
    %dma_start3A_132 = tpu.memref_squeeze %dma_start3A_131 : memref<1x96x84xf32, #tpu.memory_space<vmem>> -> memref<96x84xf32, #tpu.memory_space<vmem>>
    %dma_start3A_133 = arith.constant 0 : i32
    %dma_start3A_134 = tpu.memref_slice %arg3[%add3A_71, %dma_start3A_133] : memref<24576x84xf32, #tpu.memory_space<hbm>> -> memref<96x84xf32, #tpu.memory_space<hbm>>
    %dma_start3A_135 = arith.constant 0 : i32
    %dma_start3A_136 = arith.constant 0 : i32
    %dma_start3A_137 = tpu.memref_slice %arg6[%dma_start3A_128, %dma_start3A_135, %dma_start3A_136] : memref<2x96x84xf32, #tpu.memory_space<vmem>> -> memref<1x96x84xf32, #tpu.memory_space<vmem>>
    %dma_start3A_138 = tpu.memref_squeeze %dma_start3A_137 : memref<1x96x84xf32, #tpu.memory_space<vmem>> -> memref<96x84xf32, #tpu.memory_space<vmem>>
    %dma_start3A_139 = arith.constant 0 : i32
    %dma_start3A_140 = tpu.memref_slice %arg3[%add3A_71, %dma_start3A_139] : memref<24576x84xf32, #tpu.memory_space<hbm>> -> memref<96x84xf32, #tpu.memory_space<hbm>>
    tpu.enqueue_dma source(%dma_start3A_140 : memref<96x84xf32, #tpu.memory_space<hbm>>) target(%dma_start3A_138 : memref<96x84xf32, #tpu.memory_space<vmem>>) target_semaphore(%arg12 : memref<!tpu.dma_semaphore, #tpu.memory_space<semaphore_mem>>)
    %add3A_141 = arith.constant 0 : i32
    %add3A_142 = arith.addi %mul3A_2, %add3A_141 : i32
    %jit3A_143 = arith.constant 192 : i32
    %div3A_144 = arith.divsi %add3A_142, %jit3A_143 : i32
    %sign3A_145 = arith.constant 0 : i32
    %sign3A_146 = arith.cmpi sgt, %add3A_142, %sign3A_145 : i32
    %sign3A_147 = arith.extui %sign3A_146 : i1 to i32
    %sign3A_148 = arith.constant 0 : i32
    %sign3A_149 = arith.cmpi slt, %add3A_142, %sign3A_148 : i32
    %sign3A_150 = arith.extui %sign3A_149 : i1 to i32
    %sign3A_151 = arith.subi %sign3A_147, %sign3A_150 : i32
    %sign3A_152 = arith.constant 0 : i32
    %sign3A_153 = arith.cmpi sgt, %jit3A_143, %sign3A_152 : i32
    %sign3A_154 = arith.extui %sign3A_153 : i1 to i32
    %sign3A_155 = arith.constant 0 : i32
    %sign3A_156 = arith.cmpi slt, %jit3A_143, %sign3A_155 : i32
    %sign3A_157 = arith.extui %sign3A_156 : i1 to i32
    %sign3A_158 = arith.subi %sign3A_154, %sign3A_157 : i32
    %ne3A_159 = arith.cmpi ne, %sign3A_151, %sign3A_158 : i32
    %rem3A_160 = arith.remsi %add3A_142, %jit3A_143 : i32
    %ne3A_161 = arith.constant 0 : i32
    %ne3A_162 = arith.cmpi ne, %rem3A_160, %ne3A_161 : i32
    %and3A_163 = arith.andi %ne3A_159, %ne3A_162 : i1
    %sub3A_164 = arith.constant 1 : i32
    %sub3A_165 = arith.subi %div3A_144, %sub3A_164 : i32
    %select_n3A_166 = arith.select %and3A_163, %sub3A_165, %div3A_144 : i32
    %jit3A_167 = arith.constant 192 : i32
    %eq3A_168 = arith.constant 0 : i32
    %eq3A_169 = arith.cmpi eq, %jit3A_167, %eq3A_168 : i32
    %jit3A_170 = arith.constant 1 : i32
    %select_n3A_171 = arith.select %eq3A_169, %jit3A_170, %jit3A_167 : i32
    %rem3A_172 = arith.remsi %add3A_142, %select_n3A_171 : i32
    %ne3A_173 = arith.constant 0 : i32
    %ne3A_174 = arith.cmpi ne, %rem3A_172, %ne3A_173 : i32
    %lt3A_175 = arith.constant 0 : i32
    %lt3A_176 = arith.cmpi slt, %rem3A_172, %lt3A_175 : i32
    %lt3A_177 = arith.constant 0 : i32
    %lt3A_178 = arith.cmpi slt, %select_n3A_171, %lt3A_177 : i32
    %ne3A_179 = arith.xori %lt3A_176, %lt3A_178 : i1
    %and3A_180 = arith.andi %ne3A_179, %ne3A_174 : i1
    %add3A_181 = arith.addi %rem3A_172, %select_n3A_171 : i32
    %select_n3A_182 = arith.select %and3A_180, %add3A_181, %rem3A_172 : i32
    %dma_wait3A = arith.constant 0 : i32
    %dma_wait3A_183 = arith.constant 0 : i32
    %dma_wait3A_184 = arith.constant 0 : i32
    %dma_wait3A_185 = arith.constant 0 : i32
    %dma_wait3A_186 = tpu.memref_slice %arg5[%dma_wait3A_183, %dma_wait3A_184, %dma_wait3A_185] : memref<2x96x84xf32, #tpu.memory_space<vmem>> -> memref<1x96x84xf32, #tpu.memory_space<vmem>>
    %dma_wait3A_187 = tpu.memref_squeeze %dma_wait3A_186 : memref<1x96x84xf32, #tpu.memory_space<vmem>> -> memref<96x84xf32, #tpu.memory_space<vmem>>
    %dma_wait3A_188 = arith.constant 0 : i32
    %dma_wait3A_189 = tpu.memref_slice %arg2[%select_n3A_166, %dma_wait3A, %select_n3A_182, %dma_wait3A_188] : memref<128x1x192x84xf32, #tpu.memory_space<hbm>> -> memref<1x1x96x84xf32, #tpu.memory_space<hbm>>
    %dma_wait3A_190 = tpu.memref_squeeze %dma_wait3A_189 : memref<1x1x96x84xf32, #tpu.memory_space<hbm>> -> memref<96x84xf32, #tpu.memory_space<hbm>>
    %dma_wait3A_191 = arith.constant 0 : i32
    %dma_wait3A_192 = arith.constant 0 : i32
    %dma_wait3A_193 = tpu.memref_slice %arg5[%dma_wait3A_183, %dma_wait3A_191, %dma_wait3A_192] : memref<2x96x84xf32, #tpu.memory_space<vmem>> -> memref<1x96x84xf32, #tpu.memory_space<vmem>>
    %dma_wait3A_194 = tpu.memref_squeeze %dma_wait3A_193 : memref<1x96x84xf32, #tpu.memory_space<vmem>> -> memref<96x84xf32, #tpu.memory_space<vmem>>
    %dma_wait3A_195 = arith.constant 0 : i32
    %dma_wait3A_196 = tpu.memref_slice %arg2[%select_n3A_166, %dma_wait3A, %select_n3A_182, %dma_wait3A_195] : memref<128x1x192x84xf32, #tpu.memory_space<hbm>> -> memref<1x1x96x84xf32, #tpu.memory_space<hbm>>
    %dma_wait3A_197 = tpu.memref_squeeze %dma_wait3A_196 : memref<1x1x96x84xf32, #tpu.memory_space<hbm>> -> memref<96x84xf32, #tpu.memory_space<hbm>>
    tpu.wait_dma2 semaphore(%arg11 : memref<!tpu.dma_semaphore, #tpu.memory_space<semaphore_mem>>) src(%dma_wait3A_197 : memref<96x84xf32, #tpu.memory_space<hbm>>) dst(%dma_wait3A_194 : memref<96x84xf32, #tpu.memory_space<vmem>>)
    %dma_wait3A_198 = arith.constant 0 : i32
    %dma_wait3A_199 = arith.constant 0 : i32
    %dma_wait3A_200 = arith.constant 0 : i32
    %dma_wait3A_201 = tpu.memref_slice %arg6[%dma_wait3A_198, %dma_wait3A_199, %dma_wait3A_200] : memref<2x96x84xf32, #tpu.memory_space<vmem>> -> memref<1x96x84xf32, #tpu.memory_space<vmem>>
    %dma_wait3A_202 = tpu.memref_squeeze %dma_wait3A_201 : memref<1x96x84xf32, #tpu.memory_space<vmem>> -> memref<96x84xf32, #tpu.memory_space<vmem>>
    %dma_wait3A_203 = arith.constant 0 : i32
    %dma_wait3A_204 = tpu.memref_slice %arg3[%add3A_142, %dma_wait3A_203] : memref<24576x84xf32, #tpu.memory_space<hbm>> -> memref<96x84xf32, #tpu.memory_space<hbm>>
    %dma_wait3A_205 = arith.constant 0 : i32
    %dma_wait3A_206 = arith.constant 0 : i32
    %dma_wait3A_207 = tpu.memref_slice %arg6[%dma_wait3A_198, %dma_wait3A_205, %dma_wait3A_206] : memref<2x96x84xf32, #tpu.memory_space<vmem>> -> memref<1x96x84xf32, #tpu.memory_space<vmem>>
    %dma_wait3A_208 = tpu.memref_squeeze %dma_wait3A_207 : memref<1x96x84xf32, #tpu.memory_space<vmem>> -> memref<96x84xf32, #tpu.memory_space<vmem>>
    %dma_wait3A_209 = arith.constant 0 : i32
    %dma_wait3A_210 = tpu.memref_slice %arg3[%add3A_142, %dma_wait3A_209] : memref<24576x84xf32, #tpu.memory_space<hbm>> -> memref<96x84xf32, #tpu.memory_space<hbm>>
    tpu.wait_dma2 semaphore(%arg11 : memref<!tpu.dma_semaphore, #tpu.memory_space<semaphore_mem>>) src(%dma_wait3A_210 : memref<96x84xf32, #tpu.memory_space<hbm>>) dst(%dma_wait3A_208 : memref<96x84xf32, #tpu.memory_space<vmem>>)
    %parallel_loop3A_211 = arith.constant 0 : i32
    %parallel_loop3A_212 = arith.constant 96 : i32
    %parallel_loop3A_213 = arith.constant 1 : i32
    scf.for %parallel_loop3A_1162 = %parallel_loop3A_211 to %parallel_loop3A_212 step %parallel_loop3A_213  : i32 {
      %parallel_loop3A_1163 = arith.constant 0 : i32
      %parallel_loop3A_1164 = arith.index_cast %parallel_loop3A_1163 : i32 to index
      %parallel_loop3A_1165 = arith.index_cast %parallel_loop3A_1162 : i32 to index
      %parallel_loop3A_1166 = arith.constant 0 : index
      %parallel_loop3A_1167 = tpu.vector_load %arg6[%parallel_loop3A_1164, %parallel_loop3A_1165, %parallel_loop3A_1166] {strides = array<i32>} : memref<2x96x84xf32, #tpu.memory_space<vmem>>, vector<16xf32>,
      %parallel_loop3A_1168 = arith.constant 0 : i32
      %parallel_loop3A_1169 = arith.index_cast %parallel_loop3A_1168 : i32 to index
      %parallel_loop3A_1170 = arith.index_cast %parallel_loop3A_1162 : i32 to index
      %parallel_loop3A_1171 = arith.constant 0 : index
      %parallel_loop3A_1172 = tpu.vector_load %arg5[%parallel_loop3A_1169, %parallel_loop3A_1170, %parallel_loop3A_1171] {strides = array<i32>} : memref<2x96x84xf32, #tpu.memory_space<vmem>>, vector<16xf32>,
      %parallel_loop3A_1173 = arith.fptosi %parallel_loop3A_1167 : vector<16xf32> to vector<16xi32>
      %parallel_loop3A_1174 = arith.constant 16 : i32
      %parallel_loop3A_1175 = vector.broadcast %parallel_loop3A_1174 : i32 to vector<16xi32>
      %parallel_loop3A_1176 = arith.muli %parallel_loop3A_1173, %parallel_loop3A_1175 : vector<16xi32>
      %parallel_loop3A_1177 = arith.addi %parallel_loop3A_1176, %iota3A : vector<16xi32>
      %parallel_loop3A_1178 = arith.subf %parallel_loop3A_1172, %parallel_loop3A_1167 : vector<16xf32>
      tpu.vector_store_idx %arg7[%parallel_loop3A_1177], %broadcast_in_dim3A_67 {add = true} : memref<4096xf32, #tpu.memory_space<vmem>>[vector<16xi32>], vector<16xf32>,
      %parallel_loop3A_1179 = arith.mulf %parallel_loop3A_1178, %parallel_loop3A_1178 : vector<16xf32>
      tpu.vector_store_idx %arg8[%parallel_loop3A_1177], %parallel_loop3A_1179 {add = true} : memref<4096xf32, #tpu.memory_space<vmem>>[vector<16xi32>], vector<16xf32>,
      %parallel_loop3A_1180 = arith.constant 0 : i32
      %parallel_loop3A_1181 = arith.index_cast %parallel_loop3A_1180 : i32 to index
      %parallel_loop3A_1182 = arith.index_cast %parallel_loop3A_1162 : i32 to index
      %parallel_loop3A_1183 = arith.constant 16 : index
      %parallel_loop3A_1184 = tpu.vector_load %arg6[%parallel_loop3A_1181, %parallel_loop3A_1182, %parallel_loop3A_1183] {strides = array<i32>} : memref<2x96x84xf32, #tpu.memory_space<vmem>>, vector<16xf32>,
      %parallel_loop3A_1185 = arith.constant 0 : i32
      %parallel_loop3A_1186 = arith.index_cast %parallel_loop3A_1185 : i32 to index
      %parallel_loop3A_1187 = arith.index_cast %parallel_loop3A_1162 : i32 to index
      %parallel_loop3A_1188 = arith.constant 16 : index
      %parallel_loop3A_1189 = tpu.vector_load %arg5[%parallel_loop3A_1186, %parallel_loop3A_1187, %parallel_loop3A_1188] {strides = array<i32>} : memref<2x96x84xf32, #tpu.memory_space<vmem>>, vector<16xf32>,
      %parallel_loop3A_1190 = arith.fptosi %parallel_loop3A_1184 : vector<16xf32> to vector<16xi32>
      %parallel_loop3A_1191 = arith.constant 16 : i32
      %parallel_loop3A_1192 = vector.broadcast %parallel_loop3A_1191 : i32 to vector<16xi32>
      %parallel_loop3A_1193 = arith.muli %parallel_loop3A_1190, %parallel_loop3A_1192 : vector<16xi32>
      %parallel_loop3A_1194 = arith.addi %parallel_loop3A_1193, %iota3A : vector<16xi32>
      %parallel_loop3A_1195 = arith.subf %parallel_loop3A_1189, %parallel_loop3A_1184 : vector<16xf32>
      tpu.vector_store_idx %arg7[%parallel_loop3A_1194], %broadcast_in_dim3A_67 {add = true} : memref<4096xf32, #tpu.memory_space<vmem>>[vector<16xi32>], vector<16xf32>,
      %parallel_loop3A_1196 = arith.mulf %parallel_loop3A_1195, %parallel_loop3A_1195 : vector<16xf32>
      tpu.vector_store_idx %arg8[%parallel_loop3A_1194], %parallel_loop3A_1196 {add = true} : memref<4096xf32, #tpu.memory_space<vmem>>[vector<16xi32>], vector<16xf32>,
      %parallel_loop3A_1197 = arith.constant 0 : i32
      %parallel_loop3A_1198 = arith.index_cast %parallel_loop3A_1197 : i32 to index
      %parallel_loop3A_1199 = arith.index_cast %parallel_loop3A_1162 : i32 to index
      %parallel_loop3A_1200 = arith.constant 32 : index
      %parallel_loop3A_1201 = tpu.vector_load %arg6[%parallel_loop3A_1198, %parallel_loop3A_1199, %parallel_loop3A_1200] {strides = array<i32>} : memref<2x96x84xf32, #tpu.memory_space<vmem>>, vector<16xf32>,
      %parallel_loop3A_1202 = arith.constant 0 : i32
      %parallel_loop3A_1203 = arith.index_cast %parallel_loop3A_1202 : i32 to index
      %parallel_loop3A_1204 = arith.index_cast %parallel_loop3A_1162 : i32 to index
      %parallel_loop3A_1205 = arith.constant 32 : index
      %parallel_loop3A_1206 = tpu.vector_load %arg5[%parallel_loop3A_1203, %parallel_loop3A_1204, %parallel_loop3A_1205] {strides = array<i32>} : memref<2x96x84xf32, #tpu.memory_space<vmem>>, vector<16xf32>,
      %parallel_loop3A_1207 = arith.fptosi %parallel_loop3A_1201 : vector<16xf32> to vector<16xi32>
      %parallel_loop3A_1208 = arith.constant 16 : i32
      %parallel_loop3A_1209 = vector.broadcast %parallel_loop3A_1208 : i32 to vector<16xi32>
      %parallel_loop3A_1210 = arith.muli %parallel_loop3A_1207, %parallel_loop3A_1209 : vector<16xi32>
      %parallel_loop3A_1211 = arith.addi %parallel_loop3A_1210, %iota3A : vector<16xi32>
      %parallel_loop3A_1212 = arith.subf %parallel_loop3A_1206, %parallel_loop3A_1201 : vector<16xf32>
      tpu.vector_store_idx %arg7[%parallel_loop3A_1211], %broadcast_in_dim3A_67 {add = true} : memref<4096xf32, #tpu.memory_space<vmem>>[vector<16xi32>], vector<16xf32>,
      %parallel_loop3A_1213 = arith.mulf %parallel_loop3A_1212, %parallel_loop3A_1212 : vector<16xf32>
      tpu.vector_store_idx %arg8[%parallel_loop3A_1211], %parallel_loop3A_1213 {add = true} : memref<4096xf32, #tpu.memory_space<vmem>>[vector<16xi32>], vector<16xf32>,
      %parallel_loop3A_1214 = arith.constant 0 : i32
      %parallel_loop3A_1215 = arith.index_cast %parallel_loop3A_1214 : i32 to index
      %parallel_loop3A_1216 = arith.index_cast %parallel_loop3A_1162 : i32 to index
      %parallel_loop3A_1217 = arith.constant 48 : index
      %parallel_loop3A_1218 = tpu.vector_load %arg6[%parallel_loop3A_1215, %parallel_loop3A_1216, %parallel_loop3A_1217] {strides = array<i32>} : memref<2x96x84xf32, #tpu.memory_space<vmem>>, vector<16xf32>,
      %parallel_loop3A_1219 = arith.constant 0 : i32
      %parallel_loop3A_1220 = arith.index_cast %parallel_loop3A_1219 : i32 to index
      %parallel_loop3A_1221 = arith.index_cast %parallel_loop3A_1162 : i32 to index
      %parallel_loop3A_1222 = arith.constant 48 : index
      %parallel_loop3A_1223 = tpu.vector_load %arg5[%parallel_loop3A_1220, %parallel_loop3A_1221, %parallel_loop3A_1222] {strides = array<i32>} : memref<2x96x84xf32, #tpu.memory_space<vmem>>, vector<16xf32>,
      %parallel_loop3A_1224 = arith.fptosi %parallel_loop3A_1218 : vector<16xf32> to vector<16xi32>
      %parallel_loop3A_1225 = arith.constant 16 : i32
      %parallel_loop3A_1226 = vector.broadcast %parallel_loop3A_1225 : i32 to vector<16xi32>
      %parallel_loop3A_1227 = arith.muli %parallel_loop3A_1224, %parallel_loop3A_1226 : vector<16xi32>
      %parallel_loop3A_1228 = arith.addi %parallel_loop3A_1227, %iota3A : vector<16xi32>
      %parallel_loop3A_1229 = arith.subf %parallel_loop3A_1223, %parallel_loop3A_1218 : vector<16xf32>
      tpu.vector_store_idx %arg7[%parallel_loop3A_1228], %broadcast_in_dim3A_67 {add = true} : memref<4096xf32, #tpu.memory_space<vmem>>[vector<16xi32>], vector<16xf32>,
      %parallel_loop3A_1230 = arith.mulf %parallel_loop3A_1229, %parallel_loop3A_1229 : vector<16xf32>
      tpu.vector_store_idx %arg8[%parallel_loop3A_1228], %parallel_loop3A_1230 {add = true} : memref<4096xf32, #tpu.memory_space<vmem>>[vector<16xi32>], vector<16xf32>,
      %parallel_loop3A_1231 = arith.constant 0 : i32
      %parallel_loop3A_1232 = arith.index_cast %parallel_loop3A_1231 : i32 to index
      %parallel_loop3A_1233 = arith.index_cast %parallel_loop3A_1162 : i32 to index
      %parallel_loop3A_1234 = arith.constant 64 : index
      %parallel_loop3A_1235 = tpu.vector_load %arg6[%parallel_loop3A_1232, %parallel_loop3A_1233, %parallel_loop3A_1234] {strides = array<i32>} : memref<2x96x84xf32, #tpu.memory_space<vmem>>, vector<16xf32>,
      %parallel_loop3A_1236 = arith.constant 0 : i32
      %parallel_loop3A_1237 = arith.index_cast %parallel_loop3A_1236 : i32 to index
      %parallel_loop3A_1238 = arith.index_cast %parallel_loop3A_1162 : i32 to index
      %parallel_loop3A_1239 = arith.constant 64 : index
      %parallel_loop3A_1240 = tpu.vector_load %arg5[%parallel_loop3A_1237, %parallel_loop3A_1238, %parallel_loop3A_1239] {strides = array<i32>} : memref<2x96x84xf32, #tpu.memory_space<vmem>>, vector<16xf32>,
      %parallel_loop3A_1241 = arith.fptosi %parallel_loop3A_1235 : vector<16xf32> to vector<16xi32>
      %parallel_loop3A_1242 = arith.constant 16 : i32
      %parallel_loop3A_1243 = vector.broadcast %parallel_loop3A_1242 : i32 to vector<16xi32>
      %parallel_loop3A_1244 = arith.muli %parallel_loop3A_1241, %parallel_loop3A_1243 : vector<16xi32>
      %parallel_loop3A_1245 = arith.addi %parallel_loop3A_1244, %iota3A : vector<16xi32>
      %parallel_loop3A_1246 = arith.subf %parallel_loop3A_1240, %parallel_loop3A_1235 : vector<16xf32>
      tpu.vector_store_idx %arg7[%parallel_loop3A_1245], %broadcast_in_dim3A_67 {add = true} : memref<4096xf32, #tpu.memory_space<vmem>>[vector<16xi32>], vector<16xf32>,
      %parallel_loop3A_1247 = arith.mulf %parallel_loop3A_1246, %parallel_loop3A_1246 : vector<16xf32>
      tpu.vector_store_idx %arg8[%parallel_loop3A_1245], %parallel_loop3A_1247 {add = true} : memref<4096xf32, #tpu.memory_space<vmem>>[vector<16xi32>], vector<16xf32>,
      %parallel_loop3A_1248 = arith.constant 0 : i32
      %parallel_loop3A_1249 = arith.index_cast %parallel_loop3A_1248 : i32 to index
      %parallel_loop3A_1250 = arith.index_cast %parallel_loop3A_1162 : i32 to index
      %parallel_loop3A_1251 = arith.constant 68 : index
      %parallel_loop3A_1252 = tpu.vector_load %arg6[%parallel_loop3A_1249, %parallel_loop3A_1250, %parallel_loop3A_1251] {strides = array<i32>} : memref<2x96x84xf32, #tpu.memory_space<vmem>>, vector<16xf32>,
      %parallel_loop3A_1253 = arith.constant 0 : i32
      %parallel_loop3A_1254 = arith.index_cast %parallel_loop3A_1253 : i32 to index
      %parallel_loop3A_1255 = arith.index_cast %parallel_loop3A_1162 : i32 to index
      %parallel_loop3A_1256 = arith.constant 68 : index
      %parallel_loop3A_1257 = tpu.vector_load %arg5[%parallel_loop3A_1254, %parallel_loop3A_1255, %parallel_loop3A_1256] {strides = array<i32>} : memref<2x96x84xf32, #tpu.memory_space<vmem>>, vector<16xf32>,
      %parallel_loop3A_1258 = arith.fptosi %parallel_loop3A_1252 : vector<16xf32> to vector<16xi32>
      %parallel_loop3A_1259 = arith.constant 16 : i32
      %parallel_loop3A_1260 = vector.broadcast %parallel_loop3A_1259 : i32 to vector<16xi32>
      %parallel_loop3A_1261 = arith.muli %parallel_loop3A_1258, %parallel_loop3A_1260 : vector<16xi32>
      %parallel_loop3A_1262 = arith.addi %parallel_loop3A_1261, %iota3A : vector<16xi32>
      %parallel_loop3A_1263 = arith.subf %parallel_loop3A_1257, %parallel_loop3A_1252 : vector<16xf32>
      tpu.vector_store_idx %arg7[%parallel_loop3A_1262], %broadcast_in_dim3A_67 masked %ge3A_69 {add = true} : memref<4096xf32, #tpu.memory_space<vmem>>[vector<16xi32>], vector<16xf32>, vector<16xi1>
      %parallel_loop3A_1264 = arith.mulf %parallel_loop3A_1263, %parallel_loop3A_1263 : vector<16xf32>
      tpu.vector_store_idx %arg8[%parallel_loop3A_1262], %parallel_loop3A_1264 masked %ge3A_69 {add = true} : memref<4096xf32, #tpu.memory_space<vmem>>[vector<16xi32>], vector<16xf32>, vector<16xi1>
    } {sc.loop_unroll_factor = 2 : i64, sc.parallel_access}
    %add3A_214 = arith.constant 192 : i32
    %add3A_215 = arith.addi %mul3A_2, %add3A_214 : i32
    %jit3A_216 = arith.constant 192 : i32
    %div3A_217 = arith.divsi %add3A_215, %jit3A_216 : i32
    %sign3A_218 = arith.constant 0 : i32
    %sign3A_219 = arith.cmpi sgt, %add3A_215, %sign3A_218 : i32
    %sign3A_220 = arith.extui %sign3A_219 : i1 to i32
    %sign3A_221 = arith.constant 0 : i32
    %sign3A_222 = arith.cmpi slt, %add3A_215, %sign3A_221 : i32
    %sign3A_223 = arith.extui %sign3A_222 : i1 to i32
    %sign3A_224 = arith.subi %sign3A_220, %sign3A_223 : i32
    %sign3A_225 = arith.constant 0 : i32
    %sign3A_226 = arith.cmpi sgt, %jit3A_216, %sign3A_225 : i32
    %sign3A_227 = arith.extui %sign3A_226 : i1 to i32
    %sign3A_228 = arith.constant 0 : i32
    %sign3A_229 = arith.cmpi slt, %jit3A_216, %sign3A_228 : i32
    %sign3A_230 = arith.extui %sign3A_229 : i1 to i32
    %sign3A_231 = arith.subi %sign3A_227, %sign3A_230 : i32
    %ne3A_232 = arith.cmpi ne, %sign3A_224, %sign3A_231 : i32
    %rem3A_233 = arith.remsi %add3A_215, %jit3A_216 : i32
    %ne3A_234 = arith.constant 0 : i32
    %ne3A_235 = arith.cmpi ne, %rem3A_233, %ne3A_234 : i32
    %and3A_236 = arith.andi %ne3A_232, %ne3A_235 : i1
    %sub3A_237 = arith.constant 1 : i32
    %sub3A_238 = arith.subi %div3A_217, %sub3A_237 : i32
    %select_n3A_239 = arith.select %and3A_236, %sub3A_238, %div3A_217 : i32
    %jit3A_240 = arith.constant 192 : i32
    %eq3A_241 = arith.constant 0 : i32
    %eq3A_242 = arith.cmpi eq, %jit3A_240, %eq3A_241 : i32
    %jit3A_243 = arith.constant 1 : i32
    %select_n3A_244 = arith.select %eq3A_242, %jit3A_243, %jit3A_240 : i32
    %rem3A_245 = arith.remsi %add3A_215, %select_n3A_244 : i32
    %ne3A_246 = arith.constant 0 : i32
    %ne3A_247 = arith.cmpi ne, %rem3A_245, %ne3A_246 : i32
    %lt3A_248 = arith.constant 0 : i32
    %lt3A_249 = arith.cmpi slt, %rem3A_245, %lt3A_248 : i32
    %lt3A_250 = arith.constant 0 : i32
    %lt3A_251 = arith.cmpi slt, %select_n3A_244, %lt3A_250 : i32
    %ne3A_252 = arith.xori %lt3A_249, %lt3A_251 : i1
    %and3A_253 = arith.andi %ne3A_252, %ne3A_247 : i1
    %add3A_254 = arith.addi %rem3A_245, %select_n3A_244 : i32
    %select_n3A_255 = arith.select %and3A_253, %add3A_254, %rem3A_245 : i32
    %dma_start3A_256 = arith.constant 0 : i32
    %dma_start3A_257 = arith.constant 0 : i32
    %dma_start3A_258 = arith.constant 0 : i32
    %dma_start3A_259 = arith.constant 0 : i32
    %dma_start3A_260 = tpu.memref_slice %arg5[%dma_start3A_257, %dma_start3A_258, %dma_start3A_259] : memref<2x96x84xf32, #tpu.memory_space<vmem>> -> memref<1x96x84xf32, #tpu.memory_space<vmem>>
    %dma_start3A_261 = tpu.memref_squeeze %dma_start3A_260 : memref<1x96x84xf32, #tpu.memory_space<vmem>> -> memref<96x84xf32, #tpu.memory_space<vmem>>
    %dma_start3A_262 = arith.constant 0 : i32
    %dma_start3A_263 = tpu.memref_slice %arg2[%select_n3A_239, %dma_start3A_256, %select_n3A_255, %dma_start3A_262] : memref<128x1x192x84xf32, #tpu.memory_space<hbm>> -> memref<1x1x96x84xf32, #tpu.memory_space<hbm>>
    %dma_start3A_264 = tpu.memref_squeeze %dma_start3A_263 : memref<1x1x96x84xf32, #tpu.memory_space<hbm>> -> memref<96x84xf32, #tpu.memory_space<hbm>>
    %dma_start3A_265 = arith.constant 0 : i32
    %dma_start3A_266 = arith.constant 0 : i32
    %dma_start3A_267 = tpu.memref_slice %arg5[%dma_start3A_257, %dma_start3A_265, %dma_start3A_266] : memref<2x96x84xf32, #tpu.memory_space<vmem>> -> memref<1x96x84xf32, #tpu.memory_space<vmem>>
    %dma_start3A_268 = tpu.memref_squeeze %dma_start3A_267 : memref<1x96x84xf32, #tpu.memory_space<vmem>> -> memref<96x84xf32, #tpu.memory_space<vmem>>
    %dma_start3A_269 = arith.constant 0 : i32
    %dma_start3A_270 = tpu.memref_slice %arg2[%select_n3A_239, %dma_start3A_256, %select_n3A_255, %dma_start3A_269] : memref<128x1x192x84xf32, #tpu.memory_space<hbm>> -> memref<1x1x96x84xf32, #tpu.memory_space<hbm>>
    %dma_start3A_271 = tpu.memref_squeeze %dma_start3A_270 : memref<1x1x96x84xf32, #tpu.memory_space<hbm>> -> memref<96x84xf32, #tpu.memory_space<hbm>>
    tpu.enqueue_dma source(%dma_start3A_271 : memref<96x84xf32, #tpu.memory_space<hbm>>) target(%dma_start3A_268 : memref<96x84xf32, #tpu.memory_space<vmem>>) target_semaphore(%arg11 : memref<!tpu.dma_semaphore, #tpu.memory_space<semaphore_mem>>)
    %dma_start3A_272 = arith.constant 0 : i32
    %dma_start3A_273 = arith.constant 0 : i32
    %dma_start3A_274 = arith.constant 0 : i32
    %dma_start3A_275 = tpu.memref_slice %arg6[%dma_start3A_272, %dma_start3A_273, %dma_start3A_274] : memref<2x96x84xf32, #tpu.memory_space<vmem>> -> memref<1x96x84xf32, #tpu.memory_space<vmem>>
    %dma_start3A_276 = tpu.memref_squeeze %dma_start3A_275 : memref<1x96x84xf32, #tpu.memory_space<vmem>> -> memref<96x84xf32, #tpu.memory_space<vmem>>
    %dma_start3A_277 = arith.constant 0 : i32
    %dma_start3A_278 = tpu.memref_slice %arg3[%add3A_215, %dma_start3A_277] : memref<24576x84xf32, #tpu.memory_space<hbm>> -> memref<96x84xf32, #tpu.memory_space<hbm>>
    %dma_start3A_279 = arith.constant 0 : i32
    %dma_start3A_280 = arith.constant 0 : i32
    %dma_start3A_281 = tpu.memref_slice %arg6[%dma_start3A_272, %dma_start3A_279, %dma_start3A_280] : memref<2x96x84xf32, #tpu.memory_space<vmem>> -> memref<1x96x84xf32, #tpu.memory_space<vmem>>
    %dma_start3A_282 = tpu.memref_squeeze %dma_start3A_281 : memref<1x96x84xf32, #tpu.memory_space<vmem>> -> memref<96x84xf32, #tpu.memory_space<vmem>>
    %dma_start3A_283 = arith.constant 0 : i32
    %dma_start3A_284 = tpu.memref_slice %arg3[%add3A_215, %dma_start3A_283] : memref<24576x84xf32, #tpu.memory_space<hbm>> -> memref<96x84xf32, #tpu.memory_space<hbm>>
    tpu.enqueue_dma source(%dma_start3A_284 : memref<96x84xf32, #tpu.memory_space<hbm>>) target(%dma_start3A_282 : memref<96x84xf32, #tpu.memory_space<vmem>>) target_semaphore(%arg11 : memref<!tpu.dma_semaphore, #tpu.memory_space<semaphore_mem>>)
    %add3A_285 = arith.constant 96 : i32
    %add3A_286 = arith.addi %mul3A_2, %add3A_285 : i32
    %jit3A_287 = arith.constant 192 : i32
    %div3A_288 = arith.divsi %add3A_286, %jit3A_287 : i32
    %sign3A_289 = arith.constant 0 : i32
    %sign3A_290 = arith.cmpi sgt, %add3A_286, %sign3A_289 : i32
    %sign3A_291 = arith.extui %sign3A_290 : i1 to i32
    %sign3A_292 = arith.constant 0 : i32
    %sign3A_293 = arith.cmpi slt, %add3A_286, %sign3A_292 : i32
    %sign3A_294 = arith.extui %sign3A_293 : i1 to i32
    %sign3A_295 = arith.subi %sign3A_291, %sign3A_294 : i32
    %sign3A_296 = arith.constant 0 : i32
    %sign3A_297 = arith.cmpi sgt, %jit3A_287, %sign3A_296 : i32
    %sign3A_298 = arith.extui %sign3A_297 : i1 to i32
    %sign3A_299 = arith.constant 0 : i32
    %sign3A_300 = arith.cmpi slt, %jit3A_287, %sign3A_299 : i32
    %sign3A_301 = arith.extui %sign3A_300 : i1 to i32
    %sign3A_302 = arith.subi %sign3A_298, %sign3A_301 : i32
    %ne3A_303 = arith.cmpi ne, %sign3A_295, %sign3A_302 : i32
    %rem3A_304 = arith.remsi %add3A_286, %jit3A_287 : i32
    %ne3A_305 = arith.constant 0 : i32
    %ne3A_306 = arith.cmpi ne, %rem3A_304, %ne3A_305 : i32
    %and3A_307 = arith.andi %ne3A_303, %ne3A_306 : i1
    %sub3A_308 = arith.constant 1 : i32
    %sub3A_309 = arith.subi %div3A_288, %sub3A_308 : i32
    %select_n3A_310 = arith.select %and3A_307, %sub3A_309, %div3A_288 : i32
    %jit3A_311 = arith.constant 192 : i32
    %eq3A_312 = arith.constant 0 : i32
    %eq3A_313 = arith.cmpi eq, %jit3A_311, %eq3A_312 : i32
    %jit3A_314 = arith.constant 1 : i32
    %select_n3A_315 = arith.select %eq3A_313, %jit3A_314, %jit3A_311 : i32
    %rem3A_316 = arith.remsi %add3A_286, %select_n3A_315 : i32
    %ne3A_317 = arith.constant 0 : i32
    %ne3A_318 = arith.cmpi ne, %rem3A_316, %ne3A_317 : i32
    %lt3A_319 = arith.constant 0 : i32
    %lt3A_320 = arith.cmpi slt, %rem3A_316, %lt3A_319 : i32
    %lt3A_321 = arith.constant 0 : i32
    %lt3A_322 = arith.cmpi slt, %select_n3A_315, %lt3A_321 : i32
    %ne3A_323 = arith.xori %lt3A_320, %lt3A_322 : i1
    %and3A_324 = arith.andi %ne3A_323, %ne3A_318 : i1
    %add3A_325 = arith.addi %rem3A_316, %select_n3A_315 : i32
    %select_n3A_326 = arith.select %and3A_324, %add3A_325, %rem3A_316 : i32
    %dma_wait3A_327 = arith.constant 0 : i32
    %dma_wait3A_328 = arith.constant 1 : i32
    %dma_wait3A_329 = arith.constant 0 : i32
    %dma_wait3A_330 = arith.constant 0 : i32
    %dma_wait3A_331 = tpu.memref_slice %arg5[%dma_wait3A_328, %dma_wait3A_329, %dma_wait3A_330] : memref<2x96x84xf32, #tpu.memory_space<vmem>> -> memref<1x96x84xf32, #tpu.memory_space<vmem>>
    %dma_wait3A_332 = tpu.memref_squeeze %dma_wait3A_331 : memref<1x96x84xf32, #tpu.memory_space<vmem>> -> memref<96x84xf32, #tpu.memory_space<vmem>>
    %dma_wait3A_333 = arith.constant 0 : i32
    %dma_wait3A_334 = tpu.memref_slice %arg2[%select_n3A_310, %dma_wait3A_327, %select_n3A_326, %dma_wait3A_333] : memref<128x1x192x84xf32, #tpu.memory_space<hbm>> -> memref<1x1x96x84xf32, #tpu.memory_space<hbm>>
    %dma_wait3A_335 = tpu.memref_squeeze %dma_wait3A_334 : memref<1x1x96x84xf32, #tpu.memory_space<hbm>> -> memref<96x84xf32, #tpu.memory_space<hbm>>
    %dma_wait3A_336 = arith.constant 0 : i32
    %dma_wait3A_337 = arith.constant 0 : i32
    %dma_wait3A_338 = tpu.memref_slice %arg5[%dma_wait3A_328, %dma_wait3A_336, %dma_wait3A_337] : memref<2x96x84xf32, #tpu.memory_space<vmem>> -> memref<1x96x84xf32, #tpu.memory_space<vmem>>
    %dma_wait3A_339 = tpu.memref_squeeze %dma_wait3A_338 : memref<1x96x84xf32, #tpu.memory_space<vmem>> -> memref<96x84xf32, #tpu.memory_space<vmem>>
    %dma_wait3A_340 = arith.constant 0 : i32
    %dma_wait3A_341 = tpu.memref_slice %arg2[%select_n3A_310, %dma_wait3A_327, %select_n3A_326, %dma_wait3A_340] : memref<128x1x192x84xf32, #tpu.memory_space<hbm>> -> memref<1x1x96x84xf32, #tpu.memory_space<hbm>>
    %dma_wait3A_342 = tpu.memref_squeeze %dma_wait3A_341 : memref<1x1x96x84xf32, #tpu.memory_space<hbm>> -> memref<96x84xf32, #tpu.memory_space<hbm>>
    tpu.wait_dma2 semaphore(%arg12 : memref<!tpu.dma_semaphore, #tpu.memory_space<semaphore_mem>>) src(%dma_wait3A_342 : memref<96x84xf32, #tpu.memory_space<hbm>>) dst(%dma_wait3A_339 : memref<96x84xf32, #tpu.memory_space<vmem>>)
    %dma_wait3A_343 = arith.constant 1 : i32
    %dma_wait3A_344 = arith.constant 0 : i32
    %dma_wait3A_345 = arith.constant 0 : i32
    %dma_wait3A_346 = tpu.memref_slice %arg6[%dma_wait3A_343, %dma_wait3A_344, %dma_wait3A_345] : memref<2x96x84xf32, #tpu.memory_space<vmem>> -> memref<1x96x84xf32, #tpu.memory_space<vmem>>
    %dma_wait3A_347 = tpu.memref_squeeze %dma_wait3A_346 : memref<1x96x84xf32, #tpu.memory_space<vmem>> -> memref<96x84xf32, #tpu.memory_space<vmem>>
    %dma_wait3A_348 = arith.constant 0 : i32
    %dma_wait3A_349 = tpu.memref_slice %arg3[%add3A_286, %dma_wait3A_348] : memref<24576x84xf32, #tpu.memory_space<hbm>> -> memref<96x84xf32, #tpu.memory_space<hbm>>
    %dma_wait3A_350 = arith.constant 0 : i32
    %dma_wait3A_351 = arith.constant 0 : i32
    %dma_wait3A_352 = tpu.memref_slice %arg6[%dma_wait3A_343, %dma_wait3A_350, %dma_wait3A_351] : memref<2x96x84xf32, #tpu.memory_space<vmem>> -> memref<1x96x84xf32, #tpu.memory_space<vmem>>
    %dma_wait3A_353 = tpu.memref_squeeze %dma_wait3A_352 : memref<1x96x84xf32, #tpu.memory_space<vmem>> -> memref<96x84xf32, #tpu.memory_space<vmem>>
    %dma_wait3A_354 = arith.constant 0 : i32
    %dma_wait3A_355 = tpu.memref_slice %arg3[%add3A_286, %dma_wait3A_354] : memref<24576x84xf32, #tpu.memory_space<hbm>> -> memref<96x84xf32, #tpu.memory_space<hbm>>
    tpu.wait_dma2 semaphore(%arg12 : memref<!tpu.dma_semaphore, #tpu.memory_space<semaphore_mem>>) src(%dma_wait3A_355 : memref<96x84xf32, #tpu.memory_space<hbm>>) dst(%dma_wait3A_353 : memref<96x84xf32, #tpu.memory_space<vmem>>)
    %parallel_loop3A_356 = arith.constant 0 : i32
    %parallel_loop3A_357 = arith.constant 96 : i32
    %parallel_loop3A_358 = arith.constant 1 : i32
    scf.for %parallel_loop3A_1162 = %parallel_loop3A_356 to %parallel_loop3A_357 step %parallel_loop3A_358  : i32 {
      %parallel_loop3A_1163 = arith.constant 1 : i32
      %parallel_loop3A_1164 = arith.index_cast %parallel_loop3A_1163 : i32 to index
      %parallel_loop3A_1165 = arith.index_cast %parallel_loop3A_1162 : i32 to index
      %parallel_loop3A_1166 = arith.constant 0 : index
      %parallel_loop3A_1167 = tpu.vector_load %arg6[%parallel_loop3A_1164, %parallel_loop3A_1165, %parallel_loop3A_1166] {strides = array<i32>} : memref<2x96x84xf32, #tpu.memory_space<vmem>>, vector<16xf32>,
      %parallel_loop3A_1168 = arith.constant 1 : i32
      %parallel_loop3A_1169 = arith.index_cast %parallel_loop3A_1168 : i32 to index
      %parallel_loop3A_1170 = arith.index_cast %parallel_loop3A_1162 : i32 to index
      %parallel_loop3A_1171 = arith.constant 0 : index
      %parallel_loop3A_1172 = tpu.vector_load %arg5[%parallel_loop3A_1169, %parallel_loop3A_1170, %parallel_loop3A_1171] {strides = array<i32>} : memref<2x96x84xf32, #tpu.memory_space<vmem>>, vector<16xf32>,
      %parallel_loop3A_1173 = arith.fptosi %parallel_loop3A_1167 : vector<16xf32> to vector<16xi32>
      %parallel_loop3A_1174 = arith.constant 16 : i32
      %parallel_loop3A_1175 = vector.broadcast %parallel_loop3A_1174 : i32 to vector<16xi32>
      %parallel_loop3A_1176 = arith.muli %parallel_loop3A_1173, %parallel_loop3A_1175 : vector<16xi32>
      %parallel_loop3A_1177 = arith.addi %parallel_loop3A_1176, %iota3A : vector<16xi32>
      %parallel_loop3A_1178 = arith.subf %parallel_loop3A_1172, %parallel_loop3A_1167 : vector<16xf32>
      tpu.vector_store_idx %arg7[%parallel_loop3A_1177], %broadcast_in_dim3A_67 {add = true} : memref<4096xf32, #tpu.memory_space<vmem>>[vector<16xi32>], vector<16xf32>,
      %parallel_loop3A_1179 = arith.mulf %parallel_loop3A_1178, %parallel_loop3A_1178 : vector<16xf32>
      tpu.vector_store_idx %arg8[%parallel_loop3A_1177], %parallel_loop3A_1179 {add = true} : memref<4096xf32, #tpu.memory_space<vmem>>[vector<16xi32>], vector<16xf32>,
      %parallel_loop3A_1180 = arith.constant 1 : i32
      %parallel_loop3A_1181 = arith.index_cast %parallel_loop3A_1180 : i32 to index
      %parallel_loop3A_1182 = arith.index_cast %parallel_loop3A_1162 : i32 to index
      %parallel_loop3A_1183 = arith.constant 16 : index
      %parallel_loop3A_1184 = tpu.vector_load %arg6[%parallel_loop3A_1181, %parallel_loop3A_1182, %parallel_loop3A_1183] {strides = array<i32>} : memref<2x96x84xf32, #tpu.memory_space<vmem>>, vector<16xf32>,
      %parallel_loop3A_1185 = arith.constant 1 : i32
      %parallel_loop3A_1186 = arith.index_cast %parallel_loop3A_1185 : i32 to index
      %parallel_loop3A_1187 = arith.index_cast %parallel_loop3A_1162 : i32 to index
      %parallel_loop3A_1188 = arith.constant 16 : index
      %parallel_loop3A_1189 = tpu.vector_load %arg5[%parallel_loop3A_1186, %parallel_loop3A_1187, %parallel_loop3A_1188] {strides = array<i32>} : memref<2x96x84xf32, #tpu.memory_space<vmem>>, vector<16xf32>,
      %parallel_loop3A_1190 = arith.fptosi %parallel_loop3A_1184 : vector<16xf32> to vector<16xi32>
      %parallel_loop3A_1191 = arith.constant 16 : i32
      %parallel_loop3A_1192 = vector.broadcast %parallel_loop3A_1191 : i32 to vector<16xi32>
      %parallel_loop3A_1193 = arith.muli %parallel_loop3A_1190, %parallel_loop3A_1192 : vector<16xi32>
      %parallel_loop3A_1194 = arith.addi %parallel_loop3A_1193, %iota3A : vector<16xi32>
      %parallel_loop3A_1195 = arith.subf %parallel_loop3A_1189, %parallel_loop3A_1184 : vector<16xf32>
      tpu.vector_store_idx %arg7[%parallel_loop3A_1194], %broadcast_in_dim3A_67 {add = true} : memref<4096xf32, #tpu.memory_space<vmem>>[vector<16xi32>], vector<16xf32>,
      %parallel_loop3A_1196 = arith.mulf %parallel_loop3A_1195, %parallel_loop3A_1195 : vector<16xf32>
      tpu.vector_store_idx %arg8[%parallel_loop3A_1194], %parallel_loop3A_1196 {add = true} : memref<4096xf32, #tpu.memory_space<vmem>>[vector<16xi32>], vector<16xf32>,
      %parallel_loop3A_1197 = arith.constant 1 : i32
      %parallel_loop3A_1198 = arith.index_cast %parallel_loop3A_1197 : i32 to index
      %parallel_loop3A_1199 = arith.index_cast %parallel_loop3A_1162 : i32 to index
      %parallel_loop3A_1200 = arith.constant 32 : index
      %parallel_loop3A_1201 = tpu.vector_load %arg6[%parallel_loop3A_1198, %parallel_loop3A_1199, %parallel_loop3A_1200] {strides = array<i32>} : memref<2x96x84xf32, #tpu.memory_space<vmem>>, vector<16xf32>,
      %parallel_loop3A_1202 = arith.constant 1 : i32
      %parallel_loop3A_1203 = arith.index_cast %parallel_loop3A_1202 : i32 to index
      %parallel_loop3A_1204 = arith.index_cast %parallel_loop3A_1162 : i32 to index
      %parallel_loop3A_1205 = arith.constant 32 : index
      %parallel_loop3A_1206 = tpu.vector_load %arg5[%parallel_loop3A_1203, %parallel_loop3A_1204, %parallel_loop3A_1205] {strides = array<i32>} : memref<2x96x84xf32, #tpu.memory_space<vmem>>, vector<16xf32>,
      %parallel_loop3A_1207 = arith.fptosi %parallel_loop3A_1201 : vector<16xf32> to vector<16xi32>
      %parallel_loop3A_1208 = arith.constant 16 : i32
      %parallel_loop3A_1209 = vector.broadcast %parallel_loop3A_1208 : i32 to vector<16xi32>
      %parallel_loop3A_1210 = arith.muli %parallel_loop3A_1207, %parallel_loop3A_1209 : vector<16xi32>
      %parallel_loop3A_1211 = arith.addi %parallel_loop3A_1210, %iota3A : vector<16xi32>
      %parallel_loop3A_1212 = arith.subf %parallel_loop3A_1206, %parallel_loop3A_1201 : vector<16xf32>
      tpu.vector_store_idx %arg7[%parallel_loop3A_1211], %broadcast_in_dim3A_67 {add = true} : memref<4096xf32, #tpu.memory_space<vmem>>[vector<16xi32>], vector<16xf32>,
      %parallel_loop3A_1213 = arith.mulf %parallel_loop3A_1212, %parallel_loop3A_1212 : vector<16xf32>
      tpu.vector_store_idx %arg8[%parallel_loop3A_1211], %parallel_loop3A_1213 {add = true} : memref<4096xf32, #tpu.memory_space<vmem>>[vector<16xi32>], vector<16xf32>,
      %parallel_loop3A_1214 = arith.constant 1 : i32
      %parallel_loop3A_1215 = arith.index_cast %parallel_loop3A_1214 : i32 to index
      %parallel_loop3A_1216 = arith.index_cast %parallel_loop3A_1162 : i32 to index
      %parallel_loop3A_1217 = arith.constant 48 : index
      %parallel_loop3A_1218 = tpu.vector_load %arg6[%parallel_loop3A_1215, %parallel_loop3A_1216, %parallel_loop3A_1217] {strides = array<i32>} : memref<2x96x84xf32, #tpu.memory_space<vmem>>, vector<16xf32>,
      %parallel_loop3A_1219 = arith.constant 1 : i32
      %parallel_loop3A_1220 = arith.index_cast %parallel_loop3A_1219 : i32 to index
      %parallel_loop3A_1221 = arith.index_cast %parallel_loop3A_1162 : i32 to index
      %parallel_loop3A_1222 = arith.constant 48 : index
      %parallel_loop3A_1223 = tpu.vector_load %arg5[%parallel_loop3A_1220, %parallel_loop3A_1221, %parallel_loop3A_1222] {strides = array<i32>} : memref<2x96x84xf32, #tpu.memory_space<vmem>>, vector<16xf32>,
      %parallel_loop3A_1224 = arith.fptosi %parallel_loop3A_1218 : vector<16xf32> to vector<16xi32>
      %parallel_loop3A_1225 = arith.constant 16 : i32
      %parallel_loop3A_1226 = vector.broadcast %parallel_loop3A_1225 : i32 to vector<16xi32>
      %parallel_loop3A_1227 = arith.muli %parallel_loop3A_1224, %parallel_loop3A_1226 : vector<16xi32>
      %parallel_loop3A_1228 = arith.addi %parallel_loop3A_1227, %iota3A : vector<16xi32>
      %parallel_loop3A_1229 = arith.subf %parallel_loop3A_1223, %parallel_loop3A_1218 : vector<16xf32>
      tpu.vector_store_idx %arg7[%parallel_loop3A_1228], %broadcast_in_dim3A_67 {add = true} : memref<4096xf32, #tpu.memory_space<vmem>>[vector<16xi32>], vector<16xf32>,
      %parallel_loop3A_1230 = arith.mulf %parallel_loop3A_1229, %parallel_loop3A_1229 : vector<16xf32>
      tpu.vector_store_idx %arg8[%parallel_loop3A_1228], %parallel_loop3A_1230 {add = true} : memref<4096xf32, #tpu.memory_space<vmem>>[vector<16xi32>], vector<16xf32>,
      %parallel_loop3A_1231 = arith.constant 1 : i32
      %parallel_loop3A_1232 = arith.index_cast %parallel_loop3A_1231 : i32 to index
      %parallel_loop3A_1233 = arith.index_cast %parallel_loop3A_1162 : i32 to index
      %parallel_loop3A_1234 = arith.constant 64 : index
      %parallel_loop3A_1235 = tpu.vector_load %arg6[%parallel_loop3A_1232, %parallel_loop3A_1233, %parallel_loop3A_1234] {strides = array<i32>} : memref<2x96x84xf32, #tpu.memory_space<vmem>>, vector<16xf32>,
      %parallel_loop3A_1236 = arith.constant 1 : i32
      %parallel_loop3A_1237 = arith.index_cast %parallel_loop3A_1236 : i32 to index
      %parallel_loop3A_1238 = arith.index_cast %parallel_loop3A_1162 : i32 to index
      %parallel_loop3A_1239 = arith.constant 64 : index
      %parallel_loop3A_1240 = tpu.vector_load %arg5[%parallel_loop3A_1237, %parallel_loop3A_1238, %parallel_loop3A_1239] {strides = array<i32>} : memref<2x96x84xf32, #tpu.memory_space<vmem>>, vector<16xf32>,
      %parallel_loop3A_1241 = arith.fptosi %parallel_loop3A_1235 : vector<16xf32> to vector<16xi32>
      %parallel_loop3A_1242 = arith.constant 16 : i32
      %parallel_loop3A_1243 = vector.broadcast %parallel_loop3A_1242 : i32 to vector<16xi32>
      %parallel_loop3A_1244 = arith.muli %parallel_loop3A_1241, %parallel_loop3A_1243 : vector<16xi32>
      %parallel_loop3A_1245 = arith.addi %parallel_loop3A_1244, %iota3A : vector<16xi32>
      %parallel_loop3A_1246 = arith.subf %parallel_loop3A_1240, %parallel_loop3A_1235 : vector<16xf32>
      tpu.vector_store_idx %arg7[%parallel_loop3A_1245], %broadcast_in_dim3A_67 {add = true} : memref<4096xf32, #tpu.memory_space<vmem>>[vector<16xi32>], vector<16xf32>,
      %parallel_loop3A_1247 = arith.mulf %parallel_loop3A_1246, %parallel_loop3A_1246 : vector<16xf32>
      tpu.vector_store_idx %arg8[%parallel_loop3A_1245], %parallel_loop3A_1247 {add = true} : memref<4096xf32, #tpu.memory_space<vmem>>[vector<16xi32>], vector<16xf32>,
      %parallel_loop3A_1248 = arith.constant 1 : i32
      %parallel_loop3A_1249 = arith.index_cast %parallel_loop3A_1248 : i32 to index
      %parallel_loop3A_1250 = arith.index_cast %parallel_loop3A_1162 : i32 to index
      %parallel_loop3A_1251 = arith.constant 68 : index
      %parallel_loop3A_1252 = tpu.vector_load %arg6[%parallel_loop3A_1249, %parallel_loop3A_1250, %parallel_loop3A_1251] {strides = array<i32>} : memref<2x96x84xf32, #tpu.memory_space<vmem>>, vector<16xf32>,
      %parallel_loop3A_1253 = arith.constant 1 : i32
      %parallel_loop3A_1254 = arith.index_cast %parallel_loop3A_1253 : i32 to index
      %parallel_loop3A_1255 = arith.index_cast %parallel_loop3A_1162 : i32 to index
      %parallel_loop3A_1256 = arith.constant 68 : index
      %parallel_loop3A_1257 = tpu.vector_load %arg5[%parallel_loop3A_1254, %parallel_loop3A_1255, %parallel_loop3A_1256] {strides = array<i32>} : memref<2x96x84xf32, #tpu.memory_space<vmem>>, vector<16xf32>,
      %parallel_loop3A_1258 = arith.fptosi %parallel_loop3A_1252 : vector<16xf32> to vector<16xi32>
      %parallel_loop3A_1259 = arith.constant 16 : i32
      %parallel_loop3A_1260 = vector.broadcast %parallel_loop3A_1259 : i32 to vector<16xi32>
      %parallel_loop3A_1261 = arith.muli %parallel_loop3A_1258, %parallel_loop3A_1260 : vector<16xi32>
      %parallel_loop3A_1262 = arith.addi %parallel_loop3A_1261, %iota3A : vector<16xi32>
      %parallel_loop3A_1263 = arith.subf %parallel_loop3A_1257, %parallel_loop3A_1252 : vector<16xf32>
      tpu.vector_store_idx %arg7[%parallel_loop3A_1262], %broadcast_in_dim3A_67 masked %ge3A_69 {add = true} : memref<4096xf32, #tpu.memory_space<vmem>>[vector<16xi32>], vector<16xf32>, vector<16xi1>
      %parallel_loop3A_1264 = arith.mulf %parallel_loop3A_1263, %parallel_loop3A_1263 : vector<16xf32>
      tpu.vector_store_idx %arg8[%parallel_loop3A_1262], %parallel_loop3A_1264 masked %ge3A_69 {add = true} : memref<4096xf32, #tpu.memory_space<vmem>>[vector<16xi32>], vector<16xf32>, vector<16xi1>
    } {sc.loop_unroll_factor = 2 : i64, sc.parallel_access}
    %add3A_359 = arith.constant 288 : i32
    %add3A_360 = arith.addi %mul3A_2, %add3A_359 : i32
    %jit3A_361 = arith.constant 192 : i32
    %div3A_362 = arith.divsi %add3A_360, %jit3A_361 : i32
    %sign3A_363 = arith.constant 0 : i32
    %sign3A_364 = arith.cmpi sgt, %add3A_360, %sign3A_363 : i32
    %sign3A_365 = arith.extui %sign3A_364 : i1 to i32
    %sign3A_366 = arith.constant 0 : i32
    %sign3A_367 = arith.cmpi slt, %add3A_360, %sign3A_366 : i32
    %sign3A_368 = arith.extui %sign3A_367 : i1 to i32
    %sign3A_369 = arith.subi %sign3A_365, %sign3A_368 : i32
    %sign3A_370 = arith.constant 0 : i32
    %sign3A_371 = arith.cmpi sgt, %jit3A_361, %sign3A_370 : i32
    %sign3A_372 = arith.extui %sign3A_371 : i1 to i32
    %sign3A_373 = arith.constant 0 : i32
    %sign3A_374 = arith.cmpi slt, %jit3A_361, %sign3A_373 : i32
    %sign3A_375 = arith.extui %sign3A_374 : i1 to i32
    %sign3A_376 = arith.subi %sign3A_372, %sign3A_375 : i32
    %ne3A_377 = arith.cmpi ne, %sign3A_369, %sign3A_376 : i32
    %rem3A_378 = arith.remsi %add3A_360, %jit3A_361 : i32
    %ne3A_379 = arith.constant 0 : i32
    %ne3A_380 = arith.cmpi ne, %rem3A_378, %ne3A_379 : i32
    %and3A_381 = arith.andi %ne3A_377, %ne3A_380 : i1
    %sub3A_382 = arith.constant 1 : i32
    %sub3A_383 = arith.subi %div3A_362, %sub3A_382 : i32
    %select_n3A_384 = arith.select %and3A_381, %sub3A_383, %div3A_362 : i32
    %jit3A_385 = arith.constant 192 : i32
    %eq3A_386 = arith.constant 0 : i32
    %eq3A_387 = arith.cmpi eq, %jit3A_385, %eq3A_386 : i32
    %jit3A_388 = arith.constant 1 : i32
    %select_n3A_389 = arith.select %eq3A_387, %jit3A_388, %jit3A_385 : i32
    %rem3A_390 = arith.remsi %add3A_360, %select_n3A_389 : i32
    %ne3A_391 = arith.constant 0 : i32
    %ne3A_392 = arith.cmpi ne, %rem3A_390, %ne3A_391 : i32
    %lt3A_393 = arith.constant 0 : i32
    %lt3A_394 = arith.cmpi slt, %rem3A_390, %lt3A_393 : i32
    %lt3A_395 = arith.constant 0 : i32
    %lt3A_396 = arith.cmpi slt, %select_n3A_389, %lt3A_395 : i32
    %ne3A_397 = arith.xori %lt3A_394, %lt3A_396 : i1
    %and3A_398 = arith.andi %ne3A_397, %ne3A_392 : i1
    %add3A_399 = arith.addi %rem3A_390, %select_n3A_389 : i32
    %select_n3A_400 = arith.select %and3A_398, %add3A_399, %rem3A_390 : i32
    %dma_start3A_401 = arith.constant 0 : i32
    %dma_start3A_402 = arith.constant 1 : i32
    %dma_start3A_403 = arith.constant 0 : i32
    %dma_start3A_404 = arith.constant 0 : i32
    %dma_start3A_405 = tpu.memref_slice %arg5[%dma_start3A_402, %dma_start3A_403, %dma_start3A_404] : memref<2x96x84xf32, #tpu.memory_space<vmem>> -> memref<1x96x84xf32, #tpu.memory_space<vmem>>
    %dma_start3A_406 = tpu.memref_squeeze %dma_start3A_405 : memref<1x96x84xf32, #tpu.memory_space<vmem>> -> memref<96x84xf32, #tpu.memory_space<vmem>>
    %dma_start3A_407 = arith.constant 0 : i32
    %dma_start3A_408 = tpu.memref_slice %arg2[%select_n3A_384, %dma_start3A_401, %select_n3A_400, %dma_start3A_407] : memref<128x1x192x84xf32, #tpu.memory_space<hbm>> -> memref<1x1x96x84xf32, #tpu.memory_space<hbm>>
    %dma_start3A_409 = tpu.memref_squeeze %dma_start3A_408 : memref<1x1x96x84xf32, #tpu.memory_space<hbm>> -> memref<96x84xf32, #tpu.memory_space<hbm>>
    %dma_start3A_410 = arith.constant 0 : i32
    %dma_start3A_411 = arith.constant 0 : i32
    %dma_start3A_412 = tpu.memref_slice %arg5[%dma_start3A_402, %dma_start3A_410, %dma_start3A_411] : memref<2x96x84xf32, #tpu.memory_space<vmem>> -> memref<1x96x84xf32, #tpu.memory_space<vmem>>
    %dma_start3A_413 = tpu.memref_squeeze %dma_start3A_412 : memref<1x96x84xf32, #tpu.memory_space<vmem>> -> memref<96x84xf32, #tpu.memory_space<vmem>>
    %dma_start3A_414 = arith.constant 0 : i32
    %dma_start3A_415 = tpu.memref_slice %arg2[%select_n3A_384, %dma_start3A_401, %select_n3A_400, %dma_start3A_414] : memref<128x1x192x84xf32, #tpu.memory_space<hbm>> -> memref<1x1x96x84xf32, #tpu.memory_space<hbm>>
    %dma_start3A_416 = tpu.memref_squeeze %dma_start3A_415 : memref<1x1x96x84xf32, #tpu.memory_space<hbm>> -> memref<96x84xf32, #tpu.memory_space<hbm>>
    tpu.enqueue_dma source(%dma_start3A_416 : memref<96x84xf32, #tpu.memory_space<hbm>>) target(%dma_start3A_413 : memref<96x84xf32, #tpu.memory_space<vmem>>) target_semaphore(%arg12 : memref<!tpu.dma_semaphore, #tpu.memory_space<semaphore_mem>>)
    %dma_start3A_417 = arith.constant 1 : i32
    %dma_start3A_418 = arith.constant 0 : i32
    %dma_start3A_419 = arith.constant 0 : i32
    %dma_start3A_420 = tpu.memref_slice %arg6[%dma_start3A_417, %dma_start3A_418, %dma_start3A_419] : memref<2x96x84xf32, #tpu.memory_space<vmem>> -> memref<1x96x84xf32, #tpu.memory_space<vmem>>
    %dma_start3A_421 = tpu.memref_squeeze %dma_start3A_420 : memref<1x96x84xf32, #tpu.memory_space<vmem>> -> memref<96x84xf32, #tpu.memory_space<vmem>>
    %dma_start3A_422 = arith.constant 0 : i32
    %dma_start3A_423 = tpu.memref_slice %arg3[%add3A_360, %dma_start3A_422] : memref<24576x84xf32, #tpu.memory_space<hbm>> -> memref<96x84xf32, #tpu.memory_space<hbm>>
    %dma_start3A_424 = arith.constant 0 : i32
    %dma_start3A_425 = arith.constant 0 : i32
    %dma_start3A_426 = tpu.memref_slice %arg6[%dma_start3A_417, %dma_start3A_424, %dma_start3A_425] : memref<2x96x84xf32, #tpu.memory_space<vmem>> -> memref<1x96x84xf32, #tpu.memory_space<vmem>>
    %dma_start3A_427 = tpu.memref_squeeze %dma_start3A_426 : memref<1x96x84xf32, #tpu.memory_space<vmem>> -> memref<96x84xf32, #tpu.memory_space<vmem>>
    %dma_start3A_428 = arith.constant 0 : i32
    %dma_start3A_429 = tpu.memref_slice %arg3[%add3A_360, %dma_start3A_428] : memref<24576x84xf32, #tpu.memory_space<hbm>> -> memref<96x84xf32, #tpu.memory_space<hbm>>
    tpu.enqueue_dma source(%dma_start3A_429 : memref<96x84xf32, #tpu.memory_space<hbm>>) target(%dma_start3A_427 : memref<96x84xf32, #tpu.memory_space<vmem>>) target_semaphore(%arg12 : memref<!tpu.dma_semaphore, #tpu.memory_space<semaphore_mem>>)
    %add3A_430 = arith.constant 192 : i32
    %add3A_431 = arith.addi %mul3A_2, %add3A_430 : i32
    %jit3A_432 = arith.constant 192 : i32
    %div3A_433 = arith.divsi %add3A_431, %jit3A_432 : i32
    %sign3A_434 = arith.constant 0 : i32
    %sign3A_435 = arith.cmpi sgt, %add3A_431, %sign3A_434 : i32
    %sign3A_436 = arith.extui %sign3A_435 : i1 to i32
    %sign3A_437 = arith.constant 0 : i32
    %sign3A_438 = arith.cmpi slt, %add3A_431, %sign3A_437 : i32
    %sign3A_439 = arith.extui %sign3A_438 : i1 to i32
    %sign3A_440 = arith.subi %sign3A_436, %sign3A_439 : i32
    %sign3A_441 = arith.constant 0 : i32
    %sign3A_442 = arith.cmpi sgt, %jit3A_432, %sign3A_441 : i32
    %sign3A_443 = arith.extui %sign3A_442 : i1 to i32
    %sign3A_444 = arith.constant 0 : i32
    %sign3A_445 = arith.cmpi slt, %jit3A_432, %sign3A_444 : i32
    %sign3A_446 = arith.extui %sign3A_445 : i1 to i32
    %sign3A_447 = arith.subi %sign3A_443, %sign3A_446 : i32
    %ne3A_448 = arith.cmpi ne, %sign3A_440, %sign3A_447 : i32
    %rem3A_449 = arith.remsi %add3A_431, %jit3A_432 : i32
    %ne3A_450 = arith.constant 0 : i32
    %ne3A_451 = arith.cmpi ne, %rem3A_449, %ne3A_450 : i32
    %and3A_452 = arith.andi %ne3A_448, %ne3A_451 : i1
    %sub3A_453 = arith.constant 1 : i32
    %sub3A_454 = arith.subi %div3A_433, %sub3A_453 : i32
    %select_n3A_455 = arith.select %and3A_452, %sub3A_454, %div3A_433 : i32
    %jit3A_456 = arith.constant 192 : i32
    %eq3A_457 = arith.constant 0 : i32
    %eq3A_458 = arith.cmpi eq, %jit3A_456, %eq3A_457 : i32
    %jit3A_459 = arith.constant 1 : i32
    %select_n3A_460 = arith.select %eq3A_458, %jit3A_459, %jit3A_456 : i32
    %rem3A_461 = arith.remsi %add3A_431, %select_n3A_460 : i32
    %ne3A_462 = arith.constant 0 : i32
    %ne3A_463 = arith.cmpi ne, %rem3A_461, %ne3A_462 : i32
    %lt3A_464 = arith.constant 0 : i32
    %lt3A_465 = arith.cmpi slt, %rem3A_461, %lt3A_464 : i32
    %lt3A_466 = arith.constant 0 : i32
    %lt3A_467 = arith.cmpi slt, %select_n3A_460, %lt3A_466 : i32
    %ne3A_468 = arith.xori %lt3A_465, %lt3A_467 : i1
    %and3A_469 = arith.andi %ne3A_468, %ne3A_463 : i1
    %add3A_470 = arith.addi %rem3A_461, %select_n3A_460 : i32
    %select_n3A_471 = arith.select %and3A_469, %add3A_470, %rem3A_461 : i32
    %dma_wait3A_472 = arith.constant 0 : i32
    %dma_wait3A_473 = arith.constant 0 : i32
    %dma_wait3A_474 = arith.constant 0 : i32
    %dma_wait3A_475 = arith.constant 0 : i32
    %dma_wait3A_476 = tpu.memref_slice %arg5[%dma_wait3A_473, %dma_wait3A_474, %dma_wait3A_475] : memref<2x96x84xf32, #tpu.memory_space<vmem>> -> memref<1x96x84xf32, #tpu.memory_space<vmem>>
    %dma_wait3A_477 = tpu.memref_squeeze %dma_wait3A_476 : memref<1x96x84xf32, #tpu.memory_space<vmem>> -> memref<96x84xf32, #tpu.memory_space<vmem>>
    %dma_wait3A_478 = arith.constant 0 : i32
    %dma_wait3A_479 = tpu.memref_slice %arg2[%select_n3A_455, %dma_wait3A_472, %select_n3A_471, %dma_wait3A_478] : memref<128x1x192x84xf32, #tpu.memory_space<hbm>> -> memref<1x1x96x84xf32, #tpu.memory_space<hbm>>
    %dma_wait3A_480 = tpu.memref_squeeze %dma_wait3A_479 : memref<1x1x96x84xf32, #tpu.memory_space<hbm>> -> memref<96x84xf32, #tpu.memory_space<hbm>>
    %dma_wait3A_481 = arith.constant 0 : i32
    %dma_wait3A_482 = arith.constant 0 : i32
    %dma_wait3A_483 = tpu.memref_slice %arg5[%dma_wait3A_473, %dma_wait3A_481, %dma_wait3A_482] : memref<2x96x84xf32, #tpu.memory_space<vmem>> -> memref<1x96x84xf32, #tpu.memory_space<vmem>>
    %dma_wait3A_484 = tpu.memref_squeeze %dma_wait3A_483 : memref<1x96x84xf32, #tpu.memory_space<vmem>> -> memref<96x84xf32, #tpu.memory_space<vmem>>
    %dma_wait3A_485 = arith.constant 0 : i32
    %dma_wait3A_486 = tpu.memref_slice %arg2[%select_n3A_455, %dma_wait3A_472, %select_n3A_471, %dma_wait3A_485] : memref<128x1x192x84xf32, #tpu.memory_space<hbm>> -> memref<1x1x96x84xf32, #tpu.memory_space<hbm>>
    %dma_wait3A_487 = tpu.memref_squeeze %dma_wait3A_486 : memref<1x1x96x84xf32, #tpu.memory_space<hbm>> -> memref<96x84xf32, #tpu.memory_space<hbm>>
    tpu.wait_dma2 semaphore(%arg11 : memref<!tpu.dma_semaphore, #tpu.memory_space<semaphore_mem>>) src(%dma_wait3A_487 : memref<96x84xf32, #tpu.memory_space<hbm>>) dst(%dma_wait3A_484 : memref<96x84xf32, #tpu.memory_space<vmem>>)
    %dma_wait3A_488 = arith.constant 0 : i32
    %dma_wait3A_489 = arith.constant 0 : i32
    %dma_wait3A_490 = arith.constant 0 : i32
    %dma_wait3A_491 = tpu.memref_slice %arg6[%dma_wait3A_488, %dma_wait3A_489, %dma_wait3A_490] : memref<2x96x84xf32, #tpu.memory_space<vmem>> -> memref<1x96x84xf32, #tpu.memory_space<vmem>>
    %dma_wait3A_492 = tpu.memref_squeeze %dma_wait3A_491 : memref<1x96x84xf32, #tpu.memory_space<vmem>> -> memref<96x84xf32, #tpu.memory_space<vmem>>
    %dma_wait3A_493 = arith.constant 0 : i32
    %dma_wait3A_494 = tpu.memref_slice %arg3[%add3A_431, %dma_wait3A_493] : memref<24576x84xf32, #tpu.memory_space<hbm>> -> memref<96x84xf32, #tpu.memory_space<hbm>>
    %dma_wait3A_495 = arith.constant 0 : i32
    %dma_wait3A_496 = arith.constant 0 : i32
    %dma_wait3A_497 = tpu.memref_slice %arg6[%dma_wait3A_488, %dma_wait3A_495, %dma_wait3A_496] : memref<2x96x84xf32, #tpu.memory_space<vmem>> -> memref<1x96x84xf32, #tpu.memory_space<vmem>>
    %dma_wait3A_498 = tpu.memref_squeeze %dma_wait3A_497 : memref<1x96x84xf32, #tpu.memory_space<vmem>> -> memref<96x84xf32, #tpu.memory_space<vmem>>
    %dma_wait3A_499 = arith.constant 0 : i32
    %dma_wait3A_500 = tpu.memref_slice %arg3[%add3A_431, %dma_wait3A_499] : memref<24576x84xf32, #tpu.memory_space<hbm>> -> memref<96x84xf32, #tpu.memory_space<hbm>>
    tpu.wait_dma2 semaphore(%arg11 : memref<!tpu.dma_semaphore, #tpu.memory_space<semaphore_mem>>) src(%dma_wait3A_500 : memref<96x84xf32, #tpu.memory_space<hbm>>) dst(%dma_wait3A_498 : memref<96x84xf32, #tpu.memory_space<vmem>>)
    %parallel_loop3A_501 = arith.constant 0 : i32
    %parallel_loop3A_502 = arith.constant 96 : i32
    %parallel_loop3A_503 = arith.constant 1 : i32
    scf.for %parallel_loop3A_1162 = %parallel_loop3A_501 to %parallel_loop3A_502 step %parallel_loop3A_503  : i32 {
      %parallel_loop3A_1163 = arith.constant 0 : i32
      %parallel_loop3A_1164 = arith.index_cast %parallel_loop3A_1163 : i32 to index
      %parallel_loop3A_1165 = arith.index_cast %parallel_loop3A_1162 : i32 to index
      %parallel_loop3A_1166 = arith.constant 0 : index
      %parallel_loop3A_1167 = tpu.vector_load %arg6[%parallel_loop3A_1164, %parallel_loop3A_1165, %parallel_loop3A_1166] {strides = array<i32>} : memref<2x96x84xf32, #tpu.memory_space<vmem>>, vector<16xf32>,
      %parallel_loop3A_1168 = arith.constant 0 : i32
      %parallel_loop3A_1169 = arith.index_cast %parallel_loop3A_1168 : i32 to index
      %parallel_loop3A_1170 = arith.index_cast %parallel_loop3A_1162 : i32 to index
      %parallel_loop3A_1171 = arith.constant 0 : index
      %parallel_loop3A_1172 = tpu.vector_load %arg5[%parallel_loop3A_1169, %parallel_loop3A_1170, %parallel_loop3A_1171] {strides = array<i32>} : memref<2x96x84xf32, #tpu.memory_space<vmem>>, vector<16xf32>,
      %parallel_loop3A_1173 = arith.fptosi %parallel_loop3A_1167 : vector<16xf32> to vector<16xi32>
      %parallel_loop3A_1174 = arith.constant 16 : i32
      %parallel_loop3A_1175 = vector.broadcast %parallel_loop3A_1174 : i32 to vector<16xi32>
      %parallel_loop3A_1176 = arith.muli %parallel_loop3A_1173, %parallel_loop3A_1175 : vector<16xi32>
      %parallel_loop3A_1177 = arith.addi %parallel_loop3A_1176, %iota3A : vector<16xi32>
      %parallel_loop3A_1178 = arith.subf %parallel_loop3A_1172, %parallel_loop3A_1167 : vector<16xf32>
      tpu.vector_store_idx %arg7[%parallel_loop3A_1177], %broadcast_in_dim3A_67 {add = true} : memref<4096xf32, #tpu.memory_space<vmem>>[vector<16xi32>], vector<16xf32>,
      %parallel_loop3A_1179 = arith.mulf %parallel_loop3A_1178, %parallel_loop3A_1178 : vector<16xf32>
      tpu.vector_store_idx %arg8[%parallel_loop3A_1177], %parallel_loop3A_1179 {add = true} : memref<4096xf32, #tpu.memory_space<vmem>>[vector<16xi32>], vector<16xf32>,
      %parallel_loop3A_1180 = arith.constant 0 : i32
      %parallel_loop3A_1181 = arith.index_cast %parallel_loop3A_1180 : i32 to index
      %parallel_loop3A_1182 = arith.index_cast %parallel_loop3A_1162 : i32 to index
      %parallel_loop3A_1183 = arith.constant 16 : index
      %parallel_loop3A_1184 = tpu.vector_load %arg6[%parallel_loop3A_1181, %parallel_loop3A_1182, %parallel_loop3A_1183] {strides = array<i32>} : memref<2x96x84xf32, #tpu.memory_space<vmem>>, vector<16xf32>,
      %parallel_loop3A_1185 = arith.constant 0 : i32
      %parallel_loop3A_1186 = arith.index_cast %parallel_loop3A_1185 : i32 to index
      %parallel_loop3A_1187 = arith.index_cast %parallel_loop3A_1162 : i32 to index
      %parallel_loop3A_1188 = arith.constant 16 : index
      %parallel_loop3A_1189 = tpu.vector_load %arg5[%parallel_loop3A_1186, %parallel_loop3A_1187, %parallel_loop3A_1188] {strides = array<i32>} : memref<2x96x84xf32, #tpu.memory_space<vmem>>, vector<16xf32>,
      %parallel_loop3A_1190 = arith.fptosi %parallel_loop3A_1184 : vector<16xf32> to vector<16xi32>
      %parallel_loop3A_1191 = arith.constant 16 : i32
      %parallel_loop3A_1192 = vector.broadcast %parallel_loop3A_1191 : i32 to vector<16xi32>
      %parallel_loop3A_1193 = arith.muli %parallel_loop3A_1190, %parallel_loop3A_1192 : vector<16xi32>
      %parallel_loop3A_1194 = arith.addi %parallel_loop3A_1193, %iota3A : vector<16xi32>
      %parallel_loop3A_1195 = arith.subf %parallel_loop3A_1189, %parallel_loop3A_1184 : vector<16xf32>
      tpu.vector_store_idx %arg7[%parallel_loop3A_1194], %broadcast_in_dim3A_67 {add = true} : memref<4096xf32, #tpu.memory_space<vmem>>[vector<16xi32>], vector<16xf32>,
      %parallel_loop3A_1196 = arith.mulf %parallel_loop3A_1195, %parallel_loop3A_1195 : vector<16xf32>
      tpu.vector_store_idx %arg8[%parallel_loop3A_1194], %parallel_loop3A_1196 {add = true} : memref<4096xf32, #tpu.memory_space<vmem>>[vector<16xi32>], vector<16xf32>,
      %parallel_loop3A_1197 = arith.constant 0 : i32
      %parallel_loop3A_1198 = arith.index_cast %parallel_loop3A_1197 : i32 to index
      %parallel_loop3A_1199 = arith.index_cast %parallel_loop3A_1162 : i32 to index
      %parallel_loop3A_1200 = arith.constant 32 : index
      %parallel_loop3A_1201 = tpu.vector_load %arg6[%parallel_loop3A_1198, %parallel_loop3A_1199, %parallel_loop3A_1200] {strides = array<i32>} : memref<2x96x84xf32, #tpu.memory_space<vmem>>, vector<16xf32>,
      %parallel_loop3A_1202 = arith.constant 0 : i32
      %parallel_loop3A_1203 = arith.index_cast %parallel_loop3A_1202 : i32 to index
      %parallel_loop3A_1204 = arith.index_cast %parallel_loop3A_1162 : i32 to index
      %parallel_loop3A_1205 = arith.constant 32 : index
      %parallel_loop3A_1206 = tpu.vector_load %arg5[%parallel_loop3A_1203, %parallel_loop3A_1204, %parallel_loop3A_1205] {strides = array<i32>} : memref<2x96x84xf32, #tpu.memory_space<vmem>>, vector<16xf32>,
      %parallel_loop3A_1207 = arith.fptosi %parallel_loop3A_1201 : vector<16xf32> to vector<16xi32>
      %parallel_loop3A_1208 = arith.constant 16 : i32
      %parallel_loop3A_1209 = vector.broadcast %parallel_loop3A_1208 : i32 to vector<16xi32>
      %parallel_loop3A_1210 = arith.muli %parallel_loop3A_1207, %parallel_loop3A_1209 : vector<16xi32>
      %parallel_loop3A_1211 = arith.addi %parallel_loop3A_1210, %iota3A : vector<16xi32>
      %parallel_loop3A_1212 = arith.subf %parallel_loop3A_1206, %parallel_loop3A_1201 : vector<16xf32>
      tpu.vector_store_idx %arg7[%parallel_loop3A_1211], %broadcast_in_dim3A_67 {add = true} : memref<4096xf32, #tpu.memory_space<vmem>>[vector<16xi32>], vector<16xf32>,
      %parallel_loop3A_1213 = arith.mulf %parallel_loop3A_1212, %parallel_loop3A_1212 : vector<16xf32>
      tpu.vector_store_idx %arg8[%parallel_loop3A_1211], %parallel_loop3A_1213 {add = true} : memref<4096xf32, #tpu.memory_space<vmem>>[vector<16xi32>], vector<16xf32>,
      %parallel_loop3A_1214 = arith.constant 0 : i32
      %parallel_loop3A_1215 = arith.index_cast %parallel_loop3A_1214 : i32 to index
      %parallel_loop3A_1216 = arith.index_cast %parallel_loop3A_1162 : i32 to index
      %parallel_loop3A_1217 = arith.constant 48 : index
      %parallel_loop3A_1218 = tpu.vector_load %arg6[%parallel_loop3A_1215, %parallel_loop3A_1216, %parallel_loop3A_1217] {strides = array<i32>} : memref<2x96x84xf32, #tpu.memory_space<vmem>>, vector<16xf32>,
      %parallel_loop3A_1219 = arith.constant 0 : i32
      %parallel_loop3A_1220 = arith.index_cast %parallel_loop3A_1219 : i32 to index
      %parallel_loop3A_1221 = arith.index_cast %parallel_loop3A_1162 : i32 to index
      %parallel_loop3A_1222 = arith.constant 48 : index
      %parallel_loop3A_1223 = tpu.vector_load %arg5[%parallel_loop3A_1220, %parallel_loop3A_1221, %parallel_loop3A_1222] {strides = array<i32>} : memref<2x96x84xf32, #tpu.memory_space<vmem>>, vector<16xf32>,
      %parallel_loop3A_1224 = arith.fptosi %parallel_loop3A_1218 : vector<16xf32> to vector<16xi32>
      %parallel_loop3A_1225 = arith.constant 16 : i32
      %parallel_loop3A_1226 = vector.broadcast %parallel_loop3A_1225 : i32 to vector<16xi32>
      %parallel_loop3A_1227 = arith.muli %parallel_loop3A_1224, %parallel_loop3A_1226 : vector<16xi32>
      %parallel_loop3A_1228 = arith.addi %parallel_loop3A_1227, %iota3A : vector<16xi32>
      %parallel_loop3A_1229 = arith.subf %parallel_loop3A_1223, %parallel_loop3A_1218 : vector<16xf32>
      tpu.vector_store_idx %arg7[%parallel_loop3A_1228], %broadcast_in_dim3A_67 {add = true} : memref<4096xf32, #tpu.memory_space<vmem>>[vector<16xi32>], vector<16xf32>,
      %parallel_loop3A_1230 = arith.mulf %parallel_loop3A_1229, %parallel_loop3A_1229 : vector<16xf32>
      tpu.vector_store_idx %arg8[%parallel_loop3A_1228], %parallel_loop3A_1230 {add = true} : memref<4096xf32, #tpu.memory_space<vmem>>[vector<16xi32>], vector<16xf32>,
      %parallel_loop3A_1231 = arith.constant 0 : i32
      %parallel_loop3A_1232 = arith.index_cast %parallel_loop3A_1231 : i32 to index
      %parallel_loop3A_1233 = arith.index_cast %parallel_loop3A_1162 : i32 to index
      %parallel_loop3A_1234 = arith.constant 64 : index
      %parallel_loop3A_1235 = tpu.vector_load %arg6[%parallel_loop3A_1232, %parallel_loop3A_1233, %parallel_loop3A_1234] {strides = array<i32>} : memref<2x96x84xf32, #tpu.memory_space<vmem>>, vector<16xf32>,
      %parallel_loop3A_1236 = arith.constant 0 : i32
      %parallel_loop3A_1237 = arith.index_cast %parallel_loop3A_1236 : i32 to index
      %parallel_loop3A_1238 = arith.index_cast %parallel_loop3A_1162 : i32 to index
      %parallel_loop3A_1239 = arith.constant 64 : index
      %parallel_loop3A_1240 = tpu.vector_load %arg5[%parallel_loop3A_1237, %parallel_loop3A_1238, %parallel_loop3A_1239] {strides = array<i32>} : memref<2x96x84xf32, #tpu.memory_space<vmem>>, vector<16xf32>,
      %parallel_loop3A_1241 = arith.fptosi %parallel_loop3A_1235 : vector<16xf32> to vector<16xi32>
      %parallel_loop3A_1242 = arith.constant 16 : i32
      %parallel_loop3A_1243 = vector.broadcast %parallel_loop3A_1242 : i32 to vector<16xi32>
      %parallel_loop3A_1244 = arith.muli %parallel_loop3A_1241, %parallel_loop3A_1243 : vector<16xi32>
      %parallel_loop3A_1245 = arith.addi %parallel_loop3A_1244, %iota3A : vector<16xi32>
      %parallel_loop3A_1246 = arith.subf %parallel_loop3A_1240, %parallel_loop3A_1235 : vector<16xf32>
      tpu.vector_store_idx %arg7[%parallel_loop3A_1245], %broadcast_in_dim3A_67 {add = true} : memref<4096xf32, #tpu.memory_space<vmem>>[vector<16xi32>], vector<16xf32>,
      %parallel_loop3A_1247 = arith.mulf %parallel_loop3A_1246, %parallel_loop3A_1246 : vector<16xf32>
      tpu.vector_store_idx %arg8[%parallel_loop3A_1245], %parallel_loop3A_1247 {add = true} : memref<4096xf32, #tpu.memory_space<vmem>>[vector<16xi32>], vector<16xf32>,
      %parallel_loop3A_1248 = arith.constant 0 : i32
      %parallel_loop3A_1249 = arith.index_cast %parallel_loop3A_1248 : i32 to index
      %parallel_loop3A_1250 = arith.index_cast %parallel_loop3A_1162 : i32 to index
      %parallel_loop3A_1251 = arith.constant 68 : index
      %parallel_loop3A_1252 = tpu.vector_load %arg6[%parallel_loop3A_1249, %parallel_loop3A_1250, %parallel_loop3A_1251] {strides = array<i32>} : memref<2x96x84xf32, #tpu.memory_space<vmem>>, vector<16xf32>,
      %parallel_loop3A_1253 = arith.constant 0 : i32
      %parallel_loop3A_1254 = arith.index_cast %parallel_loop3A_1253 : i32 to index
      %parallel_loop3A_1255 = arith.index_cast %parallel_loop3A_1162 : i32 to index
      %parallel_loop3A_1256 = arith.constant 68 : index
      %parallel_loop3A_1257 = tpu.vector_load %arg5[%parallel_loop3A_1254, %parallel_loop3A_1255, %parallel_loop3A_1256] {strides = array<i32>} : memref<2x96x84xf32, #tpu.memory_space<vmem>>, vector<16xf32>,
      %parallel_loop3A_1258 = arith.fptosi %parallel_loop3A_1252 : vector<16xf32> to vector<16xi32>
      %parallel_loop3A_1259 = arith.constant 16 : i32
      %parallel_loop3A_1260 = vector.broadcast %parallel_loop3A_1259 : i32 to vector<16xi32>
      %parallel_loop3A_1261 = arith.muli %parallel_loop3A_1258, %parallel_loop3A_1260 : vector<16xi32>
      %parallel_loop3A_1262 = arith.addi %parallel_loop3A_1261, %iota3A : vector<16xi32>
      %parallel_loop3A_1263 = arith.subf %parallel_loop3A_1257, %parallel_loop3A_1252 : vector<16xf32>
      tpu.vector_store_idx %arg7[%parallel_loop3A_1262], %broadcast_in_dim3A_67 masked %ge3A_69 {add = true} : memref<4096xf32, #tpu.memory_space<vmem>>[vector<16xi32>], vector<16xf32>, vector<16xi1>
      %parallel_loop3A_1264 = arith.mulf %parallel_loop3A_1263, %parallel_loop3A_1263 : vector<16xf32>
      tpu.vector_store_idx %arg8[%parallel_loop3A_1262], %parallel_loop3A_1264 masked %ge3A_69 {add = true} : memref<4096xf32, #tpu.memory_space<vmem>>[vector<16xi32>], vector<16xf32>, vector<16xi1>
    } {sc.loop_unroll_factor = 2 : i64, sc.parallel_access}
    %add3A_504 = arith.constant 384 : i32
    %add3A_505 = arith.addi %mul3A_2, %add3A_504 : i32
    %jit3A_506 = arith.constant 192 : i32
    %div3A_507 = arith.divsi %add3A_505, %jit3A_506 : i32
    %sign3A_508 = arith.constant 0 : i32
    %sign3A_509 = arith.cmpi sgt, %add3A_505, %sign3A_508 : i32
    %sign3A_510 = arith.extui %sign3A_509 : i1 to i32
    %sign3A_511 = arith.constant 0 : i32
    %sign3A_512 = arith.cmpi slt, %add3A_505, %sign3A_511 : i32
    %sign3A_513 = arith.extui %sign3A_512 : i1 to i32
    %sign3A_514 = arith.subi %sign3A_510, %sign3A_513 : i32
    %sign3A_515 = arith.constant 0 : i32
    %sign3A_516 = arith.cmpi sgt, %jit3A_506, %sign3A_515 : i32
    %sign3A_517 = arith.extui %sign3A_516 : i1 to i32
    %sign3A_518 = arith.constant 0 : i32
    %sign3A_519 = arith.cmpi slt, %jit3A_506, %sign3A_518 : i32
    %sign3A_520 = arith.extui %sign3A_519 : i1 to i32
    %sign3A_521 = arith.subi %sign3A_517, %sign3A_520 : i32
    %ne3A_522 = arith.cmpi ne, %sign3A_514, %sign3A_521 : i32
    %rem3A_523 = arith.remsi %add3A_505, %jit3A_506 : i32
    %ne3A_524 = arith.constant 0 : i32
    %ne3A_525 = arith.cmpi ne, %rem3A_523, %ne3A_524 : i32
    %and3A_526 = arith.andi %ne3A_522, %ne3A_525 : i1
    %sub3A_527 = arith.constant 1 : i32
    %sub3A_528 = arith.subi %div3A_507, %sub3A_527 : i32
    %select_n3A_529 = arith.select %and3A_526, %sub3A_528, %div3A_507 : i32
    %jit3A_530 = arith.constant 192 : i32
    %eq3A_531 = arith.constant 0 : i32
    %eq3A_532 = arith.cmpi eq, %jit3A_530, %eq3A_531 : i32
    %jit3A_533 = arith.constant 1 : i32
    %select_n3A_534 = arith.select %eq3A_532, %jit3A_533, %jit3A_530 : i32
    %rem3A_535 = arith.remsi %add3A_505, %select_n3A_534 : i32
    %ne3A_536 = arith.constant 0 : i32
    %ne3A_537 = arith.cmpi ne, %rem3A_535, %ne3A_536 : i32
    %lt3A_538 = arith.constant 0 : i32
    %lt3A_539 = arith.cmpi slt, %rem3A_535, %lt3A_538 : i32
    %lt3A_540 = arith.constant 0 : i32
    %lt3A_541 = arith.cmpi slt, %select_n3A_534, %lt3A_540 : i32
    %ne3A_542 = arith.xori %lt3A_539, %lt3A_541 : i1
    %and3A_543 = arith.andi %ne3A_542, %ne3A_537 : i1
    %add3A_544 = arith.addi %rem3A_535, %select_n3A_534 : i32
    %select_n3A_545 = arith.select %and3A_543, %add3A_544, %rem3A_535 : i32
    %dma_start3A_546 = arith.constant 0 : i32
    %dma_start3A_547 = arith.constant 0 : i32
    %dma_start3A_548 = arith.constant 0 : i32
    %dma_start3A_549 = arith.constant 0 : i32
    %dma_start3A_550 = tpu.memref_slice %arg5[%dma_start3A_547, %dma_start3A_548, %dma_start3A_549] : memref<2x96x84xf32, #tpu.memory_space<vmem>> -> memref<1x96x84xf32, #tpu.memory_space<vmem>>
    %dma_start3A_551 = tpu.memref_squeeze %dma_start3A_550 : memref<1x96x84xf32, #tpu.memory_space<vmem>> -> memref<96x84xf32, #tpu.memory_space<vmem>>
    %dma_start3A_552 = arith.constant 0 : i32
    %dma_start3A_553 = tpu.memref_slice %arg2[%select_n3A_529, %dma_start3A_546, %select_n3A_545, %dma_start3A_552] : memref<128x1x192x84xf32, #tpu.memory_space<hbm>> -> memref<1x1x96x84xf32, #tpu.memory_space<hbm>>
    %dma_start3A_554 = tpu.memref_squeeze %dma_start3A_553 : memref<1x1x96x84xf32, #tpu.memory_space<hbm>> -> memref<96x84xf32, #tpu.memory_space<hbm>>
    %dma_start3A_555 = arith.constant 0 : i32
    %dma_start3A_556 = arith.constant 0 : i32
    %dma_start3A_557 = tpu.memref_slice %arg5[%dma_start3A_547, %dma_start3A_555, %dma_start3A_556] : memref<2x96x84xf32, #tpu.memory_space<vmem>> -> memref<1x96x84xf32, #tpu.memory_space<vmem>>
    %dma_start3A_558 = tpu.memref_squeeze %dma_start3A_557 : memref<1x96x84xf32, #tpu.memory_space<vmem>> -> memref<96x84xf32, #tpu.memory_space<vmem>>
    %dma_start3A_559 = arith.constant 0 : i32
    %dma_start3A_560 = tpu.memref_slice %arg2[%select_n3A_529, %dma_start3A_546, %select_n3A_545, %dma_start3A_559] : memref<128x1x192x84xf32, #tpu.memory_space<hbm>> -> memref<1x1x96x84xf32, #tpu.memory_space<hbm>>
    %dma_start3A_561 = tpu.memref_squeeze %dma_start3A_560 : memref<1x1x96x84xf32, #tpu.memory_space<hbm>> -> memref<96x84xf32, #tpu.memory_space<hbm>>
    tpu.enqueue_dma source(%dma_start3A_561 : memref<96x84xf32, #tpu.memory_space<hbm>>) target(%dma_start3A_558 : memref<96x84xf32, #tpu.memory_space<vmem>>) target_semaphore(%arg11 : memref<!tpu.dma_semaphore, #tpu.memory_space<semaphore_mem>>)
    %dma_start3A_562 = arith.constant 0 : i32
    %dma_start3A_563 = arith.constant 0 : i32
    %dma_start3A_564 = arith.constant 0 : i32
    %dma_start3A_565 = tpu.memref_slice %arg6[%dma_start3A_562, %dma_start3A_563, %dma_start3A_564] : memref<2x96x84xf32, #tpu.memory_space<vmem>> -> memref<1x96x84xf32, #tpu.memory_space<vmem>>
    %dma_start3A_566 = tpu.memref_squeeze %dma_start3A_565 : memref<1x96x84xf32, #tpu.memory_space<vmem>> -> memref<96x84xf32, #tpu.memory_space<vmem>>
    %dma_start3A_567 = arith.constant 0 : i32
    %dma_start3A_568 = tpu.memref_slice %arg3[%add3A_505, %dma_start3A_567] : memref<24576x84xf32, #tpu.memory_space<hbm>> -> memref<96x84xf32, #tpu.memory_space<hbm>>
    %dma_start3A_569 = arith.constant 0 : i32
    %dma_start3A_570 = arith.constant 0 : i32
    %dma_start3A_571 = tpu.memref_slice %arg6[%dma_start3A_562, %dma_start3A_569, %dma_start3A_570] : memref<2x96x84xf32, #tpu.memory_space<vmem>> -> memref<1x96x84xf32, #tpu.memory_space<vmem>>
    %dma_start3A_572 = tpu.memref_squeeze %dma_start3A_571 : memref<1x96x84xf32, #tpu.memory_space<vmem>> -> memref<96x84xf32, #tpu.memory_space<vmem>>
    %dma_start3A_573 = arith.constant 0 : i32
    %dma_start3A_574 = tpu.memref_slice %arg3[%add3A_505, %dma_start3A_573] : memref<24576x84xf32, #tpu.memory_space<hbm>> -> memref<96x84xf32, #tpu.memory_space<hbm>>
    tpu.enqueue_dma source(%dma_start3A_574 : memref<96x84xf32, #tpu.memory_space<hbm>>) target(%dma_start3A_572 : memref<96x84xf32, #tpu.memory_space<vmem>>) target_semaphore(%arg11 : memref<!tpu.dma_semaphore, #tpu.memory_space<semaphore_mem>>)
    %add3A_575 = arith.constant 288 : i32
    %add3A_576 = arith.addi %mul3A_2, %add3A_575 : i32
    %jit3A_577 = arith.constant 192 : i32
    %div3A_578 = arith.divsi %add3A_576, %jit3A_577 : i32
    %sign3A_579 = arith.constant 0 : i32
    %sign3A_580 = arith.cmpi sgt, %add3A_576, %sign3A_579 : i32
    %sign3A_581 = arith.extui %sign3A_580 : i1 to i32
    %sign3A_582 = arith.constant 0 : i32
    %sign3A_583 = arith.cmpi slt, %add3A_576, %sign3A_582 : i32
    %sign3A_584 = arith.extui %sign3A_583 : i1 to i32
    %sign3A_585 = arith.subi %sign3A_581, %sign3A_584 : i32
    %sign3A_586 = arith.constant 0 : i32
    %sign3A_587 = arith.cmpi sgt, %jit3A_577, %sign3A_586 : i32
    %sign3A_588 = arith.extui %sign3A_587 : i1 to i32
    %sign3A_589 = arith.constant 0 : i32
    %sign3A_590 = arith.cmpi slt, %jit3A_577, %sign3A_589 : i32
    %sign3A_591 = arith.extui %sign3A_590 : i1 to i32
    %sign3A_592 = arith.subi %sign3A_588, %sign3A_591 : i32
    %ne3A_593 = arith.cmpi ne, %sign3A_585, %sign3A_592 : i32
    %rem3A_594 = arith.remsi %add3A_576, %jit3A_577 : i32
    %ne3A_595 = arith.constant 0 : i32
    %ne3A_596 = arith.cmpi ne, %rem3A_594, %ne3A_595 : i32
    %and3A_597 = arith.andi %ne3A_593, %ne3A_596 : i1
    %sub3A_598 = arith.constant 1 : i32
    %sub3A_599 = arith.subi %div3A_578, %sub3A_598 : i32
    %select_n3A_600 = arith.select %and3A_597, %sub3A_599, %div3A_578 : i32
    %jit3A_601 = arith.constant 192 : i32
    %eq3A_602 = arith.constant 0 : i32
    %eq3A_603 = arith.cmpi eq, %jit3A_601, %eq3A_602 : i32
    %jit3A_604 = arith.constant 1 : i32
    %select_n3A_605 = arith.select %eq3A_603, %jit3A_604, %jit3A_601 : i32
    %rem3A_606 = arith.remsi %add3A_576, %select_n3A_605 : i32
    %ne3A_607 = arith.constant 0 : i32
    %ne3A_608 = arith.cmpi ne, %rem3A_606, %ne3A_607 : i32
    %lt3A_609 = arith.constant 0 : i32
    %lt3A_610 = arith.cmpi slt, %rem3A_606, %lt3A_609 : i32
    %lt3A_611 = arith.constant 0 : i32
    %lt3A_612 = arith.cmpi slt, %select_n3A_605, %lt3A_611 : i32
    %ne3A_613 = arith.xori %lt3A_610, %lt3A_612 : i1
    %and3A_614 = arith.andi %ne3A_613, %ne3A_608 : i1
    %add3A_615 = arith.addi %rem3A_606, %select_n3A_605 : i32
    %select_n3A_616 = arith.select %and3A_614, %add3A_615, %rem3A_606 : i32
    %dma_wait3A_617 = arith.constant 0 : i32
    %dma_wait3A_618 = arith.constant 1 : i32
    %dma_wait3A_619 = arith.constant 0 : i32
    %dma_wait3A_620 = arith.constant 0 : i32
    %dma_wait3A_621 = tpu.memref_slice %arg5[%dma_wait3A_618, %dma_wait3A_619, %dma_wait3A_620] : memref<2x96x84xf32, #tpu.memory_space<vmem>> -> memref<1x96x84xf32, #tpu.memory_space<vmem>>
    %dma_wait3A_622 = tpu.memref_squeeze %dma_wait3A_621 : memref<1x96x84xf32, #tpu.memory_space<vmem>> -> memref<96x84xf32, #tpu.memory_space<vmem>>
    %dma_wait3A_623 = arith.constant 0 : i32
    %dma_wait3A_624 = tpu.memref_slice %arg2[%select_n3A_600, %dma_wait3A_617, %select_n3A_616, %dma_wait3A_623] : memref<128x1x192x84xf32, #tpu.memory_space<hbm>> -> memref<1x1x96x84xf32, #tpu.memory_space<hbm>>
    %dma_wait3A_625 = tpu.memref_squeeze %dma_wait3A_624 : memref<1x1x96x84xf32, #tpu.memory_space<hbm>> -> memref<96x84xf32, #tpu.memory_space<hbm>>
    %dma_wait3A_626 = arith.constant 0 : i32
    %dma_wait3A_627 = arith.constant 0 : i32
    %dma_wait3A_628 = tpu.memref_slice %arg5[%dma_wait3A_618, %dma_wait3A_626, %dma_wait3A_627] : memref<2x96x84xf32, #tpu.memory_space<vmem>> -> memref<1x96x84xf32, #tpu.memory_space<vmem>>
    %dma_wait3A_629 = tpu.memref_squeeze %dma_wait3A_628 : memref<1x96x84xf32, #tpu.memory_space<vmem>> -> memref<96x84xf32, #tpu.memory_space<vmem>>
    %dma_wait3A_630 = arith.constant 0 : i32
    %dma_wait3A_631 = tpu.memref_slice %arg2[%select_n3A_600, %dma_wait3A_617, %select_n3A_616, %dma_wait3A_630] : memref<128x1x192x84xf32, #tpu.memory_space<hbm>> -> memref<1x1x96x84xf32, #tpu.memory_space<hbm>>
    %dma_wait3A_632 = tpu.memref_squeeze %dma_wait3A_631 : memref<1x1x96x84xf32, #tpu.memory_space<hbm>> -> memref<96x84xf32, #tpu.memory_space<hbm>>
    tpu.wait_dma2 semaphore(%arg12 : memref<!tpu.dma_semaphore, #tpu.memory_space<semaphore_mem>>) src(%dma_wait3A_632 : memref<96x84xf32, #tpu.memory_space<hbm>>) dst(%dma_wait3A_629 : memref<96x84xf32, #tpu.memory_space<vmem>>)
    %dma_wait3A_633 = arith.constant 1 : i32
    %dma_wait3A_634 = arith.constant 0 : i32
    %dma_wait3A_635 = arith.constant 0 : i32
    %dma_wait3A_636 = tpu.memref_slice %arg6[%dma_wait3A_633, %dma_wait3A_634, %dma_wait3A_635] : memref<2x96x84xf32, #tpu.memory_space<vmem>> -> memref<1x96x84xf32, #tpu.memory_space<vmem>>
    %dma_wait3A_637 = tpu.memref_squeeze %dma_wait3A_636 : memref<1x96x84xf32, #tpu.memory_space<vmem>> -> memref<96x84xf32, #tpu.memory_space<vmem>>
    %dma_wait3A_638 = arith.constant 0 : i32
    %dma_wait3A_639 = tpu.memref_slice %arg3[%add3A_576, %dma_wait3A_638] : memref<24576x84xf32, #tpu.memory_space<hbm>> -> memref<96x84xf32, #tpu.memory_space<hbm>>
    %dma_wait3A_640 = arith.constant 0 : i32
    %dma_wait3A_641 = arith.constant 0 : i32
    %dma_wait3A_642 = tpu.memref_slice %arg6[%dma_wait3A_633, %dma_wait3A_640, %dma_wait3A_641] : memref<2x96x84xf32, #tpu.memory_space<vmem>> -> memref<1x96x84xf32, #tpu.memory_space<vmem>>
    %dma_wait3A_643 = tpu.memref_squeeze %dma_wait3A_642 : memref<1x96x84xf32, #tpu.memory_space<vmem>> -> memref<96x84xf32, #tpu.memory_space<vmem>>
    %dma_wait3A_644 = arith.constant 0 : i32
    %dma_wait3A_645 = tpu.memref_slice %arg3[%add3A_576, %dma_wait3A_644] : memref<24576x84xf32, #tpu.memory_space<hbm>> -> memref<96x84xf32, #tpu.memory_space<hbm>>
    tpu.wait_dma2 semaphore(%arg12 : memref<!tpu.dma_semaphore, #tpu.memory_space<semaphore_mem>>) src(%dma_wait3A_645 : memref<96x84xf32, #tpu.memory_space<hbm>>) dst(%dma_wait3A_643 : memref<96x84xf32, #tpu.memory_space<vmem>>)
    %parallel_loop3A_646 = arith.constant 0 : i32
    %parallel_loop3A_647 = arith.constant 96 : i32
    %parallel_loop3A_648 = arith.constant 1 : i32
    scf.for %parallel_loop3A_1162 = %parallel_loop3A_646 to %parallel_loop3A_647 step %parallel_loop3A_648  : i32 {
      %parallel_loop3A_1163 = arith.constant 1 : i32
      %parallel_loop3A_1164 = arith.index_cast %parallel_loop3A_1163 : i32 to index
      %parallel_loop3A_1165 = arith.index_cast %parallel_loop3A_1162 : i32 to index
      %parallel_loop3A_1166 = arith.constant 0 : index
      %parallel_loop3A_1167 = tpu.vector_load %arg6[%parallel_loop3A_1164, %parallel_loop3A_1165, %parallel_loop3A_1166] {strides = array<i32>} : memref<2x96x84xf32, #tpu.memory_space<vmem>>, vector<16xf32>,
      %parallel_loop3A_1168 = arith.constant 1 : i32
      %parallel_loop3A_1169 = arith.index_cast %parallel_loop3A_1168 : i32 to index
      %parallel_loop3A_1170 = arith.index_cast %parallel_loop3A_1162 : i32 to index
      %parallel_loop3A_1171 = arith.constant 0 : index
      %parallel_loop3A_1172 = tpu.vector_load %arg5[%parallel_loop3A_1169, %parallel_loop3A_1170, %parallel_loop3A_1171] {strides = array<i32>} : memref<2x96x84xf32, #tpu.memory_space<vmem>>, vector<16xf32>,
      %parallel_loop3A_1173 = arith.fptosi %parallel_loop3A_1167 : vector<16xf32> to vector<16xi32>
      %parallel_loop3A_1174 = arith.constant 16 : i32
      %parallel_loop3A_1175 = vector.broadcast %parallel_loop3A_1174 : i32 to vector<16xi32>
      %parallel_loop3A_1176 = arith.muli %parallel_loop3A_1173, %parallel_loop3A_1175 : vector<16xi32>
      %parallel_loop3A_1177 = arith.addi %parallel_loop3A_1176, %iota3A : vector<16xi32>
      %parallel_loop3A_1178 = arith.subf %parallel_loop3A_1172, %parallel_loop3A_1167 : vector<16xf32>
      tpu.vector_store_idx %arg7[%parallel_loop3A_1177], %broadcast_in_dim3A_67 {add = true} : memref<4096xf32, #tpu.memory_space<vmem>>[vector<16xi32>], vector<16xf32>,
      %parallel_loop3A_1179 = arith.mulf %parallel_loop3A_1178, %parallel_loop3A_1178 : vector<16xf32>
      tpu.vector_store_idx %arg8[%parallel_loop3A_1177], %parallel_loop3A_1179 {add = true} : memref<4096xf32, #tpu.memory_space<vmem>>[vector<16xi32>], vector<16xf32>,
      %parallel_loop3A_1180 = arith.constant 1 : i32
      %parallel_loop3A_1181 = arith.index_cast %parallel_loop3A_1180 : i32 to index
      %parallel_loop3A_1182 = arith.index_cast %parallel_loop3A_1162 : i32 to index
      %parallel_loop3A_1183 = arith.constant 16 : index
      %parallel_loop3A_1184 = tpu.vector_load %arg6[%parallel_loop3A_1181, %parallel_loop3A_1182, %parallel_loop3A_1183] {strides = array<i32>} : memref<2x96x84xf32, #tpu.memory_space<vmem>>, vector<16xf32>,
      %parallel_loop3A_1185 = arith.constant 1 : i32
      %parallel_loop3A_1186 = arith.index_cast %parallel_loop3A_1185 : i32 to index
      %parallel_loop3A_1187 = arith.index_cast %parallel_loop3A_1162 : i32 to index
      %parallel_loop3A_1188 = arith.constant 16 : index
      %parallel_loop3A_1189 = tpu.vector_load %arg5[%parallel_loop3A_1186, %parallel_loop3A_1187, %parallel_loop3A_1188] {strides = array<i32>} : memref<2x96x84xf32, #tpu.memory_space<vmem>>, vector<16xf32>,
      %parallel_loop3A_1190 = arith.fptosi %parallel_loop3A_1184 : vector<16xf32> to vector<16xi32>
      %parallel_loop3A_1191 = arith.constant 16 : i32
      %parallel_loop3A_1192 = vector.broadcast %parallel_loop3A_1191 : i32 to vector<16xi32>
      %parallel_loop3A_1193 = arith.muli %parallel_loop3A_1190, %parallel_loop3A_1192 : vector<16xi32>
      %parallel_loop3A_1194 = arith.addi %parallel_loop3A_1193, %iota3A : vector<16xi32>
      %parallel_loop3A_1195 = arith.subf %parallel_loop3A_1189, %parallel_loop3A_1184 : vector<16xf32>
      tpu.vector_store_idx %arg7[%parallel_loop3A_1194], %broadcast_in_dim3A_67 {add = true} : memref<4096xf32, #tpu.memory_space<vmem>>[vector<16xi32>], vector<16xf32>,
      %parallel_loop3A_1196 = arith.mulf %parallel_loop3A_1195, %parallel_loop3A_1195 : vector<16xf32>
      tpu.vector_store_idx %arg8[%parallel_loop3A_1194], %parallel_loop3A_1196 {add = true} : memref<4096xf32, #tpu.memory_space<vmem>>[vector<16xi32>], vector<16xf32>,
      %parallel_loop3A_1197 = arith.constant 1 : i32
      %parallel_loop3A_1198 = arith.index_cast %parallel_loop3A_1197 : i32 to index
      %parallel_loop3A_1199 = arith.index_cast %parallel_loop3A_1162 : i32 to index
      %parallel_loop3A_1200 = arith.constant 32 : index
      %parallel_loop3A_1201 = tpu.vector_load %arg6[%parallel_loop3A_1198, %parallel_loop3A_1199, %parallel_loop3A_1200] {strides = array<i32>} : memref<2x96x84xf32, #tpu.memory_space<vmem>>, vector<16xf32>,
      %parallel_loop3A_1202 = arith.constant 1 : i32
      %parallel_loop3A_1203 = arith.index_cast %parallel_loop3A_1202 : i32 to index
      %parallel_loop3A_1204 = arith.index_cast %parallel_loop3A_1162 : i32 to index
      %parallel_loop3A_1205 = arith.constant 32 : index
      %parallel_loop3A_1206 = tpu.vector_load %arg5[%parallel_loop3A_1203, %parallel_loop3A_1204, %parallel_loop3A_1205] {strides = array<i32>} : memref<2x96x84xf32, #tpu.memory_space<vmem>>, vector<16xf32>,
      %parallel_loop3A_1207 = arith.fptosi %parallel_loop3A_1201 : vector<16xf32> to vector<16xi32>
      %parallel_loop3A_1208 = arith.constant 16 : i32
      %parallel_loop3A_1209 = vector.broadcast %parallel_loop3A_1208 : i32 to vector<16xi32>
      %parallel_loop3A_1210 = arith.muli %parallel_loop3A_1207, %parallel_loop3A_1209 : vector<16xi32>
      %parallel_loop3A_1211 = arith.addi %parallel_loop3A_1210, %iota3A : vector<16xi32>
      %parallel_loop3A_1212 = arith.subf %parallel_loop3A_1206, %parallel_loop3A_1201 : vector<16xf32>
      tpu.vector_store_idx %arg7[%parallel_loop3A_1211], %broadcast_in_dim3A_67 {add = true} : memref<4096xf32, #tpu.memory_space<vmem>>[vector<16xi32>], vector<16xf32>,
      %parallel_loop3A_1213 = arith.mulf %parallel_loop3A_1212, %parallel_loop3A_1212 : vector<16xf32>
      tpu.vector_store_idx %arg8[%parallel_loop3A_1211], %parallel_loop3A_1213 {add = true} : memref<4096xf32, #tpu.memory_space<vmem>>[vector<16xi32>], vector<16xf32>,
      %parallel_loop3A_1214 = arith.constant 1 : i32
      %parallel_loop3A_1215 = arith.index_cast %parallel_loop3A_1214 : i32 to index
      %parallel_loop3A_1216 = arith.index_cast %parallel_loop3A_1162 : i32 to index
      %parallel_loop3A_1217 = arith.constant 48 : index
      %parallel_loop3A_1218 = tpu.vector_load %arg6[%parallel_loop3A_1215, %parallel_loop3A_1216, %parallel_loop3A_1217] {strides = array<i32>} : memref<2x96x84xf32, #tpu.memory_space<vmem>>, vector<16xf32>,
      %parallel_loop3A_1219 = arith.constant 1 : i32
      %parallel_loop3A_1220 = arith.index_cast %parallel_loop3A_1219 : i32 to index
      %parallel_loop3A_1221 = arith.index_cast %parallel_loop3A_1162 : i32 to index
      %parallel_loop3A_1222 = arith.constant 48 : index
      %parallel_loop3A_1223 = tpu.vector_load %arg5[%parallel_loop3A_1220, %parallel_loop3A_1221, %parallel_loop3A_1222] {strides = array<i32>} : memref<2x96x84xf32, #tpu.memory_space<vmem>>, vector<16xf32>,
      %parallel_loop3A_1224 = arith.fptosi %parallel_loop3A_1218 : vector<16xf32> to vector<16xi32>
      %parallel_loop3A_1225 = arith.constant 16 : i32
      %parallel_loop3A_1226 = vector.broadcast %parallel_loop3A_1225 : i32 to vector<16xi32>
      %parallel_loop3A_1227 = arith.muli %parallel_loop3A_1224, %parallel_loop3A_1226 : vector<16xi32>
      %parallel_loop3A_1228 = arith.addi %parallel_loop3A_1227, %iota3A : vector<16xi32>
      %parallel_loop3A_1229 = arith.subf %parallel_loop3A_1223, %parallel_loop3A_1218 : vector<16xf32>
      tpu.vector_store_idx %arg7[%parallel_loop3A_1228], %broadcast_in_dim3A_67 {add = true} : memref<4096xf32, #tpu.memory_space<vmem>>[vector<16xi32>], vector<16xf32>,
      %parallel_loop3A_1230 = arith.mulf %parallel_loop3A_1229, %parallel_loop3A_1229 : vector<16xf32>
      tpu.vector_store_idx %arg8[%parallel_loop3A_1228], %parallel_loop3A_1230 {add = true} : memref<4096xf32, #tpu.memory_space<vmem>>[vector<16xi32>], vector<16xf32>,
      %parallel_loop3A_1231 = arith.constant 1 : i32
      %parallel_loop3A_1232 = arith.index_cast %parallel_loop3A_1231 : i32 to index
      %parallel_loop3A_1233 = arith.index_cast %parallel_loop3A_1162 : i32 to index
      %parallel_loop3A_1234 = arith.constant 64 : index
      %parallel_loop3A_1235 = tpu.vector_load %arg6[%parallel_loop3A_1232, %parallel_loop3A_1233, %parallel_loop3A_1234] {strides = array<i32>} : memref<2x96x84xf32, #tpu.memory_space<vmem>>, vector<16xf32>,
      %parallel_loop3A_1236 = arith.constant 1 : i32
      %parallel_loop3A_1237 = arith.index_cast %parallel_loop3A_1236 : i32 to index
      %parallel_loop3A_1238 = arith.index_cast %parallel_loop3A_1162 : i32 to index
      %parallel_loop3A_1239 = arith.constant 64 : index
      %parallel_loop3A_1240 = tpu.vector_load %arg5[%parallel_loop3A_1237, %parallel_loop3A_1238, %parallel_loop3A_1239] {strides = array<i32>} : memref<2x96x84xf32, #tpu.memory_space<vmem>>, vector<16xf32>,
      %parallel_loop3A_1241 = arith.fptosi %parallel_loop3A_1235 : vector<16xf32> to vector<16xi32>
      %parallel_loop3A_1242 = arith.constant 16 : i32
      %parallel_loop3A_1243 = vector.broadcast %parallel_loop3A_1242 : i32 to vector<16xi32>
      %parallel_loop3A_1244 = arith.muli %parallel_loop3A_1241, %parallel_loop3A_1243 : vector<16xi32>
      %parallel_loop3A_1245 = arith.addi %parallel_loop3A_1244, %iota3A : vector<16xi32>
      %parallel_loop3A_1246 = arith.subf %parallel_loop3A_1240, %parallel_loop3A_1235 : vector<16xf32>
      tpu.vector_store_idx %arg7[%parallel_loop3A_1245], %broadcast_in_dim3A_67 {add = true} : memref<4096xf32, #tpu.memory_space<vmem>>[vector<16xi32>], vector<16xf32>,
      %parallel_loop3A_1247 = arith.mulf %parallel_loop3A_1246, %parallel_loop3A_1246 : vector<16xf32>
      tpu.vector_store_idx %arg8[%parallel_loop3A_1245], %parallel_loop3A_1247 {add = true} : memref<4096xf32, #tpu.memory_space<vmem>>[vector<16xi32>], vector<16xf32>,
      %parallel_loop3A_1248 = arith.constant 1 : i32
      %parallel_loop3A_1249 = arith.index_cast %parallel_loop3A_1248 : i32 to index
      %parallel_loop3A_1250 = arith.index_cast %parallel_loop3A_1162 : i32 to index
      %parallel_loop3A_1251 = arith.constant 68 : index
      %parallel_loop3A_1252 = tpu.vector_load %arg6[%parallel_loop3A_1249, %parallel_loop3A_1250, %parallel_loop3A_1251] {strides = array<i32>} : memref<2x96x84xf32, #tpu.memory_space<vmem>>, vector<16xf32>,
      %parallel_loop3A_1253 = arith.constant 1 : i32
      %parallel_loop3A_1254 = arith.index_cast %parallel_loop3A_1253 : i32 to index
      %parallel_loop3A_1255 = arith.index_cast %parallel_loop3A_1162 : i32 to index
      %parallel_loop3A_1256 = arith.constant 68 : index
      %parallel_loop3A_1257 = tpu.vector_load %arg5[%parallel_loop3A_1254, %parallel_loop3A_1255, %parallel_loop3A_1256] {strides = array<i32>} : memref<2x96x84xf32, #tpu.memory_space<vmem>>, vector<16xf32>,
      %parallel_loop3A_1258 = arith.fptosi %parallel_loop3A_1252 : vector<16xf32> to vector<16xi32>
      %parallel_loop3A_1259 = arith.constant 16 : i32
      %parallel_loop3A_1260 = vector.broadcast %parallel_loop3A_1259 : i32 to vector<16xi32>
      %parallel_loop3A_1261 = arith.muli %parallel_loop3A_1258, %parallel_loop3A_1260 : vector<16xi32>
      %parallel_loop3A_1262 = arith.addi %parallel_loop3A_1261, %iota3A : vector<16xi32>
      %parallel_loop3A_1263 = arith.subf %parallel_loop3A_1257, %parallel_loop3A_1252 : vector<16xf32>
      tpu.vector_store_idx %arg7[%parallel_loop3A_1262], %broadcast_in_dim3A_67 masked %ge3A_69 {add = true} : memref<4096xf32, #tpu.memory_space<vmem>>[vector<16xi32>], vector<16xf32>, vector<16xi1>
      %parallel_loop3A_1264 = arith.mulf %parallel_loop3A_1263, %parallel_loop3A_1263 : vector<16xf32>
      tpu.vector_store_idx %arg8[%parallel_loop3A_1262], %parallel_loop3A_1264 masked %ge3A_69 {add = true} : memref<4096xf32, #tpu.memory_space<vmem>>[vector<16xi32>], vector<16xf32>, vector<16xi1>
    } {sc.loop_unroll_factor = 2 : i64, sc.parallel_access}
    %add3A_649 = arith.constant 480 : i32
    %add3A_650 = arith.addi %mul3A_2, %add3A_649 : i32
    %jit3A_651 = arith.constant 192 : i32
    %div3A_652 = arith.divsi %add3A_650, %jit3A_651 : i32
    %sign3A_653 = arith.constant 0 : i32
    %sign3A_654 = arith.cmpi sgt, %add3A_650, %sign3A_653 : i32
    %sign3A_655 = arith.extui %sign3A_654 : i1 to i32
    %sign3A_656 = arith.constant 0 : i32
    %sign3A_657 = arith.cmpi slt, %add3A_650, %sign3A_656 : i32
    %sign3A_658 = arith.extui %sign3A_657 : i1 to i32
    %sign3A_659 = arith.subi %sign3A_655, %sign3A_658 : i32
    %sign3A_660 = arith.constant 0 : i32
    %sign3A_661 = arith.cmpi sgt, %jit3A_651, %sign3A_660 : i32
    %sign3A_662 = arith.extui %sign3A_661 : i1 to i32
    %sign3A_663 = arith.constant 0 : i32
    %sign3A_664 = arith.cmpi slt, %jit3A_651, %sign3A_663 : i32
    %sign3A_665 = arith.extui %sign3A_664 : i1 to i32
    %sign3A_666 = arith.subi %sign3A_662, %sign3A_665 : i32
    %ne3A_667 = arith.cmpi ne, %sign3A_659, %sign3A_666 : i32
    %rem3A_668 = arith.remsi %add3A_650, %jit3A_651 : i32
    %ne3A_669 = arith.constant 0 : i32
    %ne3A_670 = arith.cmpi ne, %rem3A_668, %ne3A_669 : i32
    %and3A_671 = arith.andi %ne3A_667, %ne3A_670 : i1
    %sub3A_672 = arith.constant 1 : i32
    %sub3A_673 = arith.subi %div3A_652, %sub3A_672 : i32
    %select_n3A_674 = arith.select %and3A_671, %sub3A_673, %div3A_652 : i32
    %jit3A_675 = arith.constant 192 : i32
    %eq3A_676 = arith.constant 0 : i32
    %eq3A_677 = arith.cmpi eq, %jit3A_675, %eq3A_676 : i32
    %jit3A_678 = arith.constant 1 : i32
    %select_n3A_679 = arith.select %eq3A_677, %jit3A_678, %jit3A_675 : i32
    %rem3A_680 = arith.remsi %add3A_650, %select_n3A_679 : i32
    %ne3A_681 = arith.constant 0 : i32
    %ne3A_682 = arith.cmpi ne, %rem3A_680, %ne3A_681 : i32
    %lt3A_683 = arith.constant 0 : i32
    %lt3A_684 = arith.cmpi slt, %rem3A_680, %lt3A_683 : i32
    %lt3A_685 = arith.constant 0 : i32
    %lt3A_686 = arith.cmpi slt, %select_n3A_679, %lt3A_685 : i32
    %ne3A_687 = arith.xori %lt3A_684, %lt3A_686 : i1
    %and3A_688 = arith.andi %ne3A_687, %ne3A_682 : i1
    %add3A_689 = arith.addi %rem3A_680, %select_n3A_679 : i32
    %select_n3A_690 = arith.select %and3A_688, %add3A_689, %rem3A_680 : i32
    %dma_start3A_691 = arith.constant 0 : i32
    %dma_start3A_692 = arith.constant 1 : i32
    %dma_start3A_693 = arith.constant 0 : i32
    %dma_start3A_694 = arith.constant 0 : i32
    %dma_start3A_695 = tpu.memref_slice %arg5[%dma_start3A_692, %dma_start3A_693, %dma_start3A_694] : memref<2x96x84xf32, #tpu.memory_space<vmem>> -> memref<1x96x84xf32, #tpu.memory_space<vmem>>
    %dma_start3A_696 = tpu.memref_squeeze %dma_start3A_695 : memref<1x96x84xf32, #tpu.memory_space<vmem>> -> memref<96x84xf32, #tpu.memory_space<vmem>>
    %dma_start3A_697 = arith.constant 0 : i32
    %dma_start3A_698 = tpu.memref_slice %arg2[%select_n3A_674, %dma_start3A_691, %select_n3A_690, %dma_start3A_697] : memref<128x1x192x84xf32, #tpu.memory_space<hbm>> -> memref<1x1x96x84xf32, #tpu.memory_space<hbm>>
    %dma_start3A_699 = tpu.memref_squeeze %dma_start3A_698 : memref<1x1x96x84xf32, #tpu.memory_space<hbm>> -> memref<96x84xf32, #tpu.memory_space<hbm>>
    %dma_start3A_700 = arith.constant 0 : i32
    %dma_start3A_701 = arith.constant 0 : i32
    %dma_start3A_702 = tpu.memref_slice %arg5[%dma_start3A_692, %dma_start3A_700, %dma_start3A_701] : memref<2x96x84xf32, #tpu.memory_space<vmem>> -> memref<1x96x84xf32, #tpu.memory_space<vmem>>
    %dma_start3A_703 = tpu.memref_squeeze %dma_start3A_702 : memref<1x96x84xf32, #tpu.memory_space<vmem>> -> memref<96x84xf32, #tpu.memory_space<vmem>>
    %dma_start3A_704 = arith.constant 0 : i32
    %dma_start3A_705 = tpu.memref_slice %arg2[%select_n3A_674, %dma_start3A_691, %select_n3A_690, %dma_start3A_704] : memref<128x1x192x84xf32, #tpu.memory_space<hbm>> -> memref<1x1x96x84xf32, #tpu.memory_space<hbm>>
    %dma_start3A_706 = tpu.memref_squeeze %dma_start3A_705 : memref<1x1x96x84xf32, #tpu.memory_space<hbm>> -> memref<96x84xf32, #tpu.memory_space<hbm>>
    tpu.enqueue_dma source(%dma_start3A_706 : memref<96x84xf32, #tpu.memory_space<hbm>>) target(%dma_start3A_703 : memref<96x84xf32, #tpu.memory_space<vmem>>) target_semaphore(%arg12 : memref<!tpu.dma_semaphore, #tpu.memory_space<semaphore_mem>>)
    %dma_start3A_707 = arith.constant 1 : i32
    %dma_start3A_708 = arith.constant 0 : i32
    %dma_start3A_709 = arith.constant 0 : i32
    %dma_start3A_710 = tpu.memref_slice %arg6[%dma_start3A_707, %dma_start3A_708, %dma_start3A_709] : memref<2x96x84xf32, #tpu.memory_space<vmem>> -> memref<1x96x84xf32, #tpu.memory_space<vmem>>
    %dma_start3A_711 = tpu.memref_squeeze %dma_start3A_710 : memref<1x96x84xf32, #tpu.memory_space<vmem>> -> memref<96x84xf32, #tpu.memory_space<vmem>>
    %dma_start3A_712 = arith.constant 0 : i32
    %dma_start3A_713 = tpu.memref_slice %arg3[%add3A_650, %dma_start3A_712] : memref<24576x84xf32, #tpu.memory_space<hbm>> -> memref<96x84xf32, #tpu.memory_space<hbm>>
    %dma_start3A_714 = arith.constant 0 : i32
    %dma_start3A_715 = arith.constant 0 : i32
    %dma_start3A_716 = tpu.memref_slice %arg6[%dma_start3A_707, %dma_start3A_714, %dma_start3A_715] : memref<2x96x84xf32, #tpu.memory_space<vmem>> -> memref<1x96x84xf32, #tpu.memory_space<vmem>>
    %dma_start3A_717 = tpu.memref_squeeze %dma_start3A_716 : memref<1x96x84xf32, #tpu.memory_space<vmem>> -> memref<96x84xf32, #tpu.memory_space<vmem>>
    %dma_start3A_718 = arith.constant 0 : i32
    %dma_start3A_719 = tpu.memref_slice %arg3[%add3A_650, %dma_start3A_718] : memref<24576x84xf32, #tpu.memory_space<hbm>> -> memref<96x84xf32, #tpu.memory_space<hbm>>
    tpu.enqueue_dma source(%dma_start3A_719 : memref<96x84xf32, #tpu.memory_space<hbm>>) target(%dma_start3A_717 : memref<96x84xf32, #tpu.memory_space<vmem>>) target_semaphore(%arg12 : memref<!tpu.dma_semaphore, #tpu.memory_space<semaphore_mem>>)
    %add3A_720 = arith.constant 384 : i32
    %add3A_721 = arith.addi %mul3A_2, %add3A_720 : i32
    %jit3A_722 = arith.constant 192 : i32
    %div3A_723 = arith.divsi %add3A_721, %jit3A_722 : i32
    %sign3A_724 = arith.constant 0 : i32
    %sign3A_725 = arith.cmpi sgt, %add3A_721, %sign3A_724 : i32
    %sign3A_726 = arith.extui %sign3A_725 : i1 to i32
    %sign3A_727 = arith.constant 0 : i32
    %sign3A_728 = arith.cmpi slt, %add3A_721, %sign3A_727 : i32
    %sign3A_729 = arith.extui %sign3A_728 : i1 to i32
    %sign3A_730 = arith.subi %sign3A_726, %sign3A_729 : i32
    %sign3A_731 = arith.constant 0 : i32
    %sign3A_732 = arith.cmpi sgt, %jit3A_722, %sign3A_731 : i32
    %sign3A_733 = arith.extui %sign3A_732 : i1 to i32
    %sign3A_734 = arith.constant 0 : i32
    %sign3A_735 = arith.cmpi slt, %jit3A_722, %sign3A_734 : i32
    %sign3A_736 = arith.extui %sign3A_735 : i1 to i32
    %sign3A_737 = arith.subi %sign3A_733, %sign3A_736 : i32
    %ne3A_738 = arith.cmpi ne, %sign3A_730, %sign3A_737 : i32
    %rem3A_739 = arith.remsi %add3A_721, %jit3A_722 : i32
    %ne3A_740 = arith.constant 0 : i32
    %ne3A_741 = arith.cmpi ne, %rem3A_739, %ne3A_740 : i32
    %and3A_742 = arith.andi %ne3A_738, %ne3A_741 : i1
    %sub3A_743 = arith.constant 1 : i32
    %sub3A_744 = arith.subi %div3A_723, %sub3A_743 : i32
    %select_n3A_745 = arith.select %and3A_742, %sub3A_744, %div3A_723 : i32
    %jit3A_746 = arith.constant 192 : i32
    %eq3A_747 = arith.constant 0 : i32
    %eq3A_748 = arith.cmpi eq, %jit3A_746, %eq3A_747 : i32
    %jit3A_749 = arith.constant 1 : i32
    %select_n3A_750 = arith.select %eq3A_748, %jit3A_749, %jit3A_746 : i32
    %rem3A_751 = arith.remsi %add3A_721, %select_n3A_750 : i32
    %ne3A_752 = arith.constant 0 : i32
    %ne3A_753 = arith.cmpi ne, %rem3A_751, %ne3A_752 : i32
    %lt3A_754 = arith.constant 0 : i32
    %lt3A_755 = arith.cmpi slt, %rem3A_751, %lt3A_754 : i32
    %lt3A_756 = arith.constant 0 : i32
    %lt3A_757 = arith.cmpi slt, %select_n3A_750, %lt3A_756 : i32
    %ne3A_758 = arith.xori %lt3A_755, %lt3A_757 : i1
    %and3A_759 = arith.andi %ne3A_758, %ne3A_753 : i1
    %add3A_760 = arith.addi %rem3A_751, %select_n3A_750 : i32
    %select_n3A_761 = arith.select %and3A_759, %add3A_760, %rem3A_751 : i32
    %dma_wait3A_762 = arith.constant 0 : i32
    %dma_wait3A_763 = arith.constant 0 : i32
    %dma_wait3A_764 = arith.constant 0 : i32
    %dma_wait3A_765 = arith.constant 0 : i32
    %dma_wait3A_766 = tpu.memref_slice %arg5[%dma_wait3A_763, %dma_wait3A_764, %dma_wait3A_765] : memref<2x96x84xf32, #tpu.memory_space<vmem>> -> memref<1x96x84xf32, #tpu.memory_space<vmem>>
    %dma_wait3A_767 = tpu.memref_squeeze %dma_wait3A_766 : memref<1x96x84xf32, #tpu.memory_space<vmem>> -> memref<96x84xf32, #tpu.memory_space<vmem>>
    %dma_wait3A_768 = arith.constant 0 : i32
    %dma_wait3A_769 = tpu.memref_slice %arg2[%select_n3A_745, %dma_wait3A_762, %select_n3A_761, %dma_wait3A_768] : memref<128x1x192x84xf32, #tpu.memory_space<hbm>> -> memref<1x1x96x84xf32, #tpu.memory_space<hbm>>
    %dma_wait3A_770 = tpu.memref_squeeze %dma_wait3A_769 : memref<1x1x96x84xf32, #tpu.memory_space<hbm>> -> memref<96x84xf32, #tpu.memory_space<hbm>>
    %dma_wait3A_771 = arith.constant 0 : i32
    %dma_wait3A_772 = arith.constant 0 : i32
    %dma_wait3A_773 = tpu.memref_slice %arg5[%dma_wait3A_763, %dma_wait3A_771, %dma_wait3A_772] : memref<2x96x84xf32, #tpu.memory_space<vmem>> -> memref<1x96x84xf32, #tpu.memory_space<vmem>>
    %dma_wait3A_774 = tpu.memref_squeeze %dma_wait3A_773 : memref<1x96x84xf32, #tpu.memory_space<vmem>> -> memref<96x84xf32, #tpu.memory_space<vmem>>
    %dma_wait3A_775 = arith.constant 0 : i32
    %dma_wait3A_776 = tpu.memref_slice %arg2[%select_n3A_745, %dma_wait3A_762, %select_n3A_761, %dma_wait3A_775] : memref<128x1x192x84xf32, #tpu.memory_space<hbm>> -> memref<1x1x96x84xf32, #tpu.memory_space<hbm>>
    %dma_wait3A_777 = tpu.memref_squeeze %dma_wait3A_776 : memref<1x1x96x84xf32, #tpu.memory_space<hbm>> -> memref<96x84xf32, #tpu.memory_space<hbm>>
    tpu.wait_dma2 semaphore(%arg11 : memref<!tpu.dma_semaphore, #tpu.memory_space<semaphore_mem>>) src(%dma_wait3A_777 : memref<96x84xf32, #tpu.memory_space<hbm>>) dst(%dma_wait3A_774 : memref<96x84xf32, #tpu.memory_space<vmem>>)
    %dma_wait3A_778 = arith.constant 0 : i32
    %dma_wait3A_779 = arith.constant 0 : i32
    %dma_wait3A_780 = arith.constant 0 : i32
    %dma_wait3A_781 = tpu.memref_slice %arg6[%dma_wait3A_778, %dma_wait3A_779, %dma_wait3A_780] : memref<2x96x84xf32, #tpu.memory_space<vmem>> -> memref<1x96x84xf32, #tpu.memory_space<vmem>>
    %dma_wait3A_782 = tpu.memref_squeeze %dma_wait3A_781 : memref<1x96x84xf32, #tpu.memory_space<vmem>> -> memref<96x84xf32, #tpu.memory_space<vmem>>
    %dma_wait3A_783 = arith.constant 0 : i32
    %dma_wait3A_784 = tpu.memref_slice %arg3[%add3A_721, %dma_wait3A_783] : memref<24576x84xf32, #tpu.memory_space<hbm>> -> memref<96x84xf32, #tpu.memory_space<hbm>>
    %dma_wait3A_785 = arith.constant 0 : i32
    %dma_wait3A_786 = arith.constant 0 : i32
    %dma_wait3A_787 = tpu.memref_slice %arg6[%dma_wait3A_778, %dma_wait3A_785, %dma_wait3A_786] : memref<2x96x84xf32, #tpu.memory_space<vmem>> -> memref<1x96x84xf32, #tpu.memory_space<vmem>>
    %dma_wait3A_788 = tpu.memref_squeeze %dma_wait3A_787 : memref<1x96x84xf32, #tpu.memory_space<vmem>> -> memref<96x84xf32, #tpu.memory_space<vmem>>
    %dma_wait3A_789 = arith.constant 0 : i32
    %dma_wait3A_790 = tpu.memref_slice %arg3[%add3A_721, %dma_wait3A_789] : memref<24576x84xf32, #tpu.memory_space<hbm>> -> memref<96x84xf32, #tpu.memory_space<hbm>>
    tpu.wait_dma2 semaphore(%arg11 : memref<!tpu.dma_semaphore, #tpu.memory_space<semaphore_mem>>) src(%dma_wait3A_790 : memref<96x84xf32, #tpu.memory_space<hbm>>) dst(%dma_wait3A_788 : memref<96x84xf32, #tpu.memory_space<vmem>>)
    %parallel_loop3A_791 = arith.constant 0 : i32
    %parallel_loop3A_792 = arith.constant 96 : i32
    %parallel_loop3A_793 = arith.constant 1 : i32
    scf.for %parallel_loop3A_1162 = %parallel_loop3A_791 to %parallel_loop3A_792 step %parallel_loop3A_793  : i32 {
      %parallel_loop3A_1163 = arith.constant 0 : i32
      %parallel_loop3A_1164 = arith.index_cast %parallel_loop3A_1163 : i32 to index
      %parallel_loop3A_1165 = arith.index_cast %parallel_loop3A_1162 : i32 to index
      %parallel_loop3A_1166 = arith.constant 0 : index
      %parallel_loop3A_1167 = tpu.vector_load %arg6[%parallel_loop3A_1164, %parallel_loop3A_1165, %parallel_loop3A_1166] {strides = array<i32>} : memref<2x96x84xf32, #tpu.memory_space<vmem>>, vector<16xf32>,
      %parallel_loop3A_1168 = arith.constant 0 : i32
      %parallel_loop3A_1169 = arith.index_cast %parallel_loop3A_1168 : i32 to index
      %parallel_loop3A_1170 = arith.index_cast %parallel_loop3A_1162 : i32 to index
      %parallel_loop3A_1171 = arith.constant 0 : index
      %parallel_loop3A_1172 = tpu.vector_load %arg5[%parallel_loop3A_1169, %parallel_loop3A_1170, %parallel_loop3A_1171] {strides = array<i32>} : memref<2x96x84xf32, #tpu.memory_space<vmem>>, vector<16xf32>,
      %parallel_loop3A_1173 = arith.fptosi %parallel_loop3A_1167 : vector<16xf32> to vector<16xi32>
      %parallel_loop3A_1174 = arith.constant 16 : i32
      %parallel_loop3A_1175 = vector.broadcast %parallel_loop3A_1174 : i32 to vector<16xi32>
      %parallel_loop3A_1176 = arith.muli %parallel_loop3A_1173, %parallel_loop3A_1175 : vector<16xi32>
      %parallel_loop3A_1177 = arith.addi %parallel_loop3A_1176, %iota3A : vector<16xi32>
      %parallel_loop3A_1178 = arith.subf %parallel_loop3A_1172, %parallel_loop3A_1167 : vector<16xf32>
      tpu.vector_store_idx %arg7[%parallel_loop3A_1177], %broadcast_in_dim3A_67 {add = true} : memref<4096xf32, #tpu.memory_space<vmem>>[vector<16xi32>], vector<16xf32>,
      %parallel_loop3A_1179 = arith.mulf %parallel_loop3A_1178, %parallel_loop3A_1178 : vector<16xf32>
      tpu.vector_store_idx %arg8[%parallel_loop3A_1177], %parallel_loop3A_1179 {add = true} : memref<4096xf32, #tpu.memory_space<vmem>>[vector<16xi32>], vector<16xf32>,
      %parallel_loop3A_1180 = arith.constant 0 : i32
      %parallel_loop3A_1181 = arith.index_cast %parallel_loop3A_1180 : i32 to index
      %parallel_loop3A_1182 = arith.index_cast %parallel_loop3A_1162 : i32 to index
      %parallel_loop3A_1183 = arith.constant 16 : index
      %parallel_loop3A_1184 = tpu.vector_load %arg6[%parallel_loop3A_1181, %parallel_loop3A_1182, %parallel_loop3A_1183] {strides = array<i32>} : memref<2x96x84xf32, #tpu.memory_space<vmem>>, vector<16xf32>,
      %parallel_loop3A_1185 = arith.constant 0 : i32
      %parallel_loop3A_1186 = arith.index_cast %parallel_loop3A_1185 : i32 to index
      %parallel_loop3A_1187 = arith.index_cast %parallel_loop3A_1162 : i32 to index
      %parallel_loop3A_1188 = arith.constant 16 : index
      %parallel_loop3A_1189 = tpu.vector_load %arg5[%parallel_loop3A_1186, %parallel_loop3A_1187, %parallel_loop3A_1188] {strides = array<i32>} : memref<2x96x84xf32, #tpu.memory_space<vmem>>, vector<16xf32>,
      %parallel_loop3A_1190 = arith.fptosi %parallel_loop3A_1184 : vector<16xf32> to vector<16xi32>
      %parallel_loop3A_1191 = arith.constant 16 : i32
      %parallel_loop3A_1192 = vector.broadcast %parallel_loop3A_1191 : i32 to vector<16xi32>
      %parallel_loop3A_1193 = arith.muli %parallel_loop3A_1190, %parallel_loop3A_1192 : vector<16xi32>
      %parallel_loop3A_1194 = arith.addi %parallel_loop3A_1193, %iota3A : vector<16xi32>
      %parallel_loop3A_1195 = arith.subf %parallel_loop3A_1189, %parallel_loop3A_1184 : vector<16xf32>
      tpu.vector_store_idx %arg7[%parallel_loop3A_1194], %broadcast_in_dim3A_67 {add = true} : memref<4096xf32, #tpu.memory_space<vmem>>[vector<16xi32>], vector<16xf32>,
      %parallel_loop3A_1196 = arith.mulf %parallel_loop3A_1195, %parallel_loop3A_1195 : vector<16xf32>
      tpu.vector_store_idx %arg8[%parallel_loop3A_1194], %parallel_loop3A_1196 {add = true} : memref<4096xf32, #tpu.memory_space<vmem>>[vector<16xi32>], vector<16xf32>,
      %parallel_loop3A_1197 = arith.constant 0 : i32
      %parallel_loop3A_1198 = arith.index_cast %parallel_loop3A_1197 : i32 to index
      %parallel_loop3A_1199 = arith.index_cast %parallel_loop3A_1162 : i32 to index
      %parallel_loop3A_1200 = arith.constant 32 : index
      %parallel_loop3A_1201 = tpu.vector_load %arg6[%parallel_loop3A_1198, %parallel_loop3A_1199, %parallel_loop3A_1200] {strides = array<i32>} : memref<2x96x84xf32, #tpu.memory_space<vmem>>, vector<16xf32>,
      %parallel_loop3A_1202 = arith.constant 0 : i32
      %parallel_loop3A_1203 = arith.index_cast %parallel_loop3A_1202 : i32 to index
      %parallel_loop3A_1204 = arith.index_cast %parallel_loop3A_1162 : i32 to index
      %parallel_loop3A_1205 = arith.constant 32 : index
      %parallel_loop3A_1206 = tpu.vector_load %arg5[%parallel_loop3A_1203, %parallel_loop3A_1204, %parallel_loop3A_1205] {strides = array<i32>} : memref<2x96x84xf32, #tpu.memory_space<vmem>>, vector<16xf32>,
      %parallel_loop3A_1207 = arith.fptosi %parallel_loop3A_1201 : vector<16xf32> to vector<16xi32>
      %parallel_loop3A_1208 = arith.constant 16 : i32
      %parallel_loop3A_1209 = vector.broadcast %parallel_loop3A_1208 : i32 to vector<16xi32>
      %parallel_loop3A_1210 = arith.muli %parallel_loop3A_1207, %parallel_loop3A_1209 : vector<16xi32>
      %parallel_loop3A_1211 = arith.addi %parallel_loop3A_1210, %iota3A : vector<16xi32>
      %parallel_loop3A_1212 = arith.subf %parallel_loop3A_1206, %parallel_loop3A_1201 : vector<16xf32>
      tpu.vector_store_idx %arg7[%parallel_loop3A_1211], %broadcast_in_dim3A_67 {add = true} : memref<4096xf32, #tpu.memory_space<vmem>>[vector<16xi32>], vector<16xf32>,
      %parallel_loop3A_1213 = arith.mulf %parallel_loop3A_1212, %parallel_loop3A_1212 : vector<16xf32>
      tpu.vector_store_idx %arg8[%parallel_loop3A_1211], %parallel_loop3A_1213 {add = true} : memref<4096xf32, #tpu.memory_space<vmem>>[vector<16xi32>], vector<16xf32>,
      %parallel_loop3A_1214 = arith.constant 0 : i32
      %parallel_loop3A_1215 = arith.index_cast %parallel_loop3A_1214 : i32 to index
      %parallel_loop3A_1216 = arith.index_cast %parallel_loop3A_1162 : i32 to index
      %parallel_loop3A_1217 = arith.constant 48 : index
      %parallel_loop3A_1218 = tpu.vector_load %arg6[%parallel_loop3A_1215, %parallel_loop3A_1216, %parallel_loop3A_1217] {strides = array<i32>} : memref<2x96x84xf32, #tpu.memory_space<vmem>>, vector<16xf32>,
      %parallel_loop3A_1219 = arith.constant 0 : i32
      %parallel_loop3A_1220 = arith.index_cast %parallel_loop3A_1219 : i32 to index
      %parallel_loop3A_1221 = arith.index_cast %parallel_loop3A_1162 : i32 to index
      %parallel_loop3A_1222 = arith.constant 48 : index
      %parallel_loop3A_1223 = tpu.vector_load %arg5[%parallel_loop3A_1220, %parallel_loop3A_1221, %parallel_loop3A_1222] {strides = array<i32>} : memref<2x96x84xf32, #tpu.memory_space<vmem>>, vector<16xf32>,
      %parallel_loop3A_1224 = arith.fptosi %parallel_loop3A_1218 : vector<16xf32> to vector<16xi32>
      %parallel_loop3A_1225 = arith.constant 16 : i32
      %parallel_loop3A_1226 = vector.broadcast %parallel_loop3A_1225 : i32 to vector<16xi32>
      %parallel_loop3A_1227 = arith.muli %parallel_loop3A_1224, %parallel_loop3A_1226 : vector<16xi32>
      %parallel_loop3A_1228 = arith.addi %parallel_loop3A_1227, %iota3A : vector<16xi32>
      %parallel_loop3A_1229 = arith.subf %parallel_loop3A_1223, %parallel_loop3A_1218 : vector<16xf32>
      tpu.vector_store_idx %arg7[%parallel_loop3A_1228], %broadcast_in_dim3A_67 {add = true} : memref<4096xf32, #tpu.memory_space<vmem>>[vector<16xi32>], vector<16xf32>,
      %parallel_loop3A_1230 = arith.mulf %parallel_loop3A_1229, %parallel_loop3A_1229 : vector<16xf32>
      tpu.vector_store_idx %arg8[%parallel_loop3A_1228], %parallel_loop3A_1230 {add = true} : memref<4096xf32, #tpu.memory_space<vmem>>[vector<16xi32>], vector<16xf32>,
      %parallel_loop3A_1231 = arith.constant 0 : i32
      %parallel_loop3A_1232 = arith.index_cast %parallel_loop3A_1231 : i32 to index
      %parallel_loop3A_1233 = arith.index_cast %parallel_loop3A_1162 : i32 to index
      %parallel_loop3A_1234 = arith.constant 64 : index
      %parallel_loop3A_1235 = tpu.vector_load %arg6[%parallel_loop3A_1232, %parallel_loop3A_1233, %parallel_loop3A_1234] {strides = array<i32>} : memref<2x96x84xf32, #tpu.memory_space<vmem>>, vector<16xf32>,
      %parallel_loop3A_1236 = arith.constant 0 : i32
      %parallel_loop3A_1237 = arith.index_cast %parallel_loop3A_1236 : i32 to index
      %parallel_loop3A_1238 = arith.index_cast %parallel_loop3A_1162 : i32 to index
      %parallel_loop3A_1239 = arith.constant 64 : index
      %parallel_loop3A_1240 = tpu.vector_load %arg5[%parallel_loop3A_1237, %parallel_loop3A_1238, %parallel_loop3A_1239] {strides = array<i32>} : memref<2x96x84xf32, #tpu.memory_space<vmem>>, vector<16xf32>,
      %parallel_loop3A_1241 = arith.fptosi %parallel_loop3A_1235 : vector<16xf32> to vector<16xi32>
      %parallel_loop3A_1242 = arith.constant 16 : i32
      %parallel_loop3A_1243 = vector.broadcast %parallel_loop3A_1242 : i32 to vector<16xi32>
      %parallel_loop3A_1244 = arith.muli %parallel_loop3A_1241, %parallel_loop3A_1243 : vector<16xi32>
      %parallel_loop3A_1245 = arith.addi %parallel_loop3A_1244, %iota3A : vector<16xi32>
      %parallel_loop3A_1246 = arith.subf %parallel_loop3A_1240, %parallel_loop3A_1235 : vector<16xf32>
      tpu.vector_store_idx %arg7[%parallel_loop3A_1245], %broadcast_in_dim3A_67 {add = true} : memref<4096xf32, #tpu.memory_space<vmem>>[vector<16xi32>], vector<16xf32>,
      %parallel_loop3A_1247 = arith.mulf %parallel_loop3A_1246, %parallel_loop3A_1246 : vector<16xf32>
      tpu.vector_store_idx %arg8[%parallel_loop3A_1245], %parallel_loop3A_1247 {add = true} : memref<4096xf32, #tpu.memory_space<vmem>>[vector<16xi32>], vector<16xf32>,
      %parallel_loop3A_1248 = arith.constant 0 : i32
      %parallel_loop3A_1249 = arith.index_cast %parallel_loop3A_1248 : i32 to index
      %parallel_loop3A_1250 = arith.index_cast %parallel_loop3A_1162 : i32 to index
      %parallel_loop3A_1251 = arith.constant 68 : index
      %parallel_loop3A_1252 = tpu.vector_load %arg6[%parallel_loop3A_1249, %parallel_loop3A_1250, %parallel_loop3A_1251] {strides = array<i32>} : memref<2x96x84xf32, #tpu.memory_space<vmem>>, vector<16xf32>,
      %parallel_loop3A_1253 = arith.constant 0 : i32
      %parallel_loop3A_1254 = arith.index_cast %parallel_loop3A_1253 : i32 to index
      %parallel_loop3A_1255 = arith.index_cast %parallel_loop3A_1162 : i32 to index
      %parallel_loop3A_1256 = arith.constant 68 : index
      %parallel_loop3A_1257 = tpu.vector_load %arg5[%parallel_loop3A_1254, %parallel_loop3A_1255, %parallel_loop3A_1256] {strides = array<i32>} : memref<2x96x84xf32, #tpu.memory_space<vmem>>, vector<16xf32>,
      %parallel_loop3A_1258 = arith.fptosi %parallel_loop3A_1252 : vector<16xf32> to vector<16xi32>
      %parallel_loop3A_1259 = arith.constant 16 : i32
      %parallel_loop3A_1260 = vector.broadcast %parallel_loop3A_1259 : i32 to vector<16xi32>
      %parallel_loop3A_1261 = arith.muli %parallel_loop3A_1258, %parallel_loop3A_1260 : vector<16xi32>
      %parallel_loop3A_1262 = arith.addi %parallel_loop3A_1261, %iota3A : vector<16xi32>
      %parallel_loop3A_1263 = arith.subf %parallel_loop3A_1257, %parallel_loop3A_1252 : vector<16xf32>
      tpu.vector_store_idx %arg7[%parallel_loop3A_1262], %broadcast_in_dim3A_67 masked %ge3A_69 {add = true} : memref<4096xf32, #tpu.memory_space<vmem>>[vector<16xi32>], vector<16xf32>, vector<16xi1>
      %parallel_loop3A_1264 = arith.mulf %parallel_loop3A_1263, %parallel_loop3A_1263 : vector<16xf32>
      tpu.vector_store_idx %arg8[%parallel_loop3A_1262], %parallel_loop3A_1264 masked %ge3A_69 {add = true} : memref<4096xf32, #tpu.memory_space<vmem>>[vector<16xi32>], vector<16xf32>, vector<16xi1>
    } {sc.loop_unroll_factor = 2 : i64, sc.parallel_access}
    %add3A_794 = arith.constant 576 : i32
    %add3A_795 = arith.addi %mul3A_2, %add3A_794 : i32
    %jit3A_796 = arith.constant 192 : i32
    %div3A_797 = arith.divsi %add3A_795, %jit3A_796 : i32
    %sign3A_798 = arith.constant 0 : i32
    %sign3A_799 = arith.cmpi sgt, %add3A_795, %sign3A_798 : i32
    %sign3A_800 = arith.extui %sign3A_799 : i1 to i32
    %sign3A_801 = arith.constant 0 : i32
    %sign3A_802 = arith.cmpi slt, %add3A_795, %sign3A_801 : i32
    %sign3A_803 = arith.extui %sign3A_802 : i1 to i32
    %sign3A_804 = arith.subi %sign3A_800, %sign3A_803 : i32
    %sign3A_805 = arith.constant 0 : i32
    %sign3A_806 = arith.cmpi sgt, %jit3A_796, %sign3A_805 : i32
    %sign3A_807 = arith.extui %sign3A_806 : i1 to i32
    %sign3A_808 = arith.constant 0 : i32
    %sign3A_809 = arith.cmpi slt, %jit3A_796, %sign3A_808 : i32
    %sign3A_810 = arith.extui %sign3A_809 : i1 to i32
    %sign3A_811 = arith.subi %sign3A_807, %sign3A_810 : i32
    %ne3A_812 = arith.cmpi ne, %sign3A_804, %sign3A_811 : i32
    %rem3A_813 = arith.remsi %add3A_795, %jit3A_796 : i32
    %ne3A_814 = arith.constant 0 : i32
    %ne3A_815 = arith.cmpi ne, %rem3A_813, %ne3A_814 : i32
    %and3A_816 = arith.andi %ne3A_812, %ne3A_815 : i1
    %sub3A_817 = arith.constant 1 : i32
    %sub3A_818 = arith.subi %div3A_797, %sub3A_817 : i32
    %select_n3A_819 = arith.select %and3A_816, %sub3A_818, %div3A_797 : i32
    %jit3A_820 = arith.constant 192 : i32
    %eq3A_821 = arith.constant 0 : i32
    %eq3A_822 = arith.cmpi eq, %jit3A_820, %eq3A_821 : i32
    %jit3A_823 = arith.constant 1 : i32
    %select_n3A_824 = arith.select %eq3A_822, %jit3A_823, %jit3A_820 : i32
    %rem3A_825 = arith.remsi %add3A_795, %select_n3A_824 : i32
    %ne3A_826 = arith.constant 0 : i32
    %ne3A_827 = arith.cmpi ne, %rem3A_825, %ne3A_826 : i32
    %lt3A_828 = arith.constant 0 : i32
    %lt3A_829 = arith.cmpi slt, %rem3A_825, %lt3A_828 : i32
    %lt3A_830 = arith.constant 0 : i32
    %lt3A_831 = arith.cmpi slt, %select_n3A_824, %lt3A_830 : i32
    %ne3A_832 = arith.xori %lt3A_829, %lt3A_831 : i1
    %and3A_833 = arith.andi %ne3A_832, %ne3A_827 : i1
    %add3A_834 = arith.addi %rem3A_825, %select_n3A_824 : i32
    %select_n3A_835 = arith.select %and3A_833, %add3A_834, %rem3A_825 : i32
    %dma_start3A_836 = arith.constant 0 : i32
    %dma_start3A_837 = arith.constant 0 : i32
    %dma_start3A_838 = arith.constant 0 : i32
    %dma_start3A_839 = arith.constant 0 : i32
    %dma_start3A_840 = tpu.memref_slice %arg5[%dma_start3A_837, %dma_start3A_838, %dma_start3A_839] : memref<2x96x84xf32, #tpu.memory_space<vmem>> -> memref<1x96x84xf32, #tpu.memory_space<vmem>>
    %dma_start3A_841 = tpu.memref_squeeze %dma_start3A_840 : memref<1x96x84xf32, #tpu.memory_space<vmem>> -> memref<96x84xf32, #tpu.memory_space<vmem>>
    %dma_start3A_842 = arith.constant 0 : i32
    %dma_start3A_843 = tpu.memref_slice %arg2[%select_n3A_819, %dma_start3A_836, %select_n3A_835, %dma_start3A_842] : memref<128x1x192x84xf32, #tpu.memory_space<hbm>> -> memref<1x1x96x84xf32, #tpu.memory_space<hbm>>
    %dma_start3A_844 = tpu.memref_squeeze %dma_start3A_843 : memref<1x1x96x84xf32, #tpu.memory_space<hbm>> -> memref<96x84xf32, #tpu.memory_space<hbm>>
    %dma_start3A_845 = arith.constant 0 : i32
    %dma_start3A_846 = arith.constant 0 : i32
    %dma_start3A_847 = tpu.memref_slice %arg5[%dma_start3A_837, %dma_start3A_845, %dma_start3A_846] : memref<2x96x84xf32, #tpu.memory_space<vmem>> -> memref<1x96x84xf32, #tpu.memory_space<vmem>>
    %dma_start3A_848 = tpu.memref_squeeze %dma_start3A_847 : memref<1x96x84xf32, #tpu.memory_space<vmem>> -> memref<96x84xf32, #tpu.memory_space<vmem>>
    %dma_start3A_849 = arith.constant 0 : i32
    %dma_start3A_850 = tpu.memref_slice %arg2[%select_n3A_819, %dma_start3A_836, %select_n3A_835, %dma_start3A_849] : memref<128x1x192x84xf32, #tpu.memory_space<hbm>> -> memref<1x1x96x84xf32, #tpu.memory_space<hbm>>
    %dma_start3A_851 = tpu.memref_squeeze %dma_start3A_850 : memref<1x1x96x84xf32, #tpu.memory_space<hbm>> -> memref<96x84xf32, #tpu.memory_space<hbm>>
    tpu.enqueue_dma source(%dma_start3A_851 : memref<96x84xf32, #tpu.memory_space<hbm>>) target(%dma_start3A_848 : memref<96x84xf32, #tpu.memory_space<vmem>>) target_semaphore(%arg11 : memref<!tpu.dma_semaphore, #tpu.memory_space<semaphore_mem>>)
    %dma_start3A_852 = arith.constant 0 : i32
    %dma_start3A_853 = arith.constant 0 : i32
    %dma_start3A_854 = arith.constant 0 : i32
    %dma_start3A_855 = tpu.memref_slice %arg6[%dma_start3A_852, %dma_start3A_853, %dma_start3A_854] : memref<2x96x84xf32, #tpu.memory_space<vmem>> -> memref<1x96x84xf32, #tpu.memory_space<vmem>>
    %dma_start3A_856 = tpu.memref_squeeze %dma_start3A_855 : memref<1x96x84xf32, #tpu.memory_space<vmem>> -> memref<96x84xf32, #tpu.memory_space<vmem>>
    %dma_start3A_857 = arith.constant 0 : i32
    %dma_start3A_858 = tpu.memref_slice %arg3[%add3A_795, %dma_start3A_857] : memref<24576x84xf32, #tpu.memory_space<hbm>> -> memref<96x84xf32, #tpu.memory_space<hbm>>
    %dma_start3A_859 = arith.constant 0 : i32
    %dma_start3A_860 = arith.constant 0 : i32
    %dma_start3A_861 = tpu.memref_slice %arg6[%dma_start3A_852, %dma_start3A_859, %dma_start3A_860] : memref<2x96x84xf32, #tpu.memory_space<vmem>> -> memref<1x96x84xf32, #tpu.memory_space<vmem>>
    %dma_start3A_862 = tpu.memref_squeeze %dma_start3A_861 : memref<1x96x84xf32, #tpu.memory_space<vmem>> -> memref<96x84xf32, #tpu.memory_space<vmem>>
    %dma_start3A_863 = arith.constant 0 : i32
    %dma_start3A_864 = tpu.memref_slice %arg3[%add3A_795, %dma_start3A_863] : memref<24576x84xf32, #tpu.memory_space<hbm>> -> memref<96x84xf32, #tpu.memory_space<hbm>>
    tpu.enqueue_dma source(%dma_start3A_864 : memref<96x84xf32, #tpu.memory_space<hbm>>) target(%dma_start3A_862 : memref<96x84xf32, #tpu.memory_space<vmem>>) target_semaphore(%arg11 : memref<!tpu.dma_semaphore, #tpu.memory_space<semaphore_mem>>)
    %add3A_865 = arith.constant 480 : i32
    %add3A_866 = arith.addi %mul3A_2, %add3A_865 : i32
    %jit3A_867 = arith.constant 192 : i32
    %div3A_868 = arith.divsi %add3A_866, %jit3A_867 : i32
    %sign3A_869 = arith.constant 0 : i32
    %sign3A_870 = arith.cmpi sgt, %add3A_866, %sign3A_869 : i32
    %sign3A_871 = arith.extui %sign3A_870 : i1 to i32
    %sign3A_872 = arith.constant 0 : i32
    %sign3A_873 = arith.cmpi slt, %add3A_866, %sign3A_872 : i32
    %sign3A_874 = arith.extui %sign3A_873 : i1 to i32
    %sign3A_875 = arith.subi %sign3A_871, %sign3A_874 : i32
    %sign3A_876 = arith.constant 0 : i32
    %sign3A_877 = arith.cmpi sgt, %jit3A_867, %sign3A_876 : i32
    %sign3A_878 = arith.extui %sign3A_877 : i1 to i32
    %sign3A_879 = arith.constant 0 : i32
    %sign3A_880 = arith.cmpi slt, %jit3A_867, %sign3A_879 : i32
    %sign3A_881 = arith.extui %sign3A_880 : i1 to i32
    %sign3A_882 = arith.subi %sign3A_878, %sign3A_881 : i32
    %ne3A_883 = arith.cmpi ne, %sign3A_875, %sign3A_882 : i32
    %rem3A_884 = arith.remsi %add3A_866, %jit3A_867 : i32
    %ne3A_885 = arith.constant 0 : i32
    %ne3A_886 = arith.cmpi ne, %rem3A_884, %ne3A_885 : i32
    %and3A_887 = arith.andi %ne3A_883, %ne3A_886 : i1
    %sub3A_888 = arith.constant 1 : i32
    %sub3A_889 = arith.subi %div3A_868, %sub3A_888 : i32
    %select_n3A_890 = arith.select %and3A_887, %sub3A_889, %div3A_868 : i32
    %jit3A_891 = arith.constant 192 : i32
    %eq3A_892 = arith.constant 0 : i32
    %eq3A_893 = arith.cmpi eq, %jit3A_891, %eq3A_892 : i32
    %jit3A_894 = arith.constant 1 : i32
    %select_n3A_895 = arith.select %eq3A_893, %jit3A_894, %jit3A_891 : i32
    %rem3A_896 = arith.remsi %add3A_866, %select_n3A_895 : i32
    %ne3A_897 = arith.constant 0 : i32
    %ne3A_898 = arith.cmpi ne, %rem3A_896, %ne3A_897 : i32
    %lt3A_899 = arith.constant 0 : i32
    %lt3A_900 = arith.cmpi slt, %rem3A_896, %lt3A_899 : i32
    %lt3A_901 = arith.constant 0 : i32
    %lt3A_902 = arith.cmpi slt, %select_n3A_895, %lt3A_901 : i32
    %ne3A_903 = arith.xori %lt3A_900, %lt3A_902 : i1
    %and3A_904 = arith.andi %ne3A_903, %ne3A_898 : i1
    %add3A_905 = arith.addi %rem3A_896, %select_n3A_895 : i32
    %select_n3A_906 = arith.select %and3A_904, %add3A_905, %rem3A_896 : i32
    %dma_wait3A_907 = arith.constant 0 : i32
    %dma_wait3A_908 = arith.constant 1 : i32
    %dma_wait3A_909 = arith.constant 0 : i32
    %dma_wait3A_910 = arith.constant 0 : i32
    %dma_wait3A_911 = tpu.memref_slice %arg5[%dma_wait3A_908, %dma_wait3A_909, %dma_wait3A_910] : memref<2x96x84xf32, #tpu.memory_space<vmem>> -> memref<1x96x84xf32, #tpu.memory_space<vmem>>
    %dma_wait3A_912 = tpu.memref_squeeze %dma_wait3A_911 : memref<1x96x84xf32, #tpu.memory_space<vmem>> -> memref<96x84xf32, #tpu.memory_space<vmem>>
    %dma_wait3A_913 = arith.constant 0 : i32
    %dma_wait3A_914 = tpu.memref_slice %arg2[%select_n3A_890, %dma_wait3A_907, %select_n3A_906, %dma_wait3A_913] : memref<128x1x192x84xf32, #tpu.memory_space<hbm>> -> memref<1x1x96x84xf32, #tpu.memory_space<hbm>>
    %dma_wait3A_915 = tpu.memref_squeeze %dma_wait3A_914 : memref<1x1x96x84xf32, #tpu.memory_space<hbm>> -> memref<96x84xf32, #tpu.memory_space<hbm>>
    %dma_wait3A_916 = arith.constant 0 : i32
    %dma_wait3A_917 = arith.constant 0 : i32
    %dma_wait3A_918 = tpu.memref_slice %arg5[%dma_wait3A_908, %dma_wait3A_916, %dma_wait3A_917] : memref<2x96x84xf32, #tpu.memory_space<vmem>> -> memref<1x96x84xf32, #tpu.memory_space<vmem>>
    %dma_wait3A_919 = tpu.memref_squeeze %dma_wait3A_918 : memref<1x96x84xf32, #tpu.memory_space<vmem>> -> memref<96x84xf32, #tpu.memory_space<vmem>>
    %dma_wait3A_920 = arith.constant 0 : i32
    %dma_wait3A_921 = tpu.memref_slice %arg2[%select_n3A_890, %dma_wait3A_907, %select_n3A_906, %dma_wait3A_920] : memref<128x1x192x84xf32, #tpu.memory_space<hbm>> -> memref<1x1x96x84xf32, #tpu.memory_space<hbm>>
    %dma_wait3A_922 = tpu.memref_squeeze %dma_wait3A_921 : memref<1x1x96x84xf32, #tpu.memory_space<hbm>> -> memref<96x84xf32, #tpu.memory_space<hbm>>
    tpu.wait_dma2 semaphore(%arg12 : memref<!tpu.dma_semaphore, #tpu.memory_space<semaphore_mem>>) src(%dma_wait3A_922 : memref<96x84xf32, #tpu.memory_space<hbm>>) dst(%dma_wait3A_919 : memref<96x84xf32, #tpu.memory_space<vmem>>)
    %dma_wait3A_923 = arith.constant 1 : i32
    %dma_wait3A_924 = arith.constant 0 : i32
    %dma_wait3A_925 = arith.constant 0 : i32
    %dma_wait3A_926 = tpu.memref_slice %arg6[%dma_wait3A_923, %dma_wait3A_924, %dma_wait3A_925] : memref<2x96x84xf32, #tpu.memory_space<vmem>> -> memref<1x96x84xf32, #tpu.memory_space<vmem>>
    %dma_wait3A_927 = tpu.memref_squeeze %dma_wait3A_926 : memref<1x96x84xf32, #tpu.memory_space<vmem>> -> memref<96x84xf32, #tpu.memory_space<vmem>>
    %dma_wait3A_928 = arith.constant 0 : i32
    %dma_wait3A_929 = tpu.memref_slice %arg3[%add3A_866, %dma_wait3A_928] : memref<24576x84xf32, #tpu.memory_space<hbm>> -> memref<96x84xf32, #tpu.memory_space<hbm>>
    %dma_wait3A_930 = arith.constant 0 : i32
    %dma_wait3A_931 = arith.constant 0 : i32
    %dma_wait3A_932 = tpu.memref_slice %arg6[%dma_wait3A_923, %dma_wait3A_930, %dma_wait3A_931] : memref<2x96x84xf32, #tpu.memory_space<vmem>> -> memref<1x96x84xf32, #tpu.memory_space<vmem>>
    %dma_wait3A_933 = tpu.memref_squeeze %dma_wait3A_932 : memref<1x96x84xf32, #tpu.memory_space<vmem>> -> memref<96x84xf32, #tpu.memory_space<vmem>>
    %dma_wait3A_934 = arith.constant 0 : i32
    %dma_wait3A_935 = tpu.memref_slice %arg3[%add3A_866, %dma_wait3A_934] : memref<24576x84xf32, #tpu.memory_space<hbm>> -> memref<96x84xf32, #tpu.memory_space<hbm>>
    tpu.wait_dma2 semaphore(%arg12 : memref<!tpu.dma_semaphore, #tpu.memory_space<semaphore_mem>>) src(%dma_wait3A_935 : memref<96x84xf32, #tpu.memory_space<hbm>>) dst(%dma_wait3A_933 : memref<96x84xf32, #tpu.memory_space<vmem>>)
    %parallel_loop3A_936 = arith.constant 0 : i32
    %parallel_loop3A_937 = arith.constant 96 : i32
    %parallel_loop3A_938 = arith.constant 1 : i32
    scf.for %parallel_loop3A_1162 = %parallel_loop3A_936 to %parallel_loop3A_937 step %parallel_loop3A_938  : i32 {
      %parallel_loop3A_1163 = arith.constant 1 : i32
      %parallel_loop3A_1164 = arith.index_cast %parallel_loop3A_1163 : i32 to index
      %parallel_loop3A_1165 = arith.index_cast %parallel_loop3A_1162 : i32 to index
      %parallel_loop3A_1166 = arith.constant 0 : index
      %parallel_loop3A_1167 = tpu.vector_load %arg6[%parallel_loop3A_1164, %parallel_loop3A_1165, %parallel_loop3A_1166] {strides = array<i32>} : memref<2x96x84xf32, #tpu.memory_space<vmem>>, vector<16xf32>,
      %parallel_loop3A_1168 = arith.constant 1 : i32
      %parallel_loop3A_1169 = arith.index_cast %parallel_loop3A_1168 : i32 to index
      %parallel_loop3A_1170 = arith.index_cast %parallel_loop3A_1162 : i32 to index
      %parallel_loop3A_1171 = arith.constant 0 : index
      %parallel_loop3A_1172 = tpu.vector_load %arg5[%parallel_loop3A_1169, %parallel_loop3A_1170, %parallel_loop3A_1171] {strides = array<i32>} : memref<2x96x84xf32, #tpu.memory_space<vmem>>, vector<16xf32>,
      %parallel_loop3A_1173 = arith.fptosi %parallel_loop3A_1167 : vector<16xf32> to vector<16xi32>
      %parallel_loop3A_1174 = arith.constant 16 : i32
      %parallel_loop3A_1175 = vector.broadcast %parallel_loop3A_1174 : i32 to vector<16xi32>
      %parallel_loop3A_1176 = arith.muli %parallel_loop3A_1173, %parallel_loop3A_1175 : vector<16xi32>
      %parallel_loop3A_1177 = arith.addi %parallel_loop3A_1176, %iota3A : vector<16xi32>
      %parallel_loop3A_1178 = arith.subf %parallel_loop3A_1172, %parallel_loop3A_1167 : vector<16xf32>
      tpu.vector_store_idx %arg7[%parallel_loop3A_1177], %broadcast_in_dim3A_67 {add = true} : memref<4096xf32, #tpu.memory_space<vmem>>[vector<16xi32>], vector<16xf32>,
      %parallel_loop3A_1179 = arith.mulf %parallel_loop3A_1178, %parallel_loop3A_1178 : vector<16xf32>
      tpu.vector_store_idx %arg8[%parallel_loop3A_1177], %parallel_loop3A_1179 {add = true} : memref<4096xf32, #tpu.memory_space<vmem>>[vector<16xi32>], vector<16xf32>,
      %parallel_loop3A_1180 = arith.constant 1 : i32
      %parallel_loop3A_1181 = arith.index_cast %parallel_loop3A_1180 : i32 to index
      %parallel_loop3A_1182 = arith.index_cast %parallel_loop3A_1162 : i32 to index
      %parallel_loop3A_1183 = arith.constant 16 : index
      %parallel_loop3A_1184 = tpu.vector_load %arg6[%parallel_loop3A_1181, %parallel_loop3A_1182, %parallel_loop3A_1183] {strides = array<i32>} : memref<2x96x84xf32, #tpu.memory_space<vmem>>, vector<16xf32>,
      %parallel_loop3A_1185 = arith.constant 1 : i32
      %parallel_loop3A_1186 = arith.index_cast %parallel_loop3A_1185 : i32 to index
      %parallel_loop3A_1187 = arith.index_cast %parallel_loop3A_1162 : i32 to index
      %parallel_loop3A_1188 = arith.constant 16 : index
      %parallel_loop3A_1189 = tpu.vector_load %arg5[%parallel_loop3A_1186, %parallel_loop3A_1187, %parallel_loop3A_1188] {strides = array<i32>} : memref<2x96x84xf32, #tpu.memory_space<vmem>>, vector<16xf32>,
      %parallel_loop3A_1190 = arith.fptosi %parallel_loop3A_1184 : vector<16xf32> to vector<16xi32>
      %parallel_loop3A_1191 = arith.constant 16 : i32
      %parallel_loop3A_1192 = vector.broadcast %parallel_loop3A_1191 : i32 to vector<16xi32>
      %parallel_loop3A_1193 = arith.muli %parallel_loop3A_1190, %parallel_loop3A_1192 : vector<16xi32>
      %parallel_loop3A_1194 = arith.addi %parallel_loop3A_1193, %iota3A : vector<16xi32>
      %parallel_loop3A_1195 = arith.subf %parallel_loop3A_1189, %parallel_loop3A_1184 : vector<16xf32>
      tpu.vector_store_idx %arg7[%parallel_loop3A_1194], %broadcast_in_dim3A_67 {add = true} : memref<4096xf32, #tpu.memory_space<vmem>>[vector<16xi32>], vector<16xf32>,
      %parallel_loop3A_1196 = arith.mulf %parallel_loop3A_1195, %parallel_loop3A_1195 : vector<16xf32>
      tpu.vector_store_idx %arg8[%parallel_loop3A_1194], %parallel_loop3A_1196 {add = true} : memref<4096xf32, #tpu.memory_space<vmem>>[vector<16xi32>], vector<16xf32>,
      %parallel_loop3A_1197 = arith.constant 1 : i32
      %parallel_loop3A_1198 = arith.index_cast %parallel_loop3A_1197 : i32 to index
      %parallel_loop3A_1199 = arith.index_cast %parallel_loop3A_1162 : i32 to index
      %parallel_loop3A_1200 = arith.constant 32 : index
      %parallel_loop3A_1201 = tpu.vector_load %arg6[%parallel_loop3A_1198, %parallel_loop3A_1199, %parallel_loop3A_1200] {strides = array<i32>} : memref<2x96x84xf32, #tpu.memory_space<vmem>>, vector<16xf32>,
      %parallel_loop3A_1202 = arith.constant 1 : i32
      %parallel_loop3A_1203 = arith.index_cast %parallel_loop3A_1202 : i32 to index
      %parallel_loop3A_1204 = arith.index_cast %parallel_loop3A_1162 : i32 to index
      %parallel_loop3A_1205 = arith.constant 32 : index
      %parallel_loop3A_1206 = tpu.vector_load %arg5[%parallel_loop3A_1203, %parallel_loop3A_1204, %parallel_loop3A_1205] {strides = array<i32>} : memref<2x96x84xf32, #tpu.memory_space<vmem>>, vector<16xf32>,
      %parallel_loop3A_1207 = arith.fptosi %parallel_loop3A_1201 : vector<16xf32> to vector<16xi32>
      %parallel_loop3A_1208 = arith.constant 16 : i32
      %parallel_loop3A_1209 = vector.broadcast %parallel_loop3A_1208 : i32 to vector<16xi32>
      %parallel_loop3A_1210 = arith.muli %parallel_loop3A_1207, %parallel_loop3A_1209 : vector<16xi32>
      %parallel_loop3A_1211 = arith.addi %parallel_loop3A_1210, %iota3A : vector<16xi32>
      %parallel_loop3A_1212 = arith.subf %parallel_loop3A_1206, %parallel_loop3A_1201 : vector<16xf32>
      tpu.vector_store_idx %arg7[%parallel_loop3A_1211], %broadcast_in_dim3A_67 {add = true} : memref<4096xf32, #tpu.memory_space<vmem>>[vector<16xi32>], vector<16xf32>,
      %parallel_loop3A_1213 = arith.mulf %parallel_loop3A_1212, %parallel_loop3A_1212 : vector<16xf32>
      tpu.vector_store_idx %arg8[%parallel_loop3A_1211], %parallel_loop3A_1213 {add = true} : memref<4096xf32, #tpu.memory_space<vmem>>[vector<16xi32>], vector<16xf32>,
      %parallel_loop3A_1214 = arith.constant 1 : i32
      %parallel_loop3A_1215 = arith.index_cast %parallel_loop3A_1214 : i32 to index
      %parallel_loop3A_1216 = arith.index_cast %parallel_loop3A_1162 : i32 to index
      %parallel_loop3A_1217 = arith.constant 48 : index
      %parallel_loop3A_1218 = tpu.vector_load %arg6[%parallel_loop3A_1215, %parallel_loop3A_1216, %parallel_loop3A_1217] {strides = array<i32>} : memref<2x96x84xf32, #tpu.memory_space<vmem>>, vector<16xf32>,
      %parallel_loop3A_1219 = arith.constant 1 : i32
      %parallel_loop3A_1220 = arith.index_cast %parallel_loop3A_1219 : i32 to index
      %parallel_loop3A_1221 = arith.index_cast %parallel_loop3A_1162 : i32 to index
      %parallel_loop3A_1222 = arith.constant 48 : index
      %parallel_loop3A_1223 = tpu.vector_load %arg5[%parallel_loop3A_1220, %parallel_loop3A_1221, %parallel_loop3A_1222] {strides = array<i32>} : memref<2x96x84xf32, #tpu.memory_space<vmem>>, vector<16xf32>,
      %parallel_loop3A_1224 = arith.fptosi %parallel_loop3A_1218 : vector<16xf32> to vector<16xi32>
      %parallel_loop3A_1225 = arith.constant 16 : i32
      %parallel_loop3A_1226 = vector.broadcast %parallel_loop3A_1225 : i32 to vector<16xi32>
      %parallel_loop3A_1227 = arith.muli %parallel_loop3A_1224, %parallel_loop3A_1226 : vector<16xi32>
      %parallel_loop3A_1228 = arith.addi %parallel_loop3A_1227, %iota3A : vector<16xi32>
      %parallel_loop3A_1229 = arith.subf %parallel_loop3A_1223, %parallel_loop3A_1218 : vector<16xf32>
      tpu.vector_store_idx %arg7[%parallel_loop3A_1228], %broadcast_in_dim3A_67 {add = true} : memref<4096xf32, #tpu.memory_space<vmem>>[vector<16xi32>], vector<16xf32>,
      %parallel_loop3A_1230 = arith.mulf %parallel_loop3A_1229, %parallel_loop3A_1229 : vector<16xf32>
      tpu.vector_store_idx %arg8[%parallel_loop3A_1228], %parallel_loop3A_1230 {add = true} : memref<4096xf32, #tpu.memory_space<vmem>>[vector<16xi32>], vector<16xf32>,
      %parallel_loop3A_1231 = arith.constant 1 : i32
      %parallel_loop3A_1232 = arith.index_cast %parallel_loop3A_1231 : i32 to index
      %parallel_loop3A_1233 = arith.index_cast %parallel_loop3A_1162 : i32 to index
      %parallel_loop3A_1234 = arith.constant 64 : index
      %parallel_loop3A_1235 = tpu.vector_load %arg6[%parallel_loop3A_1232, %parallel_loop3A_1233, %parallel_loop3A_1234] {strides = array<i32>} : memref<2x96x84xf32, #tpu.memory_space<vmem>>, vector<16xf32>,
      %parallel_loop3A_1236 = arith.constant 1 : i32
      %parallel_loop3A_1237 = arith.index_cast %parallel_loop3A_1236 : i32 to index
      %parallel_loop3A_1238 = arith.index_cast %parallel_loop3A_1162 : i32 to index
      %parallel_loop3A_1239 = arith.constant 64 : index
      %parallel_loop3A_1240 = tpu.vector_load %arg5[%parallel_loop3A_1237, %parallel_loop3A_1238, %parallel_loop3A_1239] {strides = array<i32>} : memref<2x96x84xf32, #tpu.memory_space<vmem>>, vector<16xf32>,
      %parallel_loop3A_1241 = arith.fptosi %parallel_loop3A_1235 : vector<16xf32> to vector<16xi32>
      %parallel_loop3A_1242 = arith.constant 16 : i32
      %parallel_loop3A_1243 = vector.broadcast %parallel_loop3A_1242 : i32 to vector<16xi32>
      %parallel_loop3A_1244 = arith.muli %parallel_loop3A_1241, %parallel_loop3A_1243 : vector<16xi32>
      %parallel_loop3A_1245 = arith.addi %parallel_loop3A_1244, %iota3A : vector<16xi32>
      %parallel_loop3A_1246 = arith.subf %parallel_loop3A_1240, %parallel_loop3A_1235 : vector<16xf32>
      tpu.vector_store_idx %arg7[%parallel_loop3A_1245], %broadcast_in_dim3A_67 {add = true} : memref<4096xf32, #tpu.memory_space<vmem>>[vector<16xi32>], vector<16xf32>,
      %parallel_loop3A_1247 = arith.mulf %parallel_loop3A_1246, %parallel_loop3A_1246 : vector<16xf32>
      tpu.vector_store_idx %arg8[%parallel_loop3A_1245], %parallel_loop3A_1247 {add = true} : memref<4096xf32, #tpu.memory_space<vmem>>[vector<16xi32>], vector<16xf32>,
      %parallel_loop3A_1248 = arith.constant 1 : i32
      %parallel_loop3A_1249 = arith.index_cast %parallel_loop3A_1248 : i32 to index
      %parallel_loop3A_1250 = arith.index_cast %parallel_loop3A_1162 : i32 to index
      %parallel_loop3A_1251 = arith.constant 68 : index
      %parallel_loop3A_1252 = tpu.vector_load %arg6[%parallel_loop3A_1249, %parallel_loop3A_1250, %parallel_loop3A_1251] {strides = array<i32>} : memref<2x96x84xf32, #tpu.memory_space<vmem>>, vector<16xf32>,
      %parallel_loop3A_1253 = arith.constant 1 : i32
      %parallel_loop3A_1254 = arith.index_cast %parallel_loop3A_1253 : i32 to index
      %parallel_loop3A_1255 = arith.index_cast %parallel_loop3A_1162 : i32 to index
      %parallel_loop3A_1256 = arith.constant 68 : index
      %parallel_loop3A_1257 = tpu.vector_load %arg5[%parallel_loop3A_1254, %parallel_loop3A_1255, %parallel_loop3A_1256] {strides = array<i32>} : memref<2x96x84xf32, #tpu.memory_space<vmem>>, vector<16xf32>,
      %parallel_loop3A_1258 = arith.fptosi %parallel_loop3A_1252 : vector<16xf32> to vector<16xi32>
      %parallel_loop3A_1259 = arith.constant 16 : i32
      %parallel_loop3A_1260 = vector.broadcast %parallel_loop3A_1259 : i32 to vector<16xi32>
      %parallel_loop3A_1261 = arith.muli %parallel_loop3A_1258, %parallel_loop3A_1260 : vector<16xi32>
      %parallel_loop3A_1262 = arith.addi %parallel_loop3A_1261, %iota3A : vector<16xi32>
      %parallel_loop3A_1263 = arith.subf %parallel_loop3A_1257, %parallel_loop3A_1252 : vector<16xf32>
      tpu.vector_store_idx %arg7[%parallel_loop3A_1262], %broadcast_in_dim3A_67 masked %ge3A_69 {add = true} : memref<4096xf32, #tpu.memory_space<vmem>>[vector<16xi32>], vector<16xf32>, vector<16xi1>
      %parallel_loop3A_1264 = arith.mulf %parallel_loop3A_1263, %parallel_loop3A_1263 : vector<16xf32>
      tpu.vector_store_idx %arg8[%parallel_loop3A_1262], %parallel_loop3A_1264 masked %ge3A_69 {add = true} : memref<4096xf32, #tpu.memory_space<vmem>>[vector<16xi32>], vector<16xf32>, vector<16xi1>
    } {sc.loop_unroll_factor = 2 : i64, sc.parallel_access}
    %add3A_939 = arith.constant 672 : i32
    %add3A_940 = arith.addi %mul3A_2, %add3A_939 : i32
    %jit3A_941 = arith.constant 192 : i32
    %div3A_942 = arith.divsi %add3A_940, %jit3A_941 : i32
    %sign3A_943 = arith.constant 0 : i32
    %sign3A_944 = arith.cmpi sgt, %add3A_940, %sign3A_943 : i32
    %sign3A_945 = arith.extui %sign3A_944 : i1 to i32
    %sign3A_946 = arith.constant 0 : i32
    %sign3A_947 = arith.cmpi slt, %add3A_940, %sign3A_946 : i32
    %sign3A_948 = arith.extui %sign3A_947 : i1 to i32
    %sign3A_949 = arith.subi %sign3A_945, %sign3A_948 : i32
    %sign3A_950 = arith.constant 0 : i32
    %sign3A_951 = arith.cmpi sgt, %jit3A_941, %sign3A_950 : i32
    %sign3A_952 = arith.extui %sign3A_951 : i1 to i32
    %sign3A_953 = arith.constant 0 : i32
    %sign3A_954 = arith.cmpi slt, %jit3A_941, %sign3A_953 : i32
    %sign3A_955 = arith.extui %sign3A_954 : i1 to i32
    %sign3A_956 = arith.subi %sign3A_952, %sign3A_955 : i32
    %ne3A_957 = arith.cmpi ne, %sign3A_949, %sign3A_956 : i32
    %rem3A_958 = arith.remsi %add3A_940, %jit3A_941 : i32
    %ne3A_959 = arith.constant 0 : i32
    %ne3A_960 = arith.cmpi ne, %rem3A_958, %ne3A_959 : i32
    %and3A_961 = arith.andi %ne3A_957, %ne3A_960 : i1
    %sub3A_962 = arith.constant 1 : i32
    %sub3A_963 = arith.subi %div3A_942, %sub3A_962 : i32
    %select_n3A_964 = arith.select %and3A_961, %sub3A_963, %div3A_942 : i32
    %jit3A_965 = arith.constant 192 : i32
    %eq3A_966 = arith.constant 0 : i32
    %eq3A_967 = arith.cmpi eq, %jit3A_965, %eq3A_966 : i32
    %jit3A_968 = arith.constant 1 : i32
    %select_n3A_969 = arith.select %eq3A_967, %jit3A_968, %jit3A_965 : i32
    %rem3A_970 = arith.remsi %add3A_940, %select_n3A_969 : i32
    %ne3A_971 = arith.constant 0 : i32
    %ne3A_972 = arith.cmpi ne, %rem3A_970, %ne3A_971 : i32
    %lt3A_973 = arith.constant 0 : i32
    %lt3A_974 = arith.cmpi slt, %rem3A_970, %lt3A_973 : i32
    %lt3A_975 = arith.constant 0 : i32
    %lt3A_976 = arith.cmpi slt, %select_n3A_969, %lt3A_975 : i32
    %ne3A_977 = arith.xori %lt3A_974, %lt3A_976 : i1
    %and3A_978 = arith.andi %ne3A_977, %ne3A_972 : i1
    %add3A_979 = arith.addi %rem3A_970, %select_n3A_969 : i32
    %select_n3A_980 = arith.select %and3A_978, %add3A_979, %rem3A_970 : i32
    %dma_start3A_981 = arith.constant 0 : i32
    %dma_start3A_982 = arith.constant 1 : i32
    %dma_start3A_983 = arith.constant 0 : i32
    %dma_start3A_984 = arith.constant 0 : i32
    %dma_start3A_985 = tpu.memref_slice %arg5[%dma_start3A_982, %dma_start3A_983, %dma_start3A_984] : memref<2x96x84xf32, #tpu.memory_space<vmem>> -> memref<1x96x84xf32, #tpu.memory_space<vmem>>
    %dma_start3A_986 = tpu.memref_squeeze %dma_start3A_985 : memref<1x96x84xf32, #tpu.memory_space<vmem>> -> memref<96x84xf32, #tpu.memory_space<vmem>>
    %dma_start3A_987 = arith.constant 0 : i32
    %dma_start3A_988 = tpu.memref_slice %arg2[%select_n3A_964, %dma_start3A_981, %select_n3A_980, %dma_start3A_987] : memref<128x1x192x84xf32, #tpu.memory_space<hbm>> -> memref<1x1x96x84xf32, #tpu.memory_space<hbm>>
    %dma_start3A_989 = tpu.memref_squeeze %dma_start3A_988 : memref<1x1x96x84xf32, #tpu.memory_space<hbm>> -> memref<96x84xf32, #tpu.memory_space<hbm>>
    %dma_start3A_990 = arith.constant 0 : i32
    %dma_start3A_991 = arith.constant 0 : i32
    %dma_start3A_992 = tpu.memref_slice %arg5[%dma_start3A_982, %dma_start3A_990, %dma_start3A_991] : memref<2x96x84xf32, #tpu.memory_space<vmem>> -> memref<1x96x84xf32, #tpu.memory_space<vmem>>
    %dma_start3A_993 = tpu.memref_squeeze %dma_start3A_992 : memref<1x96x84xf32, #tpu.memory_space<vmem>> -> memref<96x84xf32, #tpu.memory_space<vmem>>
    %dma_start3A_994 = arith.constant 0 : i32
    %dma_start3A_995 = tpu.memref_slice %arg2[%select_n3A_964, %dma_start3A_981, %select_n3A_980, %dma_start3A_994] : memref<128x1x192x84xf32, #tpu.memory_space<hbm>> -> memref<1x1x96x84xf32, #tpu.memory_space<hbm>>
    %dma_start3A_996 = tpu.memref_squeeze %dma_start3A_995 : memref<1x1x96x84xf32, #tpu.memory_space<hbm>> -> memref<96x84xf32, #tpu.memory_space<hbm>>
    tpu.enqueue_dma source(%dma_start3A_996 : memref<96x84xf32, #tpu.memory_space<hbm>>) target(%dma_start3A_993 : memref<96x84xf32, #tpu.memory_space<vmem>>) target_semaphore(%arg12 : memref<!tpu.dma_semaphore, #tpu.memory_space<semaphore_mem>>)
    %dma_start3A_997 = arith.constant 1 : i32
    %dma_start3A_998 = arith.constant 0 : i32
    %dma_start3A_999 = arith.constant 0 : i32
    %dma_start3A_1000 = tpu.memref_slice %arg6[%dma_start3A_997, %dma_start3A_998, %dma_start3A_999] : memref<2x96x84xf32, #tpu.memory_space<vmem>> -> memref<1x96x84xf32, #tpu.memory_space<vmem>>
    %dma_start3A_1001 = tpu.memref_squeeze %dma_start3A_1000 : memref<1x96x84xf32, #tpu.memory_space<vmem>> -> memref<96x84xf32, #tpu.memory_space<vmem>>
    %dma_start3A_1002 = arith.constant 0 : i32
    %dma_start3A_1003 = tpu.memref_slice %arg3[%add3A_940, %dma_start3A_1002] : memref<24576x84xf32, #tpu.memory_space<hbm>> -> memref<96x84xf32, #tpu.memory_space<hbm>>
    %dma_start3A_1004 = arith.constant 0 : i32
    %dma_start3A_1005 = arith.constant 0 : i32
    %dma_start3A_1006 = tpu.memref_slice %arg6[%dma_start3A_997, %dma_start3A_1004, %dma_start3A_1005] : memref<2x96x84xf32, #tpu.memory_space<vmem>> -> memref<1x96x84xf32, #tpu.memory_space<vmem>>
    %dma_start3A_1007 = tpu.memref_squeeze %dma_start3A_1006 : memref<1x96x84xf32, #tpu.memory_space<vmem>> -> memref<96x84xf32, #tpu.memory_space<vmem>>
    %dma_start3A_1008 = arith.constant 0 : i32
    %dma_start3A_1009 = tpu.memref_slice %arg3[%add3A_940, %dma_start3A_1008] : memref<24576x84xf32, #tpu.memory_space<hbm>> -> memref<96x84xf32, #tpu.memory_space<hbm>>
    tpu.enqueue_dma source(%dma_start3A_1009 : memref<96x84xf32, #tpu.memory_space<hbm>>) target(%dma_start3A_1007 : memref<96x84xf32, #tpu.memory_space<vmem>>) target_semaphore(%arg12 : memref<!tpu.dma_semaphore, #tpu.memory_space<semaphore_mem>>)
    %add3A_1010 = arith.constant 576 : i32
    %add3A_1011 = arith.addi %mul3A_2, %add3A_1010 : i32
    %jit3A_1012 = arith.constant 192 : i32
    %div3A_1013 = arith.divsi %add3A_1011, %jit3A_1012 : i32
    %sign3A_1014 = arith.constant 0 : i32
    %sign3A_1015 = arith.cmpi sgt, %add3A_1011, %sign3A_1014 : i32
    %sign3A_1016 = arith.extui %sign3A_1015 : i1 to i32
    %sign3A_1017 = arith.constant 0 : i32
    %sign3A_1018 = arith.cmpi slt, %add3A_1011, %sign3A_1017 : i32
    %sign3A_1019 = arith.extui %sign3A_1018 : i1 to i32
    %sign3A_1020 = arith.subi %sign3A_1016, %sign3A_1019 : i32
    %sign3A_1021 = arith.constant 0 : i32
    %sign3A_1022 = arith.cmpi sgt, %jit3A_1012, %sign3A_1021 : i32
    %sign3A_1023 = arith.extui %sign3A_1022 : i1 to i32
    %sign3A_1024 = arith.constant 0 : i32
    %sign3A_1025 = arith.cmpi slt, %jit3A_1012, %sign3A_1024 : i32
    %sign3A_1026 = arith.extui %sign3A_1025 : i1 to i32
    %sign3A_1027 = arith.subi %sign3A_1023, %sign3A_1026 : i32
    %ne3A_1028 = arith.cmpi ne, %sign3A_1020, %sign3A_1027 : i32
    %rem3A_1029 = arith.remsi %add3A_1011, %jit3A_1012 : i32
    %ne3A_1030 = arith.constant 0 : i32
    %ne3A_1031 = arith.cmpi ne, %rem3A_1029, %ne3A_1030 : i32
    %and3A_1032 = arith.andi %ne3A_1028, %ne3A_1031 : i1
    %sub3A_1033 = arith.constant 1 : i32
    %sub3A_1034 = arith.subi %div3A_1013, %sub3A_1033 : i32
    %select_n3A_1035 = arith.select %and3A_1032, %sub3A_1034, %div3A_1013 : i32
    %jit3A_1036 = arith.constant 192 : i32
    %eq3A_1037 = arith.constant 0 : i32
    %eq3A_1038 = arith.cmpi eq, %jit3A_1036, %eq3A_1037 : i32
    %jit3A_1039 = arith.constant 1 : i32
    %select_n3A_1040 = arith.select %eq3A_1038, %jit3A_1039, %jit3A_1036 : i32
    %rem3A_1041 = arith.remsi %add3A_1011, %select_n3A_1040 : i32
    %ne3A_1042 = arith.constant 0 : i32
    %ne3A_1043 = arith.cmpi ne, %rem3A_1041, %ne3A_1042 : i32
    %lt3A_1044 = arith.constant 0 : i32
    %lt3A_1045 = arith.cmpi slt, %rem3A_1041, %lt3A_1044 : i32
    %lt3A_1046 = arith.constant 0 : i32
    %lt3A_1047 = arith.cmpi slt, %select_n3A_1040, %lt3A_1046 : i32
    %ne3A_1048 = arith.xori %lt3A_1045, %lt3A_1047 : i1
    %and3A_1049 = arith.andi %ne3A_1048, %ne3A_1043 : i1
    %add3A_1050 = arith.addi %rem3A_1041, %select_n3A_1040 : i32
    %select_n3A_1051 = arith.select %and3A_1049, %add3A_1050, %rem3A_1041 : i32
    %dma_wait3A_1052 = arith.constant 0 : i32
    %dma_wait3A_1053 = arith.constant 0 : i32
    %dma_wait3A_1054 = arith.constant 0 : i32
    %dma_wait3A_1055 = arith.constant 0 : i32
    %dma_wait3A_1056 = tpu.memref_slice %arg5[%dma_wait3A_1053, %dma_wait3A_1054, %dma_wait3A_1055] : memref<2x96x84xf32, #tpu.memory_space<vmem>> -> memref<1x96x84xf32, #tpu.memory_space<vmem>>
    %dma_wait3A_1057 = tpu.memref_squeeze %dma_wait3A_1056 : memref<1x96x84xf32, #tpu.memory_space<vmem>> -> memref<96x84xf32, #tpu.memory_space<vmem>>
    %dma_wait3A_1058 = arith.constant 0 : i32
    %dma_wait3A_1059 = tpu.memref_slice %arg2[%select_n3A_1035, %dma_wait3A_1052, %select_n3A_1051, %dma_wait3A_1058] : memref<128x1x192x84xf32, #tpu.memory_space<hbm>> -> memref<1x1x96x84xf32, #tpu.memory_space<hbm>>
    %dma_wait3A_1060 = tpu.memref_squeeze %dma_wait3A_1059 : memref<1x1x96x84xf32, #tpu.memory_space<hbm>> -> memref<96x84xf32, #tpu.memory_space<hbm>>
    %dma_wait3A_1061 = arith.constant 0 : i32
    %dma_wait3A_1062 = arith.constant 0 : i32
    %dma_wait3A_1063 = tpu.memref_slice %arg5[%dma_wait3A_1053, %dma_wait3A_1061, %dma_wait3A_1062] : memref<2x96x84xf32, #tpu.memory_space<vmem>> -> memref<1x96x84xf32, #tpu.memory_space<vmem>>
    %dma_wait3A_1064 = tpu.memref_squeeze %dma_wait3A_1063 : memref<1x96x84xf32, #tpu.memory_space<vmem>> -> memref<96x84xf32, #tpu.memory_space<vmem>>
    %dma_wait3A_1065 = arith.constant 0 : i32
    %dma_wait3A_1066 = tpu.memref_slice %arg2[%select_n3A_1035, %dma_wait3A_1052, %select_n3A_1051, %dma_wait3A_1065] : memref<128x1x192x84xf32, #tpu.memory_space<hbm>> -> memref<1x1x96x84xf32, #tpu.memory_space<hbm>>
    %dma_wait3A_1067 = tpu.memref_squeeze %dma_wait3A_1066 : memref<1x1x96x84xf32, #tpu.memory_space<hbm>> -> memref<96x84xf32, #tpu.memory_space<hbm>>
    tpu.wait_dma2 semaphore(%arg11 : memref<!tpu.dma_semaphore, #tpu.memory_space<semaphore_mem>>) src(%dma_wait3A_1067 : memref<96x84xf32, #tpu.memory_space<hbm>>) dst(%dma_wait3A_1064 : memref<96x84xf32, #tpu.memory_space<vmem>>)
    %dma_wait3A_1068 = arith.constant 0 : i32
    %dma_wait3A_1069 = arith.constant 0 : i32
    %dma_wait3A_1070 = arith.constant 0 : i32
    %dma_wait3A_1071 = tpu.memref_slice %arg6[%dma_wait3A_1068, %dma_wait3A_1069, %dma_wait3A_1070] : memref<2x96x84xf32, #tpu.memory_space<vmem>> -> memref<1x96x84xf32, #tpu.memory_space<vmem>>
    %dma_wait3A_1072 = tpu.memref_squeeze %dma_wait3A_1071 : memref<1x96x84xf32, #tpu.memory_space<vmem>> -> memref<96x84xf32, #tpu.memory_space<vmem>>
    %dma_wait3A_1073 = arith.constant 0 : i32
    %dma_wait3A_1074 = tpu.memref_slice %arg3[%add3A_1011, %dma_wait3A_1073] : memref<24576x84xf32, #tpu.memory_space<hbm>> -> memref<96x84xf32, #tpu.memory_space<hbm>>
    %dma_wait3A_1075 = arith.constant 0 : i32
    %dma_wait3A_1076 = arith.constant 0 : i32
    %dma_wait3A_1077 = tpu.memref_slice %arg6[%dma_wait3A_1068, %dma_wait3A_1075, %dma_wait3A_1076] : memref<2x96x84xf32, #tpu.memory_space<vmem>> -> memref<1x96x84xf32, #tpu.memory_space<vmem>>
    %dma_wait3A_1078 = tpu.memref_squeeze %dma_wait3A_1077 : memref<1x96x84xf32, #tpu.memory_space<vmem>> -> memref<96x84xf32, #tpu.memory_space<vmem>>
    %dma_wait3A_1079 = arith.constant 0 : i32
    %dma_wait3A_1080 = tpu.memref_slice %arg3[%add3A_1011, %dma_wait3A_1079] : memref<24576x84xf32, #tpu.memory_space<hbm>> -> memref<96x84xf32, #tpu.memory_space<hbm>>
    tpu.wait_dma2 semaphore(%arg11 : memref<!tpu.dma_semaphore, #tpu.memory_space<semaphore_mem>>) src(%dma_wait3A_1080 : memref<96x84xf32, #tpu.memory_space<hbm>>) dst(%dma_wait3A_1078 : memref<96x84xf32, #tpu.memory_space<vmem>>)
    %parallel_loop3A_1081 = arith.constant 0 : i32
    %parallel_loop3A_1082 = arith.constant 96 : i32
    %parallel_loop3A_1083 = arith.constant 1 : i32
    scf.for %parallel_loop3A_1162 = %parallel_loop3A_1081 to %parallel_loop3A_1082 step %parallel_loop3A_1083  : i32 {
      %parallel_loop3A_1163 = arith.constant 0 : i32
      %parallel_loop3A_1164 = arith.index_cast %parallel_loop3A_1163 : i32 to index
      %parallel_loop3A_1165 = arith.index_cast %parallel_loop3A_1162 : i32 to index
      %parallel_loop3A_1166 = arith.constant 0 : index
      %parallel_loop3A_1167 = tpu.vector_load %arg6[%parallel_loop3A_1164, %parallel_loop3A_1165, %parallel_loop3A_1166] {strides = array<i32>} : memref<2x96x84xf32, #tpu.memory_space<vmem>>, vector<16xf32>,
      %parallel_loop3A_1168 = arith.constant 0 : i32
      %parallel_loop3A_1169 = arith.index_cast %parallel_loop3A_1168 : i32 to index
      %parallel_loop3A_1170 = arith.index_cast %parallel_loop3A_1162 : i32 to index
      %parallel_loop3A_1171 = arith.constant 0 : index
      %parallel_loop3A_1172 = tpu.vector_load %arg5[%parallel_loop3A_1169, %parallel_loop3A_1170, %parallel_loop3A_1171] {strides = array<i32>} : memref<2x96x84xf32, #tpu.memory_space<vmem>>, vector<16xf32>,
      %parallel_loop3A_1173 = arith.fptosi %parallel_loop3A_1167 : vector<16xf32> to vector<16xi32>
      %parallel_loop3A_1174 = arith.constant 16 : i32
      %parallel_loop3A_1175 = vector.broadcast %parallel_loop3A_1174 : i32 to vector<16xi32>
      %parallel_loop3A_1176 = arith.muli %parallel_loop3A_1173, %parallel_loop3A_1175 : vector<16xi32>
      %parallel_loop3A_1177 = arith.addi %parallel_loop3A_1176, %iota3A : vector<16xi32>
      %parallel_loop3A_1178 = arith.subf %parallel_loop3A_1172, %parallel_loop3A_1167 : vector<16xf32>
      tpu.vector_store_idx %arg7[%parallel_loop3A_1177], %broadcast_in_dim3A_67 {add = true} : memref<4096xf32, #tpu.memory_space<vmem>>[vector<16xi32>], vector<16xf32>,
      %parallel_loop3A_1179 = arith.mulf %parallel_loop3A_1178, %parallel_loop3A_1178 : vector<16xf32>
      tpu.vector_store_idx %arg8[%parallel_loop3A_1177], %parallel_loop3A_1179 {add = true} : memref<4096xf32, #tpu.memory_space<vmem>>[vector<16xi32>], vector<16xf32>,
      %parallel_loop3A_1180 = arith.constant 0 : i32
      %parallel_loop3A_1181 = arith.index_cast %parallel_loop3A_1180 : i32 to index
      %parallel_loop3A_1182 = arith.index_cast %parallel_loop3A_1162 : i32 to index
      %parallel_loop3A_1183 = arith.constant 16 : index
      %parallel_loop3A_1184 = tpu.vector_load %arg6[%parallel_loop3A_1181, %parallel_loop3A_1182, %parallel_loop3A_1183] {strides = array<i32>} : memref<2x96x84xf32, #tpu.memory_space<vmem>>, vector<16xf32>,
      %parallel_loop3A_1185 = arith.constant 0 : i32
      %parallel_loop3A_1186 = arith.index_cast %parallel_loop3A_1185 : i32 to index
      %parallel_loop3A_1187 = arith.index_cast %parallel_loop3A_1162 : i32 to index
      %parallel_loop3A_1188 = arith.constant 16 : index
      %parallel_loop3A_1189 = tpu.vector_load %arg5[%parallel_loop3A_1186, %parallel_loop3A_1187, %parallel_loop3A_1188] {strides = array<i32>} : memref<2x96x84xf32, #tpu.memory_space<vmem>>, vector<16xf32>,
      %parallel_loop3A_1190 = arith.fptosi %parallel_loop3A_1184 : vector<16xf32> to vector<16xi32>
      %parallel_loop3A_1191 = arith.constant 16 : i32
      %parallel_loop3A_1192 = vector.broadcast %parallel_loop3A_1191 : i32 to vector<16xi32>
      %parallel_loop3A_1193 = arith.muli %parallel_loop3A_1190, %parallel_loop3A_1192 : vector<16xi32>
      %parallel_loop3A_1194 = arith.addi %parallel_loop3A_1193, %iota3A : vector<16xi32>
      %parallel_loop3A_1195 = arith.subf %parallel_loop3A_1189, %parallel_loop3A_1184 : vector<16xf32>
      tpu.vector_store_idx %arg7[%parallel_loop3A_1194], %broadcast_in_dim3A_67 {add = true} : memref<4096xf32, #tpu.memory_space<vmem>>[vector<16xi32>], vector<16xf32>,
      %parallel_loop3A_1196 = arith.mulf %parallel_loop3A_1195, %parallel_loop3A_1195 : vector<16xf32>
      tpu.vector_store_idx %arg8[%parallel_loop3A_1194], %parallel_loop3A_1196 {add = true} : memref<4096xf32, #tpu.memory_space<vmem>>[vector<16xi32>], vector<16xf32>,
      %parallel_loop3A_1197 = arith.constant 0 : i32
      %parallel_loop3A_1198 = arith.index_cast %parallel_loop3A_1197 : i32 to index
      %parallel_loop3A_1199 = arith.index_cast %parallel_loop3A_1162 : i32 to index
      %parallel_loop3A_1200 = arith.constant 32 : index
      %parallel_loop3A_1201 = tpu.vector_load %arg6[%parallel_loop3A_1198, %parallel_loop3A_1199, %parallel_loop3A_1200] {strides = array<i32>} : memref<2x96x84xf32, #tpu.memory_space<vmem>>, vector<16xf32>,
      %parallel_loop3A_1202 = arith.constant 0 : i32
      %parallel_loop3A_1203 = arith.index_cast %parallel_loop3A_1202 : i32 to index
      %parallel_loop3A_1204 = arith.index_cast %parallel_loop3A_1162 : i32 to index
      %parallel_loop3A_1205 = arith.constant 32 : index
      %parallel_loop3A_1206 = tpu.vector_load %arg5[%parallel_loop3A_1203, %parallel_loop3A_1204, %parallel_loop3A_1205] {strides = array<i32>} : memref<2x96x84xf32, #tpu.memory_space<vmem>>, vector<16xf32>,
      %parallel_loop3A_1207 = arith.fptosi %parallel_loop3A_1201 : vector<16xf32> to vector<16xi32>
      %parallel_loop3A_1208 = arith.constant 16 : i32
      %parallel_loop3A_1209 = vector.broadcast %parallel_loop3A_1208 : i32 to vector<16xi32>
      %parallel_loop3A_1210 = arith.muli %parallel_loop3A_1207, %parallel_loop3A_1209 : vector<16xi32>
      %parallel_loop3A_1211 = arith.addi %parallel_loop3A_1210, %iota3A : vector<16xi32>
      %parallel_loop3A_1212 = arith.subf %parallel_loop3A_1206, %parallel_loop3A_1201 : vector<16xf32>
      tpu.vector_store_idx %arg7[%parallel_loop3A_1211], %broadcast_in_dim3A_67 {add = true} : memref<4096xf32, #tpu.memory_space<vmem>>[vector<16xi32>], vector<16xf32>,
      %parallel_loop3A_1213 = arith.mulf %parallel_loop3A_1212, %parallel_loop3A_1212 : vector<16xf32>
      tpu.vector_store_idx %arg8[%parallel_loop3A_1211], %parallel_loop3A_1213 {add = true} : memref<4096xf32, #tpu.memory_space<vmem>>[vector<16xi32>], vector<16xf32>,
      %parallel_loop3A_1214 = arith.constant 0 : i32
      %parallel_loop3A_1215 = arith.index_cast %parallel_loop3A_1214 : i32 to index
      %parallel_loop3A_1216 = arith.index_cast %parallel_loop3A_1162 : i32 to index
      %parallel_loop3A_1217 = arith.constant 48 : index
      %parallel_loop3A_1218 = tpu.vector_load %arg6[%parallel_loop3A_1215, %parallel_loop3A_1216, %parallel_loop3A_1217] {strides = array<i32>} : memref<2x96x84xf32, #tpu.memory_space<vmem>>, vector<16xf32>,
      %parallel_loop3A_1219 = arith.constant 0 : i32
      %parallel_loop3A_1220 = arith.index_cast %parallel_loop3A_1219 : i32 to index
      %parallel_loop3A_1221 = arith.index_cast %parallel_loop3A_1162 : i32 to index
      %parallel_loop3A_1222 = arith.constant 48 : index
      %parallel_loop3A_1223 = tpu.vector_load %arg5[%parallel_loop3A_1220, %parallel_loop3A_1221, %parallel_loop3A_1222] {strides = array<i32>} : memref<2x96x84xf32, #tpu.memory_space<vmem>>, vector<16xf32>,
      %parallel_loop3A_1224 = arith.fptosi %parallel_loop3A_1218 : vector<16xf32> to vector<16xi32>
      %parallel_loop3A_1225 = arith.constant 16 : i32
      %parallel_loop3A_1226 = vector.broadcast %parallel_loop3A_1225 : i32 to vector<16xi32>
      %parallel_loop3A_1227 = arith.muli %parallel_loop3A_1224, %parallel_loop3A_1226 : vector<16xi32>
      %parallel_loop3A_1228 = arith.addi %parallel_loop3A_1227, %iota3A : vector<16xi32>
      %parallel_loop3A_1229 = arith.subf %parallel_loop3A_1223, %parallel_loop3A_1218 : vector<16xf32>
      tpu.vector_store_idx %arg7[%parallel_loop3A_1228], %broadcast_in_dim3A_67 {add = true} : memref<4096xf32, #tpu.memory_space<vmem>>[vector<16xi32>], vector<16xf32>,
      %parallel_loop3A_1230 = arith.mulf %parallel_loop3A_1229, %parallel_loop3A_1229 : vector<16xf32>
      tpu.vector_store_idx %arg8[%parallel_loop3A_1228], %parallel_loop3A_1230 {add = true} : memref<4096xf32, #tpu.memory_space<vmem>>[vector<16xi32>], vector<16xf32>,
      %parallel_loop3A_1231 = arith.constant 0 : i32
      %parallel_loop3A_1232 = arith.index_cast %parallel_loop3A_1231 : i32 to index
      %parallel_loop3A_1233 = arith.index_cast %parallel_loop3A_1162 : i32 to index
      %parallel_loop3A_1234 = arith.constant 64 : index
      %parallel_loop3A_1235 = tpu.vector_load %arg6[%parallel_loop3A_1232, %parallel_loop3A_1233, %parallel_loop3A_1234] {strides = array<i32>} : memref<2x96x84xf32, #tpu.memory_space<vmem>>, vector<16xf32>,
      %parallel_loop3A_1236 = arith.constant 0 : i32
      %parallel_loop3A_1237 = arith.index_cast %parallel_loop3A_1236 : i32 to index
      %parallel_loop3A_1238 = arith.index_cast %parallel_loop3A_1162 : i32 to index
      %parallel_loop3A_1239 = arith.constant 64 : index
      %parallel_loop3A_1240 = tpu.vector_load %arg5[%parallel_loop3A_1237, %parallel_loop3A_1238, %parallel_loop3A_1239] {strides = array<i32>} : memref<2x96x84xf32, #tpu.memory_space<vmem>>, vector<16xf32>,
      %parallel_loop3A_1241 = arith.fptosi %parallel_loop3A_1235 : vector<16xf32> to vector<16xi32>
      %parallel_loop3A_1242 = arith.constant 16 : i32
      %parallel_loop3A_1243 = vector.broadcast %parallel_loop3A_1242 : i32 to vector<16xi32>
      %parallel_loop3A_1244 = arith.muli %parallel_loop3A_1241, %parallel_loop3A_1243 : vector<16xi32>
      %parallel_loop3A_1245 = arith.addi %parallel_loop3A_1244, %iota3A : vector<16xi32>
      %parallel_loop3A_1246 = arith.subf %parallel_loop3A_1240, %parallel_loop3A_1235 : vector<16xf32>
      tpu.vector_store_idx %arg7[%parallel_loop3A_1245], %broadcast_in_dim3A_67 {add = true} : memref<4096xf32, #tpu.memory_space<vmem>>[vector<16xi32>], vector<16xf32>,
      %parallel_loop3A_1247 = arith.mulf %parallel_loop3A_1246, %parallel_loop3A_1246 : vector<16xf32>
      tpu.vector_store_idx %arg8[%parallel_loop3A_1245], %parallel_loop3A_1247 {add = true} : memref<4096xf32, #tpu.memory_space<vmem>>[vector<16xi32>], vector<16xf32>,
      %parallel_loop3A_1248 = arith.constant 0 : i32
      %parallel_loop3A_1249 = arith.index_cast %parallel_loop3A_1248 : i32 to index
      %parallel_loop3A_1250 = arith.index_cast %parallel_loop3A_1162 : i32 to index
      %parallel_loop3A_1251 = arith.constant 68 : index
      %parallel_loop3A_1252 = tpu.vector_load %arg6[%parallel_loop3A_1249, %parallel_loop3A_1250, %parallel_loop3A_1251] {strides = array<i32>} : memref<2x96x84xf32, #tpu.memory_space<vmem>>, vector<16xf32>,
      %parallel_loop3A_1253 = arith.constant 0 : i32
      %parallel_loop3A_1254 = arith.index_cast %parallel_loop3A_1253 : i32 to index
      %parallel_loop3A_1255 = arith.index_cast %parallel_loop3A_1162 : i32 to index
      %parallel_loop3A_1256 = arith.constant 68 : index
      %parallel_loop3A_1257 = tpu.vector_load %arg5[%parallel_loop3A_1254, %parallel_loop3A_1255, %parallel_loop3A_1256] {strides = array<i32>} : memref<2x96x84xf32, #tpu.memory_space<vmem>>, vector<16xf32>,
      %parallel_loop3A_1258 = arith.fptosi %parallel_loop3A_1252 : vector<16xf32> to vector<16xi32>
      %parallel_loop3A_1259 = arith.constant 16 : i32
      %parallel_loop3A_1260 = vector.broadcast %parallel_loop3A_1259 : i32 to vector<16xi32>
      %parallel_loop3A_1261 = arith.muli %parallel_loop3A_1258, %parallel_loop3A_1260 : vector<16xi32>
      %parallel_loop3A_1262 = arith.addi %parallel_loop3A_1261, %iota3A : vector<16xi32>
      %parallel_loop3A_1263 = arith.subf %parallel_loop3A_1257, %parallel_loop3A_1252 : vector<16xf32>
      tpu.vector_store_idx %arg7[%parallel_loop3A_1262], %broadcast_in_dim3A_67 masked %ge3A_69 {add = true} : memref<4096xf32, #tpu.memory_space<vmem>>[vector<16xi32>], vector<16xf32>, vector<16xi1>
      %parallel_loop3A_1264 = arith.mulf %parallel_loop3A_1263, %parallel_loop3A_1263 : vector<16xf32>
      tpu.vector_store_idx %arg8[%parallel_loop3A_1262], %parallel_loop3A_1264 masked %ge3A_69 {add = true} : memref<4096xf32, #tpu.memory_space<vmem>>[vector<16xi32>], vector<16xf32>, vector<16xi1>
    } {sc.loop_unroll_factor = 2 : i64, sc.parallel_access}
    %add3A_1084 = arith.constant 672 : i32
    %add3A_1085 = arith.addi %mul3A_2, %add3A_1084 : i32
    %jit3A_1086 = arith.constant 192 : i32
    %div3A_1087 = arith.divsi %add3A_1085, %jit3A_1086 : i32
    %sign3A_1088 = arith.constant 0 : i32
    %sign3A_1089 = arith.cmpi sgt, %add3A_1085, %sign3A_1088 : i32
    %sign3A_1090 = arith.extui %sign3A_1089 : i1 to i32
    %sign3A_1091 = arith.constant 0 : i32
    %sign3A_1092 = arith.cmpi slt, %add3A_1085, %sign3A_1091 : i32
    %sign3A_1093 = arith.extui %sign3A_1092 : i1 to i32
    %sign3A_1094 = arith.subi %sign3A_1090, %sign3A_1093 : i32
    %sign3A_1095 = arith.constant 0 : i32
    %sign3A_1096 = arith.cmpi sgt, %jit3A_1086, %sign3A_1095 : i32
    %sign3A_1097 = arith.extui %sign3A_1096 : i1 to i32
    %sign3A_1098 = arith.constant 0 : i32
    %sign3A_1099 = arith.cmpi slt, %jit3A_1086, %sign3A_1098 : i32
    %sign3A_1100 = arith.extui %sign3A_1099 : i1 to i32
    %sign3A_1101 = arith.subi %sign3A_1097, %sign3A_1100 : i32
    %ne3A_1102 = arith.cmpi ne, %sign3A_1094, %sign3A_1101 : i32
    %rem3A_1103 = arith.remsi %add3A_1085, %jit3A_1086 : i32
    %ne3A_1104 = arith.constant 0 : i32
    %ne3A_1105 = arith.cmpi ne, %rem3A_1103, %ne3A_1104 : i32
    %and3A_1106 = arith.andi %ne3A_1102, %ne3A_1105 : i1
    %sub3A_1107 = arith.constant 1 : i32
    %sub3A_1108 = arith.subi %div3A_1087, %sub3A_1107 : i32
    %select_n3A_1109 = arith.select %and3A_1106, %sub3A_1108, %div3A_1087 : i32
    %jit3A_1110 = arith.constant 192 : i32
    %eq3A_1111 = arith.constant 0 : i32
    %eq3A_1112 = arith.cmpi eq, %jit3A_1110, %eq3A_1111 : i32
    %jit3A_1113 = arith.constant 1 : i32
    %select_n3A_1114 = arith.select %eq3A_1112, %jit3A_1113, %jit3A_1110 : i32
    %rem3A_1115 = arith.remsi %add3A_1085, %select_n3A_1114 : i32
    %ne3A_1116 = arith.constant 0 : i32
    %ne3A_1117 = arith.cmpi ne, %rem3A_1115, %ne3A_1116 : i32
    %lt3A_1118 = arith.constant 0 : i32
    %lt3A_1119 = arith.cmpi slt, %rem3A_1115, %lt3A_1118 : i32
    %lt3A_1120 = arith.constant 0 : i32
    %lt3A_1121 = arith.cmpi slt, %select_n3A_1114, %lt3A_1120 : i32
    %ne3A_1122 = arith.xori %lt3A_1119, %lt3A_1121 : i1
    %and3A_1123 = arith.andi %ne3A_1122, %ne3A_1117 : i1
    %add3A_1124 = arith.addi %rem3A_1115, %select_n3A_1114 : i32
    %select_n3A_1125 = arith.select %and3A_1123, %add3A_1124, %rem3A_1115 : i32
    %dma_wait3A_1126 = arith.constant 0 : i32
    %dma_wait3A_1127 = arith.constant 1 : i32
    %dma_wait3A_1128 = arith.constant 0 : i32
    %dma_wait3A_1129 = arith.constant 0 : i32
    %dma_wait3A_1130 = tpu.memref_slice %arg5[%dma_wait3A_1127, %dma_wait3A_1128, %dma_wait3A_1129] : memref<2x96x84xf32, #tpu.memory_space<vmem>> -> memref<1x96x84xf32, #tpu.memory_space<vmem>>
    %dma_wait3A_1131 = tpu.memref_squeeze %dma_wait3A_1130 : memref<1x96x84xf32, #tpu.memory_space<vmem>> -> memref<96x84xf32, #tpu.memory_space<vmem>>
    %dma_wait3A_1132 = arith.constant 0 : i32
    %dma_wait3A_1133 = tpu.memref_slice %arg2[%select_n3A_1109, %dma_wait3A_1126, %select_n3A_1125, %dma_wait3A_1132] : memref<128x1x192x84xf32, #tpu.memory_space<hbm>> -> memref<1x1x96x84xf32, #tpu.memory_space<hbm>>
    %dma_wait3A_1134 = tpu.memref_squeeze %dma_wait3A_1133 : memref<1x1x96x84xf32, #tpu.memory_space<hbm>> -> memref<96x84xf32, #tpu.memory_space<hbm>>
    %dma_wait3A_1135 = arith.constant 0 : i32
    %dma_wait3A_1136 = arith.constant 0 : i32
    %dma_wait3A_1137 = tpu.memref_slice %arg5[%dma_wait3A_1127, %dma_wait3A_1135, %dma_wait3A_1136] : memref<2x96x84xf32, #tpu.memory_space<vmem>> -> memref<1x96x84xf32, #tpu.memory_space<vmem>>
    %dma_wait3A_1138 = tpu.memref_squeeze %dma_wait3A_1137 : memref<1x96x84xf32, #tpu.memory_space<vmem>> -> memref<96x84xf32, #tpu.memory_space<vmem>>
    %dma_wait3A_1139 = arith.constant 0 : i32
    %dma_wait3A_1140 = tpu.memref_slice %arg2[%select_n3A_1109, %dma_wait3A_1126, %select_n3A_1125, %dma_wait3A_1139] : memref<128x1x192x84xf32, #tpu.memory_space<hbm>> -> memref<1x1x96x84xf32, #tpu.memory_space<hbm>>
    %dma_wait3A_1141 = tpu.memref_squeeze %dma_wait3A_1140 : memref<1x1x96x84xf32, #tpu.memory_space<hbm>> -> memref<96x84xf32, #tpu.memory_space<hbm>>
    tpu.wait_dma2 semaphore(%arg12 : memref<!tpu.dma_semaphore, #tpu.memory_space<semaphore_mem>>) src(%dma_wait3A_1141 : memref<96x84xf32, #tpu.memory_space<hbm>>) dst(%dma_wait3A_1138 : memref<96x84xf32, #tpu.memory_space<vmem>>)
    %dma_wait3A_1142 = arith.constant 1 : i32
    %dma_wait3A_1143 = arith.constant 0 : i32
    %dma_wait3A_1144 = arith.constant 0 : i32
    %dma_wait3A_1145 = tpu.memref_slice %arg6[%dma_wait3A_1142, %dma_wait3A_1143, %dma_wait3A_1144] : memref<2x96x84xf32, #tpu.memory_space<vmem>> -> memref<1x96x84xf32, #tpu.memory_space<vmem>>
    %dma_wait3A_1146 = tpu.memref_squeeze %dma_wait3A_1145 : memref<1x96x84xf32, #tpu.memory_space<vmem>> -> memref<96x84xf32, #tpu.memory_space<vmem>>
    %dma_wait3A_1147 = arith.constant 0 : i32
    %dma_wait3A_1148 = tpu.memref_slice %arg3[%add3A_1085, %dma_wait3A_1147] : memref<24576x84xf32, #tpu.memory_space<hbm>> -> memref<96x84xf32, #tpu.memory_space<hbm>>
    %dma_wait3A_1149 = arith.constant 0 : i32
    %dma_wait3A_1150 = arith.constant 0 : i32
    %dma_wait3A_1151 = tpu.memref_slice %arg6[%dma_wait3A_1142, %dma_wait3A_1149, %dma_wait3A_1150] : memref<2x96x84xf32, #tpu.memory_space<vmem>> -> memref<1x96x84xf32, #tpu.memory_space<vmem>>
    %dma_wait3A_1152 = tpu.memref_squeeze %dma_wait3A_1151 : memref<1x96x84xf32, #tpu.memory_space<vmem>> -> memref<96x84xf32, #tpu.memory_space<vmem>>
    %dma_wait3A_1153 = arith.constant 0 : i32
    %dma_wait3A_1154 = tpu.memref_slice %arg3[%add3A_1085, %dma_wait3A_1153] : memref<24576x84xf32, #tpu.memory_space<hbm>> -> memref<96x84xf32, #tpu.memory_space<hbm>>
    tpu.wait_dma2 semaphore(%arg12 : memref<!tpu.dma_semaphore, #tpu.memory_space<semaphore_mem>>) src(%dma_wait3A_1154 : memref<96x84xf32, #tpu.memory_space<hbm>>) dst(%dma_wait3A_1152 : memref<96x84xf32, #tpu.memory_space<vmem>>)
    %parallel_loop3A_1155 = arith.constant 0 : i32
    %parallel_loop3A_1156 = arith.constant 96 : i32
    %parallel_loop3A_1157 = arith.constant 1 : i32
    scf.for %parallel_loop3A_1162 = %parallel_loop3A_1155 to %parallel_loop3A_1156 step %parallel_loop3A_1157  : i32 {
      %parallel_loop3A_1163 = arith.constant 1 : i32
      %parallel_loop3A_1164 = arith.index_cast %parallel_loop3A_1163 : i32 to index
      %parallel_loop3A_1165 = arith.index_cast %parallel_loop3A_1162 : i32 to index
      %parallel_loop3A_1166 = arith.constant 0 : index
      %parallel_loop3A_1167 = tpu.vector_load %arg6[%parallel_loop3A_1164, %parallel_loop3A_1165, %parallel_loop3A_1166] {strides = array<i32>} : memref<2x96x84xf32, #tpu.memory_space<vmem>>, vector<16xf32>,
      %parallel_loop3A_1168 = arith.constant 1 : i32
      %parallel_loop3A_1169 = arith.index_cast %parallel_loop3A_1168 : i32 to index
      %parallel_loop3A_1170 = arith.index_cast %parallel_loop3A_1162 : i32 to index
      %parallel_loop3A_1171 = arith.constant 0 : index
      %parallel_loop3A_1172 = tpu.vector_load %arg5[%parallel_loop3A_1169, %parallel_loop3A_1170, %parallel_loop3A_1171] {strides = array<i32>} : memref<2x96x84xf32, #tpu.memory_space<vmem>>, vector<16xf32>,
      %parallel_loop3A_1173 = arith.fptosi %parallel_loop3A_1167 : vector<16xf32> to vector<16xi32>
      %parallel_loop3A_1174 = arith.constant 16 : i32
      %parallel_loop3A_1175 = vector.broadcast %parallel_loop3A_1174 : i32 to vector<16xi32>
      %parallel_loop3A_1176 = arith.muli %parallel_loop3A_1173, %parallel_loop3A_1175 : vector<16xi32>
      %parallel_loop3A_1177 = arith.addi %parallel_loop3A_1176, %iota3A : vector<16xi32>
      %parallel_loop3A_1178 = arith.subf %parallel_loop3A_1172, %parallel_loop3A_1167 : vector<16xf32>
      tpu.vector_store_idx %arg7[%parallel_loop3A_1177], %broadcast_in_dim3A_67 {add = true} : memref<4096xf32, #tpu.memory_space<vmem>>[vector<16xi32>], vector<16xf32>,
      %parallel_loop3A_1179 = arith.mulf %parallel_loop3A_1178, %parallel_loop3A_1178 : vector<16xf32>
      tpu.vector_store_idx %arg8[%parallel_loop3A_1177], %parallel_loop3A_1179 {add = true} : memref<4096xf32, #tpu.memory_space<vmem>>[vector<16xi32>], vector<16xf32>,
      %parallel_loop3A_1180 = arith.constant 1 : i32
      %parallel_loop3A_1181 = arith.index_cast %parallel_loop3A_1180 : i32 to index
      %parallel_loop3A_1182 = arith.index_cast %parallel_loop3A_1162 : i32 to index
      %parallel_loop3A_1183 = arith.constant 16 : index
      %parallel_loop3A_1184 = tpu.vector_load %arg6[%parallel_loop3A_1181, %parallel_loop3A_1182, %parallel_loop3A_1183] {strides = array<i32>} : memref<2x96x84xf32, #tpu.memory_space<vmem>>, vector<16xf32>,
      %parallel_loop3A_1185 = arith.constant 1 : i32
      %parallel_loop3A_1186 = arith.index_cast %parallel_loop3A_1185 : i32 to index
      %parallel_loop3A_1187 = arith.index_cast %parallel_loop3A_1162 : i32 to index
      %parallel_loop3A_1188 = arith.constant 16 : index
      %parallel_loop3A_1189 = tpu.vector_load %arg5[%parallel_loop3A_1186, %parallel_loop3A_1187, %parallel_loop3A_1188] {strides = array<i32>} : memref<2x96x84xf32, #tpu.memory_space<vmem>>, vector<16xf32>,
      %parallel_loop3A_1190 = arith.fptosi %parallel_loop3A_1184 : vector<16xf32> to vector<16xi32>
      %parallel_loop3A_1191 = arith.constant 16 : i32
      %parallel_loop3A_1192 = vector.broadcast %parallel_loop3A_1191 : i32 to vector<16xi32>
      %parallel_loop3A_1193 = arith.muli %parallel_loop3A_1190, %parallel_loop3A_1192 : vector<16xi32>
      %parallel_loop3A_1194 = arith.addi %parallel_loop3A_1193, %iota3A : vector<16xi32>
      %parallel_loop3A_1195 = arith.subf %parallel_loop3A_1189, %parallel_loop3A_1184 : vector<16xf32>
      tpu.vector_store_idx %arg7[%parallel_loop3A_1194], %broadcast_in_dim3A_67 {add = true} : memref<4096xf32, #tpu.memory_space<vmem>>[vector<16xi32>], vector<16xf32>,
      %parallel_loop3A_1196 = arith.mulf %parallel_loop3A_1195, %parallel_loop3A_1195 : vector<16xf32>
      tpu.vector_store_idx %arg8[%parallel_loop3A_1194], %parallel_loop3A_1196 {add = true} : memref<4096xf32, #tpu.memory_space<vmem>>[vector<16xi32>], vector<16xf32>,
      %parallel_loop3A_1197 = arith.constant 1 : i32
      %parallel_loop3A_1198 = arith.index_cast %parallel_loop3A_1197 : i32 to index
      %parallel_loop3A_1199 = arith.index_cast %parallel_loop3A_1162 : i32 to index
      %parallel_loop3A_1200 = arith.constant 32 : index
      %parallel_loop3A_1201 = tpu.vector_load %arg6[%parallel_loop3A_1198, %parallel_loop3A_1199, %parallel_loop3A_1200] {strides = array<i32>} : memref<2x96x84xf32, #tpu.memory_space<vmem>>, vector<16xf32>,
      %parallel_loop3A_1202 = arith.constant 1 : i32
      %parallel_loop3A_1203 = arith.index_cast %parallel_loop3A_1202 : i32 to index
      %parallel_loop3A_1204 = arith.index_cast %parallel_loop3A_1162 : i32 to index
      %parallel_loop3A_1205 = arith.constant 32 : index
      %parallel_loop3A_1206 = tpu.vector_load %arg5[%parallel_loop3A_1203, %parallel_loop3A_1204, %parallel_loop3A_1205] {strides = array<i32>} : memref<2x96x84xf32, #tpu.memory_space<vmem>>, vector<16xf32>,
      %parallel_loop3A_1207 = arith.fptosi %parallel_loop3A_1201 : vector<16xf32> to vector<16xi32>
      %parallel_loop3A_1208 = arith.constant 16 : i32
      %parallel_loop3A_1209 = vector.broadcast %parallel_loop3A_1208 : i32 to vector<16xi32>
      %parallel_loop3A_1210 = arith.muli %parallel_loop3A_1207, %parallel_loop3A_1209 : vector<16xi32>
      %parallel_loop3A_1211 = arith.addi %parallel_loop3A_1210, %iota3A : vector<16xi32>
      %parallel_loop3A_1212 = arith.subf %parallel_loop3A_1206, %parallel_loop3A_1201 : vector<16xf32>
      tpu.vector_store_idx %arg7[%parallel_loop3A_1211], %broadcast_in_dim3A_67 {add = true} : memref<4096xf32, #tpu.memory_space<vmem>>[vector<16xi32>], vector<16xf32>,
      %parallel_loop3A_1213 = arith.mulf %parallel_loop3A_1212, %parallel_loop3A_1212 : vector<16xf32>
      tpu.vector_store_idx %arg8[%parallel_loop3A_1211], %parallel_loop3A_1213 {add = true} : memref<4096xf32, #tpu.memory_space<vmem>>[vector<16xi32>], vector<16xf32>,
      %parallel_loop3A_1214 = arith.constant 1 : i32
      %parallel_loop3A_1215 = arith.index_cast %parallel_loop3A_1214 : i32 to index
      %parallel_loop3A_1216 = arith.index_cast %parallel_loop3A_1162 : i32 to index
      %parallel_loop3A_1217 = arith.constant 48 : index
      %parallel_loop3A_1218 = tpu.vector_load %arg6[%parallel_loop3A_1215, %parallel_loop3A_1216, %parallel_loop3A_1217] {strides = array<i32>} : memref<2x96x84xf32, #tpu.memory_space<vmem>>, vector<16xf32>,
      %parallel_loop3A_1219 = arith.constant 1 : i32
      %parallel_loop3A_1220 = arith.index_cast %parallel_loop3A_1219 : i32 to index
      %parallel_loop3A_1221 = arith.index_cast %parallel_loop3A_1162 : i32 to index
      %parallel_loop3A_1222 = arith.constant 48 : index
      %parallel_loop3A_1223 = tpu.vector_load %arg5[%parallel_loop3A_1220, %parallel_loop3A_1221, %parallel_loop3A_1222] {strides = array<i32>} : memref<2x96x84xf32, #tpu.memory_space<vmem>>, vector<16xf32>,
      %parallel_loop3A_1224 = arith.fptosi %parallel_loop3A_1218 : vector<16xf32> to vector<16xi32>
      %parallel_loop3A_1225 = arith.constant 16 : i32
      %parallel_loop3A_1226 = vector.broadcast %parallel_loop3A_1225 : i32 to vector<16xi32>
      %parallel_loop3A_1227 = arith.muli %parallel_loop3A_1224, %parallel_loop3A_1226 : vector<16xi32>
      %parallel_loop3A_1228 = arith.addi %parallel_loop3A_1227, %iota3A : vector<16xi32>
      %parallel_loop3A_1229 = arith.subf %parallel_loop3A_1223, %parallel_loop3A_1218 : vector<16xf32>
      tpu.vector_store_idx %arg7[%parallel_loop3A_1228], %broadcast_in_dim3A_67 {add = true} : memref<4096xf32, #tpu.memory_space<vmem>>[vector<16xi32>], vector<16xf32>,
      %parallel_loop3A_1230 = arith.mulf %parallel_loop3A_1229, %parallel_loop3A_1229 : vector<16xf32>
      tpu.vector_store_idx %arg8[%parallel_loop3A_1228], %parallel_loop3A_1230 {add = true} : memref<4096xf32, #tpu.memory_space<vmem>>[vector<16xi32>], vector<16xf32>,
      %parallel_loop3A_1231 = arith.constant 1 : i32
      %parallel_loop3A_1232 = arith.index_cast %parallel_loop3A_1231 : i32 to index
      %parallel_loop3A_1233 = arith.index_cast %parallel_loop3A_1162 : i32 to index
      %parallel_loop3A_1234 = arith.constant 64 : index
      %parallel_loop3A_1235 = tpu.vector_load %arg6[%parallel_loop3A_1232, %parallel_loop3A_1233, %parallel_loop3A_1234] {strides = array<i32>} : memref<2x96x84xf32, #tpu.memory_space<vmem>>, vector<16xf32>,
      %parallel_loop3A_1236 = arith.constant 1 : i32
      %parallel_loop3A_1237 = arith.index_cast %parallel_loop3A_1236 : i32 to index
      %parallel_loop3A_1238 = arith.index_cast %parallel_loop3A_1162 : i32 to index
      %parallel_loop3A_1239 = arith.constant 64 : index
      %parallel_loop3A_1240 = tpu.vector_load %arg5[%parallel_loop3A_1237, %parallel_loop3A_1238, %parallel_loop3A_1239] {strides = array<i32>} : memref<2x96x84xf32, #tpu.memory_space<vmem>>, vector<16xf32>,
      %parallel_loop3A_1241 = arith.fptosi %parallel_loop3A_1235 : vector<16xf32> to vector<16xi32>
      %parallel_loop3A_1242 = arith.constant 16 : i32
      %parallel_loop3A_1243 = vector.broadcast %parallel_loop3A_1242 : i32 to vector<16xi32>
      %parallel_loop3A_1244 = arith.muli %parallel_loop3A_1241, %parallel_loop3A_1243 : vector<16xi32>
      %parallel_loop3A_1245 = arith.addi %parallel_loop3A_1244, %iota3A : vector<16xi32>
      %parallel_loop3A_1246 = arith.subf %parallel_loop3A_1240, %parallel_loop3A_1235 : vector<16xf32>
      tpu.vector_store_idx %arg7[%parallel_loop3A_1245], %broadcast_in_dim3A_67 {add = true} : memref<4096xf32, #tpu.memory_space<vmem>>[vector<16xi32>], vector<16xf32>,
      %parallel_loop3A_1247 = arith.mulf %parallel_loop3A_1246, %parallel_loop3A_1246 : vector<16xf32>
      tpu.vector_store_idx %arg8[%parallel_loop3A_1245], %parallel_loop3A_1247 {add = true} : memref<4096xf32, #tpu.memory_space<vmem>>[vector<16xi32>], vector<16xf32>,
      %parallel_loop3A_1248 = arith.constant 1 : i32
      %parallel_loop3A_1249 = arith.index_cast %parallel_loop3A_1248 : i32 to index
      %parallel_loop3A_1250 = arith.index_cast %parallel_loop3A_1162 : i32 to index
      %parallel_loop3A_1251 = arith.constant 68 : index
      %parallel_loop3A_1252 = tpu.vector_load %arg6[%parallel_loop3A_1249, %parallel_loop3A_1250, %parallel_loop3A_1251] {strides = array<i32>} : memref<2x96x84xf32, #tpu.memory_space<vmem>>, vector<16xf32>,
      %parallel_loop3A_1253 = arith.constant 1 : i32
      %parallel_loop3A_1254 = arith.index_cast %parallel_loop3A_1253 : i32 to index
      %parallel_loop3A_1255 = arith.index_cast %parallel_loop3A_1162 : i32 to index
      %parallel_loop3A_1256 = arith.constant 68 : index
      %parallel_loop3A_1257 = tpu.vector_load %arg5[%parallel_loop3A_1254, %parallel_loop3A_1255, %parallel_loop3A_1256] {strides = array<i32>} : memref<2x96x84xf32, #tpu.memory_space<vmem>>, vector<16xf32>,
      %parallel_loop3A_1258 = arith.fptosi %parallel_loop3A_1252 : vector<16xf32> to vector<16xi32>
      %parallel_loop3A_1259 = arith.constant 16 : i32
      %parallel_loop3A_1260 = vector.broadcast %parallel_loop3A_1259 : i32 to vector<16xi32>
      %parallel_loop3A_1261 = arith.muli %parallel_loop3A_1258, %parallel_loop3A_1260 : vector<16xi32>
      %parallel_loop3A_1262 = arith.addi %parallel_loop3A_1261, %iota3A : vector<16xi32>
      %parallel_loop3A_1263 = arith.subf %parallel_loop3A_1257, %parallel_loop3A_1252 : vector<16xf32>
      tpu.vector_store_idx %arg7[%parallel_loop3A_1262], %broadcast_in_dim3A_67 masked %ge3A_69 {add = true} : memref<4096xf32, #tpu.memory_space<vmem>>[vector<16xi32>], vector<16xf32>, vector<16xi1>
      %parallel_loop3A_1264 = arith.mulf %parallel_loop3A_1263, %parallel_loop3A_1263 : vector<16xf32>
      tpu.vector_store_idx %arg8[%parallel_loop3A_1262], %parallel_loop3A_1264 masked %ge3A_69 {add = true} : memref<4096xf32, #tpu.memory_space<vmem>>[vector<16xi32>], vector<16xf32>, vector<16xi1>
    } {sc.loop_unroll_factor = 2 : i64, sc.parallel_access}
    %parallel_loop3A_1158 = arith.constant 0 : i32
    %parallel_loop3A_1159 = arith.constant 16 : i32
    %parallel_loop3A_1160 = arith.constant 1 : i32
    scf.for %parallel_loop3A_1162 = %parallel_loop3A_1158 to %parallel_loop3A_1159 step %parallel_loop3A_1160  : i32 {
      %parallel_loop3A_1163 = arith.constant 16 : i32
      %parallel_loop3A_1164 = arith.muli %parallel_loop3A_1162, %parallel_loop3A_1163 : i32
      %parallel_loop3A_1165 = arith.constant 16 : i32
      %parallel_loop3A_1166 = arith.muli %parallel_loop3A_1164, %parallel_loop3A_1165 : i32
      %parallel_loop3A_1167 = arith.constant 16 : i32
      %parallel_loop3A_1168 = vector.broadcast %parallel_loop3A_1167 : i32 to vector<16xi32>
      %parallel_loop3A_1169 = arith.muli %iota3A, %parallel_loop3A_1168 : vector<16xi32>
      %parallel_loop3A_1170 = vector.broadcast %parallel_loop3A_1166 : i32 to vector<16xi32>
      %parallel_loop3A_1171 = arith.addi %parallel_loop3A_1170, %parallel_loop3A_1169 : vector<16xi32>
      %parallel_loop3A_1172 = arith.constant 0 : i32
      %parallel_loop3A_1173 = vector.broadcast %parallel_loop3A_1172 : i32 to vector<16xi32>
      %parallel_loop3A_1174 = arith.addi %parallel_loop3A_1171, %parallel_loop3A_1173 : vector<16xi32>
      %parallel_loop3A_1175 = tpu.vector_load_idx %arg7[%parallel_loop3A_1174] : memref<4096xf32, #tpu.memory_space<vmem>>[vector<16xi32>], vector<16xf32>,
      %parallel_loop3A_1176 = arith.addf %broadcast_in_dim3A_3, %parallel_loop3A_1175 : vector<16xf32>
      %parallel_loop3A_1177 = tpu.vector_load_idx %arg8[%parallel_loop3A_1174] : memref<4096xf32, #tpu.memory_space<vmem>>[vector<16xi32>], vector<16xf32>,
      %parallel_loop3A_1178 = arith.addf %broadcast_in_dim3A_3, %parallel_loop3A_1177 : vector<16xf32>
      %parallel_loop3A_1179 = arith.constant 16 : i32
      %parallel_loop3A_1180 = vector.broadcast %parallel_loop3A_1179 : i32 to vector<16xi32>
      %parallel_loop3A_1181 = arith.muli %iota3A, %parallel_loop3A_1180 : vector<16xi32>
      %parallel_loop3A_1182 = vector.broadcast %parallel_loop3A_1166 : i32 to vector<16xi32>
      %parallel_loop3A_1183 = arith.addi %parallel_loop3A_1182, %parallel_loop3A_1181 : vector<16xi32>
      %parallel_loop3A_1184 = arith.constant 1 : i32
      %parallel_loop3A_1185 = vector.broadcast %parallel_loop3A_1184 : i32 to vector<16xi32>
      %parallel_loop3A_1186 = arith.addi %parallel_loop3A_1183, %parallel_loop3A_1185 : vector<16xi32>
      %parallel_loop3A_1187 = tpu.vector_load_idx %arg7[%parallel_loop3A_1186] : memref<4096xf32, #tpu.memory_space<vmem>>[vector<16xi32>], vector<16xf32>,
      %parallel_loop3A_1188 = arith.addf %parallel_loop3A_1176, %parallel_loop3A_1187 : vector<16xf32>
      %parallel_loop3A_1189 = tpu.vector_load_idx %arg8[%parallel_loop3A_1186] : memref<4096xf32, #tpu.memory_space<vmem>>[vector<16xi32>], vector<16xf32>,
      %parallel_loop3A_1190 = arith.addf %parallel_loop3A_1178, %parallel_loop3A_1189 : vector<16xf32>
      %parallel_loop3A_1191 = arith.constant 16 : i32
      %parallel_loop3A_1192 = vector.broadcast %parallel_loop3A_1191 : i32 to vector<16xi32>
      %parallel_loop3A_1193 = arith.muli %iota3A, %parallel_loop3A_1192 : vector<16xi32>
      %parallel_loop3A_1194 = vector.broadcast %parallel_loop3A_1166 : i32 to vector<16xi32>
      %parallel_loop3A_1195 = arith.addi %parallel_loop3A_1194, %parallel_loop3A_1193 : vector<16xi32>
      %parallel_loop3A_1196 = arith.constant 2 : i32
      %parallel_loop3A_1197 = vector.broadcast %parallel_loop3A_1196 : i32 to vector<16xi32>
      %parallel_loop3A_1198 = arith.addi %parallel_loop3A_1195, %parallel_loop3A_1197 : vector<16xi32>
      %parallel_loop3A_1199 = tpu.vector_load_idx %arg7[%parallel_loop3A_1198] : memref<4096xf32, #tpu.memory_space<vmem>>[vector<16xi32>], vector<16xf32>,
      %parallel_loop3A_1200 = arith.addf %parallel_loop3A_1188, %parallel_loop3A_1199 : vector<16xf32>
      %parallel_loop3A_1201 = tpu.vector_load_idx %arg8[%parallel_loop3A_1198] : memref<4096xf32, #tpu.memory_space<vmem>>[vector<16xi32>], vector<16xf32>,
      %parallel_loop3A_1202 = arith.addf %parallel_loop3A_1190, %parallel_loop3A_1201 : vector<16xf32>
      %parallel_loop3A_1203 = arith.constant 16 : i32
      %parallel_loop3A_1204 = vector.broadcast %parallel_loop3A_1203 : i32 to vector<16xi32>
      %parallel_loop3A_1205 = arith.muli %iota3A, %parallel_loop3A_1204 : vector<16xi32>
      %parallel_loop3A_1206 = vector.broadcast %parallel_loop3A_1166 : i32 to vector<16xi32>
      %parallel_loop3A_1207 = arith.addi %parallel_loop3A_1206, %parallel_loop3A_1205 : vector<16xi32>
      %parallel_loop3A_1208 = arith.constant 3 : i32
      %parallel_loop3A_1209 = vector.broadcast %parallel_loop3A_1208 : i32 to vector<16xi32>
      %parallel_loop3A_1210 = arith.addi %parallel_loop3A_1207, %parallel_loop3A_1209 : vector<16xi32>
      %parallel_loop3A_1211 = tpu.vector_load_idx %arg7[%parallel_loop3A_1210] : memref<4096xf32, #tpu.memory_space<vmem>>[vector<16xi32>], vector<16xf32>,
      %parallel_loop3A_1212 = arith.addf %parallel_loop3A_1200, %parallel_loop3A_1211 : vector<16xf32>
      %parallel_loop3A_1213 = tpu.vector_load_idx %arg8[%parallel_loop3A_1210] : memref<4096xf32, #tpu.memory_space<vmem>>[vector<16xi32>], vector<16xf32>,
      %parallel_loop3A_1214 = arith.addf %parallel_loop3A_1202, %parallel_loop3A_1213 : vector<16xf32>
      %parallel_loop3A_1215 = arith.constant 16 : i32
      %parallel_loop3A_1216 = vector.broadcast %parallel_loop3A_1215 : i32 to vector<16xi32>
      %parallel_loop3A_1217 = arith.muli %iota3A, %parallel_loop3A_1216 : vector<16xi32>
      %parallel_loop3A_1218 = vector.broadcast %parallel_loop3A_1166 : i32 to vector<16xi32>
      %parallel_loop3A_1219 = arith.addi %parallel_loop3A_1218, %parallel_loop3A_1217 : vector<16xi32>
      %parallel_loop3A_1220 = arith.constant 4 : i32
      %parallel_loop3A_1221 = vector.broadcast %parallel_loop3A_1220 : i32 to vector<16xi32>
      %parallel_loop3A_1222 = arith.addi %parallel_loop3A_1219, %parallel_loop3A_1221 : vector<16xi32>
      %parallel_loop3A_1223 = tpu.vector_load_idx %arg7[%parallel_loop3A_1222] : memref<4096xf32, #tpu.memory_space<vmem>>[vector<16xi32>], vector<16xf32>,
      %parallel_loop3A_1224 = arith.addf %parallel_loop3A_1212, %parallel_loop3A_1223 : vector<16xf32>
      %parallel_loop3A_1225 = tpu.vector_load_idx %arg8[%parallel_loop3A_1222] : memref<4096xf32, #tpu.memory_space<vmem>>[vector<16xi32>], vector<16xf32>,
      %parallel_loop3A_1226 = arith.addf %parallel_loop3A_1214, %parallel_loop3A_1225 : vector<16xf32>
      %parallel_loop3A_1227 = arith.constant 16 : i32
      %parallel_loop3A_1228 = vector.broadcast %parallel_loop3A_1227 : i32 to vector<16xi32>
      %parallel_loop3A_1229 = arith.muli %iota3A, %parallel_loop3A_1228 : vector<16xi32>
      %parallel_loop3A_1230 = vector.broadcast %parallel_loop3A_1166 : i32 to vector<16xi32>
      %parallel_loop3A_1231 = arith.addi %parallel_loop3A_1230, %parallel_loop3A_1229 : vector<16xi32>
      %parallel_loop3A_1232 = arith.constant 5 : i32
      %parallel_loop3A_1233 = vector.broadcast %parallel_loop3A_1232 : i32 to vector<16xi32>
      %parallel_loop3A_1234 = arith.addi %parallel_loop3A_1231, %parallel_loop3A_1233 : vector<16xi32>
      %parallel_loop3A_1235 = tpu.vector_load_idx %arg7[%parallel_loop3A_1234] : memref<4096xf32, #tpu.memory_space<vmem>>[vector<16xi32>], vector<16xf32>,
      %parallel_loop3A_1236 = arith.addf %parallel_loop3A_1224, %parallel_loop3A_1235 : vector<16xf32>
      %parallel_loop3A_1237 = tpu.vector_load_idx %arg8[%parallel_loop3A_1234] : memref<4096xf32, #tpu.memory_space<vmem>>[vector<16xi32>], vector<16xf32>,
      %parallel_loop3A_1238 = arith.addf %parallel_loop3A_1226, %parallel_loop3A_1237 : vector<16xf32>
      %parallel_loop3A_1239 = arith.constant 16 : i32
      %parallel_loop3A_1240 = vector.broadcast %parallel_loop3A_1239 : i32 to vector<16xi32>
      %parallel_loop3A_1241 = arith.muli %iota3A, %parallel_loop3A_1240 : vector<16xi32>
      %parallel_loop3A_1242 = vector.broadcast %parallel_loop3A_1166 : i32 to vector<16xi32>
      %parallel_loop3A_1243 = arith.addi %parallel_loop3A_1242, %parallel_loop3A_1241 : vector<16xi32>
      %parallel_loop3A_1244 = arith.constant 6 : i32
      %parallel_loop3A_1245 = vector.broadcast %parallel_loop3A_1244 : i32 to vector<16xi32>
      %parallel_loop3A_1246 = arith.addi %parallel_loop3A_1243, %parallel_loop3A_1245 : vector<16xi32>
      %parallel_loop3A_1247 = tpu.vector_load_idx %arg7[%parallel_loop3A_1246] : memref<4096xf32, #tpu.memory_space<vmem>>[vector<16xi32>], vector<16xf32>,
      %parallel_loop3A_1248 = arith.addf %parallel_loop3A_1236, %parallel_loop3A_1247 : vector<16xf32>
      %parallel_loop3A_1249 = tpu.vector_load_idx %arg8[%parallel_loop3A_1246] : memref<4096xf32, #tpu.memory_space<vmem>>[vector<16xi32>], vector<16xf32>,
      %parallel_loop3A_1250 = arith.addf %parallel_loop3A_1238, %parallel_loop3A_1249 : vector<16xf32>
      %parallel_loop3A_1251 = arith.constant 16 : i32
      %parallel_loop3A_1252 = vector.broadcast %parallel_loop3A_1251 : i32 to vector<16xi32>
      %parallel_loop3A_1253 = arith.muli %iota3A, %parallel_loop3A_1252 : vector<16xi32>
      %parallel_loop3A_1254 = vector.broadcast %parallel_loop3A_1166 : i32 to vector<16xi32>
      %parallel_loop3A_1255 = arith.addi %parallel_loop3A_1254, %parallel_loop3A_1253 : vector<16xi32>
      %parallel_loop3A_1256 = arith.constant 7 : i32
      %parallel_loop3A_1257 = vector.broadcast %parallel_loop3A_1256 : i32 to vector<16xi32>
      %parallel_loop3A_1258 = arith.addi %parallel_loop3A_1255, %parallel_loop3A_1257 : vector<16xi32>
      %parallel_loop3A_1259 = tpu.vector_load_idx %arg7[%parallel_loop3A_1258] : memref<4096xf32, #tpu.memory_space<vmem>>[vector<16xi32>], vector<16xf32>,
      %parallel_loop3A_1260 = arith.addf %parallel_loop3A_1248, %parallel_loop3A_1259 : vector<16xf32>
      %parallel_loop3A_1261 = tpu.vector_load_idx %arg8[%parallel_loop3A_1258] : memref<4096xf32, #tpu.memory_space<vmem>>[vector<16xi32>], vector<16xf32>,
      %parallel_loop3A_1262 = arith.addf %parallel_loop3A_1250, %parallel_loop3A_1261 : vector<16xf32>
      %parallel_loop3A_1263 = arith.constant 16 : i32
      %parallel_loop3A_1264 = vector.broadcast %parallel_loop3A_1263 : i32 to vector<16xi32>
      %parallel_loop3A_1265 = arith.muli %iota3A, %parallel_loop3A_1264 : vector<16xi32>
      %parallel_loop3A_1266 = vector.broadcast %parallel_loop3A_1166 : i32 to vector<16xi32>
      %parallel_loop3A_1267 = arith.addi %parallel_loop3A_1266, %parallel_loop3A_1265 : vector<16xi32>
      %parallel_loop3A_1268 = arith.constant 8 : i32
      %parallel_loop3A_1269 = vector.broadcast %parallel_loop3A_1268 : i32 to vector<16xi32>
      %parallel_loop3A_1270 = arith.addi %parallel_loop3A_1267, %parallel_loop3A_1269 : vector<16xi32>
      %parallel_loop3A_1271 = tpu.vector_load_idx %arg7[%parallel_loop3A_1270] : memref<4096xf32, #tpu.memory_space<vmem>>[vector<16xi32>], vector<16xf32>,
      %parallel_loop3A_1272 = arith.addf %parallel_loop3A_1260, %parallel_loop3A_1271 : vector<16xf32>
      %parallel_loop3A_1273 = tpu.vector_load_idx %arg8[%parallel_loop3A_1270] : memref<4096xf32, #tpu.memory_space<vmem>>[vector<16xi32>], vector<16xf32>,
      %parallel_loop3A_1274 = arith.addf %parallel_loop3A_1262, %parallel_loop3A_1273 : vector<16xf32>
      %parallel_loop3A_1275 = arith.constant 16 : i32
      %parallel_loop3A_1276 = vector.broadcast %parallel_loop3A_1275 : i32 to vector<16xi32>
      %parallel_loop3A_1277 = arith.muli %iota3A, %parallel_loop3A_1276 : vector<16xi32>
      %parallel_loop3A_1278 = vector.broadcast %parallel_loop3A_1166 : i32 to vector<16xi32>
      %parallel_loop3A_1279 = arith.addi %parallel_loop3A_1278, %parallel_loop3A_1277 : vector<16xi32>
      %parallel_loop3A_1280 = arith.constant 9 : i32
      %parallel_loop3A_1281 = vector.broadcast %parallel_loop3A_1280 : i32 to vector<16xi32>
      %parallel_loop3A_1282 = arith.addi %parallel_loop3A_1279, %parallel_loop3A_1281 : vector<16xi32>
      %parallel_loop3A_1283 = tpu.vector_load_idx %arg7[%parallel_loop3A_1282] : memref<4096xf32, #tpu.memory_space<vmem>>[vector<16xi32>], vector<16xf32>,
      %parallel_loop3A_1284 = arith.addf %parallel_loop3A_1272, %parallel_loop3A_1283 : vector<16xf32>
      %parallel_loop3A_1285 = tpu.vector_load_idx %arg8[%parallel_loop3A_1282] : memref<4096xf32, #tpu.memory_space<vmem>>[vector<16xi32>], vector<16xf32>,
      %parallel_loop3A_1286 = arith.addf %parallel_loop3A_1274, %parallel_loop3A_1285 : vector<16xf32>
      %parallel_loop3A_1287 = arith.constant 16 : i32
      %parallel_loop3A_1288 = vector.broadcast %parallel_loop3A_1287 : i32 to vector<16xi32>
      %parallel_loop3A_1289 = arith.muli %iota3A, %parallel_loop3A_1288 : vector<16xi32>
      %parallel_loop3A_1290 = vector.broadcast %parallel_loop3A_1166 : i32 to vector<16xi32>
      %parallel_loop3A_1291 = arith.addi %parallel_loop3A_1290, %parallel_loop3A_1289 : vector<16xi32>
      %parallel_loop3A_1292 = arith.constant 10 : i32
      %parallel_loop3A_1293 = vector.broadcast %parallel_loop3A_1292 : i32 to vector<16xi32>
      %parallel_loop3A_1294 = arith.addi %parallel_loop3A_1291, %parallel_loop3A_1293 : vector<16xi32>
      %parallel_loop3A_1295 = tpu.vector_load_idx %arg7[%parallel_loop3A_1294] : memref<4096xf32, #tpu.memory_space<vmem>>[vector<16xi32>], vector<16xf32>,
      %parallel_loop3A_1296 = arith.addf %parallel_loop3A_1284, %parallel_loop3A_1295 : vector<16xf32>
      %parallel_loop3A_1297 = tpu.vector_load_idx %arg8[%parallel_loop3A_1294] : memref<4096xf32, #tpu.memory_space<vmem>>[vector<16xi32>], vector<16xf32>,
      %parallel_loop3A_1298 = arith.addf %parallel_loop3A_1286, %parallel_loop3A_1297 : vector<16xf32>
      %parallel_loop3A_1299 = arith.constant 16 : i32
      %parallel_loop3A_1300 = vector.broadcast %parallel_loop3A_1299 : i32 to vector<16xi32>
      %parallel_loop3A_1301 = arith.muli %iota3A, %parallel_loop3A_1300 : vector<16xi32>
      %parallel_loop3A_1302 = vector.broadcast %parallel_loop3A_1166 : i32 to vector<16xi32>
      %parallel_loop3A_1303 = arith.addi %parallel_loop3A_1302, %parallel_loop3A_1301 : vector<16xi32>
      %parallel_loop3A_1304 = arith.constant 11 : i32
      %parallel_loop3A_1305 = vector.broadcast %parallel_loop3A_1304 : i32 to vector<16xi32>
      %parallel_loop3A_1306 = arith.addi %parallel_loop3A_1303, %parallel_loop3A_1305 : vector<16xi32>
      %parallel_loop3A_1307 = tpu.vector_load_idx %arg7[%parallel_loop3A_1306] : memref<4096xf32, #tpu.memory_space<vmem>>[vector<16xi32>], vector<16xf32>,
      %parallel_loop3A_1308 = arith.addf %parallel_loop3A_1296, %parallel_loop3A_1307 : vector<16xf32>
      %parallel_loop3A_1309 = tpu.vector_load_idx %arg8[%parallel_loop3A_1306] : memref<4096xf32, #tpu.memory_space<vmem>>[vector<16xi32>], vector<16xf32>,
      %parallel_loop3A_1310 = arith.addf %parallel_loop3A_1298, %parallel_loop3A_1309 : vector<16xf32>
      %parallel_loop3A_1311 = arith.constant 16 : i32
      %parallel_loop3A_1312 = vector.broadcast %parallel_loop3A_1311 : i32 to vector<16xi32>
      %parallel_loop3A_1313 = arith.muli %iota3A, %parallel_loop3A_1312 : vector<16xi32>
      %parallel_loop3A_1314 = vector.broadcast %parallel_loop3A_1166 : i32 to vector<16xi32>
      %parallel_loop3A_1315 = arith.addi %parallel_loop3A_1314, %parallel_loop3A_1313 : vector<16xi32>
      %parallel_loop3A_1316 = arith.constant 12 : i32
      %parallel_loop3A_1317 = vector.broadcast %parallel_loop3A_1316 : i32 to vector<16xi32>
      %parallel_loop3A_1318 = arith.addi %parallel_loop3A_1315, %parallel_loop3A_1317 : vector<16xi32>
      %parallel_loop3A_1319 = tpu.vector_load_idx %arg7[%parallel_loop3A_1318] : memref<4096xf32, #tpu.memory_space<vmem>>[vector<16xi32>], vector<16xf32>,
      %parallel_loop3A_1320 = arith.addf %parallel_loop3A_1308, %parallel_loop3A_1319 : vector<16xf32>
      %parallel_loop3A_1321 = tpu.vector_load_idx %arg8[%parallel_loop3A_1318] : memref<4096xf32, #tpu.memory_space<vmem>>[vector<16xi32>], vector<16xf32>,
      %parallel_loop3A_1322 = arith.addf %parallel_loop3A_1310, %parallel_loop3A_1321 : vector<16xf32>
      %parallel_loop3A_1323 = arith.constant 16 : i32
      %parallel_loop3A_1324 = vector.broadcast %parallel_loop3A_1323 : i32 to vector<16xi32>
      %parallel_loop3A_1325 = arith.muli %iota3A, %parallel_loop3A_1324 : vector<16xi32>
      %parallel_loop3A_1326 = vector.broadcast %parallel_loop3A_1166 : i32 to vector<16xi32>
      %parallel_loop3A_1327 = arith.addi %parallel_loop3A_1326, %parallel_loop3A_1325 : vector<16xi32>
      %parallel_loop3A_1328 = arith.constant 13 : i32
      %parallel_loop3A_1329 = vector.broadcast %parallel_loop3A_1328 : i32 to vector<16xi32>
      %parallel_loop3A_1330 = arith.addi %parallel_loop3A_1327, %parallel_loop3A_1329 : vector<16xi32>
      %parallel_loop3A_1331 = tpu.vector_load_idx %arg7[%parallel_loop3A_1330] : memref<4096xf32, #tpu.memory_space<vmem>>[vector<16xi32>], vector<16xf32>,
      %parallel_loop3A_1332 = arith.addf %parallel_loop3A_1320, %parallel_loop3A_1331 : vector<16xf32>
      %parallel_loop3A_1333 = tpu.vector_load_idx %arg8[%parallel_loop3A_1330] : memref<4096xf32, #tpu.memory_space<vmem>>[vector<16xi32>], vector<16xf32>,
      %parallel_loop3A_1334 = arith.addf %parallel_loop3A_1322, %parallel_loop3A_1333 : vector<16xf32>
      %parallel_loop3A_1335 = arith.constant 16 : i32
      %parallel_loop3A_1336 = vector.broadcast %parallel_loop3A_1335 : i32 to vector<16xi32>
      %parallel_loop3A_1337 = arith.muli %iota3A, %parallel_loop3A_1336 : vector<16xi32>
      %parallel_loop3A_1338 = vector.broadcast %parallel_loop3A_1166 : i32 to vector<16xi32>
      %parallel_loop3A_1339 = arith.addi %parallel_loop3A_1338, %parallel_loop3A_1337 : vector<16xi32>
      %parallel_loop3A_1340 = arith.constant 14 : i32
      %parallel_loop3A_1341 = vector.broadcast %parallel_loop3A_1340 : i32 to vector<16xi32>
      %parallel_loop3A_1342 = arith.addi %parallel_loop3A_1339, %parallel_loop3A_1341 : vector<16xi32>
      %parallel_loop3A_1343 = tpu.vector_load_idx %arg7[%parallel_loop3A_1342] : memref<4096xf32, #tpu.memory_space<vmem>>[vector<16xi32>], vector<16xf32>,
      %parallel_loop3A_1344 = arith.addf %parallel_loop3A_1332, %parallel_loop3A_1343 : vector<16xf32>
      %parallel_loop3A_1345 = tpu.vector_load_idx %arg8[%parallel_loop3A_1342] : memref<4096xf32, #tpu.memory_space<vmem>>[vector<16xi32>], vector<16xf32>,
      %parallel_loop3A_1346 = arith.addf %parallel_loop3A_1334, %parallel_loop3A_1345 : vector<16xf32>
      %parallel_loop3A_1347 = arith.constant 16 : i32
      %parallel_loop3A_1348 = vector.broadcast %parallel_loop3A_1347 : i32 to vector<16xi32>
      %parallel_loop3A_1349 = arith.muli %iota3A, %parallel_loop3A_1348 : vector<16xi32>
      %parallel_loop3A_1350 = vector.broadcast %parallel_loop3A_1166 : i32 to vector<16xi32>
      %parallel_loop3A_1351 = arith.addi %parallel_loop3A_1350, %parallel_loop3A_1349 : vector<16xi32>
      %parallel_loop3A_1352 = arith.constant 15 : i32
      %parallel_loop3A_1353 = vector.broadcast %parallel_loop3A_1352 : i32 to vector<16xi32>
      %parallel_loop3A_1354 = arith.addi %parallel_loop3A_1351, %parallel_loop3A_1353 : vector<16xi32>
      %parallel_loop3A_1355 = tpu.vector_load_idx %arg7[%parallel_loop3A_1354] : memref<4096xf32, #tpu.memory_space<vmem>>[vector<16xi32>], vector<16xf32>,
      %parallel_loop3A_1356 = arith.addf %parallel_loop3A_1344, %parallel_loop3A_1355 : vector<16xf32>
      %parallel_loop3A_1357 = tpu.vector_load_idx %arg8[%parallel_loop3A_1354] : memref<4096xf32, #tpu.memory_space<vmem>>[vector<16xi32>], vector<16xf32>,
      %parallel_loop3A_1358 = arith.addf %parallel_loop3A_1346, %parallel_loop3A_1357 : vector<16xf32>
      %parallel_loop3A_1359 = arith.constant 16 : i32
      %parallel_loop3A_1360 = arith.muli %parallel_loop3A_1162, %parallel_loop3A_1359 : i32
      %parallel_loop3A_1361 = arith.index_cast %parallel_loop3A_1360 : i32 to index
      %parallel_loop3A_1362 = tpu.vector_load %arg9[%parallel_loop3A_1361] {strides = array<i32>} : memref<256xf32, #tpu.memory_space<vmem>>, vector<16xf32>,
      tpu.vector_store %arg9[%parallel_loop3A_1361], %parallel_loop3A_1356 {strides = array<i32>} : memref<256xf32, #tpu.memory_space<vmem>>, vector<16xf32>,
      %parallel_loop3A_1363 = arith.constant 16 : i32
      %parallel_loop3A_1364 = arith.muli %parallel_loop3A_1162, %parallel_loop3A_1363 : i32
      %parallel_loop3A_1365 = arith.index_cast %parallel_loop3A_1364 : i32 to index
      %parallel_loop3A_1366 = tpu.vector_load %arg10[%parallel_loop3A_1365] {strides = array<i32>} : memref<256xf32, #tpu.memory_space<vmem>>, vector<16xf32>,
      tpu.vector_store %arg10[%parallel_loop3A_1365], %parallel_loop3A_1358 {strides = array<i32>} : memref<256xf32, #tpu.memory_space<vmem>>, vector<16xf32>,
    } {sc.loop_unroll_factor = 2 : i64, sc.parallel_access}
    %run_scoped3A = arith.constant 0 : i32
    "tpu.region"() ({
      %run_scoped3A_1162 = tpu.sem_alloc : memref<!tpu.dma_semaphore, #tpu.memory_space<semaphore_mem>>
      %dma_start3A_1163 = arith.constant 0 : i32
      %dma_start3A_1164 = tpu.memref_slice %arg4[%add3A, %run_scoped3A, %dma_start3A_1163] : memref<32x2x256xf32, #tpu.memory_space<hbm>> -> memref<1x1x256xf32, #tpu.memory_space<hbm>>
      %dma_start3A_1165 = tpu.memref_squeeze %dma_start3A_1164 : memref<1x1x256xf32, #tpu.memory_space<hbm>> -> memref<256xf32, #tpu.memory_space<hbm>>
      %dma_start3A_1166 = arith.constant 0 : i32
      %dma_start3A_1167 = tpu.memref_slice %arg4[%add3A, %run_scoped3A, %dma_start3A_1166] : memref<32x2x256xf32, #tpu.memory_space<hbm>> -> memref<1x1x256xf32, #tpu.memory_space<hbm>>
      %dma_start3A_1168 = tpu.memref_squeeze %dma_start3A_1167 : memref<1x1x256xf32, #tpu.memory_space<hbm>> -> memref<256xf32, #tpu.memory_space<hbm>>
      tpu.enqueue_dma source(%arg9 : memref<256xf32, #tpu.memory_space<vmem>>) target(%dma_start3A_1168 : memref<256xf32, #tpu.memory_space<hbm>>) target_semaphore(%run_scoped3A_1162 : memref<!tpu.dma_semaphore, #tpu.memory_space<semaphore_mem>>)
      %dma_wait3A_1169 = arith.constant 0 : i32
      %dma_wait3A_1170 = tpu.memref_slice %arg4[%add3A, %run_scoped3A, %dma_wait3A_1169] : memref<32x2x256xf32, #tpu.memory_space<hbm>> -> memref<1x1x256xf32, #tpu.memory_space<hbm>>
      %dma_wait3A_1171 = tpu.memref_squeeze %dma_wait3A_1170 : memref<1x1x256xf32, #tpu.memory_space<hbm>> -> memref<256xf32, #tpu.memory_space<hbm>>
      %dma_wait3A_1172 = arith.constant 0 : i32
      %dma_wait3A_1173 = tpu.memref_slice %arg4[%add3A, %run_scoped3A, %dma_wait3A_1172] : memref<32x2x256xf32, #tpu.memory_space<hbm>> -> memref<1x1x256xf32, #tpu.memory_space<hbm>>
      %dma_wait3A_1174 = tpu.memref_squeeze %dma_wait3A_1173 : memref<1x1x256xf32, #tpu.memory_space<hbm>> -> memref<256xf32, #tpu.memory_space<hbm>>
      tpu.wait_dma2 semaphore(%run_scoped3A_1162 : memref<!tpu.dma_semaphore, #tpu.memory_space<semaphore_mem>>) src(%arg9 : memref<256xf32, #tpu.memory_space<vmem>>) dst(%dma_wait3A_1174 : memref<256xf32, #tpu.memory_space<hbm>>)
      tpu.yield
    }) : () -> ()
    %run_scoped3A_1161 = arith.constant 1 : i32
    "tpu.region"() ({
      %run_scoped3A_1162 = tpu.sem_alloc : memref<!tpu.dma_semaphore, #tpu.memory_space<semaphore_mem>>
      %dma_start3A_1163 = arith.constant 0 : i32
      %dma_start3A_1164 = tpu.memref_slice %arg4[%add3A, %run_scoped3A_1161, %dma_start3A_1163] : memref<32x2x256xf32, #tpu.memory_space<hbm>> -> memref<1x1x256xf32, #tpu.memory_space<hbm>>
      %dma_start3A_1165 = tpu.memref_squeeze %dma_start3A_1164 : memref<1x1x256xf32, #tpu.memory_space<hbm>> -> memref<256xf32, #tpu.memory_space<hbm>>
      %dma_start3A_1166 = arith.constant 0 : i32
      %dma_start3A_1167 = tpu.memref_slice %arg4[%add3A, %run_scoped3A_1161, %dma_start3A_1166] : memref<32x2x256xf32, #tpu.memory_space<hbm>> -> memref<1x1x256xf32, #tpu.memory_space<hbm>>
      %dma_start3A_1168 = tpu.memref_squeeze %dma_start3A_1167 : memref<1x1x256xf32, #tpu.memory_space<hbm>> -> memref<256xf32, #tpu.memory_space<hbm>>
      tpu.enqueue_dma source(%arg10 : memref<256xf32, #tpu.memory_space<vmem>>) target(%dma_start3A_1168 : memref<256xf32, #tpu.memory_space<hbm>>) target_semaphore(%run_scoped3A_1162 : memref<!tpu.dma_semaphore, #tpu.memory_space<semaphore_mem>>)
      %dma_wait3A_1169 = arith.constant 0 : i32
      %dma_wait3A_1170 = tpu.memref_slice %arg4[%add3A, %run_scoped3A_1161, %dma_wait3A_1169] : memref<32x2x256xf32, #tpu.memory_space<hbm>> -> memref<1x1x256xf32, #tpu.memory_space<hbm>>
      %dma_wait3A_1171 = tpu.memref_squeeze %dma_wait3A_1170 : memref<1x1x256xf32, #tpu.memory_space<hbm>> -> memref<256xf32, #tpu.memory_space<hbm>>
      %dma_wait3A_1172 = arith.constant 0 : i32
      %dma_wait3A_1173 = tpu.memref_slice %arg4[%add3A, %run_scoped3A_1161, %dma_wait3A_1172] : memref<32x2x256xf32, #tpu.memory_space<hbm>> -> memref<1x1x256xf32, #tpu.memory_space<hbm>>
      %dma_wait3A_1174 = tpu.memref_squeeze %dma_wait3A_1173 : memref<1x1x256xf32, #tpu.memory_space<hbm>> -> memref<256xf32, #tpu.memory_space<hbm>>
      tpu.wait_dma2 semaphore(%run_scoped3A_1162 : memref<!tpu.dma_semaphore, #tpu.memory_space<semaphore_mem>>) src(%arg10 : memref<256xf32, #tpu.memory_space<vmem>>) dst(%dma_wait3A_1174 : memref<256xf32, #tpu.memory_space<hbm>>)
      tpu.yield
    }) : () -> ()
    return
  }
}

</mosaic_0001>

<sc_bundles>
// kernel: _sc_hist.3.cloned.1.call-start
scs
__scs_entry_jumppad:
0x0: {  	(pc) =	sbr.rel $0x88, $3  }
0x1: {  	(tag) =	ssettag $0x0;
	lr =	simm.s32 $0x1  }
0x2: {  	[smem:$0x3F9F] =	sst lr;
	_ =	strace $0xD0000000  }
0x3: {  	_ = 	snop  }
0x4: {  	_ = 	snop  }
0x5: {  	_ = 	snop  }
0x6: {  	_ = 	snop  }
0x7: {  	_ = 	snop  }
__scs_overlays_trampoline_lowered:
0x8: {  	[smem:$0x3FAE] =	sst s0  }
0x9: {  	[smem:$0x3FAF] =	sst s1  }
0xa: {  	[smem:$0x3FB0] =	sst s2  }
0xb: {  	[smem:$0x3FB1] =	sst s3  }
0xc: {  	[smem:$0x3FB2] =	sst s4  }
0xd: {  	[smem:$0x3FB3] =	sst s5  }
0xe: {  	[smem:$0x3FB4] =	sst s6  }
0xf: {  	[smem:$0x3FB5] =	sst s7  }
0x10: {  	[smem:$0x3FB6] =	sst s8  }
0x11: {  	[smem:$0x3FB7] =	sst s9;
	s0 =	simm.s32 @!p0 $0x0  }
0x12: {  	s1 =	sld [smem:$0x3F9D];
	s0 =	simm.s32 @p0 $0x1  }
0x13: {  	[smem:$0x3FB8] =	sst s0;
	s0 =	simm.s32 @!p1 $0x0  }
0x14: {  	s2 =	sld [smem:$0x3F9C];
	s0 =	simm.s32 @p1 $0x1  }
0x15: {  	[smem:$0x3FB9] =	sst s0;
	s0 =	simm.s32 @!p2 $0x0  }
0x16: {  	s3 =	sld [smem:$0x3FDB];
	s0 =	simm.s32 @p2 $0x1  }
0x17: {  	s4 =	simm.s32 $0x1BF5;
	[smem:$0x3FBB] =	sst s0  }
0x18: {  	s0 =	sld [smem:$0x3F9E];
	_ =	swait.ge [sflag:s4], $0x0  }
0x19: {  	s7 =	sld [smem:$0x3F9F]  }
0x1a: {  	s8 =	sadd.s32 $0xFFFFE003, lr  }
0x1b: {  	s9 =	sadd.s32 $0xFFFFFEF7, lr;
	s5 =	simm.s32 $0xFFFFFFFF;
	p2 =	slt.u32 s8, $0xFFFFF086  }
0x1c: {  	p1 =	slt.u32 s9, $0xF7A;
	s5 =	simm.s32 @!p2 $0x0  }
0x1d: {  	s5 =	simm.s32 @p1 $0x1;
	p0 =	seq.s32 s7, s2  }
0x1e: {  	s7 =	smul.u32 @!p0 $0xF7A, s2;
	p2 =	seq.s32 @!p0 s5, $0x0  }
0x1f: {  	s9 =	smul.u32 $0xF7A, s1;
	s8 =	simm.s32 @!p0 $0x1BF5;
	p2 =	por !p2, p0  }
0x20: {  	[sflag:s8] =	ssyncset.s32 @!p0 $0xFFFFF086;
	s6 =	sadd.s32 @!p0 s3, s7;
	s7 =	simm.s32 @!p0 $0x108  }
0x21: {  	s3 =	sadd.s32 s3, s9;
	s6 =	sadd.s32 @!p0 $0x88, s6;
	s7 =	simm.s32 @p2 $0x1082  }
0x22: {  	[simem:s7], [sflag:s8] =	dma.local @!p0 [hbm:s6], $0xF7A  }
0x23: {  	s9 =	sor.u32 $0xD0000000, s2;
	s6 =	simm.s32 $0x108;
	_ =	swait.ge @!p0 [sflag:s8], $0x0  }
0x24: {  	s3 =	sadd.s32 $0x88, s3;
	s6 =	simm.s32 @!p1 $0x1082;
	[sflag:s4] =	ssyncset.s32 $0xFFFFF086  }
0x25: {  	[simem:s6], [sflag:s4] =	dma.local [hbm:s3], $0xF7A  }
0x26: {  	[smem:$0x3F9F] =	sst s1;
	(tag) =	ssettag s2;
	_ =	strace s9  }
0x27: {  	s1 =	sld [smem:$0x3FAF]  }
0x28: {  	s2 =	sld [smem:$0x3FB0]  }
0x29: {  	s4 =	sld [smem:$0x3FB2]  }
0x2a: {  	p0 =	seq.s32 s5, $0x0;
	s5 =	sld [smem:$0x3FB3]  }
0x2b: {  	s6 =	sld [smem:$0x3FB4]  }
0x2c: {  	s7 =	sld [smem:$0x3FB5]  }
0x2d: {  	s3 =	simm.s32 $0x108;
	s8 =	sld [smem:$0x3FB6]  }
0x2e: {  	s3 =	simm.s32 @!p0 $0x1082;
	s9 =	sld [smem:$0x3FB7]  }
0x2f: {  	lr =	sadd.s32 s0, s3;
	s0 =	sld [smem:$0x3FAE]  }
0x30: {  	s3 =	sld [smem:$0x3FB1]  }
0x31: {  	[smem:$0x3FBA] =	sst s10  }
0x32: {  	s10 =	sld [smem:$0x3FB8];
	_ =	sdelay $0x3  }
0x33: {  	p0 =	seq.s32 s10, $0x1;
	s10 =	sld [smem:$0x3FBA];
	_ =	sdelay $0x3  }
0x34: {  	[smem:$0x3FBA] =	sst s10  }
0x35: {  	s10 =	sld [smem:$0x3FB9];
	_ =	sdelay $0x3  }
0x36: {  	p1 =	seq.s32 s10, $0x1;
	s10 =	sld [smem:$0x3FBA];
	_ =	sdelay $0x3  }
0x37: {  	[smem:$0x3FBA] =	sst s10  }
0x38: {  	s10 =	sld [smem:$0x3FBB]  }
0x39: {  	_ = 	snop;
	(pc) =	sbr.ind lr, $3  }
0x3a: {  	_ = 	snop  }
0x3b: {  	_ = 	snop  }
0x3c: {  	p2 =	seq.s32 s10, $0x1;
	s10 =	sld [smem:$0x3FBA]  }
0x3d: {  	_ =	shalt  }
0x3e: {  	_ =	shalt  }
0x3f: {  	_ =	shalt  }
0x40: {  	_ =	shalt  }
0x41: {  	_ =	shalt  }
0x42: {  	_ =	shalt  }
0x43: {  	_ =	shalt  }
0x44: {  	_ =	shalt  }
0x45: {  	_ =	shalt  }
0x46: {  	_ =	shalt  }
0x47: {  	_ =	shalt  }
0x48: {  	_ =	shalt  }
0x49: {  	_ =	shalt  }
0x4a: {  	_ =	shalt  }
0x4b: {  	_ =	shalt  }
0x4c: {  	_ =	shalt  }
0x4d: {  	_ =	shalt  }
0x4e: {  	_ =	shalt  }
0x4f: {  	_ =	shalt  }
0x50: {  	_ =	shalt  }
0x51: {  	_ =	shalt  }
0x52: {  	_ =	shalt  }
0x53: {  	_ =	shalt  }
0x54: {  	_ =	shalt  }
0x55: {  	_ =	shalt  }
0x56: {  	_ =	shalt  }
0x57: {  	_ =	shalt  }
0x58: {  	_ =	shalt  }
0x59: {  	_ =	shalt  }
0x5a: {  	_ =	shalt  }
0x5b: {  	_ =	shalt  }
0x5c: {  	_ =	shalt  }
0x5d: {  	_ =	shalt  }
0x5e: {  	_ =	shalt  }
0x5f: {  	_ =	shalt  }
0x60: {  	_ =	shalt  }
0x61: {  	_ =	shalt  }
0x62: {  	_ =	shalt  }
0x63: {  	_ =	shalt  }
0x64: {  	_ =	shalt  }
0x65: {  	_ =	shalt  }
0x66: {  	_ =	shalt  }
0x67: {  	_ =	shalt  }
0x68: {  	_ =	shalt  }
0x69: {  	_ =	shalt  }
0x6a: {  	_ =	shalt  }
0x6b: {  	_ =	shalt  }
0x6c: {  	_ =	shalt  }
0x6d: {  	_ =	shalt  }
0x6e: {  	_ =	shalt  }
0x6f: {  	_ =	shalt  }
0x70: {  	_ =	shalt  }
0x71: {  	_ =	shalt  }
0x72: {  	_ =	shalt  }
0x73: {  	_ =	shalt  }
0x74: {  	_ =	shalt  }
0x75: {  	_ =	shalt  }
0x76: {  	_ =	shalt  }
0x77: {  	_ =	shalt  }
0x78: {  	_ =	shalt  }
0x79: {  	_ =	shalt  }
0x7a: {  	_ =	shalt  }
0x7b: {  	_ =	shalt  }
0x7c: {  	_ =	shalt  }
0x7d: {  	_ =	shalt  }
0x7e: {  	_ =	shalt  }
0x7f: {  	_ =	shalt  }
0x80: {  	_ =	shalt  }
0x81: {  	_ =	shalt  }
0x82: {  	_ =	shalt  }
0x83: {  	_ =	shalt  }
0x84: {  	_ =	shalt  }
0x85: {  	_ =	shalt  }
0x86: {  	_ =	shalt  }
0x87: {  	_ =	shalt  }
.Lfunc_end0:
.L_simem_size_0:
called_computation_lowered:
.L_overlay_start_0:
0x88: {  	s2 =	sld [smem:$0x3FD9]  }
0x89: {  	s3 =	sld [smem:$0x3FFE];
	_ =	sdelay $0x1  }
0x8a: {  	s1 =	srdreg.scid  }
0x8b: {  	s0 =	sand.u32 $0x1, s1  }
0x8c: {  	s17 =	sshll.u32 s0, $0xA;
	s2 =	sadd.s32 s3, s2  }
0x8d: {  	s2 =	sadd.s32 s2, s17  }
0x8e: {  	[smem:$0x3FC6] =	sst s2  }
0x8f: {  	_ = 	snop  }
0x90: {  	s2 =	sld [smem:$0x3FD0];
	(tm) =	ssettm $0x1  }
0x91: {  	s18 =	sld [smem:$0x3FFB];
	_ =	sdelay $0x3  }
0x92: {  	_ =	strace s18  }
0x93: {  	s3 =	sld [smem:$0x3FFC];
	_ =	sdelay $0x3  }
0x94: {  	_ =	strace s3  }
0x95: {  	s3 =	sld [smem:$0x3FFD];
	_ =	sdelay $0x3  }
0x96: {  	_ =	strace s3  }
0x97: {  	_ =	strace $0x8FFFFFFF  }
0x98: {  	s19 =	sld [smem:$0x3FDB];
	_ =	sdelay $0x1  }
0x99: {  	s4 =	simm.s32 $_scs_section_size  }
0x9a: {  	s5 =	simm.s32 $_size__tile_overlayer_lowered;
	s6 =	simm.s32 $_tile_overlayer_lowered  }
0x9b: {  	s22 =	simm.s32 $0x1BFF;
	s21 =	sshll.u32 s6, $0x1;
	s3 =	sadd.s32 s4, s19  }
0x9c: {  	s7 =	simm.s32 $0x0;
	s20 =	sshll.u32 s5, $0x1;
	s5 =	sadd.s32 s21, s3  }
0x9d: {  	[timem:s7], [sflag:s22] =	dma.local [hbm:s5], s20  }
0x9e: {  	_ =	swait.ge [sflag:s22], s20  }
0x9f: {  	s4 =	ssub.s32 $0x0, s20;
	[sflag:s22] =	ssyncset.done $0x0  }
0xa0: {  	[sflag:s22] =	ssyncadd.s32 s4;
	_ =	sdelay $0x1  }
0xa1: {  	s23 =	simm.s32 $0x1B8B  }
0xa2: {  	_ =	swait.ge [sflag:s23], $0x1  }
0xa3: {  	[sflag:s23] =	ssyncset.done $0x0  }
0xa4: {  	s25 =	simm.s32 $0x1B8E;
	s24 =	sld [smem:$0x3FFE];
	[sflag:s23] =	ssyncadd.s32 $0xFFFFFFFF  }
0xa5: {  	s26 =	simm.s32 $execute0_lowered;
	[smem:$0x3FD2] =	sst s25  }
0xa6: {  	s5 =	sshll.u32 s26, $0x1;
	_ =	strace $0x80000046;
	[dreg:$0x1] =	wrdreg $0xFFFFFFFF  }
0xa7: {  	s28 =	simm.s32 $_size_execute0_lowered;
	s3 =	sadd.s32 s3, s5;
	[dreg:$0x0] =	wrdreg $0x0  }
0xa8: {  	s5 =	sshll.u32 s28, $0x1;
	[dreg:$0x2] =	wrdreg s3  }
0xa9: {  	[dreg:$0x3] =	wrdreg s5  }
0xaa: {  	[dreg:$0x4] =	wrdreg $0xC0  }
0xab: {  	_ =	task [dreg:s7], $0x5FFFF  }
0xac: {  	[dreg:$0x1] =	wrdreg $0xFFFFFFFF  }
0xad: {  	[dreg:$0x0] =	wrdreg $0x60  }
0xae: {  	[dreg:$0x2] =	wrdreg s24  }
0xaf: {  	[dreg:$0x3] =	wrdreg s2  }
0xb0: {  	[dreg:$0x4] =	wrdreg $0x9  }
0xb1: {  	_ =	task.clear_ibuf [dreg:s7], $0x5FFFF;
	_ =	strace $0x90000046  }
0xb2: {  	s29 =	simm.s32 $0x9;
	_ =	strace $0x80000048  }
0xb3: {  	_ =	swait.ge [sflag:s29], $0x1  }
0xb4: {  	[sflag:s29] =	ssyncadd.s32 $0xFFFFFFFF  }
0xb5: {  	_ =	strace $0x90000048  }
0xb6: {  	_ =	sfence  }
0xb7: {  	s30 =	sld [smem:$0x0];
	_ =	sdelay $0x2  }
0xb8: {  	s31 =	sshll.u32 s1, $0xD;
	s1 =	sshrl.u32 s1, $0x2  }
0xb9: {  	s3 =	sand.u32 $0x4000, s31;
	s1 =	sadd.s32 s1, s30  }
0xba: {  	s0 =	sor.u32 s3, s0;
	s1 =	sshll.u32 s1, $0x11  }
0xbb: {  	s0 =	sor.u32 s1, s0  }
0xbc: {  	s0 =	sadd.s32 $0x8F2B, s0  }
0xbd: {  	[sflag:s0] =	ssyncadd.remote.s32 $0x1  }
0xbe: {  	_ =	sfence.sel $0xFFFF  }
0xbf: {  	[dreg:$0x0] =	wrdreg $0xFFFFFFFF;
	(pc) =	sbr.abs _section_cstart, $3  }
0xc0: {  	[dreg:$0x1] =	wrdreg $0xFFFFFFFF  }
0xc1: {  	_ =	task.clear_ibuf [dreg:s7], $0x2FFFF;
	_ =	strace $0x9FFFFFFF  }
0xc2: {  	(tm) =	ssettm $0x7FFFFFFF  }
0xc3: {  	_ =	shalt  }
tec
execute0_lowered:
.L_overlay_start_1:
0x0: {  	(tag) =	ssettag $0x1  }
0x1: {  	s0 =	srdreg.scid  }
0x2: {  	s1 =	stileid.u32;
	s4 =	rddreg [dreg:$0x0]  }
0x3: {  	s2 =	simm.s32 $0x0;
	s5 =	sand.u32 $0x1, s0;
	s26 =	sshll.u32 s1, $0x1  }
0x4: {  	s28 =	simm.s32 $0xD000;
	s29 =	simm.s32 $0x2;
	s1 =	sor.u32 s5, s26  }
0x5: {  	s0 =	rddreg [dreg:$0x1];
	s5 =	ssub.s32 $0x2, s5;
	s6 =	smul.u32 $0x300, s1  }
0x6: {  	[smem:$0x7FF] =	sst s2;
	s12 =	sshrl.u32 s5, $0x1;
	s13 =	smul.u32 $0x3000, s1  }
0x7: {  	s5 =	ssub.s32 s5, s12;
	s12 =	smul.u32 $0x2000100, s1;
	s7 =	sor.u32 $0x60, s6  }
0x8: {  	_ =	strace $0x80000047;
	s10 =	sor.u32 $0xC0, s6;
	s3 =	smul.u32 $0x2AAB, s7  }
0x9: {  	s19 =	sadd.s32 $0x120, s6;
	s21 =	sadd.s32 $0x180, s6;
	s11 =	smul.u32 $0x2AAB, s10  }
0xa: {  	s1 =	sshll.u32 s1, $0x6;
	s18 =	sadd.s32 $0x1000080, s12;
	s24 =	sadd.s32 $0x14000A0, s12  }
0xb: {  	s8 =	sshrl.u32 s3, $0x15;
	s3 =	sadd.s32 $0x1000, s4;
	s4 =	sadd.s32 $0x61000, s4  }
0xc: {  	s11 =	sshrl.u32 s11, $0x15;
	s9 =	smul.u32 $0xC0, s8;
	s14 =	sadd.s32 s3, s13  }
0xd: {  	s8 =	smul.u32 $0x6000, s8;
	s13 =	sadd.s32 s4, s13;
	[dreg:$0x3] =	wrdreg s14  }
0xe: {  	s26 =	sshrl.u32 s24, $0x17;
	s30 =	smul.u32 $0xC0, s11;
	[dreg:$0x4] =	wrdreg s13  }
0xf: {  	s13 =	smul.u32 $0x6000, s11;
	s14 =	sadd.s32 $0xC00060, s12;
	s11 =	sshrl.u32 s18, $0x17  }
0x10: {  	s12 =	sadd.s32 $0x18000C0, s12;
	s9 =	ssub.s32 s7, s9;
	s20 =	smul.u32 $0xC0, s11  }
0x11: {  	s31 =	ssub.s32 s10, s30;
	s7 =	sshll.u32 s7, $0x4;
	s23 =	smul.u32 $0x6000, s11  }
0x12: {  	s16 =	sshrl.u32 s14, $0x17;
	s10 =	sshll.u32 s10, $0x4;
	s30 =	smul.u32 $0xC0, s26  }
0x13: {  	s9 =	sshll.u32 s9, $0x7;
	s7 =	sadd.s32 s4, s7;
	s17 =	smul.u32 $0xC0, s16  }
0x14: {  	s10 =	sadd.s32 s4, s10;
	s9 =	sand.u32 $0xF000, s9;
	[dreg:$0x6] =	wrdreg s7  }
0x15: {  	[dreg:$0x8] =	wrdreg s10;
	s22 =	ssub.s32 s21, s20;
	s8 =	sadd.s32 s9, s8  }
0x16: {  	s9 =	sshll.u32 s31, $0x7;
	s10 =	sshll.u32 s22, $0x7;
	s31 =	sadd.s32 $0x1E0, s6  }
0x17: {  	s8 =	sshrl.u32 s8, $0x3;
	s9 =	sand.u32 $0xE000, s9;
	s10 =	sand.u32 $0xE000, s10  }
0x18: {  	s8 =	sadd.s32 s3, s8;
	s15 =	sadd.s32 s9, s13;
	s9 =	ssub.s32 s19, s17  }
0x19: {  	s25 =	sadd.s32 s10, s23;
	s10 =	ssub.s32 s31, s30;
	s17 =	sadd.s32 $0x2A0, s6  }
0x1a: {  	s6 =	sadd.s32 $0x240, s6;
	[dreg:$0x5] =	wrdreg s8;
	s7 =	sshrl.u32 s15, $0x3  }
0x1b: {  	s8 =	smul.u32 $0x6000, s16;
	s9 =	sshll.u32 s9, $0x7;
	s15 =	sshll.u32 s21, $0x4  }
0x1c: {  	s10 =	sshll.u32 s10, $0x7;
	s16 =	sshrl.u32 s12, $0x17;
	s18 =	smul.u32 $0xAAAB, s17  }
0x1d: {  	s7 =	sadd.s32 s3, s7;
	s9 =	sand.u32 $0xF000, s9;
	s20 =	smul.u32 $0xC0, s16  }
0x1e: {  	s10 =	sand.u32 $0xF000, s10;
	s12 =	sadd.s32 s4, s15;
	s15 =	smul.u32 $0x6000, s16  }
0x1f: {  	[dreg:$0x7] =	wrdreg s7;
	s8 =	sadd.s32 s9, s8;
	s7 =	sshll.u32 s19, $0x4  }
0x20: {  	s9 =	smul.u32 $0x6000, s26;
	s21 =	sshrl.u32 s18, $0x17;
	s8 =	sshrl.u32 s8, $0x3  }
0x21: {  	s7 =	sadd.s32 s4, s7;
	s22 =	ssub.s32 s6, s20;
	s23 =	smul.u32 $0xC0, s21  }
0x22: {  	s26 =	smul.u32 $0x6000, s21;
	s6 =	sshll.u32 s6, $0x4;
	s21 =	smax.u32 s5, $0x1  }
0x23: {  	s8 =	sadd.s32 s3, s8;
	[dreg:$0xa] =	wrdreg s7;
	s19 =	sadd.s32 s10, s9  }
0x24: {  	s7 =	sshll.u32 s31, $0x4;
	s16 =	sadd.s32 s4, s6;
	s31 =	sshll.u32 s17, $0x4  }
0x25: {  	[dreg:$0x9] =	wrdreg s8;
	s8 =	sshrl.u32 s25, $0x3;
	s14 =	sadd.s32 s4, s7  }
0x26: {  	s25 =	ssub.s32 s17, s23;
	s18 =	sadd.s32 s4, s31;
	s23 =	simm.s32 $0x3000  }
0x27: {  	s11 =	sadd.s32 s3, s8;
	s8 =	sshrl.u32 s19, $0x3;
	s19 =	sadd.s32 s0, s1  }
0x28: {  	s0 =	simm.s32 $0x3;
	s13 =	sadd.s32 s3, s8;
	s8 =	sshll.u32 s22, $0x7  }
0x29: {  	s1 =	simm.s32 $0x0;
	s24 =	sand.u32 $0xE000, s8;
	s8 =	sshll.u32 s25, $0x7  }
0x2a: {  	s20 =	sadd.s32 $0x10, s19;
	s22 =	simm.s32 $0x6000;
	s8 =	sand.u32 $0xF000, s8  }
0x2b: {  	s25 =	simm.s32 $0x1;
	s7 =	sadd.s32 s24, s15;
	s30 =	sadd.s32 s8, s26  }
0x2c: {  	v0 =	vimm.f32 $0.0e+00;
	s24 =	simm.s32 $0x9000;
	s7 =	sshrl.u32 s7, $0x3;
	s6 =	sshrl.u32 s30, $0x3  }
0x2d: {  	v1 =	vlaneseq.u32;
	v2 =	vimm.f32 $1.000000000e+00;
	vm0 =	vcmask $0x3F30;
	s26 =	simm.s32 $0xC000;
	s15 =	sadd.s32 s3, s7;
	s17 =	sadd.s32 s3, s6  }
.LBB2_1:
0x2e: {  	s3 =	rddreg [dreg:$0x3]  }
0x2f: {  	[tilespmem:s2], [sflag:$0x1] =	stream.linear.gather [hbm4b:s3+s2], $0x3000, $0x38;
	[tilespmem:$0xE200] =	vst v63  }
0x30: {  	s31 =	rddreg [dreg:$0x4];
	s3 =	simm.s32 $0xC040  }
0x31: {  	[tilespmem:s22], [sflag:$0x1] =	stream.linear.gather [hbm4b:s31+s2], $0x3000, $0x38;
	[tilespmem:$0xE200] =	vst v63  }
0x32: {  	[tilespmem:s3+$0x30] =	vst v0  }
0x33: {  	[tilespmem:s3+$0xFFFFFFF0] =	vst v0  }
0x34: {  	[tilespmem:s3+$0xFFFFFFC0] =	vst v0  }
0x35: {  	[tilespmem:s3+$0xFFFFFFE0] =	vst v0  }
0x36: {  	[tilespmem:s3+$0x10] =	vst v0  }
0x37: {  	[tilespmem:s3+$0x20] =	vst v0  }
0x38: {  	[tilespmem:s3+$0x0] =	vst v0  }
0x39: {  	s4 =	simm.s32 $0xD040;
	[tilespmem:s3+$0xFFFFFFD0] =	vst v0  }
0x3a: {  	[tilespmem:s4+$0xFFFFFFC0] =	vst v0  }
0x3b: {  	[tilespmem:s4+$0x30] =	vst v0  }
0x3c: {  	[tilespmem:s4+$0x20] =	vst v0  }
0x3d: {  	[tilespmem:s4+$0x10] =	vst v0  }
0x3e: {  	[tilespmem:s4+$0xFFFFFFE0] =	vst v0  }
0x3f: {  	[tilespmem:s4+$0x0] =	vst v0  }
0x40: {  	s5 =	simm.s32 $0x0;
	[tilespmem:s4+$0xFFFFFFF0] =	vst v0  }
.LBB2_2:
0x41: {  	s5 =	sadd.s32 $0x8, s5;
	[tilespmem:s4+$0xFFFFFFD0] =	vst v0;
	s3 =	sadd.s32 $0x80, s3;
	s4 =	sadd.s32 $0x80, s4  }
0x42: {  	[tilespmem:s3+$0x30] =	vst v0;
	p0 =	slt.u32 s5, $0xF8  }
0x43: {  	[tilespmem:s3+$0xFFFFFFF0] =	vst v0  }
0x44: {  	[tilespmem:s3+$0xFFFFFFC0] =	vst v0  }
0x45: {  	[tilespmem:s4+$0xFFFFFFC0] =	vst v0  }
0x46: {  	[tilespmem:s4+$0x30] =	vst v0  }
0x47: {  	[tilespmem:s3+$0xFFFFFFE0] =	vst v0  }
0x48: {  	[tilespmem:s3+$0x10] =	vst v0  }
0x49: {  	[tilespmem:s3+$0x20] =	vst v0  }
0x4a: {  	[tilespmem:s4+$0x20] =	vst v0  }
0x4b: {  	[tilespmem:s4+$0x10] =	vst v0  }
.Ltmp0:
0x4c: {  	[tilespmem:s4+$0xFFFFFFE0] =	vst v0;
	(pc) =	sbr.rel @p0 .LBB2_2-.Ltmp0, $4  }
0x4d: {  	[tilespmem:s3+$0x0] =	vst v0  }
0x4e: {  	[tilespmem:s4+$0x0] =	vst v0  }
0x4f: {  	[tilespmem:s4+$0xFFFFFFF0] =	vst v0  }
0x50: {  	[tilespmem:s3+$0xFFFFFFD0] =	vst v0  }
0x51: {  	[tilespmem:s4+$0xFFFFFFD0] =	vst v0  }
0x52: {  	s3 =	rddreg [dreg:$0x5]  }
0x53: {  	[tilespmem:s23], [sflag:$0x2] =	stream.linear.gather [hbm4b:s3+s2], $0x3000, $0x38;
	[tilespmem:$0xE200] =	vst v63  }
0x54: {  	s31 =	rddreg [dreg:$0x6]  }
0x55: {  	[tilespmem:s24], [sflag:$0x2] =	stream.linear.gather [hbm4b:s31+s2], $0x3000, $0x38;
	[tilespmem:$0xE200] =	vst v63  }
0x56: {  	_ =	swait.ge [sflag:s25], $0x3000  }
0x57: {  	[sflag:s25] =	ssyncset.done $0x0  }
0x58: {  	[sflag:s25] =	ssyncadd.s32 $0xFFFFD000  }
0x59: {  	_ =	swait.ge [sflag:s25], $0x3000  }
0x5a: {  	[sflag:s25] =	ssyncset.done $0x0  }
0x5b: {  	s4 =	simm.s32 $0x6080;
	[sflag:s25] =	ssyncadd.s32 $0xFFFFD000  }
0x5c: {  	v3 =	vld [tilespmem:s4+$0x0]  }
0x5d: {  	v4 =	vld [tilespmem:s4+$0xFFFFFF80];
	_ =	sdelay $0x3  }
0x5e: {  	v5 =	vtrunc.f32 v3  }
0x5f: {  	s3 =	simm.s32 $0x80;
	v6 =	vtrunc.f32 v4;
	v5 =	vcvt.f32.s32 v5  }
0x60: {  	v7 =	vld [tilespmem:s3+$0xFFFFFF80];
	v6 =	vcvt.f32.s32 v6  }
0x61: {  	v8 =	vld [tilespmem:s3+$0x0];
	v5 =	vshll.u32 v5, $0x4  }
0x62: {  	v6 =	vshll.u32 v6, $0x4;
	v5 =	vor.u32 v1, v5  }
0x63: {  	v6 =	vor.u32 v1, v6;
	_ =	sdelay $0x1  }
0x64: {  	v4 =	vsub.f32 v7, v4  }
0x65: {  	v3 =	vsub.f32 v8, v3  }
0x66: {  	v4 =	vmul.f32 v4, v4;
	[tilespmem:v5+s26+$0x0] =	vst.idx.add.f32.msk $0xffff, v2  }
0x67: {  	v3 =	vmul.f32 v3, v3;
	[tilespmem:v6+s26+$0x0] =	vst.idx.add.f32.msk $0xffff, v2  }
0x68: {  	[tilespmem:v6+s28+$0x0] =	vst.idx.add.f32.msk $0xffff, v4  }
0x69: {  	[tilespmem:v5+s28+$0x0] =	vst.idx.add.f32.msk $0xffff, v3  }
0x6a: {  	v3 =	vld [tilespmem:s4+$0x10]  }
0x6b: {  	v4 =	vld [tilespmem:s4+$0xFFFFFF90];
	_ =	sdelay $0x3  }
0x6c: {  	v5 =	vtrunc.f32 v3  }
0x6d: {  	v6 =	vtrunc.f32 v4;
	v5 =	vcvt.f32.s32 v5  }
0x6e: {  	v7 =	vld [tilespmem:s3+$0x10];
	v6 =	vcvt.f32.s32 v6  }
0x6f: {  	v8 =	vld [tilespmem:s3+$0xFFFFFF90];
	v5 =	vshll.u32 v5, $0x4  }
0x70: {  	v6 =	vshll.u32 v6, $0x4;
	v5 =	vor.u32 v1, v5  }
0x71: {  	v6 =	vor.u32 v1, v6;
	_ =	sdelay $0x1  }
0x72: {  	v3 =	vsub.f32 v7, v3  }
0x73: {  	v4 =	vsub.f32 v8, v4  }
0x74: {  	v3 =	vmul.f32 v3, v3;
	[tilespmem:v5+s26+$0x0] =	vst.idx.add.f32.msk $0xffff, v2  }
0x75: {  	v4 =	vmul.f32 v4, v4;
	[tilespmem:v6+s26+$0x0] =	vst.idx.add.f32.msk $0xffff, v2  }
0x76: {  	[tilespmem:v5+s28+$0x0] =	vst.idx.add.f32.msk $0xffff, v3  }
0x77: {  	[tilespmem:v6+s28+$0x0] =	vst.idx.add.f32.msk $0xffff, v4  }
0x78: {  	v3 =	vld [tilespmem:s4+$0x20]  }
0x79: {  	v4 =	vld [tilespmem:s4+$0xFFFFFFA0];
	_ =	sdelay $0x2  }
0x7a: {  	s6 =	simm.s32 $0x6180  }
0x7b: {  	v9 =	vld [tilespmem:s6+$0xFFFFFF80];
	v6 =	vtrunc.f32 v3  }
0x7c: {  	v7 =	vld [tilespmem:s6+$0x0];
	v8 =	vtrunc.f32 v4;
	v6 =	vcvt.f32.s32 v6  }
0x7d: {  	v5 =	vld [tilespmem:s3+$0xFFFFFFA0];
	v8 =	vcvt.f32.s32 v8  }
0x7e: {  	v10 =	vld [tilespmem:s3+$0x20];
	v6 =	vshll.u32 v6, $0x4  }
0x7f: {  	v8 =	vshll.u32 v8, $0x4;
	v6 =	vor.u32 v1, v6  }
0x80: {  	v8 =	vor.u32 v1, v8  }
0x81: {  	s5 =	simm.s32 $0x180;
	v12 =	vtrunc.f32 v9;
	v11 =	vtrunc.f32 v7  }
0x82: {  	v12 =	vcvt.f32.s32 v12;
	v4 =	vsub.f32 v5, v4;
	v5 =	vcvt.f32.s32 v11;
	v11 =	vld [tilespmem:s5+$0x0]  }
0x83: {  	v3 =	vsub.f32 v10, v3;
	v10 =	vld [tilespmem:s5+$0xFFFFFF80]  }
0x84: {  	v12 =	vshll.u32 v12, $0x4;
	v4 =	vmul.f32 v4, v4;
	[tilespmem:v6+s26+$0x0] =	vst.idx.add.f32.msk $0xffff, v2  }
0x85: {  	v12 =	vor.u32 v1, v12;
	v5 =	vshll.u32 v5, $0x4;
	v3 =	vmul.f32 v3, v3;
	[tilespmem:v8+s26+$0x0] =	vst.idx.add.f32.msk $0xffff, v2  }
0x86: {  	v5 =	vor.u32 v1, v5;
	[tilespmem:v8+s28+$0x0] =	vst.idx.add.f32.msk $0xffff, v4  }
0x87: {  	[tilespmem:v6+s28+$0x0] =	vst.idx.add.f32.msk $0xffff, v3  }
0x88: {  	v7 =	vsub.f32 v11, v7;
	v4 =	vld [tilespmem:s4+$0x30]  }
0x89: {  	v3 =	vsub.f32 v10, v9;
	v6 =	vld [tilespmem:s4+$0xFFFFFFB0]  }
0x8a: {  	[tilespmem:v12+s26+$0x0] =	vst.idx.add.f32.msk $0xffff, v2;
	v7 =	vmul.f32 v7, v7  }
0x8b: {  	[tilespmem:v5+s26+$0x0] =	vst.idx.add.f32.msk $0xffff, v2;
	v3 =	vmul.f32 v3, v3  }
0x8c: {  	[tilespmem:v5+s28+$0x0] =	vst.idx.add.f32.msk $0xffff, v7  }
0x8d: {  	[tilespmem:v12+s28+$0x0] =	vst.idx.add.f32.msk $0xffff, v3;
	v8 =	vtrunc.f32 v4  }
0x8e: {  	v3 =	vld [tilespmem:s3+$0xFFFFFFB0];
	v9 =	vtrunc.f32 v6;
	v5 =	vcvt.f32.s32 v8  }
0x8f: {  	v7 =	vcvt.f32.s32 v9;
	v8 =	vld [tilespmem:s6+$0x10]  }
0x90: {  	v9 =	vld [tilespmem:s6+$0xFFFFFF90];
	v5 =	vshll.u32 v5, $0x4  }
0x91: {  	v7 =	vshll.u32 v7, $0x4;
	v5 =	vor.u32 v1, v5  }
0x92: {  	v10 =	vld [tilespmem:s3+$0x30];
	v7 =	vor.u32 v1, v7;
	_ =	sdelay $0x1  }
0x93: {  	v62 =	vld [tilespmem:s5+$0x10];
	v3 =	vsub.f32 v3, v6;
	v6 =	vtrunc.f32 v8  }
0x94: {  	v11 =	vld [tilespmem:s5+$0xFFFFFF90];
	v13 =	vtrunc.f32 v9;
	v6 =	vcvt.f32.s32 v6  }
0x95: {  	v3 =	vmul.f32 v3, v3;
	v13 =	vcvt.f32.s32 v13;
	[tilespmem:v5+s26+$0x0] =	vst.idx.add.f32.msk $0xffff, v2  }
0x96: {  	v4 =	vsub.f32 v10, v4;
	v6 =	vshll.u32 v6, $0x4;
	[tilespmem:v7+s26+$0x0] =	vst.idx.add.f32.msk $0xffff, v2  }
0x97: {  	v10 =	vshll.u32 v13, $0x4;
	v6 =	vor.u32 v1, v6;
	[tilespmem:v7+s28+$0x0] =	vst.idx.add.f32.msk $0xffff, v3  }
0x98: {  	v7 =	vor.u32 v1, v10;
	v3 =	vmul.f32 v4, v4;
	v10 =	vld [tilespmem:s4+$0xFFFFFFC0]  }
0x99: {  	v63 =	vld [tilespmem:s3+$0xFFFFFFC0]  }
0x9a: {  	v4 =	vsub.f32 v62, v8;
	[tilespmem:v5+s28+$0x0] =	vst.idx.add.f32.msk $0xffff, v3  }
0x9b: {  	v3 =	vld [tilespmem:s4+$0x40]  }
0x9c: {  	v5 =	vsub.f32 v11, v9;
	v4 =	vmul.f32 v4, v4;
	[tilespmem:v6+s26+$0x0] =	vst.idx.add.f32.msk $0xffff, v2  }
0x9d: {  	[tilespmem:v7+s26+$0x0] =	vst.idx.add.f32.msk $0xffff, v2;
	v8 =	vtrunc.f32 v10  }
0x9e: {  	v5 =	vmul.f32 v5, v5;
	[tilespmem:v6+s28+$0x0] =	vst.idx.add.f32.msk $0xffff, v4;
	v6 =	vcvt.f32.s32 v8  }
0x9f: {  	v4 =	vld [tilespmem:s3+$0x40]  }
0xa0: {  	[tilespmem:v7+s28+$0x0] =	vst.idx.add.f32.msk $0xffff, v5;
	v8 =	vtrunc.f32 v3;
	v5 =	vshll.u32 v6, $0x4  }
0xa1: {  	v7 =	vld [tilespmem:s6+$0x20];
	v8 =	vcvt.f32.s32 v8;
	v5 =	vor.u32 v1, v5  }
0xa2: {  	s7 =	simm.s32 $0x2;
	s8 =	simm.s32 $0x280;
	s9 =	simm.s32 $0x6280;
	v9 =	vld [tilespmem:s6+$0xFFFFFFA0];
	v6 =	vsub.f32 v63, v10  }
.LBB2_4:
0xa3: {  	s7 =	sadd.s32 $0x2, s7;
	v10 =	vld [tilespmem:s5+$0xFFFFFFA0];
	v8 =	vshll.u32 v8, $0x4  }
0xa4: {  	p0 =	slt.u32 s7, $0x5E;
	v11 =	vld [tilespmem:s5+$0x20];
	v3 =	vsub.f32 v4, v3;
	v4 =	vor.u32 v1, v8  }
0xa5: {  	v6 =	vmul.f32 v6, v6;
	v8 =	vld [tilespmem:s9+$0x0]  }
0xa6: {  	v12 =	vtrunc.f32 v7;
	[tilespmem:v5+s26+$0x0] =	vst.idx.add.f32.msk $0xffff, v2  }
0xa7: {  	v13 =	vtrunc.f32 v9;
	v12 =	vcvt.f32.s32 v12;
	[tilespmem:v5+s28+$0x0] =	vst.idx.add.f32.msk $0xffff, v6  }
0xa8: {  	v3 =	vmul.f32 v3, v3;
	v5 =	vld [tilespmem:s9+$0xFFFFFF80];
	v6 =	vcvt.f32.s32 v13;
	v9 =	vsub.f32 v10, v9  }
0xa9: {  	v10 =	vshll.u32 v12, $0x4;
	v7 =	vsub.f32 v11, v7;
	[tilespmem:v4+s26+$0x0] =	vst.idx.add.f32.msk $0xffff, v2  }
0xaa: {  	v11 =	vtrunc.f32 v8;
	v6 =	vshll.u32 v6, $0x4;
	v10 =	vor.u32 v1, v10;
	[tilespmem:v4+s28+$0x0] =	vst.idx.add.f32.msk $0xffff, v3  }
0xab: {  	v3 =	vcvt.f32.s32 v11;
	v4 =	vor.u32 v1, v6;
	v6 =	vld [tilespmem:s4+$0x44]  }
0xac: {  	v11 =	vld [tilespmem:s8+$0x0]  }
0xad: {  	v12 =	vld [tilespmem:s8+$0xFFFFFF80];
	v13 =	vtrunc.f32 v5;
	v3 =	vshll.u32 v3, $0x4  }
0xae: {  	v13 =	vcvt.f32.s32 v13;
	v14 =	vld [tilespmem:s3+$0x44]  }
0xaf: {  	v9 =	vmul.f32 v9, v9;
	v3 =	vor.u32 v1, v3;
	[tilespmem:v10+s26+$0x0] =	vst.idx.add.f32.msk $0xffff, v2  }
0xb0: {  	v13 =	vshll.u32 v13, $0x4;
	[tilespmem:v4+s26+$0x0] =	vst.idx.add.f32.msk $0xffff, v2;
	v15 =	vtrunc.f32 v6  }
0xb1: {  	v13 =	vor.u32 v1, v13;
	v8 =	vsub.f32 v11, v8;
	[tilespmem:v4+s28+$0x0] =	vst.idx.add.f32.msk $0xffff, v9;
	v4 =	vcvt.f32.s32 v15  }
0xb2: {  	v5 =	vsub.f32 v12, v5;
	v9 =	vld [tilespmem:s4+$0xFFFFFFC4];
	s4 =	smov.u32 s6;
	s6 =	smov.u32 s9  }
0xb3: {  	v7 =	vmul.f32 v7, v7;
	v8 =	vmul.f32 v8, v8;
	v11 =	vld [tilespmem:s3+$0xFFFFFFC4];
	v4 =	vshll.u32 v4, $0x4;
	s3 =	smov.u32 s5;
	s5 =	smov.u32 s8  }
0xb4: {  	v6 =	vsub.f32 v14, v6;
	[tilespmem:v3+s26+$0x0] =	vst.idx.add.f32.msk $0xffff, v2  }
0xb5: {  	[tilespmem:v10+s28+$0x0] =	vst.idx.add.f32.msk $0xffff, v7  }
0xb6: {  	v5 =	vmul.f32 v5, v5;
	v7 =	vld [tilespmem:s4+$0xFFFFFFB0]  }
0xb7: {  	v10 =	vld [tilespmem:s4+$0x30];
	v12 =	vtrunc.f32 v9  }
0xb8: {  	[tilespmem:v13+s26+$0x0] =	vst.idx.add.f32.msk $0xffff, v2;
	v12 =	vcvt.f32.s32 v12;
	v9 =	vsub.f32 v11, v9  }
0xb9: {  	[tilespmem:v13+s28+$0x0] =	vst.idx.add.f32.msk $0xffff, v5  }
0xba: {  	v5 =	vld [tilespmem:s8+$0xFFFFFF90];
	v11 =	vshll.u32 v12, $0x4  }
0xbb: {  	v12 =	vld [tilespmem:s3+$0xFFFFFFB0];
	v13 =	vtrunc.f32 v7  }
0xbc: {  	v11 =	vor.u32 v1, v11;
	[tilespmem:v3+s28+$0x0] =	vst.idx.add.f32.msk $0xffff, v8;
	v3 =	vcvt.f32.s32 v13;
	v8 =	vtrunc.f32 v10  }
0xbd: {  	v13 =	vld [tilespmem:s9+$0x10];
	v8 =	vcvt.f32.s32 v8  }
0xbe: {  	v4 =	vor.u32 v1, v4;
	v14 =	vld [tilespmem:s9+$0xFFFFFF90];
	v3 =	vshll.u32 v3, $0x4  }
0xbf: {  	v15 =	vld [tilespmem:s3+$0x30];
	v8 =	vshll.u32 v8, $0x4  }
0xc0: {  	v9 =	vmul.f32 v9, v9;
	v16 =	vld [tilespmem:s8+$0x10];
	v7 =	vsub.f32 v12, v7;
	v8 =	vor.u32 v1, v8  }
0xc1: {  	v3 =	vor.u32 v1, v3;
	[tilespmem:v11+s26+$0x0] =	vst.idx.add.f32.msk vm0, v2  }
0xc2: {  	v6 =	vmul.f32 v6, v6;
	[tilespmem:v11+s28+$0x0] =	vst.idx.add.f32.msk vm0, v9  }
0xc3: {  	v11 =	vtrunc.f32 v13;
	v9 =	vtrunc.f32 v14;
	v5 =	vsub.f32 v5, v14;
	[tilespmem:v4+s26+$0x0] =	vst.idx.add.f32.msk vm0, v2  }
0xc4: {  	v11 =	vcvt.f32.s32 v11;
	v9 =	vcvt.f32.s32 v9;
	v10 =	vsub.f32 v15, v10;
	[tilespmem:v4+s28+$0x0] =	vst.idx.add.f32.msk vm0, v6  }
0xc5: {  	v6 =	vmul.f32 v7, v7;
	v4 =	vsub.f32 v16, v13;
	[tilespmem:v8+s26+$0x0] =	vst.idx.add.f32.msk $0xffff, v2  }
0xc6: {  	v7 =	vshll.u32 v9, $0x4;
	v9 =	vshll.u32 v11, $0x4;
	[tilespmem:v3+s26+$0x0] =	vst.idx.add.f32.msk $0xffff, v2  }
0xc7: {  	v7 =	vor.u32 v1, v7;
	v9 =	vor.u32 v1, v9;
	[tilespmem:v3+s28+$0x0] =	vst.idx.add.f32.msk $0xffff, v6  }
0xc8: {  	v3 =	vmul.f32 v10, v10;
	v6 =	vld [tilespmem:s4+$0xFFFFFFC0]  }
0xc9: {  	v10 =	vld [tilespmem:s3+$0xFFFFFFC0]  }
0xca: {  	[tilespmem:v8+s28+$0x0] =	vst.idx.add.f32.msk $0xffff, v3  }
0xcb: {  	v3 =	vld [tilespmem:s4+$0x40]  }
0xcc: {  	v4 =	vmul.f32 v4, v4;
	[tilespmem:v9+s26+$0x0] =	vst.idx.add.f32.msk $0xffff, v2  }
0xcd: {  	v5 =	vmul.f32 v5, v5;
	[tilespmem:v7+s26+$0x0] =	vst.idx.add.f32.msk $0xffff, v2;
	v8 =	vtrunc.f32 v6  }
.Ltmp1:
0xce: {  	[tilespmem:v9+s28+$0x0] =	vst.idx.add.f32.msk $0xffff, v4;
	v8 =	vcvt.f32.s32 v8;
	v6 =	vsub.f32 v10, v6;
	(pc) =	sbr.rel @p0 .LBB2_4-.Ltmp1, $4  }
0xcf: {  	v4 =	vld [tilespmem:s3+$0x40]  }
0xd0: {  	[tilespmem:v7+s28+$0x0] =	vst.idx.add.f32.msk $0xffff, v5;
	v5 =	vshll.u32 v8, $0x4;
	v8 =	vtrunc.f32 v3  }
0xd1: {  	v7 =	vld [tilespmem:s9+$0x20];
	v5 =	vor.u32 v1, v5;
	v8 =	vcvt.f32.s32 v8  }
0xd2: {  	s8 =	sadd.s32 $0x100, s8;
	s9 =	sadd.s32 $0x100, s9;
	v9 =	vld [tilespmem:s6+$0xFFFFFFA0]  }
0xd3: {  	_ =	sdelay $0x2  }
0xd4: {  	v10 =	vtrunc.f32 v7  }
0xd5: {  	v11 =	vtrunc.f32 v9;
	v10 =	vcvt.f32.s32 v10  }
0xd6: {  	v13 =	vld [tilespmem:s5+$0x20];
	v11 =	vcvt.f32.s32 v11  }
0xd7: {  	v12 =	vld [tilespmem:s5+$0xFFFFFFA0];
	v10 =	vshll.u32 v10, $0x4  }
0xd8: {  	v11 =	vshll.u32 v11, $0x4;
	v10 =	vor.u32 v1, v10  }
0xd9: {  	v11 =	vor.u32 v1, v11;
	_ =	sdelay $0x1  }
0xda: {  	v7 =	vsub.f32 v13, v7  }
0xdb: {  	v9 =	vsub.f32 v12, v9  }
0xdc: {  	v7 =	vmul.f32 v7, v7;
	[tilespmem:v10+s26+$0x0] =	vst.idx.add.f32.msk $0xffff, v2  }
0xdd: {  	v9 =	vmul.f32 v9, v9;
	[tilespmem:v11+s26+$0x0] =	vst.idx.add.f32.msk $0xffff, v2  }
0xde: {  	[tilespmem:v10+s28+$0x0] =	vst.idx.add.f32.msk $0xffff, v7  }
0xdf: {  	[tilespmem:v11+s28+$0x0] =	vst.idx.add.f32.msk $0xffff, v9  }
0xe0: {  	v7 =	vld [tilespmem:s6+$0x30]  }
0xe1: {  	v9 =	vld [tilespmem:s6+$0xFFFFFFB0];
	_ =	sdelay $0x3  }
0xe2: {  	v10 =	vtrunc.f32 v7  }
0xe3: {  	v11 =	vtrunc.f32 v9;
	v10 =	vcvt.f32.s32 v10  }
0xe4: {  	v57 =	vld [tilespmem:s5+$0x30];
	v11 =	vcvt.f32.s32 v11  }
0xe5: {  	v56 =	vld [tilespmem:s5+$0xFFFFFFB0];
	v10 =	vshll.u32 v10, $0x4  }
0xe6: {  	v11 =	vshll.u32 v11, $0x4;
	v10 =	vor.u32 v1, v10  }
0xe7: {  	v11 =	vor.u32 v1, v11;
	_ =	sdelay $0x1  }
0xe8: {  	v7 =	vsub.f32 v57, v7  }
0xe9: {  	v9 =	vsub.f32 v56, v9  }
0xea: {  	v7 =	vmul.f32 v7, v7;
	[tilespmem:v10+s26+$0x0] =	vst.idx.add.f32.msk $0xffff, v2  }
0xeb: {  	v9 =	vmul.f32 v9, v9;
	[tilespmem:v11+s26+$0x0] =	vst.idx.add.f32.msk $0xffff, v2  }
0xec: {  	[tilespmem:v10+s28+$0x0] =	vst.idx.add.f32.msk $0xffff, v7  }
0xed: {  	[tilespmem:v11+s28+$0x0] =	vst.idx.add.f32.msk $0xffff, v9  }
0xee: {  	v7 =	vshll.u32 v8, $0x4;
	v8 =	vld [tilespmem:s6+$0x40]  }
0xef: {  	v9 =	vld [tilespmem:s6+$0xFFFFFFC0]  }
0xf0: {  	v7 =	vor.u32 v1, v7  }
0xf1: {  	v6 =	vmul.f32 v6, v6;
	v3 =	vsub.f32 v4, v3  }
0xf2: {  	[tilespmem:v5+s26+$0x0] =	vst.idx.add.f32.msk $0xffff, v2  }
0xf3: {  	[tilespmem:v5+s28+$0x0] =	vst.idx.add.f32.msk $0xffff, v6;
	v3 =	vmul.f32 v3, v3;
	v5 =	vtrunc.f32 v8  }
0xf4: {  	v4 =	vld [tilespmem:s5+$0xFFFFFFC0];
	v10 =	vtrunc.f32 v9;
	v5 =	vcvt.f32.s32 v5  }
0xf5: {  	[tilespmem:v7+s26+$0x0] =	vst.idx.add.f32.msk $0xffff, v2;
	v10 =	vcvt.f32.s32 v10  }
0xf6: {  	[tilespmem:v7+s28+$0x0] =	vst.idx.add.f32.msk $0xffff, v3;
	v3 =	vshll.u32 v5, $0x4  }
0xf7: {  	v6 =	vshll.u32 v10, $0x4;
	v10 =	vld [tilespmem:s5+$0x40];
	v3 =	vor.u32 v1, v3  }
0xf8: {  	v6 =	vor.u32 v1, v6  }
0xf9: {  	v7 =	vld [tilespmem:s4+$0xFFFFFFC4]  }
0xfa: {  	v4 =	vsub.f32 v4, v9;
	v9 =	vld [tilespmem:s3+$0xFFFFFFC4]  }
0xfb: {  	v5 =	vld [tilespmem:s4+$0x44]  }
0xfc: {  	v4 =	vmul.f32 v4, v4;
	v8 =	vsub.f32 v10, v8;
	[tilespmem:v3+s26+$0x0] =	vst.idx.add.f32.msk $0xffff, v2  }
0xfd: {  	[tilespmem:v6+s26+$0x0] =	vst.idx.add.f32.msk $0xffff, v2  }
0xfe: {  	[tilespmem:v6+s28+$0x0] =	vst.idx.add.f32.msk $0xffff, v4;
	v4 =	vmul.f32 v8, v8  }
0xff: {  	v6 =	vtrunc.f32 v7;
	v8 =	vld [tilespmem:s6+$0xFFFFFFC4]  }
0x100: {  	v6 =	vcvt.f32.s32 v6;
	[tilespmem:v3+s28+$0x0] =	vst.idx.add.f32.msk $0xffff, v4  }
0x101: {  	v3 =	vld [tilespmem:s6+$0x44]  }
0x102: {  	v4 =	vtrunc.f32 v5;
	v6 =	vshll.u32 v6, $0x4  }
0x103: {  	v10 =	vld [tilespmem:s3+$0x44];
	v4 =	vcvt.f32.s32 v4;
	v6 =	vor.u32 v1, v6  }
0x104: {  	v11 =	vtrunc.f32 v8  }
0x105: {  	v7 =	vsub.f32 v9, v7;
	v9 =	vld [tilespmem:s5+$0xFFFFFFC4];
	v4 =	vshll.u32 v4, $0x4;
	v11 =	vcvt.f32.s32 v11  }
0x106: {  	v4 =	vor.u32 v1, v4;
	v58 =	vtrunc.f32 v3  }
0x107: {  	v7 =	vmul.f32 v7, v7;
	v59 =	vld [tilespmem:s5+$0x44];
	v12 =	vcvt.f32.s32 v58;
	v11 =	vshll.u32 v11, $0x4  }
0x108: {  	v5 =	vsub.f32 v10, v5;
	[tilespmem:v6+s26+$0x0] =	vst.idx.add.f32.msk vm0, v2;
	v10 =	vor.u32 v1, v11  }
0x109: {  	[tilespmem:v6+s28+$0x0] =	vst.idx.add.f32.msk vm0, v7;
	v6 =	vshll.u32 v12, $0x4  }
0x10a: {  	v5 =	vmul.f32 v5, v5;
	v7 =	vsub.f32 v9, v8;
	v6 =	vor.u32 v1, v6  }
0x10b: {  	[tilespmem:v4+s26+$0x0] =	vst.idx.add.f32.msk vm0, v2  }
0x10c: {  	v3 =	vsub.f32 v59, v3;
	[tilespmem:v4+s28+$0x0] =	vst.idx.add.f32.msk vm0, v5;
	v4 =	vmul.f32 v7, v7  }
0x10d: {  	[tilespmem:v10+s26+$0x0] =	vst.idx.add.f32.msk vm0, v2  }
0x10e: {  	v3 =	vmul.f32 v3, v3;
	[tilespmem:v10+s28+$0x0] =	vst.idx.add.f32.msk vm0, v4  }
0x10f: {  	[tilespmem:v6+s26+$0x0] =	vst.idx.add.f32.msk vm0, v2  }
0x110: {  	[tilespmem:v6+s28+$0x0] =	vst.idx.add.f32.msk vm0, v3  }
0x111: {  	s30 =	rddreg [dreg:$0x7]  }
0x112: {  	[tilespmem:s2], [sflag:$0x1] =	stream.linear.gather [hbm4b:s30+s2], $0x3000, $0x38;
	[tilespmem:$0xE200] =	vst v63  }
0x113: {  	s31 =	rddreg [dreg:$0x8]  }
0x114: {  	[tilespmem:s22], [sflag:$0x1] =	stream.linear.gather [hbm4b:s31+s2], $0x3000, $0x38;
	[tilespmem:$0xE200] =	vst v63  }
0x115: {  	_ =	swait.ge [sflag:s29], $0x3000  }
0x116: {  	[sflag:s29] =	ssyncset.done $0x0  }
0x117: {  	[sflag:s29] =	ssyncadd.s32 $0xFFFFD000  }
0x118: {  	_ =	swait.ge [sflag:s29], $0x3000  }
0x119: {  	[sflag:s29] =	ssyncset.done $0x0  }
0x11a: {  	s4 =	simm.s32 $0x90C4;
	[sflag:s29] =	ssyncadd.s32 $0xFFFFD000  }
0x11b: {  	v3 =	vld [tilespmem:s4+$0xFFFFFFBC]  }
0x11c: {  	v4 =	vld [tilespmem:s4+$0xFFFFFF3C];
	_ =	sdelay $0x3  }
0x11d: {  	v5 =	vtrunc.f32 v3  }
0x11e: {  	s3 =	simm.s32 $0x30C4;
	v6 =	vtrunc.f32 v4;
	v5 =	vcvt.f32.s32 v5  }
0x11f: {  	v7 =	vld [tilespmem:s3+$0xFFFFFF3C];
	v6 =	vcvt.f32.s32 v6  }
0x120: {  	v8 =	vld [tilespmem:s3+$0xFFFFFFBC];
	v5 =	vshll.u32 v5, $0x4  }
0x121: {  	v6 =	vshll.u32 v6, $0x4;
	v5 =	vor.u32 v1, v5  }
0x122: {  	v6 =	vor.u32 v1, v6;
	_ =	sdelay $0x1  }
0x123: {  	v4 =	vsub.f32 v7, v4  }
0x124: {  	v3 =	vsub.f32 v8, v3  }
0x125: {  	v4 =	vmul.f32 v4, v4;
	[tilespmem:v5+s26+$0x0] =	vst.idx.add.f32.msk $0xffff, v2  }
0x126: {  	v3 =	vmul.f32 v3, v3;
	[tilespmem:v6+s26+$0x0] =	vst.idx.add.f32.msk $0xffff, v2  }
0x127: {  	[tilespmem:v6+s28+$0x0] =	vst.idx.add.f32.msk $0xffff, v4  }
0x128: {  	[tilespmem:v5+s28+$0x0] =	vst.idx.add.f32.msk $0xffff, v3  }
0x129: {  	v3 =	vld [tilespmem:s4+$0xFFFFFFCC]  }
0x12a: {  	v4 =	vld [tilespmem:s4+$0xFFFFFF4C];
	_ =	sdelay $0x3  }
0x12b: {  	v5 =	vtrunc.f32 v3  }
0x12c: {  	v6 =	vtrunc.f32 v4;
	v5 =	vcvt.f32.s32 v5  }
0x12d: {  	v7 =	vld [tilespmem:s3+$0xFFFFFFCC];
	v6 =	vcvt.f32.s32 v6  }
0x12e: {  	v8 =	vld [tilespmem:s3+$0xFFFFFF4C];
	v5 =	vshll.u32 v5, $0x4  }
0x12f: {  	v6 =	vshll.u32 v6, $0x4;
	v5 =	vor.u32 v1, v5  }
0x130: {  	v6 =	vor.u32 v1, v6;
	_ =	sdelay $0x1  }
0x131: {  	v3 =	vsub.f32 v7, v3  }
0x132: {  	v4 =	vsub.f32 v8, v4  }
0x133: {  	v3 =	vmul.f32 v3, v3;
	[tilespmem:v5+s26+$0x0] =	vst.idx.add.f32.msk $0xffff, v2  }
0x134: {  	v4 =	vmul.f32 v4, v4;
	[tilespmem:v6+s26+$0x0] =	vst.idx.add.f32.msk $0xffff, v2  }
0x135: {  	[tilespmem:v5+s28+$0x0] =	vst.idx.add.f32.msk $0xffff, v3  }
0x136: {  	[tilespmem:v6+s28+$0x0] =	vst.idx.add.f32.msk $0xffff, v4  }
0x137: {  	v3 =	vld [tilespmem:s4+$0xFFFFFFDC]  }
0x138: {  	v4 =	vld [tilespmem:s4+$0xFFFFFF5C];
	_ =	sdelay $0x2  }
0x139: {  	s6 =	simm.s32 $0x91C4  }
0x13a: {  	v9 =	vld [tilespmem:s6+$0xFFFFFF3C];
	v6 =	vtrunc.f32 v3  }
0x13b: {  	v7 =	vld [tilespmem:s6+$0xFFFFFFBC];
	v8 =	vtrunc.f32 v4;
	v6 =	vcvt.f32.s32 v6  }
0x13c: {  	v5 =	vld [tilespmem:s3+$0xFFFFFF5C];
	v8 =	vcvt.f32.s32 v8  }
0x13d: {  	v10 =	vld [tilespmem:s3+$0xFFFFFFDC];
	v6 =	vshll.u32 v6, $0x4  }
0x13e: {  	v8 =	vshll.u32 v8, $0x4;
	v6 =	vor.u32 v1, v6  }
0x13f: {  	v8 =	vor.u32 v1, v8  }
0x140: {  	s5 =	simm.s32 $0x31C4;
	v60 =	vtrunc.f32 v9;
	v11 =	vtrunc.f32 v7  }
0x141: {  	v12 =	vcvt.f32.s32 v60;
	v4 =	vsub.f32 v5, v4;
	v5 =	vcvt.f32.s32 v11;
	v11 =	vld [tilespmem:s5+$0xFFFFFFBC]  }
0x142: {  	v3 =	vsub.f32 v10, v3;
	v10 =	vld [tilespmem:s5+$0xFFFFFF3C]  }
0x143: {  	v12 =	vshll.u32 v12, $0x4;
	v4 =	vmul.f32 v4, v4;
	[tilespmem:v6+s26+$0x0] =	vst.idx.add.f32.msk $0xffff, v2  }
0x144: {  	v12 =	vor.u32 v1, v12;
	v5 =	vshll.u32 v5, $0x4;
	v3 =	vmul.f32 v3, v3;
	[tilespmem:v8+s26+$0x0] =	vst.idx.add.f32.msk $0xffff, v2  }
0x145: {  	v5 =	vor.u32 v1, v5;
	[tilespmem:v8+s28+$0x0] =	vst.idx.add.f32.msk $0xffff, v4  }
0x146: {  	[tilespmem:v6+s28+$0x0] =	vst.idx.add.f32.msk $0xffff, v3  }
0x147: {  	v7 =	vsub.f32 v11, v7;
	v4 =	vld [tilespmem:s4+$0xFFFFFFEC]  }
0x148: {  	v3 =	vsub.f32 v10, v9;
	v6 =	vld [tilespmem:s4+$0xFFFFFF6C]  }
0x149: {  	[tilespmem:v12+s26+$0x0] =	vst.idx.add.f32.msk $0xffff, v2;
	v7 =	vmul.f32 v7, v7  }
0x14a: {  	[tilespmem:v5+s26+$0x0] =	vst.idx.add.f32.msk $0xffff, v2;
	v3 =	vmul.f32 v3, v3  }
0x14b: {  	[tilespmem:v5+s28+$0x0] =	vst.idx.add.f32.msk $0xffff, v7  }
0x14c: {  	[tilespmem:v12+s28+$0x0] =	vst.idx.add.f32.msk $0xffff, v3;
	v8 =	vtrunc.f32 v4  }
0x14d: {  	v3 =	vld [tilespmem:s3+$0xFFFFFF6C];
	v9 =	vtrunc.f32 v6;
	v5 =	vcvt.f32.s32 v8  }
0x14e: {  	v7 =	vcvt.f32.s32 v9;
	v8 =	vld [tilespmem:s6+$0xFFFFFFCC]  }
0x14f: {  	v9 =	vld [tilespmem:s6+$0xFFFFFF4C];
	v5 =	vshll.u32 v5, $0x4  }
0x150: {  	v7 =	vshll.u32 v7, $0x4;
	v5 =	vor.u32 v1, v5  }
0x151: {  	v10 =	vld [tilespmem:s3+$0xFFFFFFEC];
	v7 =	vor.u32 v1, v7;
	_ =	sdelay $0x1  }
0x152: {  	v61 =	vld [tilespmem:s5+$0xFFFFFFCC];
	v3 =	vsub.f32 v3, v6;
	v6 =	vtrunc.f32 v8  }
0x153: {  	v11 =	vld [tilespmem:s5+$0xFFFFFF4C];
	v62 =	vtrunc.f32 v9;
	v6 =	vcvt.f32.s32 v6  }
0x154: {  	v3 =	vmul.f32 v3, v3;
	v13 =	vcvt.f32.s32 v62;
	[tilespmem:v5+s26+$0x0] =	vst.idx.add.f32.msk $0xffff, v2  }
0x155: {  	v4 =	vsub.f32 v10, v4;
	v6 =	vshll.u32 v6, $0x4;
	[tilespmem:v7+s26+$0x0] =	vst.idx.add.f32.msk $0xffff, v2  }
0x156: {  	v10 =	vshll.u32 v13, $0x4;
	v6 =	vor.u32 v1, v6;
	[tilespmem:v7+s28+$0x0] =	vst.idx.add.f32.msk $0xffff, v3  }
0x157: {  	v7 =	vor.u32 v1, v10;
	v3 =	vmul.f32 v4, v4;
	v10 =	vld [tilespmem:s4+$0xFFFFFF7C]  }
0x158: {  	v63 =	vld [tilespmem:s3+$0xFFFFFF7C]  }
0x159: {  	v4 =	vsub.f32 v61, v8;
	[tilespmem:v5+s28+$0x0] =	vst.idx.add.f32.msk $0xffff, v3  }
0x15a: {  	v3 =	vld [tilespmem:s4+$0xFFFFFFFC]  }
0x15b: {  	v5 =	vsub.f32 v11, v9;
	v4 =	vmul.f32 v4, v4;
	[tilespmem:v6+s26+$0x0] =	vst.idx.add.f32.msk $0xffff, v2  }
0x15c: {  	[tilespmem:v7+s26+$0x0] =	vst.idx.add.f32.msk $0xffff, v2;
	v8 =	vtrunc.f32 v10  }
0x15d: {  	v5 =	vmul.f32 v5, v5;
	[tilespmem:v6+s28+$0x0] =	vst.idx.add.f32.msk $0xffff, v4;
	v6 =	vcvt.f32.s32 v8  }
0x15e: {  	v4 =	vld [tilespmem:s3+$0xFFFFFFFC]  }
0x15f: {  	[tilespmem:v7+s28+$0x0] =	vst.idx.add.f32.msk $0xffff, v5;
	v8 =	vtrunc.f32 v3;
	v5 =	vshll.u32 v6, $0x4  }
0x160: {  	v7 =	vld [tilespmem:s6+$0xFFFFFFDC];
	v8 =	vcvt.f32.s32 v8;
	v5 =	vor.u32 v1, v5  }
0x161: {  	s7 =	simm.s32 $0x2;
	s8 =	simm.s32 $0x92C4;
	s9 =	simm.s32 $0x32C4;
	v9 =	vld [tilespmem:s6+$0xFFFFFF5C];
	v6 =	vsub.f32 v63, v10  }
.LBB2_6:
0x162: {  	s7 =	sadd.s32 $0x2, s7;
	v10 =	vld [tilespmem:s5+$0xFFFFFF5C];
	v8 =	vshll.u32 v8, $0x4  }
0x163: {  	p0 =	slt.u32 s7, $0x5E;
	v11 =	vld [tilespmem:s5+$0xFFFFFFDC];
	v3 =	vsub.f32 v4, v3;
	v4 =	vor.u32 v1, v8  }
0x164: {  	v6 =	vmul.f32 v6, v6;
	v8 =	vld [tilespmem:s8+$0xFFFFFFBC]  }
0x165: {  	v12 =	vtrunc.f32 v7;
	[tilespmem:v5+s26+$0x0] =	vst.idx.add.f32.msk $0xffff, v2  }
0x166: {  	v13 =	vtrunc.f32 v9;
	v12 =	vcvt.f32.s32 v12;
	[tilespmem:v5+s28+$0x0] =	vst.idx.add.f32.msk $0xffff, v6  }
0x167: {  	v3 =	vmul.f32 v3, v3;
	v5 =	vld [tilespmem:s8+$0xFFFFFF3C];
	v6 =	vcvt.f32.s32 v13;
	v9 =	vsub.f32 v10, v9  }
0x168: {  	v10 =	vshll.u32 v12, $0x4;
	v7 =	vsub.f32 v11, v7;
	[tilespmem:v4+s26+$0x0] =	vst.idx.add.f32.msk $0xffff, v2  }
0x169: {  	v11 =	vtrunc.f32 v8;
	v6 =	vshll.u32 v6, $0x4;
	v10 =	vor.u32 v1, v10;
	[tilespmem:v4+s28+$0x0] =	vst.idx.add.f32.msk $0xffff, v3  }
0x16a: {  	v3 =	vcvt.f32.s32 v11;
	v4 =	vor.u32 v1, v6;
	v6 =	vld [tilespmem:s4+$0x0]  }
0x16b: {  	v11 =	vld [tilespmem:s9+$0xFFFFFFBC]  }
0x16c: {  	v12 =	vld [tilespmem:s9+$0xFFFFFF3C];
	v13 =	vtrunc.f32 v5;
	v3 =	vshll.u32 v3, $0x4  }
0x16d: {  	v13 =	vcvt.f32.s32 v13;
	v14 =	vld [tilespmem:s3+$0x0]  }
0x16e: {  	v9 =	vmul.f32 v9, v9;
	v3 =	vor.u32 v1, v3;
	[tilespmem:v10+s26+$0x0] =	vst.idx.add.f32.msk $0xffff, v2  }
0x16f: {  	v13 =	vshll.u32 v13, $0x4;
	[tilespmem:v4+s26+$0x0] =	vst.idx.add.f32.msk $0xffff, v2;
	v15 =	vtrunc.f32 v6  }
0x170: {  	v13 =	vor.u32 v1, v13;
	v8 =	vsub.f32 v11, v8;
	[tilespmem:v4+s28+$0x0] =	vst.idx.add.f32.msk $0xffff, v9;
	v4 =	vcvt.f32.s32 v15  }
0x171: {  	v5 =	vsub.f32 v12, v5;
	v9 =	vld [tilespmem:s4+$0xFFFFFF80];
	s4 =	smov.u32 s6;
	s6 =	smov.u32 s8  }
0x172: {  	v7 =	vmul.f32 v7, v7;
	v8 =	vmul.f32 v8, v8;
	v11 =	vld [tilespmem:s3+$0xFFFFFF80];
	v4 =	vshll.u32 v4, $0x4;
	s3 =	smov.u32 s5;
	s5 =	smov.u32 s9  }
0x173: {  	v6 =	vsub.f32 v14, v6;
	[tilespmem:v3+s26+$0x0] =	vst.idx.add.f32.msk $0xffff, v2  }
0x174: {  	[tilespmem:v10+s28+$0x0] =	vst.idx.add.f32.msk $0xffff, v7  }
0x175: {  	v5 =	vmul.f32 v5, v5;
	v7 =	vld [tilespmem:s4+$0xFFFFFF6C]  }
0x176: {  	v10 =	vld [tilespmem:s4+$0xFFFFFFEC];
	v12 =	vtrunc.f32 v9  }
0x177: {  	[tilespmem:v13+s26+$0x0] =	vst.idx.add.f32.msk $0xffff, v2;
	v12 =	vcvt.f32.s32 v12;
	v9 =	vsub.f32 v11, v9  }
0x178: {  	[tilespmem:v13+s28+$0x0] =	vst.idx.add.f32.msk $0xffff, v5  }
0x179: {  	v5 =	vld [tilespmem:s9+$0xFFFFFF4C];
	v11 =	vshll.u32 v12, $0x4  }
0x17a: {  	v12 =	vld [tilespmem:s3+$0xFFFFFF6C];
	v13 =	vtrunc.f32 v7  }
0x17b: {  	v11 =	vor.u32 v1, v11;
	[tilespmem:v3+s28+$0x0] =	vst.idx.add.f32.msk $0xffff, v8;
	v3 =	vcvt.f32.s32 v13;
	v8 =	vtrunc.f32 v10  }
0x17c: {  	v13 =	vld [tilespmem:s8+$0xFFFFFFCC];
	v8 =	vcvt.f32.s32 v8  }
0x17d: {  	v4 =	vor.u32 v1, v4;
	v14 =	vld [tilespmem:s8+$0xFFFFFF4C];
	v3 =	vshll.u32 v3, $0x4  }
0x17e: {  	v15 =	vld [tilespmem:s3+$0xFFFFFFEC];
	v8 =	vshll.u32 v8, $0x4  }
0x17f: {  	v9 =	vmul.f32 v9, v9;
	v16 =	vld [tilespmem:s9+$0xFFFFFFCC];
	v7 =	vsub.f32 v12, v7;
	v8 =	vor.u32 v1, v8  }
0x180: {  	v3 =	vor.u32 v1, v3;
	[tilespmem:v11+s26+$0x0] =	vst.idx.add.f32.msk vm0, v2  }
0x181: {  	v6 =	vmul.f32 v6, v6;
	[tilespmem:v11+s28+$0x0] =	vst.idx.add.f32.msk vm0, v9  }
0x182: {  	v11 =	vtrunc.f32 v13;
	v9 =	vtrunc.f32 v14;
	v5 =	vsub.f32 v5, v14;
	[tilespmem:v4+s26+$0x0] =	vst.idx.add.f32.msk vm0, v2  }
0x183: {  	v11 =	vcvt.f32.s32 v11;
	v9 =	vcvt.f32.s32 v9;
	v10 =	vsub.f32 v15, v10;
	[tilespmem:v4+s28+$0x0] =	vst.idx.add.f32.msk vm0, v6  }
0x184: {  	v6 =	vmul.f32 v7, v7;
	v4 =	vsub.f32 v16, v13;
	[tilespmem:v8+s26+$0x0] =	vst.idx.add.f32.msk $0xffff, v2  }
0x185: {  	v7 =	vshll.u32 v9, $0x4;
	v9 =	vshll.u32 v11, $0x4;
	[tilespmem:v3+s26+$0x0] =	vst.idx.add.f32.msk $0xffff, v2  }
0x186: {  	v7 =	vor.u32 v1, v7;
	v9 =	vor.u32 v1, v9;
	[tilespmem:v3+s28+$0x0] =	vst.idx.add.f32.msk $0xffff, v6  }
0x187: {  	v3 =	vmul.f32 v10, v10;
	v6 =	vld [tilespmem:s4+$0xFFFFFF7C]  }
0x188: {  	v10 =	vld [tilespmem:s3+$0xFFFFFF7C]  }
0x189: {  	[tilespmem:v8+s28+$0x0] =	vst.idx.add.f32.msk $0xffff, v3  }
0x18a: {  	v3 =	vld [tilespmem:s4+$0xFFFFFFFC]  }
0x18b: {  	v4 =	vmul.f32 v4, v4;
	[tilespmem:v9+s26+$0x0] =	vst.idx.add.f32.msk $0xffff, v2  }
0x18c: {  	v5 =	vmul.f32 v5, v5;
	[tilespmem:v7+s26+$0x0] =	vst.idx.add.f32.msk $0xffff, v2;
	v8 =	vtrunc.f32 v6  }
.Ltmp2:
0x18d: {  	[tilespmem:v9+s28+$0x0] =	vst.idx.add.f32.msk $0xffff, v4;
	v8 =	vcvt.f32.s32 v8;
	v6 =	vsub.f32 v10, v6;
	(pc) =	sbr.rel @p0 .LBB2_6-.Ltmp2, $4  }
0x18e: {  	v4 =	vld [tilespmem:s3+$0xFFFFFFFC]  }
0x18f: {  	[tilespmem:v7+s28+$0x0] =	vst.idx.add.f32.msk $0xffff, v5;
	v5 =	vshll.u32 v8, $0x4;
	v8 =	vtrunc.f32 v3  }
0x190: {  	v7 =	vld [tilespmem:s8+$0xFFFFFFDC];
	v5 =	vor.u32 v1, v5;
	v8 =	vcvt.f32.s32 v8  }
0x191: {  	s9 =	sadd.s32 $0x100, s9;
	s8 =	sadd.s32 $0x100, s8;
	v9 =	vld [tilespmem:s6+$0xFFFFFF5C]  }
0x192: {  	_ =	sdelay $0x2  }
0x193: {  	v10 =	vtrunc.f32 v7  }
0x194: {  	v11 =	vtrunc.f32 v9;
	v10 =	vcvt.f32.s32 v10  }
0x195: {  	v13 =	vld [tilespmem:s5+$0xFFFFFFDC];
	v11 =	vcvt.f32.s32 v11  }
0x196: {  	v12 =	vld [tilespmem:s5+$0xFFFFFF5C];
	v10 =	vshll.u32 v10, $0x4  }
0x197: {  	v11 =	vshll.u32 v11, $0x4;
	v10 =	vor.u32 v1, v10  }
0x198: {  	v11 =	vor.u32 v1, v11;
	_ =	sdelay $0x1  }
0x199: {  	v7 =	vsub.f32 v13, v7  }
0x19a: {  	v9 =	vsub.f32 v12, v9  }
0x19b: {  	v7 =	vmul.f32 v7, v7;
	[tilespmem:v10+s26+$0x0] =	vst.idx.add.f32.msk $0xffff, v2  }
0x19c: {  	v9 =	vmul.f32 v9, v9;
	[tilespmem:v11+s26+$0x0] =	vst.idx.add.f32.msk $0xffff, v2  }
0x19d: {  	[tilespmem:v10+s28+$0x0] =	vst.idx.add.f32.msk $0xffff, v7  }
0x19e: {  	[tilespmem:v11+s28+$0x0] =	vst.idx.add.f32.msk $0xffff, v9  }
0x19f: {  	v7 =	vld [tilespmem:s6+$0xFFFFFFEC]  }
0x1a0: {  	v9 =	vld [tilespmem:s6+$0xFFFFFF6C];
	_ =	sdelay $0x3  }
0x1a1: {  	v10 =	vtrunc.f32 v7  }
0x1a2: {  	v11 =	vtrunc.f32 v9;
	v10 =	vcvt.f32.s32 v10  }
0x1a3: {  	v57 =	vld [tilespmem:s5+$0xFFFFFFEC];
	v11 =	vcvt.f32.s32 v11  }
0x1a4: {  	v56 =	vld [tilespmem:s5+$0xFFFFFF6C];
	v10 =	vshll.u32 v10, $0x4  }
0x1a5: {  	v11 =	vshll.u32 v11, $0x4;
	v10 =	vor.u32 v1, v10  }
0x1a6: {  	v11 =	vor.u32 v1, v11;
	_ =	sdelay $0x1  }
0x1a7: {  	v7 =	vsub.f32 v57, v7  }
0x1a8: {  	v9 =	vsub.f32 v56, v9  }
0x1a9: {  	v7 =	vmul.f32 v7, v7;
	[tilespmem:v10+s26+$0x0] =	vst.idx.add.f32.msk $0xffff, v2  }
0x1aa: {  	v9 =	vmul.f32 v9, v9;
	[tilespmem:v11+s26+$0x0] =	vst.idx.add.f32.msk $0xffff, v2  }
0x1ab: {  	[tilespmem:v10+s28+$0x0] =	vst.idx.add.f32.msk $0xffff, v7  }
0x1ac: {  	[tilespmem:v11+s28+$0x0] =	vst.idx.add.f32.msk $0xffff, v9  }
0x1ad: {  	v7 =	vshll.u32 v8, $0x4;
	v8 =	vld [tilespmem:s6+$0xFFFFFFFC]  }
0x1ae: {  	v9 =	vld [tilespmem:s6+$0xFFFFFF7C]  }
0x1af: {  	v7 =	vor.u32 v1, v7  }
0x1b0: {  	v6 =	vmul.f32 v6, v6;
	v3 =	vsub.f32 v4, v3  }
0x1b1: {  	[tilespmem:v5+s26+$0x0] =	vst.idx.add.f32.msk $0xffff, v2  }
0x1b2: {  	[tilespmem:v5+s28+$0x0] =	vst.idx.add.f32.msk $0xffff, v6;
	v3 =	vmul.f32 v3, v3;
	v5 =	vtrunc.f32 v8  }
0x1b3: {  	v4 =	vld [tilespmem:s5+$0xFFFFFF7C];
	v10 =	vtrunc.f32 v9;
	v5 =	vcvt.f32.s32 v5  }
0x1b4: {  	[tilespmem:v7+s26+$0x0] =	vst.idx.add.f32.msk $0xffff, v2;
	v10 =	vcvt.f32.s32 v10  }
0x1b5: {  	[tilespmem:v7+s28+$0x0] =	vst.idx.add.f32.msk $0xffff, v3;
	v3 =	vshll.u32 v5, $0x4  }
0x1b6: {  	v6 =	vshll.u32 v10, $0x4;
	v10 =	vld [tilespmem:s5+$0xFFFFFFFC];
	v3 =	vor.u32 v1, v3  }
0x1b7: {  	v6 =	vor.u32 v1, v6  }
0x1b8: {  	v7 =	vld [tilespmem:s4+$0xFFFFFF80]  }
0x1b9: {  	v4 =	vsub.f32 v4, v9;
	v9 =	vld [tilespmem:s3+$0xFFFFFF80]  }
0x1ba: {  	v5 =	vld [tilespmem:s4+$0x0]  }
0x1bb: {  	v4 =	vmul.f32 v4, v4;
	v8 =	vsub.f32 v10, v8;
	[tilespmem:v3+s26+$0x0] =	vst.idx.add.f32.msk $0xffff, v2  }
0x1bc: {  	[tilespmem:v6+s26+$0x0] =	vst.idx.add.f32.msk $0xffff, v2  }
0x1bd: {  	[tilespmem:v6+s28+$0x0] =	vst.idx.add.f32.msk $0xffff, v4;
	v4 =	vmul.f32 v8, v8  }
0x1be: {  	v6 =	vtrunc.f32 v7;
	v8 =	vld [tilespmem:s6+$0xFFFFFF80]  }
0x1bf: {  	v6 =	vcvt.f32.s32 v6;
	[tilespmem:v3+s28+$0x0] =	vst.idx.add.f32.msk $0xffff, v4  }
0x1c0: {  	v3 =	vld [tilespmem:s6+$0x0]  }
0x1c1: {  	v4 =	vtrunc.f32 v5;
	v6 =	vshll.u32 v6, $0x4  }
0x1c2: {  	v10 =	vld [tilespmem:s3+$0x0];
	v4 =	vcvt.f32.s32 v4;
	v6 =	vor.u32 v1, v6  }
0x1c3: {  	v11 =	vtrunc.f32 v8  }
0x1c4: {  	v7 =	vsub.f32 v9, v7;
	v9 =	vld [tilespmem:s5+$0xFFFFFF80];
	v4 =	vshll.u32 v4, $0x4;
	v11 =	vcvt.f32.s32 v11  }
0x1c5: {  	v4 =	vor.u32 v1, v4;
	v58 =	vtrunc.f32 v3  }
0x1c6: {  	v7 =	vmul.f32 v7, v7;
	v59 =	vld [tilespmem:s5+$0x0];
	v12 =	vcvt.f32.s32 v58;
	v11 =	vshll.u32 v11, $0x4  }
0x1c7: {  	v5 =	vsub.f32 v10, v5;
	[tilespmem:v6+s26+$0x0] =	vst.idx.add.f32.msk vm0, v2;
	v10 =	vor.u32 v1, v11  }
0x1c8: {  	[tilespmem:v6+s28+$0x0] =	vst.idx.add.f32.msk vm0, v7;
	v6 =	vshll.u32 v12, $0x4  }
0x1c9: {  	v5 =	vmul.f32 v5, v5;
	v7 =	vsub.f32 v9, v8;
	v6 =	vor.u32 v1, v6  }
0x1ca: {  	[tilespmem:v4+s26+$0x0] =	vst.idx.add.f32.msk vm0, v2  }
0x1cb: {  	v3 =	vsub.f32 v59, v3;
	[tilespmem:v4+s28+$0x0] =	vst.idx.add.f32.msk vm0, v5;
	v4 =	vmul.f32 v7, v7  }
0x1cc: {  	[tilespmem:v10+s26+$0x0] =	vst.idx.add.f32.msk vm0, v2  }
0x1cd: {  	v3 =	vmul.f32 v3, v3;
	[tilespmem:v10+s28+$0x0] =	vst.idx.add.f32.msk vm0, v4  }
0x1ce: {  	[tilespmem:v6+s26+$0x0] =	vst.idx.add.f32.msk vm0, v2  }
0x1cf: {  	[tilespmem:v6+s28+$0x0] =	vst.idx.add.f32.msk vm0, v3  }
0x1d0: {  	s30 =	rddreg [dreg:$0x9]  }
0x1d1: {  	[tilespmem:s23], [sflag:$0x2] =	stream.linear.gather [hbm4b:s30+s2], $0x3000, $0x38;
	[tilespmem:$0xE200] =	vst v63  }
0x1d2: {  	s31 =	rddreg [dreg:$0xa]  }
0x1d3: {  	[tilespmem:s24], [sflag:$0x2] =	stream.linear.gather [hbm4b:s31+s2], $0x3000, $0x38;
	[tilespmem:$0xE200] =	vst v63  }
0x1d4: {  	_ =	swait.ge [sflag:s25], $0x3000  }
0x1d5: {  	[sflag:s25] =	ssyncset.done $0x0  }
0x1d6: {  	[sflag:s25] =	ssyncadd.s32 $0xFFFFD000  }
0x1d7: {  	_ =	swait.ge [sflag:s25], $0x3000  }
0x1d8: {  	[sflag:s25] =	ssyncset.done $0x0  }
0x1d9: {  	s4 =	simm.s32 $0x6080;
	[sflag:s25] =	ssyncadd.s32 $0xFFFFD000  }
0x1da: {  	v3 =	vld [tilespmem:s4+$0x0]  }
0x1db: {  	v4 =	vld [tilespmem:s4+$0xFFFFFF80];
	_ =	sdelay $0x3  }
0x1dc: {  	v5 =	vtrunc.f32 v3  }
0x1dd: {  	s3 =	simm.s32 $0x80;
	v6 =	vtrunc.f32 v4;
	v5 =	vcvt.f32.s32 v5  }
0x1de: {  	v7 =	vld [tilespmem:s3+$0xFFFFFF80];
	v6 =	vcvt.f32.s32 v6  }
0x1df: {  	v8 =	vld [tilespmem:s3+$0x0];
	v5 =	vshll.u32 v5, $0x4  }
0x1e0: {  	v6 =	vshll.u32 v6, $0x4;
	v5 =	vor.u32 v1, v5  }
0x1e1: {  	v6 =	vor.u32 v1, v6;
	_ =	sdelay $0x1  }
0x1e2: {  	v4 =	vsub.f32 v7, v4  }
0x1e3: {  	v3 =	vsub.f32 v8, v3  }
0x1e4: {  	v4 =	vmul.f32 v4, v4;
	[tilespmem:v5+s26+$0x0] =	vst.idx.add.f32.msk $0xffff, v2  }
0x1e5: {  	v3 =	vmul.f32 v3, v3;
	[tilespmem:v6+s26+$0x0] =	vst.idx.add.f32.msk $0xffff, v2  }
0x1e6: {  	[tilespmem:v6+s28+$0x0] =	vst.idx.add.f32.msk $0xffff, v4  }
0x1e7: {  	[tilespmem:v5+s28+$0x0] =	vst.idx.add.f32.msk $0xffff, v3  }
0x1e8: {  	v3 =	vld [tilespmem:s4+$0x10]  }
0x1e9: {  	v4 =	vld [tilespmem:s4+$0xFFFFFF90];
	_ =	sdelay $0x3  }
0x1ea: {  	v5 =	vtrunc.f32 v3  }
0x1eb: {  	v6 =	vtrunc.f32 v4;
	v5 =	vcvt.f32.s32 v5  }
0x1ec: {  	v7 =	vld [tilespmem:s3+$0x10];
	v6 =	vcvt.f32.s32 v6  }
0x1ed: {  	v8 =	vld [tilespmem:s3+$0xFFFFFF90];
	v5 =	vshll.u32 v5, $0x4  }
0x1ee: {  	v6 =	vshll.u32 v6, $0x4;
	v5 =	vor.u32 v1, v5  }
0x1ef: {  	v6 =	vor.u32 v1, v6;
	_ =	sdelay $0x1  }
0x1f0: {  	v3 =	vsub.f32 v7, v3  }
0x1f1: {  	v4 =	vsub.f32 v8, v4  }
0x1f2: {  	v3 =	vmul.f32 v3, v3;
	[tilespmem:v5+s26+$0x0] =	vst.idx.add.f32.msk $0xffff, v2  }
0x1f3: {  	v4 =	vmul.f32 v4, v4;
	[tilespmem:v6+s26+$0x0] =	vst.idx.add.f32.msk $0xffff, v2  }
0x1f4: {  	[tilespmem:v5+s28+$0x0] =	vst.idx.add.f32.msk $0xffff, v3  }
0x1f5: {  	[tilespmem:v6+s28+$0x0] =	vst.idx.add.f32.msk $0xffff, v4  }
0x1f6: {  	v3 =	vld [tilespmem:s4+$0x20]  }
0x1f7: {  	v4 =	vld [tilespmem:s4+$0xFFFFFFA0];
	_ =	sdelay $0x2  }
0x1f8: {  	s6 =	simm.s32 $0x6180  }
0x1f9: {  	v9 =	vld [tilespmem:s6+$0xFFFFFF80];
	v6 =	vtrunc.f32 v3  }
0x1fa: {  	v7 =	vld [tilespmem:s6+$0x0];
	v8 =	vtrunc.f32 v4;
	v6 =	vcvt.f32.s32 v6  }
0x1fb: {  	v5 =	vld [tilespmem:s3+$0xFFFFFFA0];
	v8 =	vcvt.f32.s32 v8  }
0x1fc: {  	v10 =	vld [tilespmem:s3+$0x20];
	v6 =	vshll.u32 v6, $0x4  }
0x1fd: {  	v8 =	vshll.u32 v8, $0x4;
	v6 =	vor.u32 v1, v6  }
0x1fe: {  	v8 =	vor.u32 v1, v8  }
0x1ff: {  	s5 =	simm.s32 $0x180;
	v60 =	vtrunc.f32 v9;
	v11 =	vtrunc.f32 v7  }
0x200: {  	v12 =	vcvt.f32.s32 v60;
	v4 =	vsub.f32 v5, v4;
	v5 =	vcvt.f32.s32 v11;
	v11 =	vld [tilespmem:s5+$0x0]  }
0x201: {  	v3 =	vsub.f32 v10, v3;
	v10 =	vld [tilespmem:s5+$0xFFFFFF80]  }
0x202: {  	v12 =	vshll.u32 v12, $0x4;
	v4 =	vmul.f32 v4, v4;
	[tilespmem:v6+s26+$0x0] =	vst.idx.add.f32.msk $0xffff, v2  }
0x203: {  	v12 =	vor.u32 v1, v12;
	v5 =	vshll.u32 v5, $0x4;
	v3 =	vmul.f32 v3, v3;
	[tilespmem:v8+s26+$0x0] =	vst.idx.add.f32.msk $0xffff, v2  }
0x204: {  	v5 =	vor.u32 v1, v5;
	[tilespmem:v8+s28+$0x0] =	vst.idx.add.f32.msk $0xffff, v4  }
0x205: {  	[tilespmem:v6+s28+$0x0] =	vst.idx.add.f32.msk $0xffff, v3  }
0x206: {  	v7 =	vsub.f32 v11, v7;
	v4 =	vld [tilespmem:s4+$0x30]  }
0x207: {  	v3 =	vsub.f32 v10, v9;
	v6 =	vld [tilespmem:s4+$0xFFFFFFB0]  }
0x208: {  	[tilespmem:v12+s26+$0x0] =	vst.idx.add.f32.msk $0xffff, v2;
	v7 =	vmul.f32 v7, v7  }
0x209: {  	[tilespmem:v5+s26+$0x0] =	vst.idx.add.f32.msk $0xffff, v2;
	v3 =	vmul.f32 v3, v3  }
0x20a: {  	[tilespmem:v5+s28+$0x0] =	vst.idx.add.f32.msk $0xffff, v7  }
0x20b: {  	[tilespmem:v12+s28+$0x0] =	vst.idx.add.f32.msk $0xffff, v3;
	v8 =	vtrunc.f32 v4  }
0x20c: {  	v3 =	vld [tilespmem:s3+$0xFFFFFFB0];
	v9 =	vtrunc.f32 v6;
	v5 =	vcvt.f32.s32 v8  }
0x20d: {  	v7 =	vcvt.f32.s32 v9;
	v8 =	vld [tilespmem:s6+$0x10]  }
0x20e: {  	v9 =	vld [tilespmem:s6+$0xFFFFFF90];
	v5 =	vshll.u32 v5, $0x4  }
0x20f: {  	v7 =	vshll.u32 v7, $0x4;
	v5 =	vor.u32 v1, v5  }
0x210: {  	v10 =	vld [tilespmem:s3+$0x30];
	v7 =	vor.u32 v1, v7;
	_ =	sdelay $0x1  }
0x211: {  	v61 =	vld [tilespmem:s5+$0x10];
	v3 =	vsub.f32 v3, v6;
	v6 =	vtrunc.f32 v8  }
0x212: {  	v11 =	vld [tilespmem:s5+$0xFFFFFF90];
	v62 =	vtrunc.f32 v9;
	v6 =	vcvt.f32.s32 v6  }
0x213: {  	v3 =	vmul.f32 v3, v3;
	v13 =	vcvt.f32.s32 v62;
	[tilespmem:v5+s26+$0x0] =	vst.idx.add.f32.msk $0xffff, v2  }
0x214: {  	v4 =	vsub.f32 v10, v4;
	v6 =	vshll.u32 v6, $0x4;
	[tilespmem:v7+s26+$0x0] =	vst.idx.add.f32.msk $0xffff, v2  }
0x215: {  	v10 =	vshll.u32 v13, $0x4;
	v6 =	vor.u32 v1, v6;
	[tilespmem:v7+s28+$0x0] =	vst.idx.add.f32.msk $0xffff, v3  }
0x216: {  	v7 =	vor.u32 v1, v10;
	v3 =	vmul.f32 v4, v4;
	v10 =	vld [tilespmem:s4+$0xFFFFFFC0]  }
0x217: {  	v63 =	vld [tilespmem:s3+$0xFFFFFFC0]  }
0x218: {  	v4 =	vsub.f32 v61, v8;
	[tilespmem:v5+s28+$0x0] =	vst.idx.add.f32.msk $0xffff, v3  }
0x219: {  	v3 =	vld [tilespmem:s4+$0x40]  }
0x21a: {  	v5 =	vsub.f32 v11, v9;
	v4 =	vmul.f32 v4, v4;
	[tilespmem:v6+s26+$0x0] =	vst.idx.add.f32.msk $0xffff, v2  }
0x21b: {  	[tilespmem:v7+s26+$0x0] =	vst.idx.add.f32.msk $0xffff, v2;
	v8 =	vtrunc.f32 v10  }
0x21c: {  	v5 =	vmul.f32 v5, v5;
	[tilespmem:v6+s28+$0x0] =	vst.idx.add.f32.msk $0xffff, v4;
	v6 =	vcvt.f32.s32 v8  }
0x21d: {  	v4 =	vld [tilespmem:s3+$0x40]  }
0x21e: {  	[tilespmem:v7+s28+$0x0] =	vst.idx.add.f32.msk $0xffff, v5;
	v8 =	vtrunc.f32 v3;
	v5 =	vshll.u32 v6, $0x4  }
0x21f: {  	v7 =	vld [tilespmem:s6+$0x20];
	v8 =	vcvt.f32.s32 v8;
	v5 =	vor.u32 v1, v5  }
0x220: {  	s7 =	simm.s32 $0x2;
	s8 =	simm.s32 $0x280;
	s9 =	simm.s32 $0x6280;
	v9 =	vld [tilespmem:s6+$0xFFFFFFA0];
	v6 =	vsub.f32 v63, v10  }
.LBB2_8:
0x221: {  	s7 =	sadd.s32 $0x2, s7;
	v10 =	vld [tilespmem:s5+$0xFFFFFFA0];
	v8 =	vshll.u32 v8, $0x4  }
0x222: {  	p0 =	slt.u32 s7, $0x5E;
	v11 =	vld [tilespmem:s5+$0x20];
	v3 =	vsub.f32 v4, v3;
	v4 =	vor.u32 v1, v8  }
0x223: {  	v6 =	vmul.f32 v6, v6;
	v8 =	vld [tilespmem:s9+$0x0]  }
0x224: {  	v12 =	vtrunc.f32 v7;
	[tilespmem:v5+s26+$0x0] =	vst.idx.add.f32.msk $0xffff, v2  }
0x225: {  	v13 =	vtrunc.f32 v9;
	v12 =	vcvt.f32.s32 v12;
	[tilespmem:v5+s28+$0x0] =	vst.idx.add.f32.msk $0xffff, v6  }
0x226: {  	v3 =	vmul.f32 v3, v3;
	v5 =	vld [tilespmem:s9+$0xFFFFFF80];
	v6 =	vcvt.f32.s32 v13;
	v9 =	vsub.f32 v10, v9  }
0x227: {  	v10 =	vshll.u32 v12, $0x4;
	v7 =	vsub.f32 v11, v7;
	[tilespmem:v4+s26+$0x0] =	vst.idx.add.f32.msk $0xffff, v2  }
0x228: {  	v11 =	vtrunc.f32 v8;
	v6 =	vshll.u32 v6, $0x4;
	v10 =	vor.u32 v1, v10;
	[tilespmem:v4+s28+$0x0] =	vst.idx.add.f32.msk $0xffff, v3  }
0x229: {  	v3 =	vcvt.f32.s32 v11;
	v4 =	vor.u32 v1, v6;
	v6 =	vld [tilespmem:s4+$0x44]  }
0x22a: {  	v11 =	vld [tilespmem:s8+$0x0]  }
0x22b: {  	v12 =	vld [tilespmem:s8+$0xFFFFFF80];
	v13 =	vtrunc.f32 v5;
	v3 =	vshll.u32 v3, $0x4  }
0x22c: {  	v13 =	vcvt.f32.s32 v13;
	v14 =	vld [tilespmem:s3+$0x44]  }
0x22d: {  	v9 =	vmul.f32 v9, v9;
	v3 =	vor.u32 v1, v3;
	[tilespmem:v10+s26+$0x0] =	vst.idx.add.f32.msk $0xffff, v2  }
0x22e: {  	v13 =	vshll.u32 v13, $0x4;
	[tilespmem:v4+s26+$0x0] =	vst.idx.add.f32.msk $0xffff, v2;
	v15 =	vtrunc.f32 v6  }
0x22f: {  	v13 =	vor.u32 v1, v13;
	v8 =	vsub.f32 v11, v8;
	[tilespmem:v4+s28+$0x0] =	vst.idx.add.f32.msk $0xffff, v9;
	v4 =	vcvt.f32.s32 v15  }
0x230: {  	v5 =	vsub.f32 v12, v5;
	v9 =	vld [tilespmem:s4+$0xFFFFFFC4];
	s4 =	smov.u32 s6;
	s6 =	smov.u32 s9  }
0x231: {  	v7 =	vmul.f32 v7, v7;
	v8 =	vmul.f32 v8, v8;
	v11 =	vld [tilespmem:s3+$0xFFFFFFC4];
	v4 =	vshll.u32 v4, $0x4;
	s3 =	smov.u32 s5;
	s5 =	smov.u32 s8  }
0x232: {  	v6 =	vsub.f32 v14, v6;
	[tilespmem:v3+s26+$0x0] =	vst.idx.add.f32.msk $0xffff, v2  }
0x233: {  	[tilespmem:v10+s28+$0x0] =	vst.idx.add.f32.msk $0xffff, v7  }
0x234: {  	v5 =	vmul.f32 v5, v5;
	v7 =	vld [tilespmem:s4+$0xFFFFFFB0]  }
0x235: {  	v10 =	vld [tilespmem:s4+$0x30];
	v12 =	vtrunc.f32 v9  }
0x236: {  	[tilespmem:v13+s26+$0x0] =	vst.idx.add.f32.msk $0xffff, v2;
	v12 =	vcvt.f32.s32 v12;
	v9 =	vsub.f32 v11, v9  }
0x237: {  	[tilespmem:v13+s28+$0x0] =	vst.idx.add.f32.msk $0xffff, v5  }
0x238: {  	v5 =	vld [tilespmem:s8+$0xFFFFFF90];
	v11 =	vshll.u32 v12, $0x4  }
0x239: {  	v12 =	vld [tilespmem:s3+$0xFFFFFFB0];
	v13 =	vtrunc.f32 v7  }
0x23a: {  	v11 =	vor.u32 v1, v11;
	[tilespmem:v3+s28+$0x0] =	vst.idx.add.f32.msk $0xffff, v8;
	v3 =	vcvt.f32.s32 v13;
	v8 =	vtrunc.f32 v10  }
0x23b: {  	v13 =	vld [tilespmem:s9+$0x10];
	v8 =	vcvt.f32.s32 v8  }
0x23c: {  	v4 =	vor.u32 v1, v4;
	v14 =	vld [tilespmem:s9+$0xFFFFFF90];
	v3 =	vshll.u32 v3, $0x4  }
0x23d: {  	v15 =	vld [tilespmem:s3+$0x30];
	v8 =	vshll.u32 v8, $0x4  }
0x23e: {  	v9 =	vmul.f32 v9, v9;
	v16 =	vld [tilespmem:s8+$0x10];
	v7 =	vsub.f32 v12, v7;
	v8 =	vor.u32 v1, v8  }
0x23f: {  	v3 =	vor.u32 v1, v3;
	[tilespmem:v11+s26+$0x0] =	vst.idx.add.f32.msk vm0, v2  }
0x240: {  	v6 =	vmul.f32 v6, v6;
	[tilespmem:v11+s28+$0x0] =	vst.idx.add.f32.msk vm0, v9  }
0x241: {  	v11 =	vtrunc.f32 v13;
	v9 =	vtrunc.f32 v14;
	v5 =	vsub.f32 v5, v14;
	[tilespmem:v4+s26+$0x0] =	vst.idx.add.f32.msk vm0, v2  }
0x242: {  	v11 =	vcvt.f32.s32 v11;
	v9 =	vcvt.f32.s32 v9;
	v10 =	vsub.f32 v15, v10;
	[tilespmem:v4+s28+$0x0] =	vst.idx.add.f32.msk vm0, v6  }
0x243: {  	v6 =	vmul.f32 v7, v7;
	v4 =	vsub.f32 v16, v13;
	[tilespmem:v8+s26+$0x0] =	vst.idx.add.f32.msk $0xffff, v2  }
0x244: {  	v7 =	vshll.u32 v9, $0x4;
	v9 =	vshll.u32 v11, $0x4;
	[tilespmem:v3+s26+$0x0] =	vst.idx.add.f32.msk $0xffff, v2  }
0x245: {  	v7 =	vor.u32 v1, v7;
	v9 =	vor.u32 v1, v9;
	[tilespmem:v3+s28+$0x0] =	vst.idx.add.f32.msk $0xffff, v6  }
0x246: {  	v3 =	vmul.f32 v10, v10;
	v6 =	vld [tilespmem:s4+$0xFFFFFFC0]  }
0x247: {  	v10 =	vld [tilespmem:s3+$0xFFFFFFC0]  }
0x248: {  	[tilespmem:v8+s28+$0x0] =	vst.idx.add.f32.msk $0xffff, v3  }
0x249: {  	v3 =	vld [tilespmem:s4+$0x40]  }
0x24a: {  	v4 =	vmul.f32 v4, v4;
	[tilespmem:v9+s26+$0x0] =	vst.idx.add.f32.msk $0xffff, v2  }
0x24b: {  	v5 =	vmul.f32 v5, v5;
	[tilespmem:v7+s26+$0x0] =	vst.idx.add.f32.msk $0xffff, v2;
	v8 =	vtrunc.f32 v6  }
.Ltmp3:
0x24c: {  	[tilespmem:v9+s28+$0x0] =	vst.idx.add.f32.msk $0xffff, v4;
	v8 =	vcvt.f32.s32 v8;
	v6 =	vsub.f32 v10, v6;
	(pc) =	sbr.rel @p0 .LBB2_8-.Ltmp3, $4  }
0x24d: {  	v4 =	vld [tilespmem:s3+$0x40]  }
0x24e: {  	[tilespmem:v7+s28+$0x0] =	vst.idx.add.f32.msk $0xffff, v5;
	v5 =	vshll.u32 v8, $0x4;
	v8 =	vtrunc.f32 v3  }
0x24f: {  	v7 =	vld [tilespmem:s9+$0x20];
	v5 =	vor.u32 v1, v5;
	v8 =	vcvt.f32.s32 v8  }
0x250: {  	s8 =	sadd.s32 $0x100, s8;
	s9 =	sadd.s32 $0x100, s9;
	v9 =	vld [tilespmem:s6+$0xFFFFFFA0]  }
0x251: {  	_ =	sdelay $0x2  }
0x252: {  	v10 =	vtrunc.f32 v7  }
0x253: {  	v11 =	vtrunc.f32 v9;
	v10 =	vcvt.f32.s32 v10  }
0x254: {  	v13 =	vld [tilespmem:s5+$0x20];
	v11 =	vcvt.f32.s32 v11  }
0x255: {  	v12 =	vld [tilespmem:s5+$0xFFFFFFA0];
	v10 =	vshll.u32 v10, $0x4  }
0x256: {  	v11 =	vshll.u32 v11, $0x4;
	v10 =	vor.u32 v1, v10  }
0x257: {  	v11 =	vor.u32 v1, v11;
	_ =	sdelay $0x1  }
0x258: {  	v7 =	vsub.f32 v13, v7  }
0x259: {  	v9 =	vsub.f32 v12, v9  }
0x25a: {  	v7 =	vmul.f32 v7, v7;
	[tilespmem:v10+s26+$0x0] =	vst.idx.add.f32.msk $0xffff, v2  }
0x25b: {  	v9 =	vmul.f32 v9, v9;
	[tilespmem:v11+s26+$0x0] =	vst.idx.add.f32.msk $0xffff, v2  }
0x25c: {  	[tilespmem:v10+s28+$0x0] =	vst.idx.add.f32.msk $0xffff, v7  }
0x25d: {  	[tilespmem:v11+s28+$0x0] =	vst.idx.add.f32.msk $0xffff, v9  }
0x25e: {  	v7 =	vld [tilespmem:s6+$0x30]  }
0x25f: {  	v9 =	vld [tilespmem:s6+$0xFFFFFFB0];
	_ =	sdelay $0x3  }
0x260: {  	v10 =	vtrunc.f32 v7  }
0x261: {  	v11 =	vtrunc.f32 v9;
	v10 =	vcvt.f32.s32 v10  }
0x262: {  	v57 =	vld [tilespmem:s5+$0x30];
	v11 =	vcvt.f32.s32 v11  }
0x263: {  	v56 =	vld [tilespmem:s5+$0xFFFFFFB0];
	v10 =	vshll.u32 v10, $0x4  }
0x264: {  	v11 =	vshll.u32 v11, $0x4;
	v10 =	vor.u32 v1, v10  }
0x265: {  	v11 =	vor.u32 v1, v11;
	_ =	sdelay $0x1  }
0x266: {  	v7 =	vsub.f32 v57, v7  }
0x267: {  	v9 =	vsub.f32 v56, v9  }
0x268: {  	v7 =	vmul.f32 v7, v7;
	[tilespmem:v10+s26+$0x0] =	vst.idx.add.f32.msk $0xffff, v2  }
0x269: {  	v9 =	vmul.f32 v9, v9;
	[tilespmem:v11+s26+$0x0] =	vst.idx.add.f32.msk $0xffff, v2  }
0x26a: {  	[tilespmem:v10+s28+$0x0] =	vst.idx.add.f32.msk $0xffff, v7  }
0x26b: {  	[tilespmem:v11+s28+$0x0] =	vst.idx.add.f32.msk $0xffff, v9  }
0x26c: {  	v7 =	vshll.u32 v8, $0x4;
	v8 =	vld [tilespmem:s6+$0x40]  }
0x26d: {  	v9 =	vld [tilespmem:s6+$0xFFFFFFC0]  }
0x26e: {  	v7 =	vor.u32 v1, v7  }
0x26f: {  	v6 =	vmul.f32 v6, v6;
	v3 =	vsub.f32 v4, v3  }
0x270: {  	[tilespmem:v5+s26+$0x0] =	vst.idx.add.f32.msk $0xffff, v2  }
0x271: {  	[tilespmem:v5+s28+$0x0] =	vst.idx.add.f32.msk $0xffff, v6;
	v3 =	vmul.f32 v3, v3;
	v5 =	vtrunc.f32 v8  }
0x272: {  	v4 =	vld [tilespmem:s5+$0xFFFFFFC0];
	v10 =	vtrunc.f32 v9;
	v5 =	vcvt.f32.s32 v5  }
0x273: {  	[tilespmem:v7+s26+$0x0] =	vst.idx.add.f32.msk $0xffff, v2;
	v10 =	vcvt.f32.s32 v10  }
0x274: {  	[tilespmem:v7+s28+$0x0] =	vst.idx.add.f32.msk $0xffff, v3;
	v3 =	vshll.u32 v5, $0x4  }
0x275: {  	v6 =	vshll.u32 v10, $0x4;
	v10 =	vld [tilespmem:s5+$0x40];
	v3 =	vor.u32 v1, v3  }
0x276: {  	v6 =	vor.u32 v1, v6  }
0x277: {  	v7 =	vld [tilespmem:s4+$0xFFFFFFC4]  }
0x278: {  	v4 =	vsub.f32 v4, v9;
	v9 =	vld [tilespmem:s3+$0xFFFFFFC4]  }
0x279: {  	v5 =	vld [tilespmem:s4+$0x44]  }
0x27a: {  	v4 =	vmul.f32 v4, v4;
	v8 =	vsub.f32 v10, v8;
	[tilespmem:v3+s26+$0x0] =	vst.idx.add.f32.msk $0xffff, v2  }
0x27b: {  	[tilespmem:v6+s26+$0x0] =	vst.idx.add.f32.msk $0xffff, v2  }
0x27c: {  	[tilespmem:v6+s28+$0x0] =	vst.idx.add.f32.msk $0xffff, v4;
	v4 =	vmul.f32 v8, v8  }
0x27d: {  	v6 =	vtrunc.f32 v7;
	v8 =	vld [tilespmem:s6+$0xFFFFFFC4]  }
0x27e: {  	v6 =	vcvt.f32.s32 v6;
	[tilespmem:v3+s28+$0x0] =	vst.idx.add.f32.msk $0xffff, v4  }
0x27f: {  	v3 =	vld [tilespmem:s6+$0x44]  }
0x280: {  	v4 =	vtrunc.f32 v5;
	v6 =	vshll.u32 v6, $0x4  }
0x281: {  	v10 =	vld [tilespmem:s3+$0x44];
	v4 =	vcvt.f32.s32 v4;
	v6 =	vor.u32 v1, v6  }
0x282: {  	v11 =	vtrunc.f32 v8  }
0x283: {  	v7 =	vsub.f32 v9, v7;
	v9 =	vld [tilespmem:s5+$0xFFFFFFC4];
	v4 =	vshll.u32 v4, $0x4;
	v11 =	vcvt.f32.s32 v11  }
0x284: {  	v4 =	vor.u32 v1, v4;
	v58 =	vtrunc.f32 v3  }
0x285: {  	v7 =	vmul.f32 v7, v7;
	v59 =	vld [tilespmem:s5+$0x44];
	v12 =	vcvt.f32.s32 v58;
	v11 =	vshll.u32 v11, $0x4  }
0x286: {  	v5 =	vsub.f32 v10, v5;
	[tilespmem:v6+s26+$0x0] =	vst.idx.add.f32.msk vm0, v2;
	v10 =	vor.u32 v1, v11  }
0x287: {  	[tilespmem:v6+s28+$0x0] =	vst.idx.add.f32.msk vm0, v7;
	v6 =	vshll.u32 v12, $0x4  }
0x288: {  	v5 =	vmul.f32 v5, v5;
	v7 =	vsub.f32 v9, v8;
	v6 =	vor.u32 v1, v6  }
0x289: {  	[tilespmem:v4+s26+$0x0] =	vst.idx.add.f32.msk vm0, v2  }
0x28a: {  	v3 =	vsub.f32 v59, v3;
	[tilespmem:v4+s28+$0x0] =	vst.idx.add.f32.msk vm0, v5;
	v4 =	vmul.f32 v7, v7  }
0x28b: {  	[tilespmem:v10+s26+$0x0] =	vst.idx.add.f32.msk vm0, v2  }
0x28c: {  	v3 =	vmul.f32 v3, v3;
	[tilespmem:v10+s28+$0x0] =	vst.idx.add.f32.msk vm0, v4  }
0x28d: {  	[tilespmem:v6+s26+$0x0] =	vst.idx.add.f32.msk vm0, v2  }
0x28e: {  	[tilespmem:v6+s28+$0x0] =	vst.idx.add.f32.msk vm0, v3  }
0x28f: {  	[tilespmem:s2], [sflag:$0x1] =	stream.linear.gather [hbm4b:s11+s2], $0x3000, $0x38;
	[tilespmem:$0xE200] =	vst v63  }
0x290: {  	_ = 	snop  }
0x291: {  	[tilespmem:s22], [sflag:$0x1] =	stream.linear.gather [hbm4b:s12+s2], $0x3000, $0x38;
	[tilespmem:$0xE200] =	vst v63  }
0x292: {  	_ =	swait.ge [sflag:s29], $0x3000  }
0x293: {  	[sflag:s29] =	ssyncset.done $0x0  }
0x294: {  	[sflag:s29] =	ssyncadd.s32 $0xFFFFD000  }
0x295: {  	_ =	swait.ge [sflag:s29], $0x3000  }
0x296: {  	[sflag:s29] =	ssyncset.done $0x0  }
0x297: {  	s4 =	simm.s32 $0x90C4;
	[sflag:s29] =	ssyncadd.s32 $0xFFFFD000  }
0x298: {  	v3 =	vld [tilespmem:s4+$0xFFFFFFBC]  }
0x299: {  	v4 =	vld [tilespmem:s4+$0xFFFFFF3C];
	_ =	sdelay $0x3  }
0x29a: {  	v5 =	vtrunc.f32 v3  }
0x29b: {  	s3 =	simm.s32 $0x30C4;
	v6 =	vtrunc.f32 v4;
	v5 =	vcvt.f32.s32 v5  }
0x29c: {  	v7 =	vld [tilespmem:s3+$0xFFFFFF3C];
	v6 =	vcvt.f32.s32 v6  }
0x29d: {  	v8 =	vld [tilespmem:s3+$0xFFFFFFBC];
	v5 =	vshll.u32 v5, $0x4  }
0x29e: {  	v6 =	vshll.u32 v6, $0x4;
	v5 =	vor.u32 v1, v5  }
0x29f: {  	v6 =	vor.u32 v1, v6;
	_ =	sdelay $0x1  }
0x2a0: {  	v4 =	vsub.f32 v7, v4  }
0x2a1: {  	v3 =	vsub.f32 v8, v3  }
0x2a2: {  	v4 =	vmul.f32 v4, v4;
	[tilespmem:v5+s26+$0x0] =	vst.idx.add.f32.msk $0xffff, v2  }
0x2a3: {  	v3 =	vmul.f32 v3, v3;
	[tilespmem:v6+s26+$0x0] =	vst.idx.add.f32.msk $0xffff, v2  }
0x2a4: {  	[tilespmem:v6+s28+$0x0] =	vst.idx.add.f32.msk $0xffff, v4  }
0x2a5: {  	[tilespmem:v5+s28+$0x0] =	vst.idx.add.f32.msk $0xffff, v3  }
0x2a6: {  	v3 =	vld [tilespmem:s4+$0xFFFFFFCC]  }
0x2a7: {  	v4 =	vld [tilespmem:s4+$0xFFFFFF4C];
	_ =	sdelay $0x3  }
0x2a8: {  	v5 =	vtrunc.f32 v3  }
0x2a9: {  	v6 =	vtrunc.f32 v4;
	v5 =	vcvt.f32.s32 v5  }
0x2aa: {  	v7 =	vld [tilespmem:s3+$0xFFFFFFCC];
	v6 =	vcvt.f32.s32 v6  }
0x2ab: {  	v8 =	vld [tilespmem:s3+$0xFFFFFF4C];
	v5 =	vshll.u32 v5, $0x4  }
0x2ac: {  	v6 =	vshll.u32 v6, $0x4;
	v5 =	vor.u32 v1, v5  }
0x2ad: {  	v6 =	vor.u32 v1, v6;
	_ =	sdelay $0x1  }
0x2ae: {  	v3 =	vsub.f32 v7, v3  }
0x2af: {  	v4 =	vsub.f32 v8, v4  }
0x2b0: {  	v3 =	vmul.f32 v3, v3;
	[tilespmem:v5+s26+$0x0] =	vst.idx.add.f32.msk $0xffff, v2  }
0x2b1: {  	v4 =	vmul.f32 v4, v4;
	[tilespmem:v6+s26+$0x0] =	vst.idx.add.f32.msk $0xffff, v2  }
0x2b2: {  	[tilespmem:v5+s28+$0x0] =	vst.idx.add.f32.msk $0xffff, v3  }
0x2b3: {  	[tilespmem:v6+s28+$0x0] =	vst.idx.add.f32.msk $0xffff, v4  }
0x2b4: {  	v3 =	vld [tilespmem:s4+$0xFFFFFFDC]  }
0x2b5: {  	v4 =	vld [tilespmem:s4+$0xFFFFFF5C];
	_ =	sdelay $0x2  }
0x2b6: {  	s6 =	simm.s32 $0x91C4  }
0x2b7: {  	v9 =	vld [tilespmem:s6+$0xFFFFFF3C];
	v6 =	vtrunc.f32 v3  }
0x2b8: {  	v7 =	vld [tilespmem:s6+$0xFFFFFFBC];
	v8 =	vtrunc.f32 v4;
	v6 =	vcvt.f32.s32 v6  }
0x2b9: {  	v5 =	vld [tilespmem:s3+$0xFFFFFF5C];
	v8 =	vcvt.f32.s32 v8  }
0x2ba: {  	v10 =	vld [tilespmem:s3+$0xFFFFFFDC];
	v6 =	vshll.u32 v6, $0x4  }
0x2bb: {  	v8 =	vshll.u32 v8, $0x4;
	v6 =	vor.u32 v1, v6  }
0x2bc: {  	v8 =	vor.u32 v1, v8  }
0x2bd: {  	s5 =	simm.s32 $0x31C4;
	v60 =	vtrunc.f32 v9;
	v11 =	vtrunc.f32 v7  }
0x2be: {  	v12 =	vcvt.f32.s32 v60;
	v4 =	vsub.f32 v5, v4;
	v5 =	vcvt.f32.s32 v11;
	v11 =	vld [tilespmem:s5+$0xFFFFFFBC]  }
0x2bf: {  	v3 =	vsub.f32 v10, v3;
	v10 =	vld [tilespmem:s5+$0xFFFFFF3C]  }
0x2c0: {  	v12 =	vshll.u32 v12, $0x4;
	v4 =	vmul.f32 v4, v4;
	[tilespmem:v6+s26+$0x0] =	vst.idx.add.f32.msk $0xffff, v2  }
0x2c1: {  	v12 =	vor.u32 v1, v12;
	v5 =	vshll.u32 v5, $0x4;
	v3 =	vmul.f32 v3, v3;
	[tilespmem:v8+s26+$0x0] =	vst.idx.add.f32.msk $0xffff, v2  }
0x2c2: {  	v5 =	vor.u32 v1, v5;
	[tilespmem:v8+s28+$0x0] =	vst.idx.add.f32.msk $0xffff, v4  }
0x2c3: {  	[tilespmem:v6+s28+$0x0] =	vst.idx.add.f32.msk $0xffff, v3  }
0x2c4: {  	v7 =	vsub.f32 v11, v7;
	v4 =	vld [tilespmem:s4+$0xFFFFFFEC]  }
0x2c5: {  	v3 =	vsub.f32 v10, v9;
	v6 =	vld [tilespmem:s4+$0xFFFFFF6C]  }
0x2c6: {  	[tilespmem:v12+s26+$0x0] =	vst.idx.add.f32.msk $0xffff, v2;
	v7 =	vmul.f32 v7, v7  }
0x2c7: {  	[tilespmem:v5+s26+$0x0] =	vst.idx.add.f32.msk $0xffff, v2;
	v3 =	vmul.f32 v3, v3  }
0x2c8: {  	[tilespmem:v5+s28+$0x0] =	vst.idx.add.f32.msk $0xffff, v7  }
0x2c9: {  	[tilespmem:v12+s28+$0x0] =	vst.idx.add.f32.msk $0xffff, v3;
	v8 =	vtrunc.f32 v4  }
0x2ca: {  	v3 =	vld [tilespmem:s3+$0xFFFFFF6C];
	v9 =	vtrunc.f32 v6;
	v5 =	vcvt.f32.s32 v8  }
0x2cb: {  	v7 =	vcvt.f32.s32 v9;
	v8 =	vld [tilespmem:s6+$0xFFFFFFCC]  }
0x2cc: {  	v9 =	vld [tilespmem:s6+$0xFFFFFF4C];
	v5 =	vshll.u32 v5, $0x4  }
0x2cd: {  	v7 =	vshll.u32 v7, $0x4;
	v5 =	vor.u32 v1, v5  }
0x2ce: {  	v10 =	vld [tilespmem:s3+$0xFFFFFFEC];
	v7 =	vor.u32 v1, v7;
	_ =	sdelay $0x1  }
0x2cf: {  	v61 =	vld [tilespmem:s5+$0xFFFFFFCC];
	v3 =	vsub.f32 v3, v6;
	v6 =	vtrunc.f32 v8  }
0x2d0: {  	v11 =	vld [tilespmem:s5+$0xFFFFFF4C];
	v62 =	vtrunc.f32 v9;
	v6 =	vcvt.f32.s32 v6  }
0x2d1: {  	v3 =	vmul.f32 v3, v3;
	v13 =	vcvt.f32.s32 v62;
	[tilespmem:v5+s26+$0x0] =	vst.idx.add.f32.msk $0xffff, v2  }
0x2d2: {  	v4 =	vsub.f32 v10, v4;
	v6 =	vshll.u32 v6, $0x4;
	[tilespmem:v7+s26+$0x0] =	vst.idx.add.f32.msk $0xffff, v2  }
0x2d3: {  	v10 =	vshll.u32 v13, $0x4;
	v6 =	vor.u32 v1, v6;
	[tilespmem:v7+s28+$0x0] =	vst.idx.add.f32.msk $0xffff, v3  }
0x2d4: {  	v7 =	vor.u32 v1, v10;
	v3 =	vmul.f32 v4, v4;
	v10 =	vld [tilespmem:s4+$0xFFFFFF7C]  }
0x2d5: {  	v63 =	vld [tilespmem:s3+$0xFFFFFF7C]  }
0x2d6: {  	v4 =	vsub.f32 v61, v8;
	[tilespmem:v5+s28+$0x0] =	vst.idx.add.f32.msk $0xffff, v3  }
0x2d7: {  	v3 =	vld [tilespmem:s4+$0xFFFFFFFC]  }
0x2d8: {  	v5 =	vsub.f32 v11, v9;
	v4 =	vmul.f32 v4, v4;
	[tilespmem:v6+s26+$0x0] =	vst.idx.add.f32.msk $0xffff, v2  }
0x2d9: {  	[tilespmem:v7+s26+$0x0] =	vst.idx.add.f32.msk $0xffff, v2;
	v8 =	vtrunc.f32 v10  }
0x2da: {  	v5 =	vmul.f32 v5, v5;
	[tilespmem:v6+s28+$0x0] =	vst.idx.add.f32.msk $0xffff, v4;
	v6 =	vcvt.f32.s32 v8  }
0x2db: {  	v4 =	vld [tilespmem:s3+$0xFFFFFFFC]  }
0x2dc: {  	[tilespmem:v7+s28+$0x0] =	vst.idx.add.f32.msk $0xffff, v5;
	v8 =	vtrunc.f32 v3;
	v5 =	vshll.u32 v6, $0x4  }
0x2dd: {  	v7 =	vld [tilespmem:s6+$0xFFFFFFDC];
	v8 =	vcvt.f32.s32 v8;
	v5 =	vor.u32 v1, v5  }
0x2de: {  	s7 =	simm.s32 $0x2;
	s8 =	simm.s32 $0x92C4;
	s9 =	simm.s32 $0x32C4;
	v9 =	vld [tilespmem:s6+$0xFFFFFF5C];
	v6 =	vsub.f32 v63, v10  }
.LBB2_10:
0x2df: {  	s7 =	sadd.s32 $0x2, s7;
	v10 =	vld [tilespmem:s5+$0xFFFFFF5C];
	v8 =	vshll.u32 v8, $0x4  }
0x2e0: {  	p0 =	slt.u32 s7, $0x5E;
	v11 =	vld [tilespmem:s5+$0xFFFFFFDC];
	v3 =	vsub.f32 v4, v3;
	v4 =	vor.u32 v1, v8  }
0x2e1: {  	v6 =	vmul.f32 v6, v6;
	v8 =	vld [tilespmem:s8+$0xFFFFFFBC]  }
0x2e2: {  	v12 =	vtrunc.f32 v7;
	[tilespmem:v5+s26+$0x0] =	vst.idx.add.f32.msk $0xffff, v2  }
0x2e3: {  	v13 =	vtrunc.f32 v9;
	v12 =	vcvt.f32.s32 v12;
	[tilespmem:v5+s28+$0x0] =	vst.idx.add.f32.msk $0xffff, v6  }
0x2e4: {  	v3 =	vmul.f32 v3, v3;
	v5 =	vld [tilespmem:s8+$0xFFFFFF3C];
	v6 =	vcvt.f32.s32 v13;
	v9 =	vsub.f32 v10, v9  }
0x2e5: {  	v10 =	vshll.u32 v12, $0x4;
	v7 =	vsub.f32 v11, v7;
	[tilespmem:v4+s26+$0x0] =	vst.idx.add.f32.msk $0xffff, v2  }
0x2e6: {  	v11 =	vtrunc.f32 v8;
	v6 =	vshll.u32 v6, $0x4;
	v10 =	vor.u32 v1, v10;
	[tilespmem:v4+s28+$0x0] =	vst.idx.add.f32.msk $0xffff, v3  }
0x2e7: {  	v3 =	vcvt.f32.s32 v11;
	v4 =	vor.u32 v1, v6;
	v6 =	vld [tilespmem:s4+$0x0]  }
0x2e8: {  	v11 =	vld [tilespmem:s9+$0xFFFFFFBC]  }
0x2e9: {  	v12 =	vld [tilespmem:s9+$0xFFFFFF3C];
	v13 =	vtrunc.f32 v5;
	v3 =	vshll.u32 v3, $0x4  }
0x2ea: {  	v13 =	vcvt.f32.s32 v13;
	v14 =	vld [tilespmem:s3+$0x0]  }
0x2eb: {  	v9 =	vmul.f32 v9, v9;
	v3 =	vor.u32 v1, v3;
	[tilespmem:v10+s26+$0x0] =	vst.idx.add.f32.msk $0xffff, v2  }
0x2ec: {  	v13 =	vshll.u32 v13, $0x4;
	[tilespmem:v4+s26+$0x0] =	vst.idx.add.f32.msk $0xffff, v2;
	v15 =	vtrunc.f32 v6  }
0x2ed: {  	v13 =	vor.u32 v1, v13;
	v8 =	vsub.f32 v11, v8;
	[tilespmem:v4+s28+$0x0] =	vst.idx.add.f32.msk $0xffff, v9;
	v4 =	vcvt.f32.s32 v15  }
0x2ee: {  	v5 =	vsub.f32 v12, v5;
	v9 =	vld [tilespmem:s4+$0xFFFFFF80];
	s4 =	smov.u32 s6;
	s6 =	smov.u32 s8  }
0x2ef: {  	v7 =	vmul.f32 v7, v7;
	v8 =	vmul.f32 v8, v8;
	v11 =	vld [tilespmem:s3+$0xFFFFFF80];
	v4 =	vshll.u32 v4, $0x4;
	s3 =	smov.u32 s5;
	s5 =	smov.u32 s9  }
0x2f0: {  	v6 =	vsub.f32 v14, v6;
	[tilespmem:v3+s26+$0x0] =	vst.idx.add.f32.msk $0xffff, v2  }
0x2f1: {  	[tilespmem:v10+s28+$0x0] =	vst.idx.add.f32.msk $0xffff, v7  }
0x2f2: {  	v5 =	vmul.f32 v5, v5;
	v7 =	vld [tilespmem:s4+$0xFFFFFF6C]  }
0x2f3: {  	v10 =	vld [tilespmem:s4+$0xFFFFFFEC];
	v12 =	vtrunc.f32 v9  }
0x2f4: {  	[tilespmem:v13+s26+$0x0] =	vst.idx.add.f32.msk $0xffff, v2;
	v12 =	vcvt.f32.s32 v12;
	v9 =	vsub.f32 v11, v9  }
0x2f5: {  	[tilespmem:v13+s28+$0x0] =	vst.idx.add.f32.msk $0xffff, v5  }
0x2f6: {  	v5 =	vld [tilespmem:s9+$0xFFFFFF4C];
	v11 =	vshll.u32 v12, $0x4  }
0x2f7: {  	v12 =	vld [tilespmem:s3+$0xFFFFFF6C];
	v13 =	vtrunc.f32 v7  }
0x2f8: {  	v11 =	vor.u32 v1, v11;
	[tilespmem:v3+s28+$0x0] =	vst.idx.add.f32.msk $0xffff, v8;
	v3 =	vcvt.f32.s32 v13;
	v8 =	vtrunc.f32 v10  }
0x2f9: {  	v13 =	vld [tilespmem:s8+$0xFFFFFFCC];
	v8 =	vcvt.f32.s32 v8  }
0x2fa: {  	v4 =	vor.u32 v1, v4;
	v14 =	vld [tilespmem:s8+$0xFFFFFF4C];
	v3 =	vshll.u32 v3, $0x4  }
0x2fb: {  	v15 =	vld [tilespmem:s3+$0xFFFFFFEC];
	v8 =	vshll.u32 v8, $0x4  }
0x2fc: {  	v9 =	vmul.f32 v9, v9;
	v16 =	vld [tilespmem:s9+$0xFFFFFFCC];
	v7 =	vsub.f32 v12, v7;
	v8 =	vor.u32 v1, v8  }
0x2fd: {  	v3 =	vor.u32 v1, v3;
	[tilespmem:v11+s26+$0x0] =	vst.idx.add.f32.msk vm0, v2  }
0x2fe: {  	v6 =	vmul.f32 v6, v6;
	[tilespmem:v11+s28+$0x0] =	vst.idx.add.f32.msk vm0, v9  }
0x2ff: {  	v11 =	vtrunc.f32 v13;
	v9 =	vtrunc.f32 v14;
	v5 =	vsub.f32 v5, v14;
	[tilespmem:v4+s26+$0x0] =	vst.idx.add.f32.msk vm0, v2  }
0x300: {  	v11 =	vcvt.f32.s32 v11;
	v9 =	vcvt.f32.s32 v9;
	v10 =	vsub.f32 v15, v10;
	[tilespmem:v4+s28+$0x0] =	vst.idx.add.f32.msk vm0, v6  }
0x301: {  	v6 =	vmul.f32 v7, v7;
	v4 =	vsub.f32 v16, v13;
	[tilespmem:v8+s26+$0x0] =	vst.idx.add.f32.msk $0xffff, v2  }
0x302: {  	v7 =	vshll.u32 v9, $0x4;
	v9 =	vshll.u32 v11, $0x4;
	[tilespmem:v3+s26+$0x0] =	vst.idx.add.f32.msk $0xffff, v2  }
0x303: {  	v7 =	vor.u32 v1, v7;
	v9 =	vor.u32 v1, v9;
	[tilespmem:v3+s28+$0x0] =	vst.idx.add.f32.msk $0xffff, v6  }
0x304: {  	v3 =	vmul.f32 v10, v10;
	v6 =	vld [tilespmem:s4+$0xFFFFFF7C]  }
0x305: {  	v10 =	vld [tilespmem:s3+$0xFFFFFF7C]  }
0x306: {  	[tilespmem:v8+s28+$0x0] =	vst.idx.add.f32.msk $0xffff, v3  }
0x307: {  	v3 =	vld [tilespmem:s4+$0xFFFFFFFC]  }
0x308: {  	v4 =	vmul.f32 v4, v4;
	[tilespmem:v9+s26+$0x0] =	vst.idx.add.f32.msk $0xffff, v2  }
0x309: {  	v5 =	vmul.f32 v5, v5;
	[tilespmem:v7+s26+$0x0] =	vst.idx.add.f32.msk $0xffff, v2;
	v8 =	vtrunc.f32 v6  }
.Ltmp4:
0x30a: {  	[tilespmem:v9+s28+$0x0] =	vst.idx.add.f32.msk $0xffff, v4;
	v8 =	vcvt.f32.s32 v8;
	v6 =	vsub.f32 v10, v6;
	(pc) =	sbr.rel @p0 .LBB2_10-.Ltmp4, $4  }
0x30b: {  	v4 =	vld [tilespmem:s3+$0xFFFFFFFC]  }
0x30c: {  	[tilespmem:v7+s28+$0x0] =	vst.idx.add.f32.msk $0xffff, v5;
	v5 =	vshll.u32 v8, $0x4;
	v8 =	vtrunc.f32 v3  }
0x30d: {  	v7 =	vld [tilespmem:s8+$0xFFFFFFDC];
	v5 =	vor.u32 v1, v5;
	v8 =	vcvt.f32.s32 v8  }
0x30e: {  	s9 =	sadd.s32 $0x100, s9;
	s8 =	sadd.s32 $0x100, s8;
	v9 =	vld [tilespmem:s6+$0xFFFFFF5C]  }
0x30f: {  	_ =	sdelay $0x2  }
0x310: {  	v10 =	vtrunc.f32 v7  }
0x311: {  	v11 =	vtrunc.f32 v9;
	v10 =	vcvt.f32.s32 v10  }
0x312: {  	v13 =	vld [tilespmem:s5+$0xFFFFFFDC];
	v11 =	vcvt.f32.s32 v11  }
0x313: {  	v12 =	vld [tilespmem:s5+$0xFFFFFF5C];
	v10 =	vshll.u32 v10, $0x4  }
0x314: {  	v11 =	vshll.u32 v11, $0x4;
	v10 =	vor.u32 v1, v10  }
0x315: {  	v11 =	vor.u32 v1, v11;
	_ =	sdelay $0x1  }
0x316: {  	v7 =	vsub.f32 v13, v7  }
0x317: {  	v9 =	vsub.f32 v12, v9  }
0x318: {  	v7 =	vmul.f32 v7, v7;
	[tilespmem:v10+s26+$0x0] =	vst.idx.add.f32.msk $0xffff, v2  }
0x319: {  	v9 =	vmul.f32 v9, v9;
	[tilespmem:v11+s26+$0x0] =	vst.idx.add.f32.msk $0xffff, v2  }
0x31a: {  	[tilespmem:v10+s28+$0x0] =	vst.idx.add.f32.msk $0xffff, v7  }
0x31b: {  	[tilespmem:v11+s28+$0x0] =	vst.idx.add.f32.msk $0xffff, v9  }
0x31c: {  	v7 =	vld [tilespmem:s6+$0xFFFFFFEC]  }
0x31d: {  	v9 =	vld [tilespmem:s6+$0xFFFFFF6C];
	_ =	sdelay $0x3  }
0x31e: {  	v10 =	vtrunc.f32 v7  }
0x31f: {  	v11 =	vtrunc.f32 v9;
	v10 =	vcvt.f32.s32 v10  }
0x320: {  	v57 =	vld [tilespmem:s5+$0xFFFFFFEC];
	v11 =	vcvt.f32.s32 v11  }
0x321: {  	v56 =	vld [tilespmem:s5+$0xFFFFFF6C];
	v10 =	vshll.u32 v10, $0x4  }
0x322: {  	v11 =	vshll.u32 v11, $0x4;
	v10 =	vor.u32 v1, v10  }
0x323: {  	v11 =	vor.u32 v1, v11;
	_ =	sdelay $0x1  }
0x324: {  	v7 =	vsub.f32 v57, v7  }
0x325: {  	v9 =	vsub.f32 v56, v9  }
0x326: {  	v7 =	vmul.f32 v7, v7;
	[tilespmem:v10+s26+$0x0] =	vst.idx.add.f32.msk $0xffff, v2  }
0x327: {  	v9 =	vmul.f32 v9, v9;
	[tilespmem:v11+s26+$0x0] =	vst.idx.add.f32.msk $0xffff, v2  }
0x328: {  	[tilespmem:v10+s28+$0x0] =	vst.idx.add.f32.msk $0xffff, v7  }
0x329: {  	[tilespmem:v11+s28+$0x0] =	vst.idx.add.f32.msk $0xffff, v9  }
0x32a: {  	v7 =	vshll.u32 v8, $0x4;
	v8 =	vld [tilespmem:s6+$0xFFFFFFFC]  }
0x32b: {  	v9 =	vld [tilespmem:s6+$0xFFFFFF7C]  }
0x32c: {  	v7 =	vor.u32 v1, v7  }
0x32d: {  	v6 =	vmul.f32 v6, v6;
	v3 =	vsub.f32 v4, v3  }
0x32e: {  	[tilespmem:v5+s26+$0x0] =	vst.idx.add.f32.msk $0xffff, v2  }
0x32f: {  	[tilespmem:v5+s28+$0x0] =	vst.idx.add.f32.msk $0xffff, v6;
	v3 =	vmul.f32 v3, v3;
	v5 =	vtrunc.f32 v8  }
0x330: {  	v4 =	vld [tilespmem:s5+$0xFFFFFF7C];
	v10 =	vtrunc.f32 v9;
	v5 =	vcvt.f32.s32 v5  }
0x331: {  	[tilespmem:v7+s26+$0x0] =	vst.idx.add.f32.msk $0xffff, v2;
	v10 =	vcvt.f32.s32 v10  }
0x332: {  	[tilespmem:v7+s28+$0x0] =	vst.idx.add.f32.msk $0xffff, v3;
	v3 =	vshll.u32 v5, $0x4  }
0x333: {  	v6 =	vshll.u32 v10, $0x4;
	v10 =	vld [tilespmem:s5+$0xFFFFFFFC];
	v3 =	vor.u32 v1, v3  }
0x334: {  	v6 =	vor.u32 v1, v6  }
0x335: {  	v7 =	vld [tilespmem:s4+$0xFFFFFF80]  }
0x336: {  	v4 =	vsub.f32 v4, v9;
	v9 =	vld [tilespmem:s3+$0xFFFFFF80]  }
0x337: {  	v5 =	vld [tilespmem:s4+$0x0]  }
0x338: {  	v4 =	vmul.f32 v4, v4;
	v8 =	vsub.f32 v10, v8;
	[tilespmem:v3+s26+$0x0] =	vst.idx.add.f32.msk $0xffff, v2  }
0x339: {  	[tilespmem:v6+s26+$0x0] =	vst.idx.add.f32.msk $0xffff, v2  }
0x33a: {  	[tilespmem:v6+s28+$0x0] =	vst.idx.add.f32.msk $0xffff, v4;
	v4 =	vmul.f32 v8, v8  }
0x33b: {  	v6 =	vtrunc.f32 v7;
	v8 =	vld [tilespmem:s6+$0xFFFFFF80]  }
0x33c: {  	v6 =	vcvt.f32.s32 v6;
	[tilespmem:v3+s28+$0x0] =	vst.idx.add.f32.msk $0xffff, v4  }
0x33d: {  	v3 =	vld [tilespmem:s6+$0x0]  }
0x33e: {  	v4 =	vtrunc.f32 v5;
	v6 =	vshll.u32 v6, $0x4  }
0x33f: {  	v10 =	vld [tilespmem:s3+$0x0];
	v4 =	vcvt.f32.s32 v4;
	v6 =	vor.u32 v1, v6  }
0x340: {  	v11 =	vtrunc.f32 v8  }
0x341: {  	v7 =	vsub.f32 v9, v7;
	v9 =	vld [tilespmem:s5+$0xFFFFFF80];
	v4 =	vshll.u32 v4, $0x4;
	v11 =	vcvt.f32.s32 v11  }
0x342: {  	v4 =	vor.u32 v1, v4;
	v58 =	vtrunc.f32 v3  }
0x343: {  	v7 =	vmul.f32 v7, v7;
	v59 =	vld [tilespmem:s5+$0x0];
	v12 =	vcvt.f32.s32 v58;
	v11 =	vshll.u32 v11, $0x4  }
0x344: {  	v5 =	vsub.f32 v10, v5;
	[tilespmem:v6+s26+$0x0] =	vst.idx.add.f32.msk vm0, v2;
	v10 =	vor.u32 v1, v11  }
0x345: {  	[tilespmem:v6+s28+$0x0] =	vst.idx.add.f32.msk vm0, v7;
	v6 =	vshll.u32 v12, $0x4  }
0x346: {  	v5 =	vmul.f32 v5, v5;
	v7 =	vsub.f32 v9, v8;
	v6 =	vor.u32 v1, v6  }
0x347: {  	[tilespmem:v4+s26+$0x0] =	vst.idx.add.f32.msk vm0, v2  }
0x348: {  	v3 =	vsub.f32 v59, v3;
	[tilespmem:v4+s28+$0x0] =	vst.idx.add.f32.msk vm0, v5;
	v4 =	vmul.f32 v7, v7  }
0x349: {  	[tilespmem:v10+s26+$0x0] =	vst.idx.add.f32.msk vm0, v2  }
0x34a: {  	v3 =	vmul.f32 v3, v3;
	[tilespmem:v10+s28+$0x0] =	vst.idx.add.f32.msk vm0, v4  }
0x34b: {  	[tilespmem:v6+s26+$0x0] =	vst.idx.add.f32.msk vm0, v2  }
0x34c: {  	[tilespmem:v6+s28+$0x0] =	vst.idx.add.f32.msk vm0, v3  }
0x34d: {  	[tilespmem:s23], [sflag:$0x2] =	stream.linear.gather [hbm4b:s13+s2], $0x3000, $0x38;
	[tilespmem:$0xE200] =	vst v63  }
0x34e: {  	_ = 	snop  }
0x34f: {  	[tilespmem:s24], [sflag:$0x2] =	stream.linear.gather [hbm4b:s14+s2], $0x3000, $0x38;
	[tilespmem:$0xE200] =	vst v63  }
0x350: {  	_ =	swait.ge [sflag:s25], $0x3000  }
0x351: {  	[sflag:s25] =	ssyncset.done $0x0  }
0x352: {  	[sflag:s25] =	ssyncadd.s32 $0xFFFFD000  }
0x353: {  	_ =	swait.ge [sflag:s25], $0x3000  }
0x354: {  	[sflag:s25] =	ssyncset.done $0x0  }
0x355: {  	s4 =	simm.s32 $0x6080;
	[sflag:s25] =	ssyncadd.s32 $0xFFFFD000  }
0x356: {  	v3 =	vld [tilespmem:s4+$0x0]  }
0x357: {  	v4 =	vld [tilespmem:s4+$0xFFFFFF80];
	_ =	sdelay $0x3  }
0x358: {  	v5 =	vtrunc.f32 v3  }
0x359: {  	s3 =	simm.s32 $0x80;
	v6 =	vtrunc.f32 v4;
	v5 =	vcvt.f32.s32 v5  }
0x35a: {  	v7 =	vld [tilespmem:s3+$0xFFFFFF80];
	v6 =	vcvt.f32.s32 v6  }
0x35b: {  	v8 =	vld [tilespmem:s3+$0x0];
	v5 =	vshll.u32 v5, $0x4  }
0x35c: {  	v6 =	vshll.u32 v6, $0x4;
	v5 =	vor.u32 v1, v5  }
0x35d: {  	v6 =	vor.u32 v1, v6;
	_ =	sdelay $0x1  }
0x35e: {  	v4 =	vsub.f32 v7, v4  }
0x35f: {  	v3 =	vsub.f32 v8, v3  }
0x360: {  	v4 =	vmul.f32 v4, v4;
	[tilespmem:v5+s26+$0x0] =	vst.idx.add.f32.msk $0xffff, v2  }
0x361: {  	v3 =	vmul.f32 v3, v3;
	[tilespmem:v6+s26+$0x0] =	vst.idx.add.f32.msk $0xffff, v2  }
0x362: {  	[tilespmem:v6+s28+$0x0] =	vst.idx.add.f32.msk $0xffff, v4  }
0x363: {  	[tilespmem:v5+s28+$0x0] =	vst.idx.add.f32.msk $0xffff, v3  }
0x364: {  	v3 =	vld [tilespmem:s4+$0x10]  }
0x365: {  	v4 =	vld [tilespmem:s4+$0xFFFFFF90];
	_ =	sdelay $0x3  }
0x366: {  	v5 =	vtrunc.f32 v3  }
0x367: {  	v6 =	vtrunc.f32 v4;
	v5 =	vcvt.f32.s32 v5  }
0x368: {  	v7 =	vld [tilespmem:s3+$0x10];
	v6 =	vcvt.f32.s32 v6  }
0x369: {  	v8 =	vld [tilespmem:s3+$0xFFFFFF90];
	v5 =	vshll.u32 v5, $0x4  }
0x36a: {  	v6 =	vshll.u32 v6, $0x4;
	v5 =	vor.u32 v1, v5  }
0x36b: {  	v6 =	vor.u32 v1, v6;
	_ =	sdelay $0x1  }
0x36c: {  	v3 =	vsub.f32 v7, v3  }
0x36d: {  	v4 =	vsub.f32 v8, v4  }
0x36e: {  	v3 =	vmul.f32 v3, v3;
	[tilespmem:v5+s26+$0x0] =	vst.idx.add.f32.msk $0xffff, v2  }
0x36f: {  	v4 =	vmul.f32 v4, v4;
	[tilespmem:v6+s26+$0x0] =	vst.idx.add.f32.msk $0xffff, v2  }
0x370: {  	[tilespmem:v5+s28+$0x0] =	vst.idx.add.f32.msk $0xffff, v3  }
0x371: {  	[tilespmem:v6+s28+$0x0] =	vst.idx.add.f32.msk $0xffff, v4  }
0x372: {  	v3 =	vld [tilespmem:s4+$0x20]  }
0x373: {  	v4 =	vld [tilespmem:s4+$0xFFFFFFA0];
	_ =	sdelay $0x2  }
0x374: {  	s6 =	simm.s32 $0x6180  }
0x375: {  	v9 =	vld [tilespmem:s6+$0xFFFFFF80];
	v6 =	vtrunc.f32 v3  }
0x376: {  	v7 =	vld [tilespmem:s6+$0x0];
	v8 =	vtrunc.f32 v4;
	v6 =	vcvt.f32.s32 v6  }
0x377: {  	v5 =	vld [tilespmem:s3+$0xFFFFFFA0];
	v8 =	vcvt.f32.s32 v8  }
0x378: {  	v10 =	vld [tilespmem:s3+$0x20];
	v6 =	vshll.u32 v6, $0x4  }
0x379: {  	v8 =	vshll.u32 v8, $0x4;
	v6 =	vor.u32 v1, v6  }
0x37a: {  	v8 =	vor.u32 v1, v8  }
0x37b: {  	s5 =	simm.s32 $0x180;
	v60 =	vtrunc.f32 v9;
	v11 =	vtrunc.f32 v7  }
0x37c: {  	v12 =	vcvt.f32.s32 v60;
	v4 =	vsub.f32 v5, v4;
	v5 =	vcvt.f32.s32 v11;
	v11 =	vld [tilespmem:s5+$0x0]  }
0x37d: {  	v3 =	vsub.f32 v10, v3;
	v10 =	vld [tilespmem:s5+$0xFFFFFF80]  }
0x37e: {  	v12 =	vshll.u32 v12, $0x4;
	v4 =	vmul.f32 v4, v4;
	[tilespmem:v6+s26+$0x0] =	vst.idx.add.f32.msk $0xffff, v2  }
0x37f: {  	v12 =	vor.u32 v1, v12;
	v5 =	vshll.u32 v5, $0x4;
	v3 =	vmul.f32 v3, v3;
	[tilespmem:v8+s26+$0x0] =	vst.idx.add.f32.msk $0xffff, v2  }
0x380: {  	v5 =	vor.u32 v1, v5;
	[tilespmem:v8+s28+$0x0] =	vst.idx.add.f32.msk $0xffff, v4  }
0x381: {  	[tilespmem:v6+s28+$0x0] =	vst.idx.add.f32.msk $0xffff, v3  }
0x382: {  	v7 =	vsub.f32 v11, v7;
	v4 =	vld [tilespmem:s4+$0x30]  }
0x383: {  	v3 =	vsub.f32 v10, v9;
	v6 =	vld [tilespmem:s4+$0xFFFFFFB0]  }
0x384: {  	[tilespmem:v12+s26+$0x0] =	vst.idx.add.f32.msk $0xffff, v2;
	v7 =	vmul.f32 v7, v7  }
0x385: {  	[tilespmem:v5+s26+$0x0] =	vst.idx.add.f32.msk $0xffff, v2;
	v3 =	vmul.f32 v3, v3  }
0x386: {  	[tilespmem:v5+s28+$0x0] =	vst.idx.add.f32.msk $0xffff, v7  }
0x387: {  	[tilespmem:v12+s28+$0x0] =	vst.idx.add.f32.msk $0xffff, v3;
	v8 =	vtrunc.f32 v4  }
0x388: {  	v3 =	vld [tilespmem:s3+$0xFFFFFFB0];
	v9 =	vtrunc.f32 v6;
	v5 =	vcvt.f32.s32 v8  }
0x389: {  	v7 =	vcvt.f32.s32 v9;
	v8 =	vld [tilespmem:s6+$0x10]  }
0x38a: {  	v9 =	vld [tilespmem:s6+$0xFFFFFF90];
	v5 =	vshll.u32 v5, $0x4  }
0x38b: {  	v7 =	vshll.u32 v7, $0x4;
	v5 =	vor.u32 v1, v5  }
0x38c: {  	v10 =	vld [tilespmem:s3+$0x30];
	v7 =	vor.u32 v1, v7;
	_ =	sdelay $0x1  }
0x38d: {  	v61 =	vld [tilespmem:s5+$0x10];
	v3 =	vsub.f32 v3, v6;
	v6 =	vtrunc.f32 v8  }
0x38e: {  	v11 =	vld [tilespmem:s5+$0xFFFFFF90];
	v62 =	vtrunc.f32 v9;
	v6 =	vcvt.f32.s32 v6  }
0x38f: {  	v3 =	vmul.f32 v3, v3;
	v13 =	vcvt.f32.s32 v62;
	[tilespmem:v5+s26+$0x0] =	vst.idx.add.f32.msk $0xffff, v2  }
0x390: {  	v4 =	vsub.f32 v10, v4;
	v6 =	vshll.u32 v6, $0x4;
	[tilespmem:v7+s26+$0x0] =	vst.idx.add.f32.msk $0xffff, v2  }
0x391: {  	v10 =	vshll.u32 v13, $0x4;
	v6 =	vor.u32 v1, v6;
	[tilespmem:v7+s28+$0x0] =	vst.idx.add.f32.msk $0xffff, v3  }
0x392: {  	v7 =	vor.u32 v1, v10;
	v3 =	vmul.f32 v4, v4;
	v10 =	vld [tilespmem:s4+$0xFFFFFFC0]  }
0x393: {  	v63 =	vld [tilespmem:s3+$0xFFFFFFC0]  }
0x394: {  	v4 =	vsub.f32 v61, v8;
	[tilespmem:v5+s28+$0x0] =	vst.idx.add.f32.msk $0xffff, v3  }
0x395: {  	v3 =	vld [tilespmem:s4+$0x40]  }
0x396: {  	v5 =	vsub.f32 v11, v9;
	v4 =	vmul.f32 v4, v4;
	[tilespmem:v6+s26+$0x0] =	vst.idx.add.f32.msk $0xffff, v2  }
0x397: {  	[tilespmem:v7+s26+$0x0] =	vst.idx.add.f32.msk $0xffff, v2;
	v8 =	vtrunc.f32 v10  }
0x398: {  	v5 =	vmul.f32 v5, v5;
	[tilespmem:v6+s28+$0x0] =	vst.idx.add.f32.msk $0xffff, v4;
	v6 =	vcvt.f32.s32 v8  }
0x399: {  	v4 =	vld [tilespmem:s3+$0x40]  }
0x39a: {  	[tilespmem:v7+s28+$0x0] =	vst.idx.add.f32.msk $0xffff, v5;
	v8 =	vtrunc.f32 v3;
	v5 =	vshll.u32 v6, $0x4  }
0x39b: {  	v7 =	vld [tilespmem:s6+$0x20];
	v8 =	vcvt.f32.s32 v8;
	v5 =	vor.u32 v1, v5  }
0x39c: {  	s7 =	simm.s32 $0x2;
	s8 =	simm.s32 $0x280;
	s9 =	simm.s32 $0x6280;
	v9 =	vld [tilespmem:s6+$0xFFFFFFA0];
	v6 =	vsub.f32 v63, v10  }
.LBB2_12:
0x39d: {  	s7 =	sadd.s32 $0x2, s7;
	v10 =	vld [tilespmem:s5+$0xFFFFFFA0];
	v8 =	vshll.u32 v8, $0x4  }
0x39e: {  	p0 =	slt.u32 s7, $0x5E;
	v11 =	vld [tilespmem:s5+$0x20];
	v3 =	vsub.f32 v4, v3;
	v4 =	vor.u32 v1, v8  }
0x39f: {  	v6 =	vmul.f32 v6, v6;
	v8 =	vld [tilespmem:s9+$0x0]  }
0x3a0: {  	v12 =	vtrunc.f32 v7;
	[tilespmem:v5+s26+$0x0] =	vst.idx.add.f32.msk $0xffff, v2  }
0x3a1: {  	v13 =	vtrunc.f32 v9;
	v12 =	vcvt.f32.s32 v12;
	[tilespmem:v5+s28+$0x0] =	vst.idx.add.f32.msk $0xffff, v6  }
0x3a2: {  	v3 =	vmul.f32 v3, v3;
	v5 =	vld [tilespmem:s9+$0xFFFFFF80];
	v6 =	vcvt.f32.s32 v13;
	v9 =	vsub.f32 v10, v9  }
0x3a3: {  	v10 =	vshll.u32 v12, $0x4;
	v7 =	vsub.f32 v11, v7;
	[tilespmem:v4+s26+$0x0] =	vst.idx.add.f32.msk $0xffff, v2  }
0x3a4: {  	v11 =	vtrunc.f32 v8;
	v6 =	vshll.u32 v6, $0x4;
	v10 =	vor.u32 v1, v10;
	[tilespmem:v4+s28+$0x0] =	vst.idx.add.f32.msk $0xffff, v3  }
0x3a5: {  	v3 =	vcvt.f32.s32 v11;
	v4 =	vor.u32 v1, v6;
	v6 =	vld [tilespmem:s4+$0x44]  }
0x3a6: {  	v11 =	vld [tilespmem:s8+$0x0]  }
0x3a7: {  	v12 =	vld [tilespmem:s8+$0xFFFFFF80];
	v13 =	vtrunc.f32 v5;
	v3 =	vshll.u32 v3, $0x4  }
0x3a8: {  	v13 =	vcvt.f32.s32 v13;
	v14 =	vld [tilespmem:s3+$0x44]  }
0x3a9: {  	v9 =	vmul.f32 v9, v9;
	v3 =	vor.u32 v1, v3;
	[tilespmem:v10+s26+$0x0] =	vst.idx.add.f32.msk $0xffff, v2  }
0x3aa: {  	v13 =	vshll.u32 v13, $0x4;
	[tilespmem:v4+s26+$0x0] =	vst.idx.add.f32.msk $0xffff, v2;
	v15 =	vtrunc.f32 v6  }
0x3ab: {  	v13 =	vor.u32 v1, v13;
	v8 =	vsub.f32 v11, v8;
	[tilespmem:v4+s28+$0x0] =	vst.idx.add.f32.msk $0xffff, v9;
	v4 =	vcvt.f32.s32 v15  }
0x3ac: {  	v5 =	vsub.f32 v12, v5;
	v9 =	vld [tilespmem:s4+$0xFFFFFFC4];
	s4 =	smov.u32 s6;
	s6 =	smov.u32 s9  }
0x3ad: {  	v7 =	vmul.f32 v7, v7;
	v8 =	vmul.f32 v8, v8;
	v11 =	vld [tilespmem:s3+$0xFFFFFFC4];
	v4 =	vshll.u32 v4, $0x4;
	s3 =	smov.u32 s5;
	s5 =	smov.u32 s8  }
0x3ae: {  	v6 =	vsub.f32 v14, v6;
	[tilespmem:v3+s26+$0x0] =	vst.idx.add.f32.msk $0xffff, v2  }
0x3af: {  	[tilespmem:v10+s28+$0x0] =	vst.idx.add.f32.msk $0xffff, v7  }
0x3b0: {  	v5 =	vmul.f32 v5, v5;
	v7 =	vld [tilespmem:s4+$0xFFFFFFB0]  }
0x3b1: {  	v10 =	vld [tilespmem:s4+$0x30];
	v12 =	vtrunc.f32 v9  }
0x3b2: {  	[tilespmem:v13+s26+$0x0] =	vst.idx.add.f32.msk $0xffff, v2;
	v12 =	vcvt.f32.s32 v12;
	v9 =	vsub.f32 v11, v9  }
0x3b3: {  	[tilespmem:v13+s28+$0x0] =	vst.idx.add.f32.msk $0xffff, v5  }
0x3b4: {  	v5 =	vld [tilespmem:s8+$0xFFFFFF90];
	v11 =	vshll.u32 v12, $0x4  }
0x3b5: {  	v12 =	vld [tilespmem:s3+$0xFFFFFFB0];
	v13 =	vtrunc.f32 v7  }
0x3b6: {  	v11 =	vor.u32 v1, v11;
	[tilespmem:v3+s28+$0x0] =	vst.idx.add.f32.msk $0xffff, v8;
	v3 =	vcvt.f32.s32 v13;
	v8 =	vtrunc.f32 v10  }
0x3b7: {  	v13 =	vld [tilespmem:s9+$0x10];
	v8 =	vcvt.f32.s32 v8  }
0x3b8: {  	v4 =	vor.u32 v1, v4;
	v14 =	vld [tilespmem:s9+$0xFFFFFF90];
	v3 =	vshll.u32 v3, $0x4  }
0x3b9: {  	v15 =	vld [tilespmem:s3+$0x30];
	v8 =	vshll.u32 v8, $0x4  }
0x3ba: {  	v9 =	vmul.f32 v9, v9;
	v16 =	vld [tilespmem:s8+$0x10];
	v7 =	vsub.f32 v12, v7;
	v8 =	vor.u32 v1, v8  }
0x3bb: {  	v3 =	vor.u32 v1, v3;
	[tilespmem:v11+s26+$0x0] =	vst.idx.add.f32.msk vm0, v2  }
0x3bc: {  	v6 =	vmul.f32 v6, v6;
	[tilespmem:v11+s28+$0x0] =	vst.idx.add.f32.msk vm0, v9  }
0x3bd: {  	v11 =	vtrunc.f32 v13;
	v9 =	vtrunc.f32 v14;
	v5 =	vsub.f32 v5, v14;
	[tilespmem:v4+s26+$0x0] =	vst.idx.add.f32.msk vm0, v2  }
0x3be: {  	v11 =	vcvt.f32.s32 v11;
	v9 =	vcvt.f32.s32 v9;
	v10 =	vsub.f32 v15, v10;
	[tilespmem:v4+s28+$0x0] =	vst.idx.add.f32.msk vm0, v6  }
0x3bf: {  	v6 =	vmul.f32 v7, v7;
	v4 =	vsub.f32 v16, v13;
	[tilespmem:v8+s26+$0x0] =	vst.idx.add.f32.msk $0xffff, v2  }
0x3c0: {  	v7 =	vshll.u32 v9, $0x4;
	v9 =	vshll.u32 v11, $0x4;
	[tilespmem:v3+s26+$0x0] =	vst.idx.add.f32.msk $0xffff, v2  }
0x3c1: {  	v7 =	vor.u32 v1, v7;
	v9 =	vor.u32 v1, v9;
	[tilespmem:v3+s28+$0x0] =	vst.idx.add.f32.msk $0xffff, v6  }
0x3c2: {  	v3 =	vmul.f32 v10, v10;
	v6 =	vld [tilespmem:s4+$0xFFFFFFC0]  }
0x3c3: {  	v10 =	vld [tilespmem:s3+$0xFFFFFFC0]  }
0x3c4: {  	[tilespmem:v8+s28+$0x0] =	vst.idx.add.f32.msk $0xffff, v3  }
0x3c5: {  	v3 =	vld [tilespmem:s4+$0x40]  }
0x3c6: {  	v4 =	vmul.f32 v4, v4;
	[tilespmem:v9+s26+$0x0] =	vst.idx.add.f32.msk $0xffff, v2  }
0x3c7: {  	v5 =	vmul.f32 v5, v5;
	[tilespmem:v7+s26+$0x0] =	vst.idx.add.f32.msk $0xffff, v2;
	v8 =	vtrunc.f32 v6  }
.Ltmp5:
0x3c8: {  	[tilespmem:v9+s28+$0x0] =	vst.idx.add.f32.msk $0xffff, v4;
	v8 =	vcvt.f32.s32 v8;
	v6 =	vsub.f32 v10, v6;
	(pc) =	sbr.rel @p0 .LBB2_12-.Ltmp5, $4  }
0x3c9: {  	v4 =	vld [tilespmem:s3+$0x40]  }
0x3ca: {  	[tilespmem:v7+s28+$0x0] =	vst.idx.add.f32.msk $0xffff, v5;
	v5 =	vshll.u32 v8, $0x4;
	v8 =	vtrunc.f32 v3  }
0x3cb: {  	v7 =	vld [tilespmem:s9+$0x20];
	v5 =	vor.u32 v1, v5;
	v8 =	vcvt.f32.s32 v8  }
0x3cc: {  	s8 =	sadd.s32 $0x100, s8;
	s9 =	sadd.s32 $0x100, s9;
	v9 =	vld [tilespmem:s6+$0xFFFFFFA0]  }
0x3cd: {  	_ =	sdelay $0x2  }
0x3ce: {  	v10 =	vtrunc.f32 v7  }
0x3cf: {  	v11 =	vtrunc.f32 v9;
	v10 =	vcvt.f32.s32 v10  }
0x3d0: {  	v13 =	vld [tilespmem:s5+$0x20];
	v11 =	vcvt.f32.s32 v11  }
0x3d1: {  	v12 =	vld [tilespmem:s5+$0xFFFFFFA0];
	v10 =	vshll.u32 v10, $0x4  }
0x3d2: {  	v11 =	vshll.u32 v11, $0x4;
	v10 =	vor.u32 v1, v10  }
0x3d3: {  	v11 =	vor.u32 v1, v11;
	_ =	sdelay $0x1  }
0x3d4: {  	v7 =	vsub.f32 v13, v7  }
0x3d5: {  	v9 =	vsub.f32 v12, v9  }
0x3d6: {  	v7 =	vmul.f32 v7, v7;
	[tilespmem:v10+s26+$0x0] =	vst.idx.add.f32.msk $0xffff, v2  }
0x3d7: {  	v9 =	vmul.f32 v9, v9;
	[tilespmem:v11+s26+$0x0] =	vst.idx.add.f32.msk $0xffff, v2  }
0x3d8: {  	[tilespmem:v10+s28+$0x0] =	vst.idx.add.f32.msk $0xffff, v7  }
0x3d9: {  	[tilespmem:v11+s28+$0x0] =	vst.idx.add.f32.msk $0xffff, v9  }
0x3da: {  	v7 =	vld [tilespmem:s6+$0x30]  }
0x3db: {  	v9 =	vld [tilespmem:s6+$0xFFFFFFB0];
	_ =	sdelay $0x3  }
0x3dc: {  	v10 =	vtrunc.f32 v7  }
0x3dd: {  	v11 =	vtrunc.f32 v9;
	v10 =	vcvt.f32.s32 v10  }
0x3de: {  	v57 =	vld [tilespmem:s5+$0x30];
	v11 =	vcvt.f32.s32 v11  }
0x3df: {  	v56 =	vld [tilespmem:s5+$0xFFFFFFB0];
	v10 =	vshll.u32 v10, $0x4  }
0x3e0: {  	v11 =	vshll.u32 v11, $0x4;
	v10 =	vor.u32 v1, v10  }
0x3e1: {  	v11 =	vor.u32 v1, v11;
	_ =	sdelay $0x1  }
0x3e2: {  	v7 =	vsub.f32 v57, v7  }
0x3e3: {  	v9 =	vsub.f32 v56, v9  }
0x3e4: {  	v7 =	vmul.f32 v7, v7;
	[tilespmem:v10+s26+$0x0] =	vst.idx.add.f32.msk $0xffff, v2  }
0x3e5: {  	v9 =	vmul.f32 v9, v9;
	[tilespmem:v11+s26+$0x0] =	vst.idx.add.f32.msk $0xffff, v2  }
0x3e6: {  	[tilespmem:v10+s28+$0x0] =	vst.idx.add.f32.msk $0xffff, v7  }
0x3e7: {  	[tilespmem:v11+s28+$0x0] =	vst.idx.add.f32.msk $0xffff, v9  }
0x3e8: {  	v7 =	vshll.u32 v8, $0x4;
	v8 =	vld [tilespmem:s6+$0x40]  }
0x3e9: {  	v9 =	vld [tilespmem:s6+$0xFFFFFFC0]  }
0x3ea: {  	v7 =	vor.u32 v1, v7  }
0x3eb: {  	v6 =	vmul.f32 v6, v6;
	v3 =	vsub.f32 v4, v3  }
0x3ec: {  	[tilespmem:v5+s26+$0x0] =	vst.idx.add.f32.msk $0xffff, v2  }
0x3ed: {  	[tilespmem:v5+s28+$0x0] =	vst.idx.add.f32.msk $0xffff, v6;
	v3 =	vmul.f32 v3, v3;
	v5 =	vtrunc.f32 v8  }
0x3ee: {  	v4 =	vld [tilespmem:s5+$0xFFFFFFC0];
	v10 =	vtrunc.f32 v9;
	v5 =	vcvt.f32.s32 v5  }
0x3ef: {  	[tilespmem:v7+s26+$0x0] =	vst.idx.add.f32.msk $0xffff, v2;
	v10 =	vcvt.f32.s32 v10  }
0x3f0: {  	[tilespmem:v7+s28+$0x0] =	vst.idx.add.f32.msk $0xffff, v3;
	v3 =	vshll.u32 v5, $0x4  }
0x3f1: {  	v6 =	vshll.u32 v10, $0x4;
	v10 =	vld [tilespmem:s5+$0x40];
	v3 =	vor.u32 v1, v3  }
0x3f2: {  	v6 =	vor.u32 v1, v6  }
0x3f3: {  	v7 =	vld [tilespmem:s4+$0xFFFFFFC4]  }
0x3f4: {  	v4 =	vsub.f32 v4, v9;
	v9 =	vld [tilespmem:s3+$0xFFFFFFC4]  }
0x3f5: {  	v5 =	vld [tilespmem:s4+$0x44]  }
0x3f6: {  	v4 =	vmul.f32 v4, v4;
	v8 =	vsub.f32 v10, v8;
	[tilespmem:v3+s26+$0x0] =	vst.idx.add.f32.msk $0xffff, v2  }
0x3f7: {  	[tilespmem:v6+s26+$0x0] =	vst.idx.add.f32.msk $0xffff, v2  }
0x3f8: {  	[tilespmem:v6+s28+$0x0] =	vst.idx.add.f32.msk $0xffff, v4;
	v4 =	vmul.f32 v8, v8  }
0x3f9: {  	v6 =	vtrunc.f32 v7;
	v8 =	vld [tilespmem:s6+$0xFFFFFFC4]  }
0x3fa: {  	v6 =	vcvt.f32.s32 v6;
	[tilespmem:v3+s28+$0x0] =	vst.idx.add.f32.msk $0xffff, v4  }
0x3fb: {  	v3 =	vld [tilespmem:s6+$0x44]  }
0x3fc: {  	v4 =	vtrunc.f32 v5;
	v6 =	vshll.u32 v6, $0x4  }
0x3fd: {  	v10 =	vld [tilespmem:s3+$0x44];
	v4 =	vcvt.f32.s32 v4;
	v6 =	vor.u32 v1, v6  }
0x3fe: {  	v11 =	vtrunc.f32 v8  }
0x3ff: {  	v7 =	vsub.f32 v9, v7;
	v9 =	vld [tilespmem:s5+$0xFFFFFFC4];
	v4 =	vshll.u32 v4, $0x4;
	v11 =	vcvt.f32.s32 v11  }
0x400: {  	v4 =	vor.u32 v1, v4;
	v58 =	vtrunc.f32 v3  }
0x401: {  	v7 =	vmul.f32 v7, v7;
	v59 =	vld [tilespmem:s5+$0x44];
	v12 =	vcvt.f32.s32 v58;
	v11 =	vshll.u32 v11, $0x4  }
0x402: {  	v5 =	vsub.f32 v10, v5;
	[tilespmem:v6+s26+$0x0] =	vst.idx.add.f32.msk vm0, v2;
	v10 =	vor.u32 v1, v11  }
0x403: {  	[tilespmem:v6+s28+$0x0] =	vst.idx.add.f32.msk vm0, v7;
	v6 =	vshll.u32 v12, $0x4  }
0x404: {  	v5 =	vmul.f32 v5, v5;
	v7 =	vsub.f32 v9, v8;
	v6 =	vor.u32 v1, v6  }
0x405: {  	[tilespmem:v4+s26+$0x0] =	vst.idx.add.f32.msk vm0, v2  }
0x406: {  	v3 =	vsub.f32 v59, v3;
	[tilespmem:v4+s28+$0x0] =	vst.idx.add.f32.msk vm0, v5;
	v4 =	vmul.f32 v7, v7  }
0x407: {  	[tilespmem:v10+s26+$0x0] =	vst.idx.add.f32.msk vm0, v2  }
0x408: {  	v3 =	vmul.f32 v3, v3;
	[tilespmem:v10+s28+$0x0] =	vst.idx.add.f32.msk vm0, v4  }
0x409: {  	[tilespmem:v6+s26+$0x0] =	vst.idx.add.f32.msk vm0, v2  }
0x40a: {  	[tilespmem:v6+s28+$0x0] =	vst.idx.add.f32.msk vm0, v3  }
0x40b: {  	[tilespmem:s2], [sflag:$0x1] =	stream.linear.gather [hbm4b:s15+s2], $0x3000, $0x38;
	[tilespmem:$0xE200] =	vst v63  }
0x40c: {  	_ = 	snop  }
0x40d: {  	[tilespmem:s22], [sflag:$0x1] =	stream.linear.gather [hbm4b:s16+s2], $0x3000, $0x38;
	[tilespmem:$0xE200] =	vst v63  }
0x40e: {  	_ =	swait.ge [sflag:s29], $0x3000  }
0x40f: {  	[sflag:s29] =	ssyncset.done $0x0  }
0x410: {  	[sflag:s29] =	ssyncadd.s32 $0xFFFFD000  }
0x411: {  	_ =	swait.ge [sflag:s29], $0x3000  }
0x412: {  	[sflag:s29] =	ssyncset.done $0x0  }
0x413: {  	s4 =	simm.s32 $0x90C4;
	[sflag:s29] =	ssyncadd.s32 $0xFFFFD000  }
0x414: {  	v3 =	vld [tilespmem:s4+$0xFFFFFFBC]  }
0x415: {  	v4 =	vld [tilespmem:s4+$0xFFFFFF3C];
	_ =	sdelay $0x3  }
0x416: {  	v5 =	vtrunc.f32 v3  }
0x417: {  	s3 =	simm.s32 $0x30C4;
	v6 =	vtrunc.f32 v4;
	v5 =	vcvt.f32.s32 v5  }
0x418: {  	v7 =	vld [tilespmem:s3+$0xFFFFFF3C];
	v6 =	vcvt.f32.s32 v6  }
0x419: {  	v8 =	vld [tilespmem:s3+$0xFFFFFFBC];
	v5 =	vshll.u32 v5, $0x4  }
0x41a: {  	v6 =	vshll.u32 v6, $0x4;
	v5 =	vor.u32 v1, v5  }
0x41b: {  	v6 =	vor.u32 v1, v6;
	_ =	sdelay $0x1  }
0x41c: {  	v4 =	vsub.f32 v7, v4  }
0x41d: {  	v3 =	vsub.f32 v8, v3  }
0x41e: {  	v4 =	vmul.f32 v4, v4;
	[tilespmem:v5+s26+$0x0] =	vst.idx.add.f32.msk $0xffff, v2  }
0x41f: {  	v3 =	vmul.f32 v3, v3;
	[tilespmem:v6+s26+$0x0] =	vst.idx.add.f32.msk $0xffff, v2  }
0x420: {  	[tilespmem:v6+s28+$0x0] =	vst.idx.add.f32.msk $0xffff, v4  }
0x421: {  	[tilespmem:v5+s28+$0x0] =	vst.idx.add.f32.msk $0xffff, v3  }
0x422: {  	v3 =	vld [tilespmem:s4+$0xFFFFFFCC]  }
0x423: {  	v4 =	vld [tilespmem:s4+$0xFFFFFF4C];
	_ =	sdelay $0x3  }
0x424: {  	v5 =	vtrunc.f32 v3  }
0x425: {  	v6 =	vtrunc.f32 v4;
	v5 =	vcvt.f32.s32 v5  }
0x426: {  	v7 =	vld [tilespmem:s3+$0xFFFFFFCC];
	v6 =	vcvt.f32.s32 v6  }
0x427: {  	v8 =	vld [tilespmem:s3+$0xFFFFFF4C];
	v5 =	vshll.u32 v5, $0x4  }
0x428: {  	v6 =	vshll.u32 v6, $0x4;
	v5 =	vor.u32 v1, v5  }
0x429: {  	v6 =	vor.u32 v1, v6;
	_ =	sdelay $0x1  }
0x42a: {  	v3 =	vsub.f32 v7, v3  }
0x42b: {  	v4 =	vsub.f32 v8, v4  }
0x42c: {  	v3 =	vmul.f32 v3, v3;
	[tilespmem:v5+s26+$0x0] =	vst.idx.add.f32.msk $0xffff, v2  }
0x42d: {  	v4 =	vmul.f32 v4, v4;
	[tilespmem:v6+s26+$0x0] =	vst.idx.add.f32.msk $0xffff, v2  }
0x42e: {  	[tilespmem:v5+s28+$0x0] =	vst.idx.add.f32.msk $0xffff, v3  }
0x42f: {  	[tilespmem:v6+s28+$0x0] =	vst.idx.add.f32.msk $0xffff, v4  }
0x430: {  	v3 =	vld [tilespmem:s4+$0xFFFFFFDC]  }
0x431: {  	v4 =	vld [tilespmem:s4+$0xFFFFFF5C];
	_ =	sdelay $0x2  }
0x432: {  	s6 =	simm.s32 $0x91C4  }
0x433: {  	v9 =	vld [tilespmem:s6+$0xFFFFFF3C];
	v6 =	vtrunc.f32 v3  }
0x434: {  	v7 =	vld [tilespmem:s6+$0xFFFFFFBC];
	v8 =	vtrunc.f32 v4;
	v6 =	vcvt.f32.s32 v6  }
0x435: {  	v5 =	vld [tilespmem:s3+$0xFFFFFF5C];
	v8 =	vcvt.f32.s32 v8  }
0x436: {  	v10 =	vld [tilespmem:s3+$0xFFFFFFDC];
	v6 =	vshll.u32 v6, $0x4  }
0x437: {  	v8 =	vshll.u32 v8, $0x4;
	v6 =	vor.u32 v1, v6  }
0x438: {  	v8 =	vor.u32 v1, v8  }
0x439: {  	s5 =	simm.s32 $0x31C4;
	v60 =	vtrunc.f32 v9;
	v11 =	vtrunc.f32 v7  }
0x43a: {  	v12 =	vcvt.f32.s32 v60;
	v4 =	vsub.f32 v5, v4;
	v5 =	vcvt.f32.s32 v11;
	v11 =	vld [tilespmem:s5+$0xFFFFFFBC]  }
0x43b: {  	v3 =	vsub.f32 v10, v3;
	v10 =	vld [tilespmem:s5+$0xFFFFFF3C]  }
0x43c: {  	v12 =	vshll.u32 v12, $0x4;
	v4 =	vmul.f32 v4, v4;
	[tilespmem:v6+s26+$0x0] =	vst.idx.add.f32.msk $0xffff, v2  }
0x43d: {  	v12 =	vor.u32 v1, v12;
	v5 =	vshll.u32 v5, $0x4;
	v3 =	vmul.f32 v3, v3;
	[tilespmem:v8+s26+$0x0] =	vst.idx.add.f32.msk $0xffff, v2  }
0x43e: {  	v5 =	vor.u32 v1, v5;
	[tilespmem:v8+s28+$0x0] =	vst.idx.add.f32.msk $0xffff, v4  }
0x43f: {  	[tilespmem:v6+s28+$0x0] =	vst.idx.add.f32.msk $0xffff, v3  }
0x440: {  	v7 =	vsub.f32 v11, v7;
	v4 =	vld [tilespmem:s4+$0xFFFFFFEC]  }
0x441: {  	v3 =	vsub.f32 v10, v9;
	v6 =	vld [tilespmem:s4+$0xFFFFFF6C]  }
0x442: {  	[tilespmem:v12+s26+$0x0] =	vst.idx.add.f32.msk $0xffff, v2;
	v7 =	vmul.f32 v7, v7  }
0x443: {  	[tilespmem:v5+s26+$0x0] =	vst.idx.add.f32.msk $0xffff, v2;
	v3 =	vmul.f32 v3, v3  }
0x444: {  	[tilespmem:v5+s28+$0x0] =	vst.idx.add.f32.msk $0xffff, v7  }
0x445: {  	[tilespmem:v12+s28+$0x0] =	vst.idx.add.f32.msk $0xffff, v3;
	v8 =	vtrunc.f32 v4  }
0x446: {  	v3 =	vld [tilespmem:s3+$0xFFFFFF6C];
	v9 =	vtrunc.f32 v6;
	v5 =	vcvt.f32.s32 v8  }
0x447: {  	v7 =	vcvt.f32.s32 v9;
	v8 =	vld [tilespmem:s6+$0xFFFFFFCC]  }
0x448: {  	v9 =	vld [tilespmem:s6+$0xFFFFFF4C];
	v5 =	vshll.u32 v5, $0x4  }
0x449: {  	v7 =	vshll.u32 v7, $0x4;
	v5 =	vor.u32 v1, v5  }
0x44a: {  	v10 =	vld [tilespmem:s3+$0xFFFFFFEC];
	v7 =	vor.u32 v1, v7;
	_ =	sdelay $0x1  }
0x44b: {  	v61 =	vld [tilespmem:s5+$0xFFFFFFCC];
	v3 =	vsub.f32 v3, v6;
	v6 =	vtrunc.f32 v8  }
0x44c: {  	v11 =	vld [tilespmem:s5+$0xFFFFFF4C];
	v62 =	vtrunc.f32 v9;
	v6 =	vcvt.f32.s32 v6  }
0x44d: {  	v3 =	vmul.f32 v3, v3;
	v13 =	vcvt.f32.s32 v62;
	[tilespmem:v5+s26+$0x0] =	vst.idx.add.f32.msk $0xffff, v2  }
0x44e: {  	v4 =	vsub.f32 v10, v4;
	v6 =	vshll.u32 v6, $0x4;
	[tilespmem:v7+s26+$0x0] =	vst.idx.add.f32.msk $0xffff, v2  }
0x44f: {  	v10 =	vshll.u32 v13, $0x4;
	v6 =	vor.u32 v1, v6;
	[tilespmem:v7+s28+$0x0] =	vst.idx.add.f32.msk $0xffff, v3  }
0x450: {  	v7 =	vor.u32 v1, v10;
	v3 =	vmul.f32 v4, v4;
	v10 =	vld [tilespmem:s4+$0xFFFFFF7C]  }
0x451: {  	v63 =	vld [tilespmem:s3+$0xFFFFFF7C]  }
0x452: {  	v4 =	vsub.f32 v61, v8;
	[tilespmem:v5+s28+$0x0] =	vst.idx.add.f32.msk $0xffff, v3  }
0x453: {  	v3 =	vld [tilespmem:s4+$0xFFFFFFFC]  }
0x454: {  	v5 =	vsub.f32 v11, v9;
	v4 =	vmul.f32 v4, v4;
	[tilespmem:v6+s26+$0x0] =	vst.idx.add.f32.msk $0xffff, v2  }
0x455: {  	[tilespmem:v7+s26+$0x0] =	vst.idx.add.f32.msk $0xffff, v2;
	v8 =	vtrunc.f32 v10  }
0x456: {  	v5 =	vmul.f32 v5, v5;
	[tilespmem:v6+s28+$0x0] =	vst.idx.add.f32.msk $0xffff, v4;
	v6 =	vcvt.f32.s32 v8  }
0x457: {  	v4 =	vld [tilespmem:s3+$0xFFFFFFFC]  }
0x458: {  	[tilespmem:v7+s28+$0x0] =	vst.idx.add.f32.msk $0xffff, v5;
	v8 =	vtrunc.f32 v3;
	v5 =	vshll.u32 v6, $0x4  }
0x459: {  	v7 =	vld [tilespmem:s6+$0xFFFFFFDC];
	v8 =	vcvt.f32.s32 v8;
	v5 =	vor.u32 v1, v5  }
0x45a: {  	s7 =	simm.s32 $0x2;
	s8 =	simm.s32 $0x92C4;
	s9 =	simm.s32 $0x32C4;
	v9 =	vld [tilespmem:s6+$0xFFFFFF5C];
	v6 =	vsub.f32 v63, v10  }
.LBB2_14:
0x45b: {  	s7 =	sadd.s32 $0x2, s7;
	v10 =	vld [tilespmem:s5+$0xFFFFFF5C];
	v8 =	vshll.u32 v8, $0x4  }
0x45c: {  	p0 =	slt.u32 s7, $0x5E;
	v11 =	vld [tilespmem:s5+$0xFFFFFFDC];
	v3 =	vsub.f32 v4, v3;
	v4 =	vor.u32 v1, v8  }
0x45d: {  	v6 =	vmul.f32 v6, v6;
	v8 =	vld [tilespmem:s8+$0xFFFFFFBC]  }
0x45e: {  	v12 =	vtrunc.f32 v7;
	[tilespmem:v5+s26+$0x0] =	vst.idx.add.f32.msk $0xffff, v2  }
0x45f: {  	v13 =	vtrunc.f32 v9;
	v12 =	vcvt.f32.s32 v12;
	[tilespmem:v5+s28+$0x0] =	vst.idx.add.f32.msk $0xffff, v6  }
0x460: {  	v3 =	vmul.f32 v3, v3;
	v5 =	vld [tilespmem:s8+$0xFFFFFF3C];
	v6 =	vcvt.f32.s32 v13;
	v9 =	vsub.f32 v10, v9  }
0x461: {  	v10 =	vshll.u32 v12, $0x4;
	v7 =	vsub.f32 v11, v7;
	[tilespmem:v4+s26+$0x0] =	vst.idx.add.f32.msk $0xffff, v2  }
0x462: {  	v11 =	vtrunc.f32 v8;
	v6 =	vshll.u32 v6, $0x4;
	v10 =	vor.u32 v1, v10;
	[tilespmem:v4+s28+$0x0] =	vst.idx.add.f32.msk $0xffff, v3  }
0x463: {  	v3 =	vcvt.f32.s32 v11;
	v4 =	vor.u32 v1, v6;
	v6 =	vld [tilespmem:s4+$0x0]  }
0x464: {  	v11 =	vld [tilespmem:s9+$0xFFFFFFBC]  }
0x465: {  	v12 =	vld [tilespmem:s9+$0xFFFFFF3C];
	v13 =	vtrunc.f32 v5;
	v3 =	vshll.u32 v3, $0x4  }
0x466: {  	v13 =	vcvt.f32.s32 v13;
	v14 =	vld [tilespmem:s3+$0x0]  }
0x467: {  	v9 =	vmul.f32 v9, v9;
	v3 =	vor.u32 v1, v3;
	[tilespmem:v10+s26+$0x0] =	vst.idx.add.f32.msk $0xffff, v2  }
0x468: {  	v13 =	vshll.u32 v13, $0x4;
	[tilespmem:v4+s26+$0x0] =	vst.idx.add.f32.msk $0xffff, v2;
	v15 =	vtrunc.f32 v6  }
0x469: {  	v13 =	vor.u32 v1, v13;
	v8 =	vsub.f32 v11, v8;
	[tilespmem:v4+s28+$0x0] =	vst.idx.add.f32.msk $0xffff, v9;
	v4 =	vcvt.f32.s32 v15  }
0x46a: {  	v5 =	vsub.f32 v12, v5;
	v9 =	vld [tilespmem:s4+$0xFFFFFF80];
	s4 =	smov.u32 s6;
	s6 =	smov.u32 s8  }
0x46b: {  	v7 =	vmul.f32 v7, v7;
	v8 =	vmul.f32 v8, v8;
	v11 =	vld [tilespmem:s3+$0xFFFFFF80];
	v4 =	vshll.u32 v4, $0x4;
	s3 =	smov.u32 s5;
	s5 =	smov.u32 s9  }
0x46c: {  	v6 =	vsub.f32 v14, v6;
	[tilespmem:v3+s26+$0x0] =	vst.idx.add.f32.msk $0xffff, v2  }
0x46d: {  	[tilespmem:v10+s28+$0x0] =	vst.idx.add.f32.msk $0xffff, v7  }
0x46e: {  	v5 =	vmul.f32 v5, v5;
	v7 =	vld [tilespmem:s4+$0xFFFFFF6C]  }
0x46f: {  	v10 =	vld [tilespmem:s4+$0xFFFFFFEC];
	v12 =	vtrunc.f32 v9  }
0x470: {  	[tilespmem:v13+s26+$0x0] =	vst.idx.add.f32.msk $0xffff, v2;
	v12 =	vcvt.f32.s32 v12;
	v9 =	vsub.f32 v11, v9  }
0x471: {  	[tilespmem:v13+s28+$0x0] =	vst.idx.add.f32.msk $0xffff, v5  }
0x472: {  	v5 =	vld [tilespmem:s9+$0xFFFFFF4C];
	v11 =	vshll.u32 v12, $0x4  }
0x473: {  	v12 =	vld [tilespmem:s3+$0xFFFFFF6C];
	v13 =	vtrunc.f32 v7  }
0x474: {  	v11 =	vor.u32 v1, v11;
	[tilespmem:v3+s28+$0x0] =	vst.idx.add.f32.msk $0xffff, v8;
	v3 =	vcvt.f32.s32 v13;
	v8 =	vtrunc.f32 v10  }
0x475: {  	v13 =	vld [tilespmem:s8+$0xFFFFFFCC];
	v8 =	vcvt.f32.s32 v8  }
0x476: {  	v4 =	vor.u32 v1, v4;
	v14 =	vld [tilespmem:s8+$0xFFFFFF4C];
	v3 =	vshll.u32 v3, $0x4  }
0x477: {  	v15 =	vld [tilespmem:s3+$0xFFFFFFEC];
	v8 =	vshll.u32 v8, $0x4  }
0x478: {  	v9 =	vmul.f32 v9, v9;
	v16 =	vld [tilespmem:s9+$0xFFFFFFCC];
	v7 =	vsub.f32 v12, v7;
	v8 =	vor.u32 v1, v8  }
0x479: {  	v3 =	vor.u32 v1, v3;
	[tilespmem:v11+s26+$0x0] =	vst.idx.add.f32.msk vm0, v2  }
0x47a: {  	v6 =	vmul.f32 v6, v6;
	[tilespmem:v11+s28+$0x0] =	vst.idx.add.f32.msk vm0, v9  }
0x47b: {  	v11 =	vtrunc.f32 v13;
	v9 =	vtrunc.f32 v14;
	v5 =	vsub.f32 v5, v14;
	[tilespmem:v4+s26+$0x0] =	vst.idx.add.f32.msk vm0, v2  }
0x47c: {  	v11 =	vcvt.f32.s32 v11;
	v9 =	vcvt.f32.s32 v9;
	v10 =	vsub.f32 v15, v10;
	[tilespmem:v4+s28+$0x0] =	vst.idx.add.f32.msk vm0, v6  }
0x47d: {  	v6 =	vmul.f32 v7, v7;
	v4 =	vsub.f32 v16, v13;
	[tilespmem:v8+s26+$0x0] =	vst.idx.add.f32.msk $0xffff, v2  }
0x47e: {  	v7 =	vshll.u32 v9, $0x4;
	v9 =	vshll.u32 v11, $0x4;
	[tilespmem:v3+s26+$0x0] =	vst.idx.add.f32.msk $0xffff, v2  }
0x47f: {  	v7 =	vor.u32 v1, v7;
	v9 =	vor.u32 v1, v9;
	[tilespmem:v3+s28+$0x0] =	vst.idx.add.f32.msk $0xffff, v6  }
0x480: {  	v3 =	vmul.f32 v10, v10;
	v6 =	vld [tilespmem:s4+$0xFFFFFF7C]  }
0x481: {  	v10 =	vld [tilespmem:s3+$0xFFFFFF7C]  }
0x482: {  	[tilespmem:v8+s28+$0x0] =	vst.idx.add.f32.msk $0xffff, v3  }
0x483: {  	v3 =	vld [tilespmem:s4+$0xFFFFFFFC]  }
0x484: {  	v4 =	vmul.f32 v4, v4;
	[tilespmem:v9+s26+$0x0] =	vst.idx.add.f32.msk $0xffff, v2  }
0x485: {  	v5 =	vmul.f32 v5, v5;
	[tilespmem:v7+s26+$0x0] =	vst.idx.add.f32.msk $0xffff, v2;
	v8 =	vtrunc.f32 v6  }
.Ltmp6:
0x486: {  	[tilespmem:v9+s28+$0x0] =	vst.idx.add.f32.msk $0xffff, v4;
	v8 =	vcvt.f32.s32 v8;
	v6 =	vsub.f32 v10, v6;
	(pc) =	sbr.rel @p0 .LBB2_14-.Ltmp6, $4  }
0x487: {  	v4 =	vld [tilespmem:s3+$0xFFFFFFFC]  }
0x488: {  	[tilespmem:v7+s28+$0x0] =	vst.idx.add.f32.msk $0xffff, v5;
	v5 =	vshll.u32 v8, $0x4;
	v8 =	vtrunc.f32 v3  }
0x489: {  	v7 =	vld [tilespmem:s8+$0xFFFFFFDC];
	v5 =	vor.u32 v1, v5;
	v8 =	vcvt.f32.s32 v8  }
0x48a: {  	s9 =	sadd.s32 $0x100, s9;
	s8 =	sadd.s32 $0x100, s8;
	v9 =	vld [tilespmem:s6+$0xFFFFFF5C]  }
0x48b: {  	_ =	sdelay $0x2  }
0x48c: {  	v10 =	vtrunc.f32 v7  }
0x48d: {  	v11 =	vtrunc.f32 v9;
	v10 =	vcvt.f32.s32 v10  }
0x48e: {  	v13 =	vld [tilespmem:s5+$0xFFFFFFDC];
	v11 =	vcvt.f32.s32 v11  }
0x48f: {  	v12 =	vld [tilespmem:s5+$0xFFFFFF5C];
	v10 =	vshll.u32 v10, $0x4  }
0x490: {  	v11 =	vshll.u32 v11, $0x4;
	v10 =	vor.u32 v1, v10  }
0x491: {  	v11 =	vor.u32 v1, v11;
	_ =	sdelay $0x1  }
0x492: {  	v7 =	vsub.f32 v13, v7  }
0x493: {  	v9 =	vsub.f32 v12, v9  }
0x494: {  	v7 =	vmul.f32 v7, v7;
	[tilespmem:v10+s26+$0x0] =	vst.idx.add.f32.msk $0xffff, v2  }
0x495: {  	v9 =	vmul.f32 v9, v9;
	[tilespmem:v11+s26+$0x0] =	vst.idx.add.f32.msk $0xffff, v2  }
0x496: {  	[tilespmem:v10+s28+$0x0] =	vst.idx.add.f32.msk $0xffff, v7  }
0x497: {  	[tilespmem:v11+s28+$0x0] =	vst.idx.add.f32.msk $0xffff, v9  }
0x498: {  	v7 =	vld [tilespmem:s6+$0xFFFFFFEC]  }
0x499: {  	v9 =	vld [tilespmem:s6+$0xFFFFFF6C];
	_ =	sdelay $0x3  }
0x49a: {  	v10 =	vtrunc.f32 v7  }
0x49b: {  	v11 =	vtrunc.f32 v9;
	v10 =	vcvt.f32.s32 v10  }
0x49c: {  	v57 =	vld [tilespmem:s5+$0xFFFFFFEC];
	v11 =	vcvt.f32.s32 v11  }
0x49d: {  	v56 =	vld [tilespmem:s5+$0xFFFFFF6C];
	v10 =	vshll.u32 v10, $0x4  }
0x49e: {  	v11 =	vshll.u32 v11, $0x4;
	v10 =	vor.u32 v1, v10  }
0x49f: {  	v11 =	vor.u32 v1, v11;
	_ =	sdelay $0x1  }
0x4a0: {  	v7 =	vsub.f32 v57, v7  }
0x4a1: {  	v9 =	vsub.f32 v56, v9  }
0x4a2: {  	v7 =	vmul.f32 v7, v7;
	[tilespmem:v10+s26+$0x0] =	vst.idx.add.f32.msk $0xffff, v2  }
0x4a3: {  	v9 =	vmul.f32 v9, v9;
	[tilespmem:v11+s26+$0x0] =	vst.idx.add.f32.msk $0xffff, v2  }
0x4a4: {  	[tilespmem:v10+s28+$0x0] =	vst.idx.add.f32.msk $0xffff, v7  }
0x4a5: {  	[tilespmem:v11+s28+$0x0] =	vst.idx.add.f32.msk $0xffff, v9  }
0x4a6: {  	v7 =	vshll.u32 v8, $0x4;
	v8 =	vld [tilespmem:s6+$0xFFFFFFFC]  }
0x4a7: {  	v9 =	vld [tilespmem:s6+$0xFFFFFF7C]  }
0x4a8: {  	v7 =	vor.u32 v1, v7  }
0x4a9: {  	v6 =	vmul.f32 v6, v6;
	v3 =	vsub.f32 v4, v3  }
0x4aa: {  	[tilespmem:v5+s26+$0x0] =	vst.idx.add.f32.msk $0xffff, v2  }
0x4ab: {  	[tilespmem:v5+s28+$0x0] =	vst.idx.add.f32.msk $0xffff, v6;
	v3 =	vmul.f32 v3, v3;
	v5 =	vtrunc.f32 v8  }
0x4ac: {  	v4 =	vld [tilespmem:s5+$0xFFFFFF7C];
	v10 =	vtrunc.f32 v9;
	v5 =	vcvt.f32.s32 v5  }
0x4ad: {  	[tilespmem:v7+s26+$0x0] =	vst.idx.add.f32.msk $0xffff, v2;
	v10 =	vcvt.f32.s32 v10  }
0x4ae: {  	[tilespmem:v7+s28+$0x0] =	vst.idx.add.f32.msk $0xffff, v3;
	v3 =	vshll.u32 v5, $0x4  }
0x4af: {  	v6 =	vshll.u32 v10, $0x4;
	v10 =	vld [tilespmem:s5+$0xFFFFFFFC];
	v3 =	vor.u32 v1, v3  }
0x4b0: {  	v6 =	vor.u32 v1, v6  }
0x4b1: {  	v7 =	vld [tilespmem:s4+$0xFFFFFF80]  }
0x4b2: {  	v4 =	vsub.f32 v4, v9;
	v9 =	vld [tilespmem:s3+$0xFFFFFF80]  }
0x4b3: {  	v5 =	vld [tilespmem:s4+$0x0]  }
0x4b4: {  	v4 =	vmul.f32 v4, v4;
	v8 =	vsub.f32 v10, v8;
	[tilespmem:v3+s26+$0x0] =	vst.idx.add.f32.msk $0xffff, v2  }
0x4b5: {  	[tilespmem:v6+s26+$0x0] =	vst.idx.add.f32.msk $0xffff, v2  }
0x4b6: {  	[tilespmem:v6+s28+$0x0] =	vst.idx.add.f32.msk $0xffff, v4;
	v4 =	vmul.f32 v8, v8  }
0x4b7: {  	v6 =	vtrunc.f32 v7;
	v8 =	vld [tilespmem:s6+$0xFFFFFF80]  }
0x4b8: {  	v6 =	vcvt.f32.s32 v6;
	[tilespmem:v3+s28+$0x0] =	vst.idx.add.f32.msk $0xffff, v4  }
0x4b9: {  	v3 =	vld [tilespmem:s6+$0x0]  }
0x4ba: {  	v4 =	vtrunc.f32 v5;
	v6 =	vshll.u32 v6, $0x4  }
0x4bb: {  	v10 =	vld [tilespmem:s3+$0x0];
	v4 =	vcvt.f32.s32 v4;
	v6 =	vor.u32 v1, v6  }
0x4bc: {  	v11 =	vtrunc.f32 v8  }
0x4bd: {  	v7 =	vsub.f32 v9, v7;
	v9 =	vld [tilespmem:s5+$0xFFFFFF80];
	v4 =	vshll.u32 v4, $0x4;
	v11 =	vcvt.f32.s32 v11  }
0x4be: {  	v4 =	vor.u32 v1, v4;
	v58 =	vtrunc.f32 v3  }
0x4bf: {  	v7 =	vmul.f32 v7, v7;
	v59 =	vld [tilespmem:s5+$0x0];
	v12 =	vcvt.f32.s32 v58;
	v11 =	vshll.u32 v11, $0x4  }
0x4c0: {  	v5 =	vsub.f32 v10, v5;
	[tilespmem:v6+s26+$0x0] =	vst.idx.add.f32.msk vm0, v2;
	v10 =	vor.u32 v1, v11  }
0x4c1: {  	[tilespmem:v6+s28+$0x0] =	vst.idx.add.f32.msk vm0, v7;
	v6 =	vshll.u32 v12, $0x4  }
0x4c2: {  	v5 =	vmul.f32 v5, v5;
	v7 =	vsub.f32 v9, v8;
	v6 =	vor.u32 v1, v6  }
0x4c3: {  	[tilespmem:v4+s26+$0x0] =	vst.idx.add.f32.msk vm0, v2  }
0x4c4: {  	v3 =	vsub.f32 v59, v3;
	[tilespmem:v4+s28+$0x0] =	vst.idx.add.f32.msk vm0, v5;
	v4 =	vmul.f32 v7, v7  }
0x4c5: {  	[tilespmem:v10+s26+$0x0] =	vst.idx.add.f32.msk vm0, v2  }
0x4c6: {  	v3 =	vmul.f32 v3, v3;
	[tilespmem:v10+s28+$0x0] =	vst.idx.add.f32.msk vm0, v4  }
0x4c7: {  	[tilespmem:v6+s26+$0x0] =	vst.idx.add.f32.msk vm0, v2  }
0x4c8: {  	[tilespmem:v6+s28+$0x0] =	vst.idx.add.f32.msk vm0, v3  }
0x4c9: {  	[tilespmem:s23], [sflag:$0x2] =	stream.linear.gather [hbm4b:s17+s2], $0x3000, $0x38;
	[tilespmem:$0xE200] =	vst v63  }
0x4ca: {  	_ = 	snop  }
0x4cb: {  	[tilespmem:s24], [sflag:$0x2] =	stream.linear.gather [hbm4b:s18+s2], $0x3000, $0x38;
	[tilespmem:$0xE200] =	vst v63  }
0x4cc: {  	_ =	swait.ge [sflag:s25], $0x3000  }
0x4cd: {  	[sflag:s25] =	ssyncset.done $0x0  }
0x4ce: {  	[sflag:s25] =	ssyncadd.s32 $0xFFFFD000  }
0x4cf: {  	_ =	swait.ge [sflag:s25], $0x3000  }
0x4d0: {  	[sflag:s25] =	ssyncset.done $0x0  }
0x4d1: {  	s4 =	simm.s32 $0x6080;
	[sflag:s25] =	ssyncadd.s32 $0xFFFFD000  }
0x4d2: {  	v3 =	vld [tilespmem:s4+$0x0]  }
0x4d3: {  	v4 =	vld [tilespmem:s4+$0xFFFFFF80];
	_ =	sdelay $0x3  }
0x4d4: {  	v5 =	vtrunc.f32 v3  }
0x4d5: {  	s3 =	simm.s32 $0x80;
	v6 =	vtrunc.f32 v4;
	v5 =	vcvt.f32.s32 v5  }
0x4d6: {  	v7 =	vld [tilespmem:s3+$0xFFFFFF80];
	v6 =	vcvt.f32.s32 v6  }
0x4d7: {  	v8 =	vld [tilespmem:s3+$0x0];
	v5 =	vshll.u32 v5, $0x4  }
0x4d8: {  	v6 =	vshll.u32 v6, $0x4;
	v5 =	vor.u32 v1, v5  }
0x4d9: {  	v6 =	vor.u32 v1, v6;
	_ =	sdelay $0x1  }
0x4da: {  	v4 =	vsub.f32 v7, v4  }
0x4db: {  	v3 =	vsub.f32 v8, v3  }
0x4dc: {  	v4 =	vmul.f32 v4, v4;
	[tilespmem:v5+s26+$0x0] =	vst.idx.add.f32.msk $0xffff, v2  }
0x4dd: {  	v3 =	vmul.f32 v3, v3;
	[tilespmem:v6+s26+$0x0] =	vst.idx.add.f32.msk $0xffff, v2  }
0x4de: {  	[tilespmem:v6+s28+$0x0] =	vst.idx.add.f32.msk $0xffff, v4  }
0x4df: {  	[tilespmem:v5+s28+$0x0] =	vst.idx.add.f32.msk $0xffff, v3  }
0x4e0: {  	v3 =	vld [tilespmem:s4+$0x10]  }
0x4e1: {  	v4 =	vld [tilespmem:s4+$0xFFFFFF90];
	_ =	sdelay $0x3  }
0x4e2: {  	v5 =	vtrunc.f32 v3  }
0x4e3: {  	v6 =	vtrunc.f32 v4;
	v5 =	vcvt.f32.s32 v5  }
0x4e4: {  	v7 =	vld [tilespmem:s3+$0x10];
	v6 =	vcvt.f32.s32 v6  }
0x4e5: {  	v8 =	vld [tilespmem:s3+$0xFFFFFF90];
	v5 =	vshll.u32 v5, $0x4  }
0x4e6: {  	v6 =	vshll.u32 v6, $0x4;
	v5 =	vor.u32 v1, v5  }
0x4e7: {  	v6 =	vor.u32 v1, v6;
	_ =	sdelay $0x1  }
0x4e8: {  	v3 =	vsub.f32 v7, v3  }
0x4e9: {  	v4 =	vsub.f32 v8, v4  }
0x4ea: {  	v3 =	vmul.f32 v3, v3;
	[tilespmem:v5+s26+$0x0] =	vst.idx.add.f32.msk $0xffff, v2  }
0x4eb: {  	v4 =	vmul.f32 v4, v4;
	[tilespmem:v6+s26+$0x0] =	vst.idx.add.f32.msk $0xffff, v2  }
0x4ec: {  	[tilespmem:v5+s28+$0x0] =	vst.idx.add.f32.msk $0xffff, v3  }
0x4ed: {  	[tilespmem:v6+s28+$0x0] =	vst.idx.add.f32.msk $0xffff, v4  }
0x4ee: {  	v3 =	vld [tilespmem:s4+$0x20]  }
0x4ef: {  	v4 =	vld [tilespmem:s4+$0xFFFFFFA0];
	_ =	sdelay $0x2  }
0x4f0: {  	s6 =	simm.s32 $0x6180  }
0x4f1: {  	v9 =	vld [tilespmem:s6+$0xFFFFFF80];
	v6 =	vtrunc.f32 v3  }
0x4f2: {  	v7 =	vld [tilespmem:s6+$0x0];
	v8 =	vtrunc.f32 v4;
	v6 =	vcvt.f32.s32 v6  }
0x4f3: {  	v5 =	vld [tilespmem:s3+$0xFFFFFFA0];
	v8 =	vcvt.f32.s32 v8  }
0x4f4: {  	v10 =	vld [tilespmem:s3+$0x20];
	v6 =	vshll.u32 v6, $0x4  }
0x4f5: {  	v8 =	vshll.u32 v8, $0x4;
	v6 =	vor.u32 v1, v6  }
0x4f6: {  	v8 =	vor.u32 v1, v8  }
0x4f7: {  	s5 =	simm.s32 $0x180;
	v60 =	vtrunc.f32 v9;
	v11 =	vtrunc.f32 v7  }
0x4f8: {  	v12 =	vcvt.f32.s32 v60;
	v4 =	vsub.f32 v5, v4;
	v5 =	vcvt.f32.s32 v11;
	v11 =	vld [tilespmem:s5+$0x0]  }
0x4f9: {  	v3 =	vsub.f32 v10, v3;
	v10 =	vld [tilespmem:s5+$0xFFFFFF80]  }
0x4fa: {  	v12 =	vshll.u32 v12, $0x4;
	v4 =	vmul.f32 v4, v4;
	[tilespmem:v6+s26+$0x0] =	vst.idx.add.f32.msk $0xffff, v2  }
0x4fb: {  	v12 =	vor.u32 v1, v12;
	v5 =	vshll.u32 v5, $0x4;
	v3 =	vmul.f32 v3, v3;
	[tilespmem:v8+s26+$0x0] =	vst.idx.add.f32.msk $0xffff, v2  }
0x4fc: {  	v5 =	vor.u32 v1, v5;
	[tilespmem:v8+s28+$0x0] =	vst.idx.add.f32.msk $0xffff, v4  }
0x4fd: {  	[tilespmem:v6+s28+$0x0] =	vst.idx.add.f32.msk $0xffff, v3  }
0x4fe: {  	v7 =	vsub.f32 v11, v7;
	v4 =	vld [tilespmem:s4+$0x30]  }
0x4ff: {  	v3 =	vsub.f32 v10, v9;
	v6 =	vld [tilespmem:s4+$0xFFFFFFB0]  }
0x500: {  	[tilespmem:v12+s26+$0x0] =	vst.idx.add.f32.msk $0xffff, v2;
	v7 =	vmul.f32 v7, v7  }
0x501: {  	[tilespmem:v5+s26+$0x0] =	vst.idx.add.f32.msk $0xffff, v2;
	v3 =	vmul.f32 v3, v3  }
0x502: {  	[tilespmem:v5+s28+$0x0] =	vst.idx.add.f32.msk $0xffff, v7  }
0x503: {  	[tilespmem:v12+s28+$0x0] =	vst.idx.add.f32.msk $0xffff, v3;
	v8 =	vtrunc.f32 v4  }
0x504: {  	v3 =	vld [tilespmem:s3+$0xFFFFFFB0];
	v9 =	vtrunc.f32 v6;
	v5 =	vcvt.f32.s32 v8  }
0x505: {  	v7 =	vcvt.f32.s32 v9;
	v8 =	vld [tilespmem:s6+$0x10]  }
0x506: {  	v9 =	vld [tilespmem:s6+$0xFFFFFF90];
	v5 =	vshll.u32 v5, $0x4  }
0x507: {  	v7 =	vshll.u32 v7, $0x4;
	v5 =	vor.u32 v1, v5  }
0x508: {  	v10 =	vld [tilespmem:s3+$0x30];
	v7 =	vor.u32 v1, v7;
	_ =	sdelay $0x1  }
0x509: {  	v61 =	vld [tilespmem:s5+$0x10];
	v3 =	vsub.f32 v3, v6;
	v6 =	vtrunc.f32 v8  }
0x50a: {  	v11 =	vld [tilespmem:s5+$0xFFFFFF90];
	v62 =	vtrunc.f32 v9;
	v6 =	vcvt.f32.s32 v6  }
0x50b: {  	v3 =	vmul.f32 v3, v3;
	v13 =	vcvt.f32.s32 v62;
	[tilespmem:v5+s26+$0x0] =	vst.idx.add.f32.msk $0xffff, v2  }
0x50c: {  	v4 =	vsub.f32 v10, v4;
	v6 =	vshll.u32 v6, $0x4;
	[tilespmem:v7+s26+$0x0] =	vst.idx.add.f32.msk $0xffff, v2  }
0x50d: {  	v10 =	vshll.u32 v13, $0x4;
	v6 =	vor.u32 v1, v6;
	[tilespmem:v7+s28+$0x0] =	vst.idx.add.f32.msk $0xffff, v3  }
0x50e: {  	v7 =	vor.u32 v1, v10;
	v3 =	vmul.f32 v4, v4;
	v10 =	vld [tilespmem:s4+$0xFFFFFFC0]  }
0x50f: {  	v63 =	vld [tilespmem:s3+$0xFFFFFFC0]  }
0x510: {  	v4 =	vsub.f32 v61, v8;
	[tilespmem:v5+s28+$0x0] =	vst.idx.add.f32.msk $0xffff, v3  }
0x511: {  	v3 =	vld [tilespmem:s4+$0x40]  }
0x512: {  	v5 =	vsub.f32 v11, v9;
	v4 =	vmul.f32 v4, v4;
	[tilespmem:v6+s26+$0x0] =	vst.idx.add.f32.msk $0xffff, v2  }
0x513: {  	[tilespmem:v7+s26+$0x0] =	vst.idx.add.f32.msk $0xffff, v2;
	v8 =	vtrunc.f32 v10  }
0x514: {  	v5 =	vmul.f32 v5, v5;
	[tilespmem:v6+s28+$0x0] =	vst.idx.add.f32.msk $0xffff, v4;
	v6 =	vcvt.f32.s32 v8  }
0x515: {  	v4 =	vld [tilespmem:s3+$0x40]  }
0x516: {  	[tilespmem:v7+s28+$0x0] =	vst.idx.add.f32.msk $0xffff, v5;
	v8 =	vtrunc.f32 v3;
	v5 =	vshll.u32 v6, $0x4  }
0x517: {  	v7 =	vld [tilespmem:s6+$0x20];
	v8 =	vcvt.f32.s32 v8;
	v5 =	vor.u32 v1, v5  }
0x518: {  	s7 =	simm.s32 $0x2;
	s8 =	simm.s32 $0x280;
	s9 =	simm.s32 $0x6280;
	v9 =	vld [tilespmem:s6+$0xFFFFFFA0];
	v6 =	vsub.f32 v63, v10  }
.LBB2_16:
0x519: {  	s7 =	sadd.s32 $0x2, s7;
	v10 =	vld [tilespmem:s5+$0xFFFFFFA0];
	v8 =	vshll.u32 v8, $0x4  }
0x51a: {  	p0 =	slt.u32 s7, $0x5E;
	v11 =	vld [tilespmem:s5+$0x20];
	v3 =	vsub.f32 v4, v3;
	v4 =	vor.u32 v1, v8  }
0x51b: {  	v6 =	vmul.f32 v6, v6;
	v8 =	vld [tilespmem:s9+$0x0]  }
0x51c: {  	v12 =	vtrunc.f32 v7;
	[tilespmem:v5+s26+$0x0] =	vst.idx.add.f32.msk $0xffff, v2  }
0x51d: {  	v13 =	vtrunc.f32 v9;
	v12 =	vcvt.f32.s32 v12;
	[tilespmem:v5+s28+$0x0] =	vst.idx.add.f32.msk $0xffff, v6  }
0x51e: {  	v3 =	vmul.f32 v3, v3;
	v5 =	vld [tilespmem:s9+$0xFFFFFF80];
	v6 =	vcvt.f32.s32 v13;
	v9 =	vsub.f32 v10, v9  }
0x51f: {  	v10 =	vshll.u32 v12, $0x4;
	v7 =	vsub.f32 v11, v7;
	[tilespmem:v4+s26+$0x0] =	vst.idx.add.f32.msk $0xffff, v2  }
0x520: {  	v11 =	vtrunc.f32 v8;
	v6 =	vshll.u32 v6, $0x4;
	v10 =	vor.u32 v1, v10;
	[tilespmem:v4+s28+$0x0] =	vst.idx.add.f32.msk $0xffff, v3  }
0x521: {  	v3 =	vcvt.f32.s32 v11;
	v4 =	vor.u32 v1, v6;
	v6 =	vld [tilespmem:s4+$0x44]  }
0x522: {  	v11 =	vld [tilespmem:s8+$0x0]  }
0x523: {  	v12 =	vld [tilespmem:s8+$0xFFFFFF80];
	v13 =	vtrunc.f32 v5;
	v3 =	vshll.u32 v3, $0x4  }
0x524: {  	v13 =	vcvt.f32.s32 v13;
	v14 =	vld [tilespmem:s3+$0x44]  }
0x525: {  	v9 =	vmul.f32 v9, v9;
	v3 =	vor.u32 v1, v3;
	[tilespmem:v10+s26+$0x0] =	vst.idx.add.f32.msk $0xffff, v2  }
0x526: {  	v13 =	vshll.u32 v13, $0x4;
	[tilespmem:v4+s26+$0x0] =	vst.idx.add.f32.msk $0xffff, v2;
	v15 =	vtrunc.f32 v6  }
0x527: {  	v13 =	vor.u32 v1, v13;
	v8 =	vsub.f32 v11, v8;
	[tilespmem:v4+s28+$0x0] =	vst.idx.add.f32.msk $0xffff, v9;
	v4 =	vcvt.f32.s32 v15  }
0x528: {  	v5 =	vsub.f32 v12, v5;
	v9 =	vld [tilespmem:s4+$0xFFFFFFC4];
	s4 =	smov.u32 s6;
	s6 =	smov.u32 s9  }
0x529: {  	v7 =	vmul.f32 v7, v7;
	v8 =	vmul.f32 v8, v8;
	v11 =	vld [tilespmem:s3+$0xFFFFFFC4];
	v4 =	vshll.u32 v4, $0x4;
	s3 =	smov.u32 s5;
	s5 =	smov.u32 s8  }
0x52a: {  	v6 =	vsub.f32 v14, v6;
	[tilespmem:v3+s26+$0x0] =	vst.idx.add.f32.msk $0xffff, v2  }
0x52b: {  	[tilespmem:v10+s28+$0x0] =	vst.idx.add.f32.msk $0xffff, v7  }
0x52c: {  	v5 =	vmul.f32 v5, v5;
	v7 =	vld [tilespmem:s4+$0xFFFFFFB0]  }
0x52d: {  	v10 =	vld [tilespmem:s4+$0x30];
	v12 =	vtrunc.f32 v9  }
0x52e: {  	[tilespmem:v13+s26+$0x0] =	vst.idx.add.f32.msk $0xffff, v2;
	v12 =	vcvt.f32.s32 v12;
	v9 =	vsub.f32 v11, v9  }
0x52f: {  	[tilespmem:v13+s28+$0x0] =	vst.idx.add.f32.msk $0xffff, v5  }
0x530: {  	v5 =	vld [tilespmem:s8+$0xFFFFFF90];
	v11 =	vshll.u32 v12, $0x4  }
0x531: {  	v12 =	vld [tilespmem:s3+$0xFFFFFFB0];
	v13 =	vtrunc.f32 v7  }
0x532: {  	v11 =	vor.u32 v1, v11;
	[tilespmem:v3+s28+$0x0] =	vst.idx.add.f32.msk $0xffff, v8;
	v3 =	vcvt.f32.s32 v13;
	v8 =	vtrunc.f32 v10  }
0x533: {  	v13 =	vld [tilespmem:s9+$0x10];
	v8 =	vcvt.f32.s32 v8  }
0x534: {  	v4 =	vor.u32 v1, v4;
	v14 =	vld [tilespmem:s9+$0xFFFFFF90];
	v3 =	vshll.u32 v3, $0x4  }
0x535: {  	v15 =	vld [tilespmem:s3+$0x30];
	v8 =	vshll.u32 v8, $0x4  }
0x536: {  	v9 =	vmul.f32 v9, v9;
	v16 =	vld [tilespmem:s8+$0x10];
	v7 =	vsub.f32 v12, v7;
	v8 =	vor.u32 v1, v8  }
0x537: {  	v3 =	vor.u32 v1, v3;
	[tilespmem:v11+s26+$0x0] =	vst.idx.add.f32.msk vm0, v2  }
0x538: {  	v6 =	vmul.f32 v6, v6;
	[tilespmem:v11+s28+$0x0] =	vst.idx.add.f32.msk vm0, v9  }
0x539: {  	v11 =	vtrunc.f32 v13;
	v9 =	vtrunc.f32 v14;
	v5 =	vsub.f32 v5, v14;
	[tilespmem:v4+s26+$0x0] =	vst.idx.add.f32.msk vm0, v2  }
0x53a: {  	v11 =	vcvt.f32.s32 v11;
	v9 =	vcvt.f32.s32 v9;
	v10 =	vsub.f32 v15, v10;
	[tilespmem:v4+s28+$0x0] =	vst.idx.add.f32.msk vm0, v6  }
0x53b: {  	v6 =	vmul.f32 v7, v7;
	v4 =	vsub.f32 v16, v13;
	[tilespmem:v8+s26+$0x0] =	vst.idx.add.f32.msk $0xffff, v2  }
0x53c: {  	v7 =	vshll.u32 v9, $0x4;
	v9 =	vshll.u32 v11, $0x4;
	[tilespmem:v3+s26+$0x0] =	vst.idx.add.f32.msk $0xffff, v2  }
0x53d: {  	v7 =	vor.u32 v1, v7;
	v9 =	vor.u32 v1, v9;
	[tilespmem:v3+s28+$0x0] =	vst.idx.add.f32.msk $0xffff, v6  }
0x53e: {  	v3 =	vmul.f32 v10, v10;
	v6 =	vld [tilespmem:s4+$0xFFFFFFC0]  }
0x53f: {  	v10 =	vld [tilespmem:s3+$0xFFFFFFC0]  }
0x540: {  	[tilespmem:v8+s28+$0x0] =	vst.idx.add.f32.msk $0xffff, v3  }
0x541: {  	v3 =	vld [tilespmem:s4+$0x40]  }
0x542: {  	v4 =	vmul.f32 v4, v4;
	[tilespmem:v9+s26+$0x0] =	vst.idx.add.f32.msk $0xffff, v2  }
0x543: {  	v5 =	vmul.f32 v5, v5;
	[tilespmem:v7+s26+$0x0] =	vst.idx.add.f32.msk $0xffff, v2;
	v8 =	vtrunc.f32 v6  }
.Ltmp7:
0x544: {  	[tilespmem:v9+s28+$0x0] =	vst.idx.add.f32.msk $0xffff, v4;
	v8 =	vcvt.f32.s32 v8;
	v6 =	vsub.f32 v10, v6;
	(pc) =	sbr.rel @p0 .LBB2_16-.Ltmp7, $4  }
0x545: {  	v4 =	vld [tilespmem:s3+$0x40]  }
0x546: {  	[tilespmem:v7+s28+$0x0] =	vst.idx.add.f32.msk $0xffff, v5;
	v5 =	vshll.u32 v8, $0x4;
	v8 =	vtrunc.f32 v3  }
0x547: {  	v7 =	vld [tilespmem:s9+$0x20];
	v5 =	vor.u32 v1, v5;
	v8 =	vcvt.f32.s32 v8  }
0x548: {  	s8 =	sadd.s32 $0x100, s8;
	s9 =	sadd.s32 $0x100, s9;
	v9 =	vld [tilespmem:s6+$0xFFFFFFA0]  }
0x549: {  	_ =	sdelay $0x2  }
0x54a: {  	v10 =	vtrunc.f32 v7  }
0x54b: {  	v11 =	vtrunc.f32 v9;
	v10 =	vcvt.f32.s32 v10  }
0x54c: {  	v13 =	vld [tilespmem:s5+$0x20];
	v11 =	vcvt.f32.s32 v11  }
0x54d: {  	v12 =	vld [tilespmem:s5+$0xFFFFFFA0];
	v10 =	vshll.u32 v10, $0x4  }
0x54e: {  	v11 =	vshll.u32 v11, $0x4;
	v10 =	vor.u32 v1, v10  }
0x54f: {  	v11 =	vor.u32 v1, v11;
	_ =	sdelay $0x1  }
0x550: {  	v7 =	vsub.f32 v13, v7  }
0x551: {  	v9 =	vsub.f32 v12, v9  }
0x552: {  	v7 =	vmul.f32 v7, v7;
	[tilespmem:v10+s26+$0x0] =	vst.idx.add.f32.msk $0xffff, v2  }
0x553: {  	v9 =	vmul.f32 v9, v9;
	[tilespmem:v11+s26+$0x0] =	vst.idx.add.f32.msk $0xffff, v2  }
0x554: {  	[tilespmem:v10+s28+$0x0] =	vst.idx.add.f32.msk $0xffff, v7  }
0x555: {  	[tilespmem:v11+s28+$0x0] =	vst.idx.add.f32.msk $0xffff, v9  }
0x556: {  	v7 =	vld [tilespmem:s6+$0x30]  }
0x557: {  	v9 =	vld [tilespmem:s6+$0xFFFFFFB0];
	_ =	sdelay $0x3  }
0x558: {  	v10 =	vtrunc.f32 v7  }
0x559: {  	v11 =	vtrunc.f32 v9;
	v10 =	vcvt.f32.s32 v10  }
0x55a: {  	v51 =	vld [tilespmem:s5+$0x30];
	v11 =	vcvt.f32.s32 v11  }
0x55b: {  	v50 =	vld [tilespmem:s5+$0xFFFFFFB0];
	v10 =	vshll.u32 v10, $0x4  }
0x55c: {  	v11 =	vshll.u32 v11, $0x4;
	v10 =	vor.u32 v1, v10  }
0x55d: {  	v11 =	vor.u32 v1, v11;
	_ =	sdelay $0x1  }
0x55e: {  	v7 =	vsub.f32 v51, v7  }
0x55f: {  	v9 =	vsub.f32 v50, v9  }
0x560: {  	v7 =	vmul.f32 v7, v7;
	[tilespmem:v10+s26+$0x0] =	vst.idx.add.f32.msk $0xffff, v2  }
0x561: {  	v9 =	vmul.f32 v9, v9;
	[tilespmem:v11+s26+$0x0] =	vst.idx.add.f32.msk $0xffff, v2  }
0x562: {  	[tilespmem:v10+s28+$0x0] =	vst.idx.add.f32.msk $0xffff, v7  }
0x563: {  	[tilespmem:v11+s28+$0x0] =	vst.idx.add.f32.msk $0xffff, v9  }
0x564: {  	v7 =	vshll.u32 v8, $0x4;
	v8 =	vld [tilespmem:s6+$0x40]  }
0x565: {  	v9 =	vld [tilespmem:s6+$0xFFFFFFC0]  }
0x566: {  	v7 =	vor.u32 v1, v7  }
0x567: {  	v6 =	vmul.f32 v6, v6;
	v3 =	vsub.f32 v4, v3  }
0x568: {  	[tilespmem:v5+s26+$0x0] =	vst.idx.add.f32.msk $0xffff, v2  }
0x569: {  	[tilespmem:v5+s28+$0x0] =	vst.idx.add.f32.msk $0xffff, v6;
	v3 =	vmul.f32 v3, v3;
	v5 =	vtrunc.f32 v8  }
0x56a: {  	v4 =	vld [tilespmem:s5+$0xFFFFFFC0];
	v10 =	vtrunc.f32 v9;
	v5 =	vcvt.f32.s32 v5  }
0x56b: {  	[tilespmem:v7+s26+$0x0] =	vst.idx.add.f32.msk $0xffff, v2;
	v10 =	vcvt.f32.s32 v10  }
0x56c: {  	[tilespmem:v7+s28+$0x0] =	vst.idx.add.f32.msk $0xffff, v3;
	v3 =	vshll.u32 v5, $0x4  }
0x56d: {  	v6 =	vshll.u32 v10, $0x4;
	v10 =	vld [tilespmem:s5+$0x40];
	v3 =	vor.u32 v1, v3  }
0x56e: {  	v6 =	vor.u32 v1, v6  }
0x56f: {  	v7 =	vld [tilespmem:s4+$0xFFFFFFC4]  }
0x570: {  	v4 =	vsub.f32 v4, v9;
	v9 =	vld [tilespmem:s3+$0xFFFFFFC4]  }
0x571: {  	v5 =	vld [tilespmem:s4+$0x44]  }
0x572: {  	v4 =	vmul.f32 v4, v4;
	v8 =	vsub.f32 v10, v8;
	[tilespmem:v3+s26+$0x0] =	vst.idx.add.f32.msk $0xffff, v2  }
0x573: {  	[tilespmem:v6+s26+$0x0] =	vst.idx.add.f32.msk $0xffff, v2  }
0x574: {  	[tilespmem:v6+s28+$0x0] =	vst.idx.add.f32.msk $0xffff, v4;
	v4 =	vmul.f32 v8, v8  }
0x575: {  	v6 =	vtrunc.f32 v7;
	v8 =	vld [tilespmem:s6+$0xFFFFFFC4]  }
0x576: {  	v6 =	vcvt.f32.s32 v6;
	[tilespmem:v3+s28+$0x0] =	vst.idx.add.f32.msk $0xffff, v4  }
0x577: {  	v3 =	vld [tilespmem:s6+$0x44]  }
0x578: {  	v4 =	vtrunc.f32 v5;
	v6 =	vshll.u32 v6, $0x4  }
0x579: {  	v10 =	vld [tilespmem:s3+$0x44];
	v4 =	vcvt.f32.s32 v4;
	v6 =	vor.u32 v1, v6  }
0x57a: {  	v11 =	vtrunc.f32 v8  }
0x57b: {  	v7 =	vsub.f32 v9, v7;
	v9 =	vld [tilespmem:s5+$0xFFFFFFC4];
	v4 =	vshll.u32 v4, $0x4;
	v11 =	vcvt.f32.s32 v11  }
0x57c: {  	v4 =	vor.u32 v1, v4;
	v52 =	vtrunc.f32 v3  }
0x57d: {  	v7 =	vmul.f32 v7, v7;
	v53 =	vld [tilespmem:s5+$0x44];
	v12 =	vcvt.f32.s32 v52;
	v11 =	vshll.u32 v11, $0x4  }
0x57e: {  	v5 =	vsub.f32 v10, v5;
	[tilespmem:v6+s26+$0x0] =	vst.idx.add.f32.msk vm0, v2;
	v10 =	vor.u32 v1, v11  }
0x57f: {  	[tilespmem:v6+s28+$0x0] =	vst.idx.add.f32.msk vm0, v7;
	v6 =	vshll.u32 v12, $0x4  }
0x580: {  	v5 =	vmul.f32 v5, v5;
	v7 =	vsub.f32 v9, v8;
	v6 =	vor.u32 v1, v6  }
0x581: {  	[tilespmem:v4+s26+$0x0] =	vst.idx.add.f32.msk vm0, v2  }
0x582: {  	v3 =	vsub.f32 v53, v3;
	[tilespmem:v4+s28+$0x0] =	vst.idx.add.f32.msk vm0, v5;
	v4 =	vmul.f32 v7, v7  }
0x583: {  	[tilespmem:v10+s26+$0x0] =	vst.idx.add.f32.msk vm0, v2  }
0x584: {  	v3 =	vmul.f32 v3, v3;
	[tilespmem:v10+s28+$0x0] =	vst.idx.add.f32.msk vm0, v4  }
0x585: {  	[tilespmem:v6+s26+$0x0] =	vst.idx.add.f32.msk vm0, v2  }
0x586: {  	[tilespmem:v6+s28+$0x0] =	vst.idx.add.f32.msk vm0, v3  }
0x587: {  	_ =	swait.ge [sflag:s29], $0x3000  }
0x588: {  	[sflag:s29] =	ssyncset.done $0x0  }
0x589: {  	[sflag:s29] =	ssyncadd.s32 $0xFFFFD000  }
0x58a: {  	_ =	swait.ge [sflag:s29], $0x3000  }
0x58b: {  	[sflag:s29] =	ssyncset.done $0x0  }
0x58c: {  	s4 =	simm.s32 $0x90C4;
	[sflag:s29] =	ssyncadd.s32 $0xFFFFD000  }
0x58d: {  	v3 =	vld [tilespmem:s4+$0xFFFFFFBC];
	_ =	sdelay $0x4  }
0x58e: {  	s5 =	simm.s32 $0x30C4;
	v4 =	vtrunc.f32 v3  }
0x58f: {  	v5 =	vld [tilespmem:s5+$0xFFFFFFBC];
	v4 =	vcvt.f32.s32 v4;
	_ =	sdelay $0x1  }
0x590: {  	v4 =	vshll.u32 v4, $0x4  }
0x591: {  	v4 =	vor.u32 v1, v4;
	_ =	sdelay $0x1  }
0x592: {  	v3 =	vsub.f32 v5, v3;
	_ =	sdelay $0x1  }
0x593: {  	v3 =	vmul.f32 v3, v3  }
0x594: {  	[tilespmem:v4+s26+$0x0] =	vst.idx.add.f32.msk $0xffff, v2  }
0x595: {  	[tilespmem:v4+s28+$0x0] =	vst.idx.add.f32.msk $0xffff, v3  }
0x596: {  	v3 =	vld [tilespmem:s4+$0xFFFFFFCC];
	_ =	sdelay $0x4  }
0x597: {  	v4 =	vtrunc.f32 v3  }
0x598: {  	v5 =	vld [tilespmem:s5+$0xFFFFFFCC];
	v4 =	vcvt.f32.s32 v4;
	_ =	sdelay $0x1  }
0x599: {  	v4 =	vshll.u32 v4, $0x4  }
0x59a: {  	v4 =	vor.u32 v1, v4;
	_ =	sdelay $0x1  }
0x59b: {  	v3 =	vsub.f32 v5, v3  }
0x59c: {  	v6 =	vld [tilespmem:s4+$0xFFFFFF3C]  }
0x59d: {  	v3 =	vmul.f32 v3, v3  }
0x59e: {  	[tilespmem:v4+s26+$0x0] =	vst.idx.add.f32.msk $0xffff, v2  }
0x59f: {  	[tilespmem:v4+s28+$0x0] =	vst.idx.add.f32.msk $0xffff, v3  }
0x5a0: {  	v4 =	vld [tilespmem:s4+$0xFFFFFFDC]  }
0x5a1: {  	v5 =	vld [tilespmem:s5+$0xFFFFFF3C];
	v3 =	vtrunc.f32 v6  }
0x5a2: {  	v3 =	vcvt.f32.s32 v3;
	_ =	sdelay $0x1  }
0x5a3: {  	v7 =	vld [tilespmem:s5+$0xFFFFFFDC];
	v3 =	vshll.u32 v3, $0x4  }
0x5a4: {  	s6 =	simm.s32 $0x91C4;
	v3 =	vor.u32 v1, v3;
	v8 =	vtrunc.f32 v4  }
0x5a5: {  	v5 =	vsub.f32 v5, v6;
	v6 =	vcvt.f32.s32 v8;
	v8 =	vld [tilespmem:s6+$0xFFFFFFBC];
	_ =	sdelay $0x1  }
0x5a6: {  	s7 =	simm.s32 $0x31C4;
	v6 =	vshll.u32 v6, $0x4  }
0x5a7: {  	v5 =	vmul.f32 v5, v5;
	v4 =	vsub.f32 v7, v4;
	v7 =	vld [tilespmem:s7+$0xFFFFFFBC];
	v6 =	vor.u32 v1, v6  }
0x5a8: {  	[tilespmem:v3+s26+$0x0] =	vst.idx.add.f32.msk $0xffff, v2  }
0x5a9: {  	[tilespmem:v3+s28+$0x0] =	vst.idx.add.f32.msk $0xffff, v5;
	v5 =	vtrunc.f32 v8  }
0x5aa: {  	v3 =	vld [tilespmem:s4+$0xFFFFFF4C];
	v5 =	vcvt.f32.s32 v5  }
0x5ab: {  	v4 =	vmul.f32 v4, v4  }
0x5ac: {  	[tilespmem:v6+s26+$0x0] =	vst.idx.add.f32.msk $0xffff, v2;
	v5 =	vshll.u32 v5, $0x4  }
0x5ad: {  	[tilespmem:v6+s28+$0x0] =	vst.idx.add.f32.msk $0xffff, v4;
	v4 =	vor.u32 v1, v5  }
0x5ae: {  	v6 =	vld [tilespmem:s4+$0xFFFFFFEC]  }
0x5af: {  	v7 =	vsub.f32 v7, v8;
	v5 =	vtrunc.f32 v3  }
0x5b0: {  	v9 =	vld [tilespmem:s5+$0xFFFFFF4C];
	v5 =	vcvt.f32.s32 v5  }
0x5b1: {  	v7 =	vmul.f32 v7, v7;
	v10 =	vld [tilespmem:s5+$0xFFFFFFEC]  }
0x5b2: {  	v5 =	vshll.u32 v5, $0x4;
	[tilespmem:v4+s26+$0x0] =	vst.idx.add.f32.msk $0xffff, v2  }
0x5b3: {  	v5 =	vor.u32 v1, v5;
	v11 =	vtrunc.f32 v6;
	[tilespmem:v4+s28+$0x0] =	vst.idx.add.f32.msk $0xffff, v7  }
0x5b4: {  	v4 =	vcvt.f32.s32 v11;
	v7 =	vld [tilespmem:s6+$0xFFFFFFCC]  }
0x5b5: {  	v8 =	vld [tilespmem:s6+$0xFFFFFF3C];
	v3 =	vsub.f32 v9, v3  }
0x5b6: {  	v6 =	vsub.f32 v10, v6;
	v10 =	vld [tilespmem:s7+$0xFFFFFFCC];
	v4 =	vshll.u32 v4, $0x4  }
0x5b7: {  	v3 =	vmul.f32 v3, v3;
	v11 =	vld [tilespmem:s7+$0xFFFFFF3C];
	v4 =	vor.u32 v1, v4  }
0x5b8: {  	[tilespmem:v5+s26+$0x0] =	vst.idx.add.f32.msk $0xffff, v2  }
0x5b9: {  	[tilespmem:v5+s28+$0x0] =	vst.idx.add.f32.msk $0xffff, v3;
	v9 =	vtrunc.f32 v7  }
0x5ba: {  	v5 =	vld [tilespmem:s4+$0xFFFFFF5C];
	v9 =	vcvt.f32.s32 v9  }
0x5bb: {  	v6 =	vmul.f32 v6, v6;
	v7 =	vsub.f32 v10, v7;
	v10 =	vld [tilespmem:s5+$0xFFFFFF5C]  }
0x5bc: {  	v3 =	vtrunc.f32 v8;
	[tilespmem:v4+s26+$0x0] =	vst.idx.add.f32.msk $0xffff, v2;
	v9 =	vshll.u32 v9, $0x4  }
0x5bd: {  	v3 =	vcvt.f32.s32 v3;
	[tilespmem:v4+s28+$0x0] =	vst.idx.add.f32.msk $0xffff, v6;
	v4 =	vor.u32 v1, v9;
	_ =	sdelay $0x1  }
0x5be: {  	v3 =	vshll.u32 v3, $0x4;
	v9 =	vtrunc.f32 v5  }
0x5bf: {  	v3 =	vor.u32 v1, v3;
	v6 =	vld [tilespmem:s4+$0xFFFFFFFC];
	v9 =	vcvt.f32.s32 v9  }
0x5c0: {  	v7 =	vmul.f32 v7, v7;
	v5 =	vsub.f32 v10, v5;
	v10 =	vld [tilespmem:s5+$0xFFFFFFFC]  }
0x5c1: {  	v8 =	vsub.f32 v11, v8;
	v9 =	vshll.u32 v9, $0x4;
	[tilespmem:v4+s26+$0x0] =	vst.idx.add.f32.msk $0xffff, v2  }
0x5c2: {  	v9 =	vor.u32 v1, v9;
	[tilespmem:v4+s28+$0x0] =	vst.idx.add.f32.msk $0xffff, v7  }
0x5c3: {  	v4 =	vmul.f32 v8, v8;
	v8 =	vld [tilespmem:s6+$0xFFFFFFDC]  }
0x5c4: {  	[tilespmem:v3+s26+$0x0] =	vst.idx.add.f32.msk $0xffff, v2;
	v11 =	vtrunc.f32 v6  }
0x5c5: {  	v7 =	vcvt.f32.s32 v11;
	[tilespmem:v3+s28+$0x0] =	vst.idx.add.f32.msk $0xffff, v4  }
0x5c6: {  	v4 =	vmul.f32 v5, v5;
	v5 =	vld [tilespmem:s6+$0xFFFFFF4C]  }
0x5c7: {  	v3 =	vshll.u32 v7, $0x4;
	[tilespmem:v9+s26+$0x0] =	vst.idx.add.f32.msk $0xffff, v2  }
0x5c8: {  	v3 =	vor.u32 v1, v3;
	[tilespmem:v9+s28+$0x0] =	vst.idx.add.f32.msk $0xffff, v4;
	v4 =	vtrunc.f32 v8  }
0x5c9: {  	s8 =	simm.s32 $0x92C4;
	v7 =	vld [tilespmem:s7+$0xFFFFFFDC];
	v4 =	vcvt.f32.s32 v4  }
0x5ca: {  	v54 =	vld [tilespmem:s8+$0xFFFFFFBC];
	v6 =	vsub.f32 v10, v6  }
0x5cb: {  	v11 =	vld [tilespmem:s7+$0xFFFFFF4C];
	v4 =	vshll.u32 v4, $0x4  }
0x5cc: {  	v6 =	vmul.f32 v6, v6;
	v9 =	vld [tilespmem:s4+$0xFFFFFF6C];
	v4 =	vor.u32 v1, v4  }
0x5cd: {  	v10 =	vtrunc.f32 v5;
	[tilespmem:v3+s26+$0x0] =	vst.idx.add.f32.msk $0xffff, v2  }
0x5ce: {  	s30 =	simm.s32 $0x32C4;
	v10 =	vcvt.f32.s32 v10;
	[tilespmem:v3+s28+$0x0] =	vst.idx.add.f32.msk $0xffff, v6;
	v3 =	vsub.f32 v7, v8  }
0x5cf: {  	v7 =	vld [tilespmem:s30+$0xFFFFFFBC]  }
0x5d0: {  	v8 =	vld [tilespmem:s8+$0xFFFFFF3C];
	v10 =	vshll.u32 v10, $0x4;
	v3 =	vmul.f32 v3, v3  }
0x5d1: {  	v6 =	vor.u32 v1, v10;
	[tilespmem:v4+s26+$0x0] =	vst.idx.add.f32.msk $0xffff, v2  }
0x5d2: {  	[tilespmem:v4+s28+$0x0] =	vst.idx.add.f32.msk $0xffff, v3;
	v3 =	vtrunc.f32 v54  }
0x5d3: {  	v5 =	vsub.f32 v11, v5;
	v14 =	vld [tilespmem:s4+$0x0];
	v3 =	vcvt.f32.s32 v3  }
0x5d4: {  	v15 =	vld [tilespmem:s5+$0x0]  }
0x5d5: {  	v4 =	vmul.f32 v5, v5;
	v5 =	vld [tilespmem:s6+$0xFFFFFFEC];
	v3 =	vshll.u32 v3, $0x4  }
0x5d6: {  	v56 =	vtrunc.f32 v9;
	[tilespmem:v6+s26+$0x0] =	vst.idx.add.f32.msk $0xffff, v2;
	v3 =	vor.u32 v1, v3  }
0x5d7: {  	v13 =	vcvt.f32.s32 v56;
	v11 =	vld [tilespmem:s7+$0xFFFFFFEC]  }
0x5d8: {  	v7 =	vsub.f32 v7, v54;
	[tilespmem:v6+s28+$0x0] =	vst.idx.add.f32.msk $0xffff, v4;
	v4 =	vtrunc.f32 v8  }
0x5d9: {  	v13 =	vshll.u32 v13, $0x4;
	v6 =	vld [tilespmem:s30+$0xFFFFFF3C];
	v4 =	vcvt.f32.s32 v4  }
0x5da: {  	v57 =	vor.u32 v1, v13;
	v7 =	vmul.f32 v7, v7;
	v10 =	vld [tilespmem:s6+$0xFFFFFF5C];
	v55 =	vtrunc.f32 v5  }
0x5db: {  	v4 =	vshll.u32 v4, $0x4;
	v12 =	vcvt.f32.s32 v55;
	[tilespmem:v3+s26+$0x0] =	vst.idx.add.f32.msk $0xffff, v2  }
0x5dc: {  	v4 =	vor.u32 v1, v4;
	[tilespmem:v3+s28+$0x0] =	vst.idx.add.f32.msk $0xffff, v7  }
0x5dd: {  	v12 =	vshll.u32 v12, $0x4;
	v7 =	vld [tilespmem:s5+$0xFFFFFF6C]  }
0x5de: {  	v58 =	vld [tilespmem:s7+$0xFFFFFF5C];
	v3 =	vor.u32 v1, v12  }
0x5df: {  	[tilespmem:v57+s26+$0x0] =	vst.idx.add.f32.msk $0xffff, v2  }
0x5e0: {  	v5 =	vsub.f32 v11, v5;
	v11 =	vld [tilespmem:s8+$0xFFFFFFCC]  }
0x5e1: {  	[tilespmem:v4+s26+$0x0] =	vst.idx.add.f32.msk $0xffff, v2  }
0x5e2: {  	v5 =	vmul.f32 v5, v5;
	v16 =	vtrunc.f32 v10;
	v59 =	vld [tilespmem:s30+$0xFFFFFFCC];
	v7 =	vsub.f32 v7, v9  }
0x5e3: {  	[tilespmem:v3+s26+$0x0] =	vst.idx.add.f32.msk $0xffff, v2;
	v9 =	vcvt.f32.s32 v16  }
0x5e4: {  	[tilespmem:v3+s28+$0x0] =	vst.idx.add.f32.msk $0xffff, v5;
	v5 =	vmul.f32 v7, v7  }
0x5e5: {  	v3 =	vld [tilespmem:s6+$0xFFFFFFFC];
	v7 =	vshll.u32 v9, $0x4;
	v9 =	vtrunc.f32 v11  }
0x5e6: {  	v6 =	vsub.f32 v6, v8;
	v8 =	vor.u32 v1, v7;
	v7 =	vcvt.f32.s32 v9;
	[tilespmem:v57+s28+$0x0] =	vst.idx.add.f32.msk $0xffff, v5  }
0x5e7: {  	v9 =	vld [tilespmem:s5+$0xFFFFFF7C]  }
0x5e8: {  	v5 =	vmul.f32 v6, v6;
	v6 =	vshll.u32 v7, $0x4;
	v12 =	vld [tilespmem:s4+$0xFFFFFF7C]  }
0x5e9: {  	v7 =	vsub.f32 v58, v10;
	v10 =	vld [tilespmem:s7+$0xFFFFFFFC];
	v6 =	vor.u32 v1, v6  }
0x5ea: {  	[tilespmem:v4+s28+$0x0] =	vst.idx.add.f32.msk $0xffff, v5;
	v60 =	vtrunc.f32 v3  }
0x5eb: {  	v5 =	vmul.f32 v7, v7;
	v7 =	vld [tilespmem:s8+$0xFFFFFF4C];
	v4 =	vcvt.f32.s32 v60  }
0x5ec: {  	v11 =	vsub.f32 v59, v11;
	[tilespmem:v8+s26+$0x0] =	vst.idx.add.f32.msk $0xffff, v2  }
0x5ed: {  	[tilespmem:v8+s28+$0x0] =	vst.idx.add.f32.msk $0xffff, v5;
	v4 =	vshll.u32 v4, $0x4;
	v5 =	vtrunc.f32 v12  }
0x5ee: {  	v8 =	vmul.f32 v11, v11;
	[tilespmem:v6+s26+$0x0] =	vst.idx.add.f32.msk $0xffff, v2;
	v11 =	vor.u32 v1, v4;
	v4 =	vcvt.f32.s32 v5  }
0x5ef: {  	v5 =	vld [tilespmem:s6+$0xFFFFFF6C]  }
0x5f0: {  	[tilespmem:v6+s28+$0x0] =	vst.idx.add.f32.msk $0xffff, v8;
	v4 =	vshll.u32 v4, $0x4  }
0x5f1: {  	v3 =	vsub.f32 v10, v3;
	v6 =	vtrunc.f32 v14;
	v61 =	vld [tilespmem:s8+$0xFFFFFFDC];
	v62 =	vor.u32 v1, v4  }
0x5f2: {  	v8 =	vsub.f32 v9, v12;
	v17 =	vld [tilespmem:s30+$0xFFFFFFDC];
	v4 =	vcvt.f32.s32 v6;
	v6 =	vtrunc.f32 v7  }
0x5f3: {  	v10 =	vld [tilespmem:s30+$0xFFFFFF4C];
	v3 =	vmul.f32 v3, v3;
	v6 =	vcvt.f32.s32 v6  }
0x5f4: {  	v18 =	vmul.f32 v8, v8;
	[tilespmem:v11+s26+$0x0] =	vst.idx.add.f32.msk $0xffff, v2;
	v9 =	vtrunc.f32 v5  }
0x5f5: {  	v4 =	vshll.u32 v4, $0x4;
	v6 =	vshll.u32 v6, $0x4;
	v63 =	vcvt.f32.s32 v9;
	[tilespmem:v11+s28+$0x0] =	vst.idx.add.f32.msk $0xffff, v3  }
0x5f6: {  	s9 =	simm.s32 $0x4;
	v3 =	vsub.f32 v15, v14;
	v8 =	vor.u32 v1, v6;
	v6 =	vtrunc.f32 v61;
	[tilespmem:v62+s26+$0x0] =	vst.idx.add.f32.msk $0xffff, v2  }
0x5f7: {  	s10 =	simm.s32 $0x93C4;
	s31 =	simm.s32 $0x32C4;
	s3 =	simm.s32 $0x0;
	v9 =	vsub.f32 v17, v61;
	v11 =	vcvt.f32.s32 v6;
	v6 =	vshll.u32 v63, $0x4;
	[tilespmem:v62+s28+$0x0] =	vst.idx.add.f32.msk $0xffff, v18  }
.LBB2_18:
0x5f8: {  	s9 =	sadd.s32 $0x2, s9;
	s30 =	sadd.s32 $0x100, s30;
	v12 =	vld [tilespmem:s5+$0xFFFFFF80]  }
0x5f9: {  	s5 =	smov.u32 s7;
	s7 =	smov.u32 s31;
	p0 =	slt.u32 s9, $0x5E;
	v7 =	vsub.f32 v10, v7;
	v10 =	vshll.u32 v11, $0x4;
	v11 =	vld [tilespmem:s4+$0xFFFFFF80]  }
0x5fa: {  	s31 =	smov.u32 s30;
	s4 =	smov.u32 s6;
	s6 =	smov.u32 s8;
	v13 =	vld [tilespmem:s30+$0xFFFFFFBC];
	v10 =	vor.u32 v1, v10  }
0x5fb: {  	s8 =	smov.u32 s10;
	v14 =	vld [tilespmem:s10+$0xFFFFFF3C];
	v7 =	vmul.f32 v7, v7  }
0x5fc: {  	[tilespmem:v8+s26+$0x0] =	vst.idx.add.f32.msk $0xffff, v2  }
0x5fd: {  	v15 =	vld [tilespmem:s10+$0xFFFFFFBC]  }
0x5fe: {  	[tilespmem:v8+s28+$0x0] =	vst.idx.add.f32.msk $0xffff, v7;
	v7 =	vtrunc.f32 v11;
	v8 =	vsub.f32 v12, v11  }
0x5ff: {  	v9 =	vmul.f32 v9, v9;
	[tilespmem:v10+s26+$0x0] =	vst.idx.add.f32.msk $0xffff, v2;
	v7 =	vcvt.f32.s32 v7  }
0x600: {  	v11 =	vld [tilespmem:s30+$0xFFFFFF3C]  }
0x601: {  	v4 =	vor.u32 v1, v4;
	[tilespmem:v10+s28+$0x0] =	vst.idx.add.f32.msk $0xffff, v9;
	v7 =	vshll.u32 v7, $0x4  }
0x602: {  	v9 =	vtrunc.f32 v15;
	v10 =	vsub.f32 v13, v15;
	v12 =	vld [tilespmem:s6+$0xFFFFFF5C];
	v7 =	vor.u32 v1, v7  }
0x603: {  	v9 =	vcvt.f32.s32 v9;
	v13 =	vld [tilespmem:s6+$0xFFFFFFEC]  }
0x604: {  	v3 =	vmul.f32 v3, v3;
	v15 =	vld [tilespmem:s7+$0xFFFFFFEC]  }
0x605: {  	v16 =	vtrunc.f32 v14;
	v11 =	vsub.f32 v11, v14;
	v9 =	vshll.u32 v9, $0x4;
	v14 =	vld [tilespmem:s4+$0x0]  }
0x606: {  	v8 =	vmul.f32 v8, v8;
	v16 =	vcvt.f32.s32 v16;
	v9 =	vor.u32 v1, v9;
	[tilespmem:v4+s26+$0x0] =	vst.idx.add.f32.msk vm0, v2  }
0x607: {  	v17 =	vtrunc.f32 v12;
	[tilespmem:v4+s28+$0x0] =	vst.idx.add.f32.msk vm0, v3  }
0x608: {  	v3 =	vshll.u32 v16, $0x4;
	v4 =	vcvt.f32.s32 v17;
	v16 =	vtrunc.f32 v13;
	[tilespmem:v7+s26+$0x0] =	vst.idx.add.f32.msk vm0, v2  }
0x609: {  	v17 =	vor.u32 v1, v3;
	v3 =	vcvt.f32.s32 v16;
	v13 =	vsub.f32 v15, v13;
	[tilespmem:v7+s28+$0x0] =	vst.idx.add.f32.msk vm0, v8  }
0x60a: {  	v7 =	vmul.f32 v10, v10;
	v8 =	vld [tilespmem:s5+$0x0];
	v10 =	vtrunc.f32 v14  }
0x60b: {  	[tilespmem:v9+s26+$0x0] =	vst.idx.add.f32.msk $0xffff, v2;
	v3 =	vshll.u32 v3, $0x4;
	v10 =	vcvt.f32.s32 v10  }
0x60c: {  	v4 =	vshll.u32 v4, $0x4;
	[tilespmem:v9+s28+$0x0] =	vst.idx.add.f32.msk $0xffff, v7;
	v7 =	vor.u32 v1, v3  }
0x60d: {  	v6 =	vor.u32 v1, v6;
	v9 =	vor.u32 v1, v4;
	v15 =	vld [tilespmem:s5+$0xFFFFFF6C];
	v4 =	vshll.u32 v10, $0x4  }
0x60e: {  	[tilespmem:v17+s26+$0x0] =	vst.idx.add.f32.msk $0xffff, v2  }
0x60f: {  	v10 =	vmul.f32 v11, v11;
	v11 =	vld [tilespmem:s10+$0xFFFFFFCC];
	v3 =	vsub.f32 v8, v14  }
0x610: {  	v8 =	vld [tilespmem:s7+$0xFFFFFF5C]  }
0x611: {  	v13 =	vmul.f32 v13, v13;
	[tilespmem:v7+s26+$0x0] =	vst.idx.add.f32.msk $0xffff, v2  }
0x612: {  	v5 =	vsub.f32 v15, v5;
	[tilespmem:v6+s26+$0x0] =	vst.idx.add.f32.msk $0xffff, v2  }
0x613: {  	[tilespmem:v7+s28+$0x0] =	vst.idx.add.f32.msk $0xffff, v13  }
0x614: {  	v7 =	vtrunc.f32 v11;
	v13 =	vld [tilespmem:s6+$0xFFFFFFFC];
	v5 =	vmul.f32 v5, v5  }
0x615: {  	v14 =	vld [tilespmem:s30+$0xFFFFFFCC];
	v7 =	vcvt.f32.s32 v7;
	v8 =	vsub.f32 v8, v12  }
0x616: {  	[tilespmem:v6+s28+$0x0] =	vst.idx.add.f32.msk $0xffff, v5  }
0x617: {  	v5 =	vshll.u32 v7, $0x4;
	v6 =	vld [tilespmem:s5+$0xFFFFFF7C]  }
0x618: {  	v12 =	vld [tilespmem:s4+$0xFFFFFF7C]  }
0x619: {  	v15 =	vor.u32 v1, v5;
	v16 =	vld [tilespmem:s7+$0xFFFFFFFC];
	v5 =	vtrunc.f32 v13  }
0x61a: {  	[tilespmem:v17+s28+$0x0] =	vst.idx.add.f32.msk $0xffff, v10;
	v10 =	vsub.f32 v14, v11;
	v5 =	vcvt.f32.s32 v5  }
0x61b: {  	v8 =	vmul.f32 v8, v8;
	[tilespmem:v9+s26+$0x0] =	vst.idx.add.f32.msk $0xffff, v2  }
0x61c: {  	v7 =	vld [tilespmem:s10+$0xFFFFFF4C];
	v5 =	vshll.u32 v5, $0x4  }
0x61d: {  	[tilespmem:v9+s28+$0x0] =	vst.idx.add.f32.msk $0xffff, v8;
	v8 =	vtrunc.f32 v12;
	v6 =	vsub.f32 v6, v12  }
0x61e: {  	v9 =	vmul.f32 v10, v10;
	v11 =	vor.u32 v1, v5;
	[tilespmem:v15+s26+$0x0] =	vst.idx.add.f32.msk $0xffff, v2;
	v8 =	vcvt.f32.s32 v8  }
0x61f: {  	v10 =	vsub.f32 v16, v13;
	v5 =	vld [tilespmem:s6+$0xFFFFFF6C]  }
0x620: {  	[tilespmem:v15+s28+$0x0] =	vst.idx.add.f32.msk $0xffff, v9;
	v8 =	vshll.u32 v8, $0x4  }
0x621: {  	v9 =	vtrunc.f32 v7;
	v12 =	vld [tilespmem:s10+$0xFFFFFFDC];
	v13 =	vor.u32 v1, v8  }
0x622: {  	v8 =	vcvt.f32.s32 v9;
	v9 =	vld [tilespmem:s30+$0xFFFFFFDC]  }
.Ltmp8:
0x623: {  	v14 =	vmul.f32 v10, v10;
	[tilespmem:v11+s26+$0x0] =	vst.idx.add.f32.msk $0xffff, v2;
	(pc) =	sbr.rel @p0 .LBB2_18-.Ltmp8, $4  }
0x624: {  	v10 =	vld [tilespmem:s30+$0xFFFFFF4C];
	v8 =	vshll.u32 v8, $0x4;
	v15 =	vtrunc.f32 v5  }
0x625: {  	v8 =	vor.u32 v1, v8;
	v15 =	vcvt.f32.s32 v15;
	[tilespmem:v11+s28+$0x0] =	vst.idx.add.f32.msk $0xffff, v14;
	v14 =	vmul.f32 v6, v6  }
0x626: {  	v6 =	vtrunc.f32 v12;
	[tilespmem:v13+s26+$0x0] =	vst.idx.add.f32.msk $0xffff, v2  }
0x627: {  	s10 =	sadd.s32 $0x100, s10;
	v11 =	vcvt.f32.s32 v6;
	v9 =	vsub.f32 v9, v12;
	v6 =	vshll.u32 v15, $0x4;
	[tilespmem:v13+s28+$0x0] =	vst.idx.add.f32.msk $0xffff, v14  }
0x628: {  	_ = 	snop  }
0x629: {  	v7 =	vsub.f32 v10, v7;
	_ =	sdelay $0x1  }
0x62a: {  	v7 =	vmul.f32 v7, v7  }
0x62b: {  	[tilespmem:v8+s26+$0x0] =	vst.idx.add.f32.msk $0xffff, v2;
	v10 =	vshll.u32 v11, $0x4  }
0x62c: {  	v10 =	vor.u32 v1, v10;
	[tilespmem:v8+s28+$0x0] =	vst.idx.add.f32.msk $0xffff, v7  }
0x62d: {  	v7 =	vld [tilespmem:s8+$0xFFFFFF5C];
	_ =	sdelay $0x2  }
0x62e: {  	v8 =	vmul.f32 v9, v9  }
0x62f: {  	[tilespmem:v10+s26+$0x0] =	vst.idx.add.f32.msk $0xffff, v2  }
0x630: {  	[tilespmem:v10+s28+$0x0] =	vst.idx.add.f32.msk $0xffff, v8;
	v8 =	vtrunc.f32 v7  }
0x631: {  	v9 =	vld [tilespmem:s31+$0xFFFFFF5C];
	v8 =	vcvt.f32.s32 v8;
	_ =	sdelay $0x1  }
0x632: {  	v10 =	vld [tilespmem:s8+$0xFFFFFFEC];
	v8 =	vshll.u32 v8, $0x4  }
0x633: {  	v8 =	vor.u32 v1, v8;
	_ =	sdelay $0x1  }
0x634: {  	v7 =	vsub.f32 v9, v7;
	_ =	sdelay $0x1  }
0x635: {  	v11 =	vld [tilespmem:s31+$0xFFFFFFEC];
	v7 =	vmul.f32 v7, v7;
	v9 =	vtrunc.f32 v10  }
0x636: {  	v9 =	vcvt.f32.s32 v9;
	[tilespmem:v8+s26+$0x0] =	vst.idx.add.f32.msk $0xffff, v2  }
0x637: {  	[tilespmem:v8+s28+$0x0] =	vst.idx.add.f32.msk $0xffff, v7  }
0x638: {  	v6 =	vor.u32 v1, v6;
	v9 =	vshll.u32 v9, $0x4;
	v8 =	vld [tilespmem:s8+$0xFFFFFF6C]  }
0x639: {  	v7 =	vor.u32 v1, v9;
	v9 =	vld [tilespmem:s7+$0xFFFFFF6C];
	_ =	sdelay $0x2  }
0x63a: {  	v10 =	vsub.f32 v11, v10  }
0x63b: {  	[tilespmem:v6+s26+$0x0] =	vst.idx.add.f32.msk $0xffff, v2;
	v11 =	vtrunc.f32 v8  }
0x63c: {  	v10 =	vmul.f32 v10, v10;
	v5 =	vsub.f32 v9, v5;
	v9 =	vcvt.f32.s32 v11;
	v11 =	vld [tilespmem:s31+$0xFFFFFF6C]  }
0x63d: {  	[tilespmem:v7+s26+$0x0] =	vst.idx.add.f32.msk $0xffff, v2  }
0x63e: {  	[tilespmem:v7+s28+$0x0] =	vst.idx.add.f32.msk $0xffff, v10;
	v5 =	vmul.f32 v5, v5;
	v7 =	vshll.u32 v9, $0x4  }
0x63f: {  	v9 =	vld [tilespmem:s8+$0xFFFFFFFC];
	v7 =	vor.u32 v1, v7  }
0x640: {  	[tilespmem:v6+s28+$0x0] =	vst.idx.add.f32.msk $0xffff, v5  }
0x641: {  	v5 =	vld [tilespmem:s6+$0xFFFFFF7C];
	v6 =	vsub.f32 v11, v8;
	_ =	sdelay $0x1  }
0x642: {  	v8 =	vld [tilespmem:s31+$0xFFFFFFFC];
	v6 =	vmul.f32 v6, v6  }
0x643: {  	v10 =	vtrunc.f32 v9;
	[tilespmem:v7+s26+$0x0] =	vst.idx.add.f32.msk $0xffff, v2  }
0x644: {  	v10 =	vcvt.f32.s32 v10;
	[tilespmem:v7+s28+$0x0] =	vst.idx.add.f32.msk $0xffff, v6  }
0x645: {  	v6 =	vtrunc.f32 v5;
	v7 =	vld [tilespmem:s8+$0xFFFFFF7C]  }
0x646: {  	v11 =	vld [tilespmem:s7+$0xFFFFFF7C];
	v10 =	vshll.u32 v10, $0x4;
	v6 =	vcvt.f32.s32 v6  }
0x647: {  	v12 =	vld [tilespmem:s5+$0xFFFFFF80];
	v10 =	vor.u32 v1, v10  }
0x648: {  	v13 =	vld [tilespmem:s4+$0xFFFFFF80];
	v6 =	vshll.u32 v6, $0x4  }
0x649: {  	v14 =	vld [tilespmem:s6+$0x0];
	v8 =	vsub.f32 v8, v9;
	v6 =	vor.u32 v1, v6  }
0x64a: {  	v9 =	vld [tilespmem:s7+$0x0];
	v15 =	vtrunc.f32 v7  }
0x64b: {  	v5 =	vsub.f32 v11, v5;
	v11 =	vld [tilespmem:s31+$0xFFFFFF7C];
	v8 =	vmul.f32 v8, v8;
	v15 =	vcvt.f32.s32 v15  }
0x64c: {  	[tilespmem:v10+s26+$0x0] =	vst.idx.add.f32.msk $0xffff, v2  }
0x64d: {  	v5 =	vmul.f32 v5, v5;
	[tilespmem:v10+s28+$0x0] =	vst.idx.add.f32.msk $0xffff, v8;
	v8 =	vshll.u32 v15, $0x4  }
0x64e: {  	[tilespmem:v6+s26+$0x0] =	vst.idx.add.f32.msk $0xffff, v2;
	v8 =	vor.u32 v1, v8  }
0x64f: {  	[tilespmem:v6+s28+$0x0] =	vst.idx.add.f32.msk $0xffff, v5  }
0x650: {  	v7 =	vsub.f32 v11, v7;
	v10 =	vtrunc.f32 v13;
	v6 =	vld [tilespmem:s6+$0xFFFFFF80]  }
0x651: {  	v4 =	vor.u32 v1, v4;
	v11 =	vld [tilespmem:s8+$0x0];
	v5 =	vcvt.f32.s32 v10  }
0x652: {  	v7 =	vmul.f32 v7, v7;
	v10 =	vld [tilespmem:s7+$0xFFFFFF80]  }
0x653: {  	v15 =	vtrunc.f32 v14;
	v5 =	vshll.u32 v5, $0x4;
	[tilespmem:v8+s26+$0x0] =	vst.idx.add.f32.msk $0xffff, v2  }
0x654: {  	v15 =	vcvt.f32.s32 v15;
	v5 =	vor.u32 v1, v5;
	[tilespmem:v8+s28+$0x0] =	vst.idx.add.f32.msk $0xffff, v7  }
0x655: {  	v3 =	vmul.f32 v3, v3;
	v12 =	vsub.f32 v12, v13;
	v7 =	vtrunc.f32 v6;
	v8 =	vld [tilespmem:s8+$0xFFFFFF80]  }
0x656: {  	[tilespmem:v4+s26+$0x0] =	vst.idx.add.f32.msk vm0, v2;
	v13 =	vshll.u32 v15, $0x4;
	v7 =	vcvt.f32.s32 v7  }
0x657: {  	[tilespmem:v4+s28+$0x0] =	vst.idx.add.f32.msk vm0, v3;
	v4 =	vmul.f32 v12, v12;
	v3 =	vor.u32 v1, v13  }
0x658: {  	v9 =	vsub.f32 v9, v14;
	v13 =	vld [tilespmem:s31+$0x0];
	v12 =	vtrunc.f32 v11;
	v7 =	vshll.u32 v7, $0x4  }
0x659: {  	v12 =	vcvt.f32.s32 v12;
	[tilespmem:v5+s26+$0x0] =	vst.idx.add.f32.msk vm0, v2;
	v7 =	vor.u32 v1, v7  }
0x65a: {  	[tilespmem:v5+s28+$0x0] =	vst.idx.add.f32.msk vm0, v4;
	v4 =	vsub.f32 v10, v6;
	v6 =	vmul.f32 v9, v9;
	v5 =	vtrunc.f32 v8  }
0x65b: {  	v9 =	vshll.u32 v12, $0x4;
	v10 =	vld [tilespmem:s31+$0xFFFFFF80];
	v12 =	vand.u32 $0x7, v1;
	v5 =	vcvt.f32.s32 v5  }
0x65c: {  	[tilespmem:v3+s26+$0x0] =	vst.idx.add.f32.msk vm0, v2;
	v9 =	vor.u32 v1, v9;
	v20 =	vmul.u32 $0x10, v12  }
0x65d: {  	v4 =	vmul.f32 v4, v4;
	[tilespmem:v3+s28+$0x0] =	vst.idx.add.f32.msk vm0, v6;
	v3 =	vmul.u32 $0x10, v1;
	v5 =	vshll.u32 v5, $0x4  }
0x65e: {  	s4 =	simm.s32 $0x100;
	v6 =	vsub.f32 v13, v11;
	[tilespmem:v7+s26+$0x0] =	vst.idx.add.f32.msk vm0, v2;
	v11 =	vor.u32 v1, v5  }
0x65f: {  	[tilespmem:v7+s28+$0x0] =	vst.idx.add.f32.msk vm0, v4;
	v5 =	vor.u32 s4, v3;
	v4 =	vor.u32 $0xFFFFFF80, v20  }
0x660: {  	v6 =	vmul.f32 v6, v6;
	v7 =	vsub.f32 v10, v8;
	v8 =	vand.u32 v4, v5  }
0x661: {  	[tilespmem:v9+s26+$0x0] =	vst.idx.add.f32.msk vm0, v2;
	v5 =	vor.u32 $0x1, v3  }
0x662: {  	[tilespmem:v9+s28+$0x0] =	vst.idx.add.f32.msk vm0, v6;
	v7 =	vmul.f32 v7, v7;
	v9 =	vor.u32 s4, v5  }
0x663: {  	v6 =	vor.u32 $0x2, v3;
	[tilespmem:v11+s26+$0x0] =	vst.idx.add.f32.msk vm0, v2  }
0x664: {  	v10 =	vor.u32 s4, v6;
	[tilespmem:v11+s28+$0x0] =	vst.idx.add.f32.msk vm0, v7  }
0x665: {  	s31 =	simm.s32 $0x0;
	v18 =	vld.idx.msk [tilespmem:v8+s26+$0x0], $0xffff  }
0x666: {  	v57 =	vor.u32 s31, v5;
	v19 =	vld.idx.msk [tilespmem:v8+s28+$0x0], $0xffff  }
0x667: {  	v21 =	vld.idx.msk [tilespmem:v9+s26+$0x0], $0xffff  }
0x668: {  	v58 =	vor.u32 s31, v6;
	v22 =	vld.idx.msk [tilespmem:v9+s28+$0x0], $0xffff  }
0x669: {  	v7 =	vor.u32 $0x3, v3;
	v23 =	vld.idx.msk [tilespmem:v10+s26+$0x0], $0xffff  }
0x66a: {  	v11 =	vor.u32 s4, v7;
	v24 =	vld.idx.msk [tilespmem:v10+s28+$0x0], $0xffff  }
0x66b: {  	v8 =	vor.u32 $0x4, v3;
	v59 =	vld.idx.msk [tilespmem:v57+s26+$0x0], $0xffff  }
0x66c: {  	v61 =	vld.idx.msk [tilespmem:v57+s28+$0x0], $0xffff;
	v12 =	vor.u32 s4, v8  }
0x66d: {  	v9 =	vor.u32 $0x5, v3;
	v62 =	vld.idx.msk [tilespmem:v58+s26+$0x0], $0xffff  }
0x66e: {  	v48 =	vld.idx.msk [tilespmem:v58+s28+$0x0], $0xffff;
	v13 =	vor.u32 s4, v9  }
0x66f: {  	v10 =	vor.u32 $0x6, v3;
	v25 =	vld.idx.msk [tilespmem:v11+s26+$0x0], $0xffff  }
0x670: {  	v14 =	vor.u32 s4, v10;
	v26 =	vld.idx.msk [tilespmem:v11+s28+$0x0], $0xffff  }
0x671: {  	v27 =	vld.idx.msk [tilespmem:v12+s26+$0x0], $0xffff  }
0x672: {  	v60 =	vor.u32 s31, v8;
	v28 =	vld.idx.msk [tilespmem:v12+s28+$0x0], $0xffff  }
0x673: {  	v12 =	vor.u32 $0x8, v3;
	v29 =	vld.idx.msk [tilespmem:v13+s26+$0x0], $0xffff  }
0x674: {  	v30 =	vld.idx.msk [tilespmem:v13+s28+$0x0], $0xffff;
	v16 =	vor.u32 s4, v12  }
0x675: {  	v31 =	vld.idx.msk [tilespmem:v14+s26+$0x0], $0xffff  }
0x676: {  	v63 =	vor.u32 s31, v9;
	v32 =	vld.idx.msk [tilespmem:v14+s28+$0x0], $0xffff  }
0x677: {  	v50 =	vor.u32 s31, v10;
	v11 =	vor.u32 $0x7, v3;
	v51 =	vld.idx.msk [tilespmem:v60+s26+$0x0], $0xffff  }
0x678: {  	v15 =	vor.u32 s4, v11;
	v53 =	vld.idx.msk [tilespmem:v60+s28+$0x0], $0xffff  }
0x679: {  	v43 =	vadd.f32 $0.0e+00, v18;
	v19 =	vadd.f32 $0.0e+00, v19;
	v18 =	vor.u32 $0xE, v3;
	v36 =	vld.idx.msk [tilespmem:v16+s26+$0x0], $0xffff  }
0x67a: {  	v55 =	vor.u32 s4, v18;
	v37 =	vld.idx.msk [tilespmem:v16+s28+$0x0], $0xffff;
	v16 =	vor.u32 $0xC, v3  }
0x67b: {  	v54 =	vld.idx.msk [tilespmem:v63+s26+$0x0], $0xffff;
	v22 =	vadd.f32 v22, v19;
	v41 =	vor.u32 s4, v16  }
0x67c: {  	v13 =	vor.u32 $0x9, v3;
	v57 =	vld.idx.msk [tilespmem:v50+s26+$0x0], $0xffff;
	v21 =	vadd.f32 v21, v43  }
0x67d: {  	v17 =	vor.u32 s4, v13;
	v22 =	vadd.f32 v24, v22;
	v33 =	vld.idx.msk [tilespmem:v15+s26+$0x0], $0xffff  }
0x67e: {  	v14 =	vor.u32 $0xA, v3;
	v21 =	vadd.f32 v23, v21;
	v34 =	vld.idx.msk [tilespmem:v15+s28+$0x0], $0xffff  }
0x67f: {  	v35 =	vor.u32 s4, v14;
	v22 =	vadd.f32 v26, v22;
	v26 =	vld.idx.msk [tilespmem:v55+s26+$0x0], $0xffff  }
0x680: {  	v56 =	vor.u32 s31, v3;
	v20 =	vor.u32 $0xFFFFFE80, v20;
	v21 =	vadd.f32 v25, v21;
	v46 =	vld.idx.msk [tilespmem:v41+s26+$0x0], $0xffff  }
0x681: {  	v22 =	vadd.f32 v28, v22;
	v23 =	vld.idx.msk [tilespmem:v41+s28+$0x0], $0xffff;
	v41 =	vand.u32 v20, v56  }
0x682: {  	v39 =	vld.idx.msk [tilespmem:v17+s26+$0x0], $0xffff;
	v21 =	vadd.f32 v27, v21  }
0x683: {  	v15 =	vor.u32 $0xB, v3;
	v40 =	vld.idx.msk [tilespmem:v17+s28+$0x0], $0xffff;
	v22 =	vadd.f32 v30, v22  }
0x684: {  	v38 =	vor.u32 s4, v15;
	v42 =	vld.idx.msk [tilespmem:v35+s26+$0x0], $0xffff;
	v21 =	vadd.f32 v29, v21  }
0x685: {  	v19 =	vor.u32 $0xF, v3;
	v35 =	vld.idx.msk [tilespmem:v35+s28+$0x0], $0xffff;
	v22 =	vadd.f32 v32, v22  }
0x686: {  	v24 =	vor.u32 s4, v19;
	v21 =	vadd.f32 v31, v21;
	v29 =	vld.idx.msk [tilespmem:v41+s26+$0x0], $0xffff  }
0x687: {  	v30 =	vor.u32 s31, v7;
	v22 =	vadd.f32 v34, v22;
	v31 =	vld.idx.msk [tilespmem:v41+s28+$0x0], $0xffff  }
0x688: {  	v17 =	vor.u32 $0xD, v3;
	v27 =	vld.idx.msk [tilespmem:v55+s28+$0x0], $0xffff;
	v21 =	vadd.f32 v33, v21  }
0x689: {  	v44 =	vor.u32 s4, v17;
	v45 =	vld.idx.msk [tilespmem:v38+s26+$0x0], $0xffff;
	v22 =	vadd.f32 v37, v22  }
0x68a: {  	v38 =	vld.idx.msk [tilespmem:v38+s28+$0x0], $0xffff;
	v21 =	vadd.f32 v36, v21  }
0x68b: {  	v28 =	vld.idx.msk [tilespmem:v24+s26+$0x0], $0xffff;
	v22 =	vadd.f32 v40, v22;
	v29 =	vadd.f32 $0.0e+00, v29  }
0x68c: {  	v49 =	vld.idx.msk [tilespmem:v30+s26+$0x0], $0xffff;
	v21 =	vadd.f32 v39, v21;
	v31 =	vadd.f32 $0.0e+00, v31  }
0x68d: {  	v52 =	vor.u32 s31, v11;
	v30 =	vld.idx.msk [tilespmem:v30+s28+$0x0], $0xffff;
	v22 =	vadd.f32 v35, v22;
	v29 =	vadd.f32 v59, v29  }
0x68e: {  	v25 =	vld.idx.msk [tilespmem:v44+s28+$0x0], $0xffff;
	v21 =	vadd.f32 v42, v21;
	v31 =	vadd.f32 v61, v31  }
0x68f: {  	v47 =	vld.idx.msk [tilespmem:v44+s26+$0x0], $0xffff;
	v22 =	vadd.f32 v38, v22;
	v29 =	vadd.f32 v62, v29  }
0x690: {  	v55 =	vor.u32 s31, v12;
	v24 =	vld.idx.msk [tilespmem:v24+s28+$0x0], $0xffff;
	v21 =	vadd.f32 v45, v21;
	v31 =	vadd.f32 v48, v31  }
0x691: {  	v58 =	vor.u32 s31, v13;
	v56 =	vld.idx.msk [tilespmem:v63+s28+$0x0], $0xffff;
	v22 =	vadd.f32 v23, v22;
	v29 =	vadd.f32 v49, v29  }
0x692: {  	v39 =	vld.idx.msk [tilespmem:v52+s28+$0x0], $0xffff;
	v21 =	vadd.f32 v46, v21;
	v30 =	vadd.f32 v30, v31  }
0x693: {  	v23 =	vld.idx.msk [tilespmem:v50+s28+$0x0], $0xffff;
	v22 =	vadd.f32 v25, v22;
	v29 =	vadd.f32 v51, v29  }
0x694: {  	v60 =	vor.u32 s31, v14;
	v59 =	vld.idx.msk [tilespmem:v52+s26+$0x0], $0xffff;
	v31 =	vadd.f32 v47, v21;
	v25 =	vadd.f32 v53, v30  }
0x695: {  	v61 =	vld.idx.msk [tilespmem:v55+s26+$0x0], $0xffff;
	v21 =	vor.u32 s31, v15;
	v30 =	vadd.f32 v54, v29  }
0x696: {  	v26 =	vadd.f32 v26, v31;
	v31 =	vld.idx.msk [tilespmem:v58+s28+$0x0], $0xffff;
	v25 =	vadd.f32 v56, v25  }
0x697: {  	v22 =	vadd.f32 v27, v22;
	v29 =	vld.idx.msk [tilespmem:v55+s28+$0x0], $0xffff;
	v27 =	vadd.f32 v57, v30  }
0x698: {  	v28 =	vadd.f32 v28, v26;
	v30 =	vld.idx.msk [tilespmem:v58+s26+$0x0], $0xffff;
	v63 =	vadd.f32 v23, v25;
	v25 =	vor.u32 s31, v16  }
0x699: {  	s5 =	simm.s32 $0xE010;
	v62 =	vadd.f32 v24, v22;
	v26 =	vld.idx.msk [tilespmem:v60+s26+$0x0], $0xffff;
	v32 =	vadd.f32 v59, v27  }
0x69a: {  	s6 =	simm.s32 $0xE110;
	v24 =	vor.u32 s31, v17;
	[tilespmem:s5+$0x0] =	vst v28;
	v28 =	vld.idx.msk [tilespmem:v21+s26+$0x0], $0xffff;
	v33 =	vadd.f32 v39, v63  }
0x69b: {  	v22 =	vor.u32 s31, v19;
	v23 =	vor.u32 s31, v18;
	[tilespmem:s6+$0x0] =	vst v62;
	v27 =	vld.idx.msk [tilespmem:v60+s28+$0x0], $0xffff;
	v32 =	vadd.f32 v61, v32  }
.LBB2_20:
0x69c: {  	v29 =	vadd.f32 v29, v33;
	v21 =	vld.idx.msk [tilespmem:v21+s28+$0x0], $0xffff  }
0x69d: {  	s3 =	sadd.s32 $0x2, s3;
	v30 =	vadd.f32 v30, v32;
	v32 =	vld.idx.msk [tilespmem:v25+s26+$0x0], $0xffff  }
0x69e: {  	s4 =	sadd.s32 $0x200, s4;
	p0 =	slt.u32 s3, $0xE;
	v31 =	vadd.f32 v31, v29;
	v25 =	vld.idx.msk [tilespmem:v25+s28+$0x0], $0xffff  }
0x69f: {  	s7 =	sadd.s32 $0xFFFFFF00, s4;
	v29 =	vor.u32 s4, v3;
	v33 =	vld.idx.msk [tilespmem:v24+s26+$0x0], $0xffff  }
0x6a0: {  	v34 =	vor.u32 s7, v3;
	v35 =	vand.u32 v4, v29;
	v30 =	vadd.f32 v26, v30;
	v24 =	vld.idx.msk [tilespmem:v24+s28+$0x0], $0xffff  }
0x6a1: {  	v29 =	vand.u32 v20, v34;
	v27 =	vadd.f32 v27, v31;
	v31 =	vld.idx.msk [tilespmem:v23+s26+$0x0], $0xffff  }
0x6a2: {  	v26 =	vor.u32 s7, v5;
	v34 =	vor.u32 s4, v5;
	v28 =	vadd.f32 v28, v30;
	v23 =	vld.idx.msk [tilespmem:v23+s28+$0x0], $0xffff  }
0x6a3: {  	v21 =	vadd.f32 v21, v27;
	v36 =	vld.idx.msk [tilespmem:v22+s26+$0x0], $0xffff  }
0x6a4: {  	v37 =	vor.u32 s4, v6;
	v30 =	vor.u32 s7, v6;
	v28 =	vadd.f32 v32, v28;
	v22 =	vld.idx.msk [tilespmem:v22+s28+$0x0], $0xffff  }
0x6a5: {  	v21 =	vadd.f32 v25, v21;
	v32 =	vld.idx.msk [tilespmem:v35+s26+$0x0], $0xffff  }
0x6a6: {  	v27 =	vor.u32 s7, v7;
	v33 =	vadd.f32 v33, v28;
	v25 =	vld.idx.msk [tilespmem:v35+s28+$0x0], $0xffff;
	v35 =	vor.u32 s4, v7  }
0x6a7: {  	v21 =	vadd.f32 v24, v21;
	v38 =	vld.idx.msk [tilespmem:v34+s26+$0x0], $0xffff  }
0x6a8: {  	v28 =	vor.u32 s7, v8;
	v33 =	vadd.f32 v31, v33;
	v24 =	vld.idx.msk [tilespmem:v34+s28+$0x0], $0xffff;
	v34 =	vor.u32 s4, v8  }
0x6a9: {  	v21 =	vadd.f32 v23, v21;
	v39 =	vld.idx.msk [tilespmem:v37+s26+$0x0], $0xffff  }
0x6aa: {  	v31 =	vor.u32 s7, v9;
	v33 =	vadd.f32 v36, v33;
	v23 =	vld.idx.msk [tilespmem:v37+s28+$0x0], $0xffff;
	v37 =	vor.u32 s4, v9  }
0x6ab: {  	v36 =	vadd.f32 $0.0e+00, v32;
	v21 =	vadd.f32 v22, v21;
	v40 =	vld.idx.msk [tilespmem:v35+s26+$0x0], $0xffff  }
0x6ac: {  	v41 =	vor.u32 s4, v10;
	v32 =	vor.u32 s7, v10;
	v22 =	vadd.f32 $0.0e+00, v25;
	v25 =	vld.idx.msk [tilespmem:v35+s28+$0x0], $0xffff;
	[tilespmem:s5+$0xFFFFFFF0] =	vst v33  }
0x6ad: {  	v35 =	vadd.f32 v38, v36;
	v36 =	vld.idx.msk [tilespmem:v34+s26+$0x0], $0xffff;
	[tilespmem:s6+$0xFFFFFFF0] =	vst v21  }
0x6ae: {  	v33 =	vor.u32 s7, v11;
	v21 =	vadd.f32 v24, v22;
	v24 =	vor.u32 s4, v11;
	v22 =	vld.idx.msk [tilespmem:v34+s28+$0x0], $0xffff  }
0x6af: {  	v35 =	vadd.f32 v39, v35;
	v38 =	vld.idx.msk [tilespmem:v37+s26+$0x0], $0xffff  }
0x6b0: {  	v34 =	vor.u32 s7, v12;
	v21 =	vadd.f32 v23, v21;
	v23 =	vld.idx.msk [tilespmem:v37+s28+$0x0], $0xffff;
	v37 =	vor.u32 s4, v12  }
0x6b1: {  	v39 =	vadd.f32 v40, v35;
	v40 =	vld.idx.msk [tilespmem:v41+s26+$0x0], $0xffff  }
0x6b2: {  	v42 =	vor.u32 s4, v13;
	v35 =	vor.u32 s7, v13;
	v21 =	vadd.f32 v25, v21;
	v41 =	vld.idx.msk [tilespmem:v41+s28+$0x0], $0xffff  }
0x6b3: {  	v25 =	vadd.f32 v36, v39;
	v39 =	vld.idx.msk [tilespmem:v24+s26+$0x0], $0xffff  }
0x6b4: {  	v44 =	vor.u32 s4, v14;
	v36 =	vor.u32 s7, v14;
	v22 =	vadd.f32 v22, v21;
	v43 =	vld.idx.msk [tilespmem:v24+s28+$0x0], $0xffff  }
0x6b5: {  	v24 =	vadd.f32 v38, v25;
	v38 =	vld.idx.msk [tilespmem:v37+s26+$0x0], $0xffff  }
0x6b6: {  	v45 =	vor.u32 s4, v15;
	v21 =	vor.u32 s7, v15;
	v22 =	vadd.f32 v23, v22;
	v37 =	vld.idx.msk [tilespmem:v37+s28+$0x0], $0xffff  }
0x6b7: {  	v23 =	vadd.f32 v40, v24;
	v40 =	vld.idx.msk [tilespmem:v42+s26+$0x0], $0xffff  }
0x6b8: {  	v25 =	vor.u32 s7, v16;
	v22 =	vadd.f32 v41, v22;
	v41 =	vld.idx.msk [tilespmem:v42+s28+$0x0], $0xffff;
	v42 =	vor.u32 s4, v16  }
0x6b9: {  	v23 =	vadd.f32 v39, v23;
	v39 =	vld.idx.msk [tilespmem:v44+s26+$0x0], $0xffff  }
0x6ba: {  	v24 =	vor.u32 s7, v17;
	v22 =	vadd.f32 v43, v22;
	v43 =	vld.idx.msk [tilespmem:v44+s28+$0x0], $0xffff;
	v44 =	vor.u32 s4, v17  }
0x6bb: {  	v38 =	vadd.f32 v38, v23;
	v46 =	vld.idx.msk [tilespmem:v45+s26+$0x0], $0xffff  }
0x6bc: {  	v47 =	vor.u32 s4, v18;
	v23 =	vor.u32 s7, v18;
	v37 =	vadd.f32 v37, v22;
	v45 =	vld.idx.msk [tilespmem:v45+s28+$0x0], $0xffff  }
0x6bd: {  	v38 =	vadd.f32 v40, v38;
	v40 =	vld.idx.msk [tilespmem:v42+s26+$0x0], $0xffff  }
0x6be: {  	v22 =	vor.u32 s7, v19;
	v37 =	vadd.f32 v41, v37;
	v41 =	vld.idx.msk [tilespmem:v42+s28+$0x0], $0xffff;
	v42 =	vor.u32 s4, v19  }
0x6bf: {  	v38 =	vadd.f32 v39, v38;
	v39 =	vld.idx.msk [tilespmem:v44+s26+$0x0], $0xffff  }
0x6c0: {  	v37 =	vadd.f32 v43, v37;
	v43 =	vld.idx.msk [tilespmem:v44+s28+$0x0], $0xffff  }
0x6c1: {  	v38 =	vadd.f32 v46, v38;
	v44 =	vld.idx.msk [tilespmem:v47+s26+$0x0], $0xffff  }
0x6c2: {  	v37 =	vadd.f32 v45, v37;
	v45 =	vld.idx.msk [tilespmem:v47+s28+$0x0], $0xffff  }
0x6c3: {  	v38 =	vadd.f32 v40, v38;
	v40 =	vld.idx.msk [tilespmem:v42+s26+$0x0], $0xffff  }
0x6c4: {  	v37 =	vadd.f32 v41, v37;
	v41 =	vld.idx.msk [tilespmem:v42+s28+$0x0], $0xffff  }
0x6c5: {  	v38 =	vadd.f32 v39, v38;
	v42 =	vld.idx.msk [tilespmem:v29+s26+$0x0], $0xffff  }
0x6c6: {  	v37 =	vadd.f32 v43, v37;
	v29 =	vld.idx.msk [tilespmem:v29+s28+$0x0], $0xffff  }
0x6c7: {  	v38 =	vadd.f32 v44, v38;
	v39 =	vld.idx.msk [tilespmem:v26+s26+$0x0], $0xffff  }
0x6c8: {  	v37 =	vadd.f32 v45, v37;
	v26 =	vld.idx.msk [tilespmem:v26+s28+$0x0], $0xffff  }
0x6c9: {  	v38 =	vadd.f32 v40, v38;
	v43 =	vld.idx.msk [tilespmem:v30+s26+$0x0], $0xffff  }
0x6ca: {  	s5 =	sadd.s32 $0x20, s5;
	v37 =	vadd.f32 v41, v37;
	v30 =	vld.idx.msk [tilespmem:v30+s28+$0x0], $0xffff  }
0x6cb: {  	s6 =	sadd.s32 $0x20, s6;
	v40 =	vadd.f32 $0.0e+00, v42;
	v41 =	vld.idx.msk [tilespmem:v27+s26+$0x0], $0xffff;
	[tilespmem:s5+$0x0] =	vst v38  }
0x6cc: {  	v29 =	vadd.f32 $0.0e+00, v29;
	v27 =	vld.idx.msk [tilespmem:v27+s28+$0x0], $0xffff;
	[tilespmem:s6+$0x0] =	vst v37  }
0x6cd: {  	v37 =	vadd.f32 v39, v40;
	v38 =	vld.idx.msk [tilespmem:v28+s26+$0x0], $0xffff  }
0x6ce: {  	v26 =	vadd.f32 v26, v29;
	v28 =	vld.idx.msk [tilespmem:v28+s28+$0x0], $0xffff  }
0x6cf: {  	v29 =	vadd.f32 v43, v37;
	v37 =	vld.idx.msk [tilespmem:v31+s26+$0x0], $0xffff  }
0x6d0: {  	v26 =	vadd.f32 v30, v26;
	v30 =	vld.idx.msk [tilespmem:v31+s28+$0x0], $0xffff  }
0x6d1: {  	v29 =	vadd.f32 v41, v29;
	v31 =	vld.idx.msk [tilespmem:v32+s26+$0x0], $0xffff  }
0x6d2: {  	v26 =	vadd.f32 v27, v26;
	v27 =	vld.idx.msk [tilespmem:v32+s28+$0x0], $0xffff  }
0x6d3: {  	v29 =	vadd.f32 v38, v29;
	v32 =	vld.idx.msk [tilespmem:v33+s26+$0x0], $0xffff  }
0x6d4: {  	v26 =	vadd.f32 v28, v26;
	v28 =	vld.idx.msk [tilespmem:v33+s28+$0x0], $0xffff  }
0x6d5: {  	v33 =	vadd.f32 v37, v29;
	v37 =	vld.idx.msk [tilespmem:v34+s26+$0x0], $0xffff  }
0x6d6: {  	v26 =	vadd.f32 v30, v26;
	v29 =	vld.idx.msk [tilespmem:v34+s28+$0x0], $0xffff  }
.Ltmp9:
0x6d7: {  	v33 =	vadd.f32 v31, v33;
	v30 =	vld.idx.msk [tilespmem:v35+s26+$0x0], $0xffff;
	(pc) =	sbr.rel @p0 .LBB2_20-.Ltmp9, $4  }
0x6d8: {  	v27 =	vadd.f32 v27, v26;
	v31 =	vld.idx.msk [tilespmem:v35+s28+$0x0], $0xffff  }
0x6d9: {  	v32 =	vadd.f32 v32, v33;
	v26 =	vld.idx.msk [tilespmem:v36+s26+$0x0], $0xffff  }
0x6da: {  	v33 =	vadd.f32 v28, v27;
	v27 =	vld.idx.msk [tilespmem:v36+s28+$0x0], $0xffff  }
0x6db: {  	v32 =	vadd.f32 v37, v32;
	v28 =	vld.idx.msk [tilespmem:v21+s26+$0x0], $0xffff  }
0x6dc: {  	_ =	sdelay $0x2  }
0x6dd: {  	v3 =	vadd.f32 v29, v33  }
0x6de: {  	v4 =	vld.idx.msk [tilespmem:v21+s28+$0x0], $0xffff;
	v5 =	vadd.f32 v30, v32  }
0x6df: {  	v6 =	vld.idx.msk [tilespmem:v25+s26+$0x0], $0xffff;
	v3 =	vadd.f32 v31, v3  }
0x6e0: {  	v7 =	vld.idx.msk [tilespmem:v25+s28+$0x0], $0xffff;
	v5 =	vadd.f32 v26, v5  }
0x6e1: {  	v8 =	vld.idx.msk [tilespmem:v24+s26+$0x0], $0xffff;
	v3 =	vadd.f32 v27, v3  }
0x6e2: {  	v9 =	vld.idx.msk [tilespmem:v24+s28+$0x0], $0xffff;
	v5 =	vadd.f32 v28, v5  }
0x6e3: {  	v10 =	vld.idx.msk [tilespmem:v23+s26+$0x0], $0xffff;
	v3 =	vadd.f32 v4, v3  }
0x6e4: {  	v60 =	vld.idx.msk [tilespmem:v23+s28+$0x0], $0xffff;
	v5 =	vadd.f32 v6, v5  }
0x6e5: {  	v61 =	vld.idx.msk [tilespmem:v22+s26+$0x0], $0xffff;
	v3 =	vadd.f32 v7, v3  }
0x6e6: {  	v62 =	vld.idx.msk [tilespmem:v22+s28+$0x0], $0xffff;
	v5 =	vadd.f32 v8, v5  }
0x6e7: {  	v3 =	vadd.f32 v9, v3  }
0x6e8: {  	v5 =	vadd.f32 v10, v5  }
0x6e9: {  	v3 =	vadd.f32 v60, v3  }
0x6ea: {  	v63 =	vadd.f32 v61, v5  }
0x6eb: {  	v3 =	vadd.f32 v62, v3  }
0x6ec: {  	[tilespmem:s5+$0xFFFFFFF0] =	vst v63  }
0x6ed: {  	s3 =	simm.s32 $0x80;
	s4 =	simm.s32 $0x100;
	s30 =	simm.s32 $0xE000;
	[tilespmem:s6+$0xFFFFFFF0] =	vst v3  }
0x6ee: {  	[hbm4b:s19+s3] =	stream.strided.scatter [tilespmem:s30], [sflag:$0x3], $0x100, s4, s3, $0x38;
	[tilespmem:$0xE200] =	vst v63  }
0x6ef: {  	s1 =	sadd.s32 $0x1, s1;
	_ =	swait.ge [sflag:s0], $0x100  }
0x6f0: {  	p0 =	sne.s32 s1, s21;
	[sflag:s0] =	ssyncset.done $0x0  }
.Ltmp10:
0x6f1: {  	s31 =	simm.s32 $0xE100;
	[sflag:s0] =	ssyncadd.s32 $0xFFFFFF00;
	(pc) =	sbr.rel @p0 .LBB2_1-.Ltmp10, $4  }
0x6f2: {  	[hbm4b:s20+s3] =	stream.strided.scatter [tilespmem:s31], [sflag:$0x3], $0x100, s4, s3, $0x38;
	[tilespmem:$0xE200] =	vst v63  }
0x6f3: {  	_ =	swait.ge [sflag:s0], $0x100  }
0x6f4: {  	[sflag:s0] =	ssyncset.done $0x0  }
0x6f5: {  	[sflag:s0] =	ssyncadd.s32 $0xFFFFFF00  }
0x6f6: {  	_ =	sfence.sel $0x180000  }
0x6f7: {  	[bflag:$0x0] =	sbarrier.arrive $0xFFFF  }
0x6f8: {  	_ =	strace $0x90000047  }
0x6f9: {  	s0 =	stileid.u32;
	[bflag:$0x2] =	sbarrier.arrive $0xFFFF  }
0x6fa: {  	p0 =	sne.s32 s0, $0x0;
	s0 =	rddreg [dreg:$0x2]  }
0x6fb: {  	s0 =	sadd.s32 @!p0 $0x100000, s0  }
0x6fc: {  	[sflag:s0] =	ssyncadd.tile.s32 @!p0 $0x1;
	_ =	shalt  }
.Lfunc_end2:
_tile_overlayer_lowered:
.L_overlay_start_2:
0x6fd: {  	(tag) =	ssettag $0x2  }
0x6fe: {  	s0 =	rddreg [dreg:$0x0];
	s2 =	stileid.u32  }
0x6ff: {  	s1 =	rddreg [dreg:$0x1];
	p0 =	sne.s32 s2, $0x0  }
0x700: {  	s3 =	rddreg [dreg:$0x2];
	[bflag:$0x3] =	sbarrier.arrive $0xFFFF;
	s2 =	simm.s32 @!p0 $0x1C03  }
0x701: {  	[timem:s3], [sflag:s2] =	dma.local @!p0 [hbm:s0], s1  }
0x702: {  	s0 =	simm.s32 @!p0 $0x3  }
0x703: {  	_ =	swait.ge @!p0 [sflag:s0], s1  }
0x704: {  	s1 =	ssub.s32 @!p0 $0x0, s1;
	[sflag:s0] =	ssyncset.done @!p0 $0x0  }
0x705: {  	[sflag:s0] =	ssyncadd.s32 @!p0 s1  }
0x706: {  	[bflag:$0x3] =	sbarrier.arrive $0xFFFF  }
0x707: {  	_ =	shalt  }

</sc_bundles>
